<compile_context>
chip_gen: v7x
topology: tpu7x:2x2x1
jax: 0.10.2.dev20260603
libtpu: 0.0.44.dev20260713+nightly
codegen_flags: <defaults>
</compile_context>

<pallas_src>
import functools

import jax
import jax.numpy as jnp
from jax import lax
from jax.experimental import pallas as pl
from jax.experimental.pallas import tpu as pltpu
from jax.experimental.pallas import tpu_sc as plsc

_B = 16384
_C = 26
_V = 100000
_D = 32
_NC = 2
_NS = 16
_CHUNK = 2048
_NK = _B // _CHUNK
_OFF = (0, 33280, 66560)
_LEN = (33280, 33280, 33408)
_TPAD = 128
_BUF = 33408 + _TPAD
_L2 = 33440

_mesh = plsc.VectorSubcoreMesh(core_axis_name="c", subcore_axis_name="s")


@functools.partial(
    pl.kernel,
    mesh=_mesh,
    compiler_params=pltpu.CompilerParams(
        use_tc_tiling_on_sc=True, needs_layout_passes=False),
    out_type=jax.ShapeDtypeStruct((_C * _D, _B), jnp.float32),
    scratch_types=[
        pltpu.VMEM((_BUF,), jnp.float32),
        pltpu.VMEM((_BUF,), jnp.float32),
        pltpu.VMEM((_B,), jnp.int32),
        pltpu.VMEM((_B,), jnp.float32),
        pltpu.VMEM((2, _CHUNK), jnp.float32),
        pltpu.VMEM_SHARED((2, _NK, _CHUNK), jnp.int32),
        pltpu.SemaphoreType.DMA,
        pltpu.SemaphoreType.DMA,
        pltpu.SemaphoreType.DMA,
        pltpu.SemaphoreType.DMA,
    ],
)
def _encoder(idx_hbm, tab_hbm, tail_hbm, out_hbm, col_b0, col_b1, idx_v,
             res_v, obuf, idx_sh, colsem, idxsem, ssem, psem):
    d = lax.axis_index("c") * _NS + lax.axis_index("s")
    col_bufs = (col_b0, col_b1)
    is_pub = lax.axis_index("s") == 0

    def t_issue(c, t, b):
        pltpu.async_copy(
            tab_hbm.at[c * _D + d, pl.ds(_OFF[t], _LEN[t])],
            col_bufs[b].at[pl.ds(0, _LEN[t])], colsem)
        if t == 2:
            pltpu.async_copy(
                tail_hbm.at[c, d],
                col_bufs[b].at[pl.ds(_LEN[2], _TPAD)], colsem)

    def t_wait(t, b):
        pltpu.make_async_copy(
            tab_hbm.at[0, pl.ds(0, _LEN[t])],
            col_bufs[b].at[pl.ds(0, _LEN[t])], colsem).wait()
        if t == 2:
            pltpu.make_async_copy(
                tail_hbm.at[0, 0],
                col_bufs[b].at[pl.ds(_LEN[2], _TPAD)], colsem).wait()

    def idx_refill(slot, k):
        pltpu.async_copy(
            idx_sh.at[slot, k],
            idx_v.at[pl.ds(k * _CHUNK, _CHUNK)], idxsem)

    def idx_publish(c1, slot):
        for k in range(_NK):
            pltpu.async_copy(
                idx_hbm.at[c1, pl.ds(k * _CHUNK, _CHUNK)],
                idx_sh.at[slot, k], psem)

    def idx_publish_wait():
        for _k in range(_NK):
            pltpu.make_async_copy(
                idx_hbm.at[0, pl.ds(0, _CHUNK)],
                idx_sh.at[0, 0], psem).wait()

    def idx_wait():
        pltpu.make_async_copy(
            idx_sh.at[0, 0],
            idx_v.at[pl.ds(0, _CHUNK)], idxsem).wait()

    def store_wait():
        pltpu.make_async_copy(
            obuf.at[0], out_hbm.at[0, pl.ds(0, _CHUNK)], ssem).wait()

    def masked_vals(j, t, b):
        sl = pl.ds(j * 16, 16)
        iv = idx_v[sl]
        ivq = iv - _OFF[t]
        ext = _L2 if t == 2 else _LEN[t]
        m = plsc.bitcast(ivq, jnp.uint32) < jnp.uint32(ext)
        vals = plsc.load_gather(col_bufs[b], [ivq], mask=m)
        return sl, jnp.where(m, vals, jnp.float32(0.0))

    for k in range(_NK):
        pltpu.async_copy(
            idx_hbm.at[0, pl.ds(k * _CHUNK, _CHUNK)],
            idx_v.at[pl.ds(k * _CHUNK, _CHUNK)], idxsem)
    t_issue(0, 0, 0)
    t_issue(0, 1, 1)

    def pair_body(i, carry):
        for p in range(2):
            c = 2 * i + p
            a, b = p, 1 - p

            @pl.when(jnp.logical_and(is_pub, c + 1 < _C))
            def _():
                idx_publish(c + 1, b)
            for _k in range(_NK):
                idx_wait()
            t_wait(0, a)

            @plsc.parallel_loop(0, _B // 16, unroll=8)
            def _pass0(j):
                sl, vz = masked_vals(j, 0, a)
                res_v[sl] = vz

            t_issue(c, 2, a)
            t_wait(1, b)

            @plsc.parallel_loop(0, _B // 16, unroll=8)
            def _pass1(j):
                sl, vz = masked_vals(j, 1, b)
                plsc.addupdate(res_v.at[sl], vz)

            @pl.when(c + 1 < _C)
            def _():
                t_issue(c + 1, 0, b)
            t_wait(2, a)
            @pl.when(jnp.logical_and(is_pub, c + 1 < _C))
            def _():
                idx_publish_wait()
            plsc.subcore_barrier()

            f = c * _D + d
            for k in range(_NK):
                oslot = k % 2
                if k >= 2:
                    store_wait()
                else:
                    @pl.when(c >= 1)
                    def _():
                        store_wait()

                @plsc.parallel_loop(k * (_CHUNK // 16), (k + 1) * (_CHUNK // 16),
                                    unroll=8)
                def _pass2(j):
                    sl, vz = masked_vals(j, 2, a)
                    lo = j * 16 - k * _CHUNK
                    obuf[oslot, pl.ds(lo, 16)] = res_v[sl] + vz

                pltpu.async_copy(
                    obuf.at[oslot],
                    out_hbm.at[f, pl.ds(k * _CHUNK, _CHUNK)], ssem)

                @pl.when(c + 1 < _C)
                def _():
                    idx_refill(b, k)

            @pl.when(c + 1 < _C)
            def _():
                t_issue(c + 1, 1, a)
        return carry

    lax.fori_loop(0, _C // 2, pair_body, 0)
    store_wait()
    store_wait()


def kernel(tensor, tables):
    idx = tensor.T.astype(jnp.int32)
    tab = jnp.transpose(tables, (0, 2, 1))
    tail = jnp.pad(tab[:, :, _OFF[2] + _LEN[2]:], ((0, 0), (0, 0), (0, 96)))
    tab2 = tab.reshape(_C * _D, _V)
    out_t = _encoder(idx, tab2, tail)
    return out_t.T.reshape(_B, _C * _D)

# --- scband reference (transcript-rebuilt; emitter-appended) ---
"""Pipeline reference for scband-encoder-7507602833880 (READ-ONLY COPY).

The authoritative reference and input builder live on the scoring server;
editing this copy changes nothing except your own understanding.
"""

import jax, jax.numpy as jnp
import numpy as np

B = 16384
C = 26
V = 100000
D = 32


def setup_inputs(seed: int = 0) -> dict:
    key = jax.random.key(seed)
    k_idx, k_tab = jax.random.split(key)
    # categorical indices for 26 sparse fields, each with vocab V
    indices = jax.random.randint(k_idx, (B, C), 0, V)
    # one embedding table per categorical column, unified embedding dim D
    # (fast-embedding path: stacked tables [C, V, D])
    tables = jax.random.normal(k_tab, (C, V, D), dtype=jnp.float32) * 0.02
    return {"tensor": indices, "tables": tables}


def reference(tensor, tables):
    # Encoder forward (embedding path, dropout disabled in eval):
    # for each column i, gather tables[i][tensor[:, i]] -> [B, D],
    # then concatenate along feature dim -> [B, C*D]
    gathered = jax.vmap(lambda t, i: jnp.take(t, i, axis=0), in_axes=(0, 1), out_axes=1)(tables, tensor)
    # gathered: [B, C, D]
    return gathered.reshape(tensor.shape[0], C * D)

if __name__ == "__main__":
    import jax
    _d = setup_inputs()
    print(jax.jit(kernel)(*tuple(_d.values())))

</pallas_src>

<mosaic_0001>
#map = affine_map<(d0, d1) -> (0, 0)>
#map1 = affine_map<(d0, d1) -> (0, 0, 0)>
module attributes {stable_mosaic.version = 14 : i64} {
  func.func @_encoder(%arg0: i32, %arg1: i32, %arg2: memref<26x16384xi32, #tpu.memory_space<hbm>>, %arg3: memref<832x100000xf32, #tpu.memory_space<hbm>>, %arg4: memref<26x32x128xf32, #tpu.memory_space<hbm>>, %arg5: memref<832x16384xf32, #tpu.memory_space<hbm>>, %arg6: memref<33536xf32, #tpu.memory_space<vmem>>, %arg7: memref<33536xf32, #tpu.memory_space<vmem>>, %arg8: memref<16384xi32, #tpu.memory_space<vmem>>, %arg9: memref<16384xf32, #tpu.memory_space<vmem>>, %arg10: memref<2x2048xf32, #tpu.memory_space<vmem>>, %arg11: memref<2x8x2048xi32, #tpu.memory_space<vmem_shared>>, %arg12: memref<!tpu.dma_semaphore, #tpu.memory_space<semaphore_mem>>, %arg13: memref<!tpu.dma_semaphore, #tpu.memory_space<semaphore_mem>>, %arg14: memref<!tpu.dma_semaphore, #tpu.memory_space<semaphore_mem>>, %arg15: memref<!tpu.dma_semaphore, #tpu.memory_space<semaphore_mem>>) attributes {dimension_semantics = [#tpu.dimension_semantics<core_parallel>, #tpu.dimension_semantics<subcore_parallel>], iteration_bounds = array<i64: 2, 16>, scalar_prefetch = 0 : i64, scratch_operands = 10 : i64, tpu.core_type = #tpu.core_type<sc_vector_subcore>, window_params = [{transform_indices = #map}, {transform_indices = #map}, {transform_indices = #map1}, {transform_indices = #map}]} {
    %mul3A = arith.constant 16 : i32
    %mul3A_0 = arith.muli %arg0, %mul3A : i32
    %add3A = arith.addi %mul3A_0, %arg1 : i32
    %eq3A = arith.constant 0 : i32
    %eq3A_1 = arith.cmpi eq, %arg1, %eq3A : i32
    %dma_start3A = arith.constant 0 : i32
    %dma_start3A_2 = arith.constant 0 : i32
    %dma_start3A_3 = tpu.memref_slice %arg8[%dma_start3A_2] : memref<16384xi32, #tpu.memory_space<vmem>> -> memref<2048xi32, #tpu.memory_space<vmem>>
    %dma_start3A_4 = arith.constant 0 : i32
    %dma_start3A_5 = tpu.memref_slice %arg2[%dma_start3A, %dma_start3A_4] : memref<26x16384xi32, #tpu.memory_space<hbm>> -> memref<1x2048xi32, #tpu.memory_space<hbm>>
    %dma_start3A_6 = tpu.memref_squeeze %dma_start3A_5 : memref<1x2048xi32, #tpu.memory_space<hbm>> -> memref<2048xi32, #tpu.memory_space<hbm>>
    %dma_start3A_7 = arith.constant 0 : i32
    %dma_start3A_8 = tpu.memref_slice %arg8[%dma_start3A_7] : memref<16384xi32, #tpu.memory_space<vmem>> -> memref<2048xi32, #tpu.memory_space<vmem>>
    %dma_start3A_9 = arith.constant 0 : i32
    %dma_start3A_10 = tpu.memref_slice %arg2[%dma_start3A, %dma_start3A_9] : memref<26x16384xi32, #tpu.memory_space<hbm>> -> memref<1x2048xi32, #tpu.memory_space<hbm>>
    %dma_start3A_11 = tpu.memref_squeeze %dma_start3A_10 : memref<1x2048xi32, #tpu.memory_space<hbm>> -> memref<2048xi32, #tpu.memory_space<hbm>>
    tpu.enqueue_dma source(%dma_start3A_11 : memref<2048xi32, #tpu.memory_space<hbm>>) target(%dma_start3A_8 : memref<2048xi32, #tpu.memory_space<vmem>>) target_semaphore(%arg13 : memref<!tpu.dma_semaphore, #tpu.memory_space<semaphore_mem>>)
    %dma_start3A_12 = arith.constant 0 : i32
    %dma_start3A_13 = arith.constant 2048 : i32
    %dma_start3A_14 = tpu.memref_slice %arg8[%dma_start3A_13] : memref<16384xi32, #tpu.memory_space<vmem>> -> memref<2048xi32, #tpu.memory_space<vmem>>
    %dma_start3A_15 = arith.constant 2048 : i32
    %dma_start3A_16 = tpu.memref_slice %arg2[%dma_start3A_12, %dma_start3A_15] : memref<26x16384xi32, #tpu.memory_space<hbm>> -> memref<1x2048xi32, #tpu.memory_space<hbm>>
    %dma_start3A_17 = tpu.memref_squeeze %dma_start3A_16 : memref<1x2048xi32, #tpu.memory_space<hbm>> -> memref<2048xi32, #tpu.memory_space<hbm>>
    %dma_start3A_18 = arith.constant 2048 : i32
    %dma_start3A_19 = tpu.memref_slice %arg8[%dma_start3A_18] : memref<16384xi32, #tpu.memory_space<vmem>> -> memref<2048xi32, #tpu.memory_space<vmem>>
    %dma_start3A_20 = arith.constant 2048 : i32
    %dma_start3A_21 = tpu.memref_slice %arg2[%dma_start3A_12, %dma_start3A_20] : memref<26x16384xi32, #tpu.memory_space<hbm>> -> memref<1x2048xi32, #tpu.memory_space<hbm>>
    %dma_start3A_22 = tpu.memref_squeeze %dma_start3A_21 : memref<1x2048xi32, #tpu.memory_space<hbm>> -> memref<2048xi32, #tpu.memory_space<hbm>>
    tpu.enqueue_dma source(%dma_start3A_22 : memref<2048xi32, #tpu.memory_space<hbm>>) target(%dma_start3A_19 : memref<2048xi32, #tpu.memory_space<vmem>>) target_semaphore(%arg13 : memref<!tpu.dma_semaphore, #tpu.memory_space<semaphore_mem>>)
    %dma_start3A_23 = arith.constant 0 : i32
    %dma_start3A_24 = arith.constant 4096 : i32
    %dma_start3A_25 = tpu.memref_slice %arg8[%dma_start3A_24] : memref<16384xi32, #tpu.memory_space<vmem>> -> memref<2048xi32, #tpu.memory_space<vmem>>
    %dma_start3A_26 = arith.constant 4096 : i32
    %dma_start3A_27 = tpu.memref_slice %arg2[%dma_start3A_23, %dma_start3A_26] : memref<26x16384xi32, #tpu.memory_space<hbm>> -> memref<1x2048xi32, #tpu.memory_space<hbm>>
    %dma_start3A_28 = tpu.memref_squeeze %dma_start3A_27 : memref<1x2048xi32, #tpu.memory_space<hbm>> -> memref<2048xi32, #tpu.memory_space<hbm>>
    %dma_start3A_29 = arith.constant 4096 : i32
    %dma_start3A_30 = tpu.memref_slice %arg8[%dma_start3A_29] : memref<16384xi32, #tpu.memory_space<vmem>> -> memref<2048xi32, #tpu.memory_space<vmem>>
    %dma_start3A_31 = arith.constant 4096 : i32
    %dma_start3A_32 = tpu.memref_slice %arg2[%dma_start3A_23, %dma_start3A_31] : memref<26x16384xi32, #tpu.memory_space<hbm>> -> memref<1x2048xi32, #tpu.memory_space<hbm>>
    %dma_start3A_33 = tpu.memref_squeeze %dma_start3A_32 : memref<1x2048xi32, #tpu.memory_space<hbm>> -> memref<2048xi32, #tpu.memory_space<hbm>>
    tpu.enqueue_dma source(%dma_start3A_33 : memref<2048xi32, #tpu.memory_space<hbm>>) target(%dma_start3A_30 : memref<2048xi32, #tpu.memory_space<vmem>>) target_semaphore(%arg13 : memref<!tpu.dma_semaphore, #tpu.memory_space<semaphore_mem>>)
    %dma_start3A_34 = arith.constant 0 : i32
    %dma_start3A_35 = arith.constant 6144 : i32
    %dma_start3A_36 = tpu.memref_slice %arg8[%dma_start3A_35] : memref<16384xi32, #tpu.memory_space<vmem>> -> memref<2048xi32, #tpu.memory_space<vmem>>
    %dma_start3A_37 = arith.constant 6144 : i32
    %dma_start3A_38 = tpu.memref_slice %arg2[%dma_start3A_34, %dma_start3A_37] : memref<26x16384xi32, #tpu.memory_space<hbm>> -> memref<1x2048xi32, #tpu.memory_space<hbm>>
    %dma_start3A_39 = tpu.memref_squeeze %dma_start3A_38 : memref<1x2048xi32, #tpu.memory_space<hbm>> -> memref<2048xi32, #tpu.memory_space<hbm>>
    %dma_start3A_40 = arith.constant 6144 : i32
    %dma_start3A_41 = tpu.memref_slice %arg8[%dma_start3A_40] : memref<16384xi32, #tpu.memory_space<vmem>> -> memref<2048xi32, #tpu.memory_space<vmem>>
    %dma_start3A_42 = arith.constant 6144 : i32
    %dma_start3A_43 = tpu.memref_slice %arg2[%dma_start3A_34, %dma_start3A_42] : memref<26x16384xi32, #tpu.memory_space<hbm>> -> memref<1x2048xi32, #tpu.memory_space<hbm>>
    %dma_start3A_44 = tpu.memref_squeeze %dma_start3A_43 : memref<1x2048xi32, #tpu.memory_space<hbm>> -> memref<2048xi32, #tpu.memory_space<hbm>>
    tpu.enqueue_dma source(%dma_start3A_44 : memref<2048xi32, #tpu.memory_space<hbm>>) target(%dma_start3A_41 : memref<2048xi32, #tpu.memory_space<vmem>>) target_semaphore(%arg13 : memref<!tpu.dma_semaphore, #tpu.memory_space<semaphore_mem>>)
    %dma_start3A_45 = arith.constant 0 : i32
    %dma_start3A_46 = arith.constant 8192 : i32
    %dma_start3A_47 = tpu.memref_slice %arg8[%dma_start3A_46] : memref<16384xi32, #tpu.memory_space<vmem>> -> memref<2048xi32, #tpu.memory_space<vmem>>
    %dma_start3A_48 = arith.constant 8192 : i32
    %dma_start3A_49 = tpu.memref_slice %arg2[%dma_start3A_45, %dma_start3A_48] : memref<26x16384xi32, #tpu.memory_space<hbm>> -> memref<1x2048xi32, #tpu.memory_space<hbm>>
    %dma_start3A_50 = tpu.memref_squeeze %dma_start3A_49 : memref<1x2048xi32, #tpu.memory_space<hbm>> -> memref<2048xi32, #tpu.memory_space<hbm>>
    %dma_start3A_51 = arith.constant 8192 : i32
    %dma_start3A_52 = tpu.memref_slice %arg8[%dma_start3A_51] : memref<16384xi32, #tpu.memory_space<vmem>> -> memref<2048xi32, #tpu.memory_space<vmem>>
    %dma_start3A_53 = arith.constant 8192 : i32
    %dma_start3A_54 = tpu.memref_slice %arg2[%dma_start3A_45, %dma_start3A_53] : memref<26x16384xi32, #tpu.memory_space<hbm>> -> memref<1x2048xi32, #tpu.memory_space<hbm>>
    %dma_start3A_55 = tpu.memref_squeeze %dma_start3A_54 : memref<1x2048xi32, #tpu.memory_space<hbm>> -> memref<2048xi32, #tpu.memory_space<hbm>>
    tpu.enqueue_dma source(%dma_start3A_55 : memref<2048xi32, #tpu.memory_space<hbm>>) target(%dma_start3A_52 : memref<2048xi32, #tpu.memory_space<vmem>>) target_semaphore(%arg13 : memref<!tpu.dma_semaphore, #tpu.memory_space<semaphore_mem>>)
    %dma_start3A_56 = arith.constant 0 : i32
    %dma_start3A_57 = arith.constant 10240 : i32
    %dma_start3A_58 = tpu.memref_slice %arg8[%dma_start3A_57] : memref<16384xi32, #tpu.memory_space<vmem>> -> memref<2048xi32, #tpu.memory_space<vmem>>
    %dma_start3A_59 = arith.constant 10240 : i32
    %dma_start3A_60 = tpu.memref_slice %arg2[%dma_start3A_56, %dma_start3A_59] : memref<26x16384xi32, #tpu.memory_space<hbm>> -> memref<1x2048xi32, #tpu.memory_space<hbm>>
    %dma_start3A_61 = tpu.memref_squeeze %dma_start3A_60 : memref<1x2048xi32, #tpu.memory_space<hbm>> -> memref<2048xi32, #tpu.memory_space<hbm>>
    %dma_start3A_62 = arith.constant 10240 : i32
    %dma_start3A_63 = tpu.memref_slice %arg8[%dma_start3A_62] : memref<16384xi32, #tpu.memory_space<vmem>> -> memref<2048xi32, #tpu.memory_space<vmem>>
    %dma_start3A_64 = arith.constant 10240 : i32
    %dma_start3A_65 = tpu.memref_slice %arg2[%dma_start3A_56, %dma_start3A_64] : memref<26x16384xi32, #tpu.memory_space<hbm>> -> memref<1x2048xi32, #tpu.memory_space<hbm>>
    %dma_start3A_66 = tpu.memref_squeeze %dma_start3A_65 : memref<1x2048xi32, #tpu.memory_space<hbm>> -> memref<2048xi32, #tpu.memory_space<hbm>>
    tpu.enqueue_dma source(%dma_start3A_66 : memref<2048xi32, #tpu.memory_space<hbm>>) target(%dma_start3A_63 : memref<2048xi32, #tpu.memory_space<vmem>>) target_semaphore(%arg13 : memref<!tpu.dma_semaphore, #tpu.memory_space<semaphore_mem>>)
    %dma_start3A_67 = arith.constant 0 : i32
    %dma_start3A_68 = arith.constant 12288 : i32
    %dma_start3A_69 = tpu.memref_slice %arg8[%dma_start3A_68] : memref<16384xi32, #tpu.memory_space<vmem>> -> memref<2048xi32, #tpu.memory_space<vmem>>
    %dma_start3A_70 = arith.constant 12288 : i32
    %dma_start3A_71 = tpu.memref_slice %arg2[%dma_start3A_67, %dma_start3A_70] : memref<26x16384xi32, #tpu.memory_space<hbm>> -> memref<1x2048xi32, #tpu.memory_space<hbm>>
    %dma_start3A_72 = tpu.memref_squeeze %dma_start3A_71 : memref<1x2048xi32, #tpu.memory_space<hbm>> -> memref<2048xi32, #tpu.memory_space<hbm>>
    %dma_start3A_73 = arith.constant 12288 : i32
    %dma_start3A_74 = tpu.memref_slice %arg8[%dma_start3A_73] : memref<16384xi32, #tpu.memory_space<vmem>> -> memref<2048xi32, #tpu.memory_space<vmem>>
    %dma_start3A_75 = arith.constant 12288 : i32
    %dma_start3A_76 = tpu.memref_slice %arg2[%dma_start3A_67, %dma_start3A_75] : memref<26x16384xi32, #tpu.memory_space<hbm>> -> memref<1x2048xi32, #tpu.memory_space<hbm>>
    %dma_start3A_77 = tpu.memref_squeeze %dma_start3A_76 : memref<1x2048xi32, #tpu.memory_space<hbm>> -> memref<2048xi32, #tpu.memory_space<hbm>>
    tpu.enqueue_dma source(%dma_start3A_77 : memref<2048xi32, #tpu.memory_space<hbm>>) target(%dma_start3A_74 : memref<2048xi32, #tpu.memory_space<vmem>>) target_semaphore(%arg13 : memref<!tpu.dma_semaphore, #tpu.memory_space<semaphore_mem>>)
    %dma_start3A_78 = arith.constant 0 : i32
    %dma_start3A_79 = arith.constant 14336 : i32
    %dma_start3A_80 = tpu.memref_slice %arg8[%dma_start3A_79] : memref<16384xi32, #tpu.memory_space<vmem>> -> memref<2048xi32, #tpu.memory_space<vmem>>
    %dma_start3A_81 = arith.constant 14336 : i32
    %dma_start3A_82 = tpu.memref_slice %arg2[%dma_start3A_78, %dma_start3A_81] : memref<26x16384xi32, #tpu.memory_space<hbm>> -> memref<1x2048xi32, #tpu.memory_space<hbm>>
    %dma_start3A_83 = tpu.memref_squeeze %dma_start3A_82 : memref<1x2048xi32, #tpu.memory_space<hbm>> -> memref<2048xi32, #tpu.memory_space<hbm>>
    %dma_start3A_84 = arith.constant 14336 : i32
    %dma_start3A_85 = tpu.memref_slice %arg8[%dma_start3A_84] : memref<16384xi32, #tpu.memory_space<vmem>> -> memref<2048xi32, #tpu.memory_space<vmem>>
    %dma_start3A_86 = arith.constant 14336 : i32
    %dma_start3A_87 = tpu.memref_slice %arg2[%dma_start3A_78, %dma_start3A_86] : memref<26x16384xi32, #tpu.memory_space<hbm>> -> memref<1x2048xi32, #tpu.memory_space<hbm>>
    %dma_start3A_88 = tpu.memref_squeeze %dma_start3A_87 : memref<1x2048xi32, #tpu.memory_space<hbm>> -> memref<2048xi32, #tpu.memory_space<hbm>>
    tpu.enqueue_dma source(%dma_start3A_88 : memref<2048xi32, #tpu.memory_space<hbm>>) target(%dma_start3A_85 : memref<2048xi32, #tpu.memory_space<vmem>>) target_semaphore(%arg13 : memref<!tpu.dma_semaphore, #tpu.memory_space<semaphore_mem>>)
    %add3A_89 = arith.constant 0 : i32
    %add3A_90 = arith.addi %add3A_89, %add3A : i32
    %dma_start3A_91 = arith.constant 0 : i32
    %dma_start3A_92 = tpu.memref_slice %arg6[%dma_start3A_91] : memref<33536xf32, #tpu.memory_space<vmem>> -> memref<33280xf32, #tpu.memory_space<vmem>>
    %dma_start3A_93 = arith.constant 0 : i32
    %dma_start3A_94 = tpu.memref_slice %arg3[%add3A_90, %dma_start3A_93] : memref<832x100000xf32, #tpu.memory_space<hbm>> -> memref<1x33280xf32, #tpu.memory_space<hbm>>
    %dma_start3A_95 = tpu.memref_squeeze %dma_start3A_94 : memref<1x33280xf32, #tpu.memory_space<hbm>> -> memref<33280xf32, #tpu.memory_space<hbm>>
    %dma_start3A_96 = arith.constant 0 : i32
    %dma_start3A_97 = tpu.memref_slice %arg6[%dma_start3A_96] : memref<33536xf32, #tpu.memory_space<vmem>> -> memref<33280xf32, #tpu.memory_space<vmem>>
    %dma_start3A_98 = arith.constant 0 : i32
    %dma_start3A_99 = tpu.memref_slice %arg3[%add3A_90, %dma_start3A_98] : memref<832x100000xf32, #tpu.memory_space<hbm>> -> memref<1x33280xf32, #tpu.memory_space<hbm>>
    %dma_start3A_100 = tpu.memref_squeeze %dma_start3A_99 : memref<1x33280xf32, #tpu.memory_space<hbm>> -> memref<33280xf32, #tpu.memory_space<hbm>>
    tpu.enqueue_dma source(%dma_start3A_100 : memref<33280xf32, #tpu.memory_space<hbm>>) target(%dma_start3A_97 : memref<33280xf32, #tpu.memory_space<vmem>>) target_semaphore(%arg12 : memref<!tpu.dma_semaphore, #tpu.memory_space<semaphore_mem>>)
    %add3A_101 = arith.constant 0 : i32
    %add3A_102 = arith.addi %add3A_101, %add3A : i32
    %dma_start3A_103 = arith.constant 0 : i32
    %dma_start3A_104 = tpu.memref_slice %arg7[%dma_start3A_103] : memref<33536xf32, #tpu.memory_space<vmem>> -> memref<33280xf32, #tpu.memory_space<vmem>>
    %dma_start3A_105 = arith.constant 33280 : i32
    %dma_start3A_106 = tpu.memref_slice %arg3[%add3A_102, %dma_start3A_105] : memref<832x100000xf32, #tpu.memory_space<hbm>> -> memref<1x33280xf32, #tpu.memory_space<hbm>>
    %dma_start3A_107 = tpu.memref_squeeze %dma_start3A_106 : memref<1x33280xf32, #tpu.memory_space<hbm>> -> memref<33280xf32, #tpu.memory_space<hbm>>
    %dma_start3A_108 = arith.constant 0 : i32
    %dma_start3A_109 = tpu.memref_slice %arg7[%dma_start3A_108] : memref<33536xf32, #tpu.memory_space<vmem>> -> memref<33280xf32, #tpu.memory_space<vmem>>
    %dma_start3A_110 = arith.constant 33280 : i32
    %dma_start3A_111 = tpu.memref_slice %arg3[%add3A_102, %dma_start3A_110] : memref<832x100000xf32, #tpu.memory_space<hbm>> -> memref<1x33280xf32, #tpu.memory_space<hbm>>
    %dma_start3A_112 = tpu.memref_squeeze %dma_start3A_111 : memref<1x33280xf32, #tpu.memory_space<hbm>> -> memref<33280xf32, #tpu.memory_space<hbm>>
    tpu.enqueue_dma source(%dma_start3A_112 : memref<33280xf32, #tpu.memory_space<hbm>>) target(%dma_start3A_109 : memref<33280xf32, #tpu.memory_space<vmem>>) target_semaphore(%arg12 : memref<!tpu.dma_semaphore, #tpu.memory_space<semaphore_mem>>)
    %scan3A = arith.constant 0 : i32
    %scan3A_113 = arith.constant 0 : i32
    %scan3A_114 = arith.constant 13 : i32
    %scan3A_115 = arith.addi %scan3A_113, %scan3A_114 : i32
    %scan3A_116 = arith.constant 1 : i32
    scf.for %scan3A_145 = %scan3A_113 to %scan3A_115 step %scan3A_116  : i32 {
      %mul3A_146 = arith.constant 2 : i32
      %mul3A_147 = arith.muli %mul3A_146, %scan3A_145 : i32
      %add3A_148 = arith.constant 0 : i32
      %add3A_149 = arith.addi %mul3A_147, %add3A_148 : i32
      %add3A_150 = arith.constant 1 : i32
      %add3A_151 = arith.addi %add3A_149, %add3A_150 : i32
      %lt3A = arith.constant 26 : i32
      %lt3A_152 = arith.cmpi slt, %add3A_151, %lt3A : i32
      %and3A = arith.andi %eq3A_1, %lt3A_152 : i1
      %convert_element_type3A = arith.extui %and3A : i1 to i32
      %cond3A = arith.constant 0 : i32
      %cond3A_153 = arith.cmpi ne, %convert_element_type3A, %cond3A : i32
      scf.if %cond3A_153 {
        %add3A_1111 = arith.constant 1 : i32
        %add3A_1112 = arith.addi %add3A_149, %add3A_1111 : i32
        %dma_start3A_1113 = arith.constant 1 : i32
        %dma_start3A_1114 = arith.constant 0 : i32
        %dma_start3A_1115 = arith.constant 0 : i32
        %dma_start3A_1116 = tpu.memref_slice %arg11[%dma_start3A_1113, %dma_start3A_1114, %dma_start3A_1115] : memref<2x8x2048xi32, #tpu.memory_space<vmem_shared>> -> memref<1x1x2048xi32, #tpu.memory_space<vmem_shared>>
        %dma_start3A_1117 = tpu.memref_squeeze %dma_start3A_1116 : memref<1x1x2048xi32, #tpu.memory_space<vmem_shared>> -> memref<2048xi32, #tpu.memory_space<vmem_shared>>
        %dma_start3A_1118 = arith.constant 0 : i32
        %dma_start3A_1119 = tpu.memref_slice %arg2[%add3A_1112, %dma_start3A_1118] : memref<26x16384xi32, #tpu.memory_space<hbm>> -> memref<1x2048xi32, #tpu.memory_space<hbm>>
        %dma_start3A_1120 = tpu.memref_squeeze %dma_start3A_1119 : memref<1x2048xi32, #tpu.memory_space<hbm>> -> memref<2048xi32, #tpu.memory_space<hbm>>
        tpu.enqueue_dma source(%dma_start3A_1120 : memref<2048xi32, #tpu.memory_space<hbm>>) target(%dma_start3A_1117 : memref<2048xi32, #tpu.memory_space<vmem_shared>>) target_semaphore(%arg15 : memref<!tpu.dma_semaphore, #tpu.memory_space<semaphore_mem>>)
        %dma_start3A_1121 = arith.constant 1 : i32
        %dma_start3A_1122 = arith.constant 1 : i32
        %dma_start3A_1123 = arith.constant 0 : i32
        %dma_start3A_1124 = tpu.memref_slice %arg11[%dma_start3A_1121, %dma_start3A_1122, %dma_start3A_1123] : memref<2x8x2048xi32, #tpu.memory_space<vmem_shared>> -> memref<1x1x2048xi32, #tpu.memory_space<vmem_shared>>
        %dma_start3A_1125 = tpu.memref_squeeze %dma_start3A_1124 : memref<1x1x2048xi32, #tpu.memory_space<vmem_shared>> -> memref<2048xi32, #tpu.memory_space<vmem_shared>>
        %dma_start3A_1126 = arith.constant 2048 : i32
        %dma_start3A_1127 = tpu.memref_slice %arg2[%add3A_1112, %dma_start3A_1126] : memref<26x16384xi32, #tpu.memory_space<hbm>> -> memref<1x2048xi32, #tpu.memory_space<hbm>>
        %dma_start3A_1128 = tpu.memref_squeeze %dma_start3A_1127 : memref<1x2048xi32, #tpu.memory_space<hbm>> -> memref<2048xi32, #tpu.memory_space<hbm>>
        tpu.enqueue_dma source(%dma_start3A_1128 : memref<2048xi32, #tpu.memory_space<hbm>>) target(%dma_start3A_1125 : memref<2048xi32, #tpu.memory_space<vmem_shared>>) target_semaphore(%arg15 : memref<!tpu.dma_semaphore, #tpu.memory_space<semaphore_mem>>)
        %dma_start3A_1129 = arith.constant 1 : i32
        %dma_start3A_1130 = arith.constant 2 : i32
        %dma_start3A_1131 = arith.constant 0 : i32
        %dma_start3A_1132 = tpu.memref_slice %arg11[%dma_start3A_1129, %dma_start3A_1130, %dma_start3A_1131] : memref<2x8x2048xi32, #tpu.memory_space<vmem_shared>> -> memref<1x1x2048xi32, #tpu.memory_space<vmem_shared>>
        %dma_start3A_1133 = tpu.memref_squeeze %dma_start3A_1132 : memref<1x1x2048xi32, #tpu.memory_space<vmem_shared>> -> memref<2048xi32, #tpu.memory_space<vmem_shared>>
        %dma_start3A_1134 = arith.constant 4096 : i32
        %dma_start3A_1135 = tpu.memref_slice %arg2[%add3A_1112, %dma_start3A_1134] : memref<26x16384xi32, #tpu.memory_space<hbm>> -> memref<1x2048xi32, #tpu.memory_space<hbm>>
        %dma_start3A_1136 = tpu.memref_squeeze %dma_start3A_1135 : memref<1x2048xi32, #tpu.memory_space<hbm>> -> memref<2048xi32, #tpu.memory_space<hbm>>
        tpu.enqueue_dma source(%dma_start3A_1136 : memref<2048xi32, #tpu.memory_space<hbm>>) target(%dma_start3A_1133 : memref<2048xi32, #tpu.memory_space<vmem_shared>>) target_semaphore(%arg15 : memref<!tpu.dma_semaphore, #tpu.memory_space<semaphore_mem>>)
        %dma_start3A_1137 = arith.constant 1 : i32
        %dma_start3A_1138 = arith.constant 3 : i32
        %dma_start3A_1139 = arith.constant 0 : i32
        %dma_start3A_1140 = tpu.memref_slice %arg11[%dma_start3A_1137, %dma_start3A_1138, %dma_start3A_1139] : memref<2x8x2048xi32, #tpu.memory_space<vmem_shared>> -> memref<1x1x2048xi32, #tpu.memory_space<vmem_shared>>
        %dma_start3A_1141 = tpu.memref_squeeze %dma_start3A_1140 : memref<1x1x2048xi32, #tpu.memory_space<vmem_shared>> -> memref<2048xi32, #tpu.memory_space<vmem_shared>>
        %dma_start3A_1142 = arith.constant 6144 : i32
        %dma_start3A_1143 = tpu.memref_slice %arg2[%add3A_1112, %dma_start3A_1142] : memref<26x16384xi32, #tpu.memory_space<hbm>> -> memref<1x2048xi32, #tpu.memory_space<hbm>>
        %dma_start3A_1144 = tpu.memref_squeeze %dma_start3A_1143 : memref<1x2048xi32, #tpu.memory_space<hbm>> -> memref<2048xi32, #tpu.memory_space<hbm>>
        tpu.enqueue_dma source(%dma_start3A_1144 : memref<2048xi32, #tpu.memory_space<hbm>>) target(%dma_start3A_1141 : memref<2048xi32, #tpu.memory_space<vmem_shared>>) target_semaphore(%arg15 : memref<!tpu.dma_semaphore, #tpu.memory_space<semaphore_mem>>)
        %dma_start3A_1145 = arith.constant 1 : i32
        %dma_start3A_1146 = arith.constant 4 : i32
        %dma_start3A_1147 = arith.constant 0 : i32
        %dma_start3A_1148 = tpu.memref_slice %arg11[%dma_start3A_1145, %dma_start3A_1146, %dma_start3A_1147] : memref<2x8x2048xi32, #tpu.memory_space<vmem_shared>> -> memref<1x1x2048xi32, #tpu.memory_space<vmem_shared>>
        %dma_start3A_1149 = tpu.memref_squeeze %dma_start3A_1148 : memref<1x1x2048xi32, #tpu.memory_space<vmem_shared>> -> memref<2048xi32, #tpu.memory_space<vmem_shared>>
        %dma_start3A_1150 = arith.constant 8192 : i32
        %dma_start3A_1151 = tpu.memref_slice %arg2[%add3A_1112, %dma_start3A_1150] : memref<26x16384xi32, #tpu.memory_space<hbm>> -> memref<1x2048xi32, #tpu.memory_space<hbm>>
        %dma_start3A_1152 = tpu.memref_squeeze %dma_start3A_1151 : memref<1x2048xi32, #tpu.memory_space<hbm>> -> memref<2048xi32, #tpu.memory_space<hbm>>
        tpu.enqueue_dma source(%dma_start3A_1152 : memref<2048xi32, #tpu.memory_space<hbm>>) target(%dma_start3A_1149 : memref<2048xi32, #tpu.memory_space<vmem_shared>>) target_semaphore(%arg15 : memref<!tpu.dma_semaphore, #tpu.memory_space<semaphore_mem>>)
        %dma_start3A_1153 = arith.constant 1 : i32
        %dma_start3A_1154 = arith.constant 5 : i32
        %dma_start3A_1155 = arith.constant 0 : i32
        %dma_start3A_1156 = tpu.memref_slice %arg11[%dma_start3A_1153, %dma_start3A_1154, %dma_start3A_1155] : memref<2x8x2048xi32, #tpu.memory_space<vmem_shared>> -> memref<1x1x2048xi32, #tpu.memory_space<vmem_shared>>
        %dma_start3A_1157 = tpu.memref_squeeze %dma_start3A_1156 : memref<1x1x2048xi32, #tpu.memory_space<vmem_shared>> -> memref<2048xi32, #tpu.memory_space<vmem_shared>>
        %dma_start3A_1158 = arith.constant 10240 : i32
        %dma_start3A_1159 = tpu.memref_slice %arg2[%add3A_1112, %dma_start3A_1158] : memref<26x16384xi32, #tpu.memory_space<hbm>> -> memref<1x2048xi32, #tpu.memory_space<hbm>>
        %dma_start3A_1160 = tpu.memref_squeeze %dma_start3A_1159 : memref<1x2048xi32, #tpu.memory_space<hbm>> -> memref<2048xi32, #tpu.memory_space<hbm>>
        tpu.enqueue_dma source(%dma_start3A_1160 : memref<2048xi32, #tpu.memory_space<hbm>>) target(%dma_start3A_1157 : memref<2048xi32, #tpu.memory_space<vmem_shared>>) target_semaphore(%arg15 : memref<!tpu.dma_semaphore, #tpu.memory_space<semaphore_mem>>)
        %dma_start3A_1161 = arith.constant 1 : i32
        %dma_start3A_1162 = arith.constant 6 : i32
        %dma_start3A_1163 = arith.constant 0 : i32
        %dma_start3A_1164 = tpu.memref_slice %arg11[%dma_start3A_1161, %dma_start3A_1162, %dma_start3A_1163] : memref<2x8x2048xi32, #tpu.memory_space<vmem_shared>> -> memref<1x1x2048xi32, #tpu.memory_space<vmem_shared>>
        %dma_start3A_1165 = tpu.memref_squeeze %dma_start3A_1164 : memref<1x1x2048xi32, #tpu.memory_space<vmem_shared>> -> memref<2048xi32, #tpu.memory_space<vmem_shared>>
        %dma_start3A_1166 = arith.constant 12288 : i32
        %dma_start3A_1167 = tpu.memref_slice %arg2[%add3A_1112, %dma_start3A_1166] : memref<26x16384xi32, #tpu.memory_space<hbm>> -> memref<1x2048xi32, #tpu.memory_space<hbm>>
        %dma_start3A_1168 = tpu.memref_squeeze %dma_start3A_1167 : memref<1x2048xi32, #tpu.memory_space<hbm>> -> memref<2048xi32, #tpu.memory_space<hbm>>
        tpu.enqueue_dma source(%dma_start3A_1168 : memref<2048xi32, #tpu.memory_space<hbm>>) target(%dma_start3A_1165 : memref<2048xi32, #tpu.memory_space<vmem_shared>>) target_semaphore(%arg15 : memref<!tpu.dma_semaphore, #tpu.memory_space<semaphore_mem>>)
        %dma_start3A_1169 = arith.constant 1 : i32
        %dma_start3A_1170 = arith.constant 7 : i32
        %dma_start3A_1171 = arith.constant 0 : i32
        %dma_start3A_1172 = tpu.memref_slice %arg11[%dma_start3A_1169, %dma_start3A_1170, %dma_start3A_1171] : memref<2x8x2048xi32, #tpu.memory_space<vmem_shared>> -> memref<1x1x2048xi32, #tpu.memory_space<vmem_shared>>
        %dma_start3A_1173 = tpu.memref_squeeze %dma_start3A_1172 : memref<1x1x2048xi32, #tpu.memory_space<vmem_shared>> -> memref<2048xi32, #tpu.memory_space<vmem_shared>>
        %dma_start3A_1174 = arith.constant 14336 : i32
        %dma_start3A_1175 = tpu.memref_slice %arg2[%add3A_1112, %dma_start3A_1174] : memref<26x16384xi32, #tpu.memory_space<hbm>> -> memref<1x2048xi32, #tpu.memory_space<hbm>>
        %dma_start3A_1176 = tpu.memref_squeeze %dma_start3A_1175 : memref<1x2048xi32, #tpu.memory_space<hbm>> -> memref<2048xi32, #tpu.memory_space<hbm>>
        tpu.enqueue_dma source(%dma_start3A_1176 : memref<2048xi32, #tpu.memory_space<hbm>>) target(%dma_start3A_1173 : memref<2048xi32, #tpu.memory_space<vmem_shared>>) target_semaphore(%arg15 : memref<!tpu.dma_semaphore, #tpu.memory_space<semaphore_mem>>)
      } else {
      }
      %dma_wait3A_154 = arith.constant 0 : i32
      %dma_wait3A_155 = arith.constant 0 : i32
      %dma_wait3A_156 = arith.constant 0 : i32
      %dma_wait3A_157 = tpu.memref_slice %arg8[%dma_wait3A_156] : memref<16384xi32, #tpu.memory_space<vmem>> -> memref<2048xi32, #tpu.memory_space<vmem>>
      %dma_wait3A_158 = arith.constant 0 : i32
      %dma_wait3A_159 = tpu.memref_slice %arg11[%dma_wait3A_154, %dma_wait3A_155, %dma_wait3A_158] : memref<2x8x2048xi32, #tpu.memory_space<vmem_shared>> -> memref<1x1x2048xi32, #tpu.memory_space<vmem_shared>>
      %dma_wait3A_160 = tpu.memref_squeeze %dma_wait3A_159 : memref<1x1x2048xi32, #tpu.memory_space<vmem_shared>> -> memref<2048xi32, #tpu.memory_space<vmem_shared>>
      %dma_wait3A_161 = arith.constant 0 : i32
      %dma_wait3A_162 = tpu.memref_slice %arg8[%dma_wait3A_161] : memref<16384xi32, #tpu.memory_space<vmem>> -> memref<2048xi32, #tpu.memory_space<vmem>>
      %dma_wait3A_163 = arith.constant 0 : i32
      %dma_wait3A_164 = tpu.memref_slice %arg11[%dma_wait3A_154, %dma_wait3A_155, %dma_wait3A_163] : memref<2x8x2048xi32, #tpu.memory_space<vmem_shared>> -> memref<1x1x2048xi32, #tpu.memory_space<vmem_shared>>
      %dma_wait3A_165 = tpu.memref_squeeze %dma_wait3A_164 : memref<1x1x2048xi32, #tpu.memory_space<vmem_shared>> -> memref<2048xi32, #tpu.memory_space<vmem_shared>>
      tpu.wait_dma2 semaphore(%arg13 : memref<!tpu.dma_semaphore, #tpu.memory_space<semaphore_mem>>) src(%dma_wait3A_165 : memref<2048xi32, #tpu.memory_space<vmem_shared>>) dst(%dma_wait3A_162 : memref<2048xi32, #tpu.memory_space<vmem>>)
      %dma_wait3A_166 = arith.constant 0 : i32
      %dma_wait3A_167 = arith.constant 0 : i32
      %dma_wait3A_168 = arith.constant 0 : i32
      %dma_wait3A_169 = tpu.memref_slice %arg8[%dma_wait3A_168] : memref<16384xi32, #tpu.memory_space<vmem>> -> memref<2048xi32, #tpu.memory_space<vmem>>
      %dma_wait3A_170 = arith.constant 0 : i32
      %dma_wait3A_171 = tpu.memref_slice %arg11[%dma_wait3A_166, %dma_wait3A_167, %dma_wait3A_170] : memref<2x8x2048xi32, #tpu.memory_space<vmem_shared>> -> memref<1x1x2048xi32, #tpu.memory_space<vmem_shared>>
      %dma_wait3A_172 = tpu.memref_squeeze %dma_wait3A_171 : memref<1x1x2048xi32, #tpu.memory_space<vmem_shared>> -> memref<2048xi32, #tpu.memory_space<vmem_shared>>
      %dma_wait3A_173 = arith.constant 0 : i32
      %dma_wait3A_174 = tpu.memref_slice %arg8[%dma_wait3A_173] : memref<16384xi32, #tpu.memory_space<vmem>> -> memref<2048xi32, #tpu.memory_space<vmem>>
      %dma_wait3A_175 = arith.constant 0 : i32
      %dma_wait3A_176 = tpu.memref_slice %arg11[%dma_wait3A_166, %dma_wait3A_167, %dma_wait3A_175] : memref<2x8x2048xi32, #tpu.memory_space<vmem_shared>> -> memref<1x1x2048xi32, #tpu.memory_space<vmem_shared>>
      %dma_wait3A_177 = tpu.memref_squeeze %dma_wait3A_176 : memref<1x1x2048xi32, #tpu.memory_space<vmem_shared>> -> memref<2048xi32, #tpu.memory_space<vmem_shared>>
      tpu.wait_dma2 semaphore(%arg13 : memref<!tpu.dma_semaphore, #tpu.memory_space<semaphore_mem>>) src(%dma_wait3A_177 : memref<2048xi32, #tpu.memory_space<vmem_shared>>) dst(%dma_wait3A_174 : memref<2048xi32, #tpu.memory_space<vmem>>)
      %dma_wait3A_178 = arith.constant 0 : i32
      %dma_wait3A_179 = arith.constant 0 : i32
      %dma_wait3A_180 = arith.constant 0 : i32
      %dma_wait3A_181 = tpu.memref_slice %arg8[%dma_wait3A_180] : memref<16384xi32, #tpu.memory_space<vmem>> -> memref<2048xi32, #tpu.memory_space<vmem>>
      %dma_wait3A_182 = arith.constant 0 : i32
      %dma_wait3A_183 = tpu.memref_slice %arg11[%dma_wait3A_178, %dma_wait3A_179, %dma_wait3A_182] : memref<2x8x2048xi32, #tpu.memory_space<vmem_shared>> -> memref<1x1x2048xi32, #tpu.memory_space<vmem_shared>>
      %dma_wait3A_184 = tpu.memref_squeeze %dma_wait3A_183 : memref<1x1x2048xi32, #tpu.memory_space<vmem_shared>> -> memref<2048xi32, #tpu.memory_space<vmem_shared>>
      %dma_wait3A_185 = arith.constant 0 : i32
      %dma_wait3A_186 = tpu.memref_slice %arg8[%dma_wait3A_185] : memref<16384xi32, #tpu.memory_space<vmem>> -> memref<2048xi32, #tpu.memory_space<vmem>>
      %dma_wait3A_187 = arith.constant 0 : i32
      %dma_wait3A_188 = tpu.memref_slice %arg11[%dma_wait3A_178, %dma_wait3A_179, %dma_wait3A_187] : memref<2x8x2048xi32, #tpu.memory_space<vmem_shared>> -> memref<1x1x2048xi32, #tpu.memory_space<vmem_shared>>
      %dma_wait3A_189 = tpu.memref_squeeze %dma_wait3A_188 : memref<1x1x2048xi32, #tpu.memory_space<vmem_shared>> -> memref<2048xi32, #tpu.memory_space<vmem_shared>>
      tpu.wait_dma2 semaphore(%arg13 : memref<!tpu.dma_semaphore, #tpu.memory_space<semaphore_mem>>) src(%dma_wait3A_189 : memref<2048xi32, #tpu.memory_space<vmem_shared>>) dst(%dma_wait3A_186 : memref<2048xi32, #tpu.memory_space<vmem>>)
      %dma_wait3A_190 = arith.constant 0 : i32
      %dma_wait3A_191 = arith.constant 0 : i32
      %dma_wait3A_192 = arith.constant 0 : i32
      %dma_wait3A_193 = tpu.memref_slice %arg8[%dma_wait3A_192] : memref<16384xi32, #tpu.memory_space<vmem>> -> memref<2048xi32, #tpu.memory_space<vmem>>
      %dma_wait3A_194 = arith.constant 0 : i32
      %dma_wait3A_195 = tpu.memref_slice %arg11[%dma_wait3A_190, %dma_wait3A_191, %dma_wait3A_194] : memref<2x8x2048xi32, #tpu.memory_space<vmem_shared>> -> memref<1x1x2048xi32, #tpu.memory_space<vmem_shared>>
      %dma_wait3A_196 = tpu.memref_squeeze %dma_wait3A_195 : memref<1x1x2048xi32, #tpu.memory_space<vmem_shared>> -> memref<2048xi32, #tpu.memory_space<vmem_shared>>
      %dma_wait3A_197 = arith.constant 0 : i32
      %dma_wait3A_198 = tpu.memref_slice %arg8[%dma_wait3A_197] : memref<16384xi32, #tpu.memory_space<vmem>> -> memref<2048xi32, #tpu.memory_space<vmem>>
      %dma_wait3A_199 = arith.constant 0 : i32
      %dma_wait3A_200 = tpu.memref_slice %arg11[%dma_wait3A_190, %dma_wait3A_191, %dma_wait3A_199] : memref<2x8x2048xi32, #tpu.memory_space<vmem_shared>> -> memref<1x1x2048xi32, #tpu.memory_space<vmem_shared>>
      %dma_wait3A_201 = tpu.memref_squeeze %dma_wait3A_200 : memref<1x1x2048xi32, #tpu.memory_space<vmem_shared>> -> memref<2048xi32, #tpu.memory_space<vmem_shared>>
      tpu.wait_dma2 semaphore(%arg13 : memref<!tpu.dma_semaphore, #tpu.memory_space<semaphore_mem>>) src(%dma_wait3A_201 : memref<2048xi32, #tpu.memory_space<vmem_shared>>) dst(%dma_wait3A_198 : memref<2048xi32, #tpu.memory_space<vmem>>)
      %dma_wait3A_202 = arith.constant 0 : i32
      %dma_wait3A_203 = arith.constant 0 : i32
      %dma_wait3A_204 = arith.constant 0 : i32
      %dma_wait3A_205 = tpu.memref_slice %arg8[%dma_wait3A_204] : memref<16384xi32, #tpu.memory_space<vmem>> -> memref<2048xi32, #tpu.memory_space<vmem>>
      %dma_wait3A_206 = arith.constant 0 : i32
      %dma_wait3A_207 = tpu.memref_slice %arg11[%dma_wait3A_202, %dma_wait3A_203, %dma_wait3A_206] : memref<2x8x2048xi32, #tpu.memory_space<vmem_shared>> -> memref<1x1x2048xi32, #tpu.memory_space<vmem_shared>>
      %dma_wait3A_208 = tpu.memref_squeeze %dma_wait3A_207 : memref<1x1x2048xi32, #tpu.memory_space<vmem_shared>> -> memref<2048xi32, #tpu.memory_space<vmem_shared>>
      %dma_wait3A_209 = arith.constant 0 : i32
      %dma_wait3A_210 = tpu.memref_slice %arg8[%dma_wait3A_209] : memref<16384xi32, #tpu.memory_space<vmem>> -> memref<2048xi32, #tpu.memory_space<vmem>>
      %dma_wait3A_211 = arith.constant 0 : i32
      %dma_wait3A_212 = tpu.memref_slice %arg11[%dma_wait3A_202, %dma_wait3A_203, %dma_wait3A_211] : memref<2x8x2048xi32, #tpu.memory_space<vmem_shared>> -> memref<1x1x2048xi32, #tpu.memory_space<vmem_shared>>
      %dma_wait3A_213 = tpu.memref_squeeze %dma_wait3A_212 : memref<1x1x2048xi32, #tpu.memory_space<vmem_shared>> -> memref<2048xi32, #tpu.memory_space<vmem_shared>>
      tpu.wait_dma2 semaphore(%arg13 : memref<!tpu.dma_semaphore, #tpu.memory_space<semaphore_mem>>) src(%dma_wait3A_213 : memref<2048xi32, #tpu.memory_space<vmem_shared>>) dst(%dma_wait3A_210 : memref<2048xi32, #tpu.memory_space<vmem>>)
      %dma_wait3A_214 = arith.constant 0 : i32
      %dma_wait3A_215 = arith.constant 0 : i32
      %dma_wait3A_216 = arith.constant 0 : i32
      %dma_wait3A_217 = tpu.memref_slice %arg8[%dma_wait3A_216] : memref<16384xi32, #tpu.memory_space<vmem>> -> memref<2048xi32, #tpu.memory_space<vmem>>
      %dma_wait3A_218 = arith.constant 0 : i32
      %dma_wait3A_219 = tpu.memref_slice %arg11[%dma_wait3A_214, %dma_wait3A_215, %dma_wait3A_218] : memref<2x8x2048xi32, #tpu.memory_space<vmem_shared>> -> memref<1x1x2048xi32, #tpu.memory_space<vmem_shared>>
      %dma_wait3A_220 = tpu.memref_squeeze %dma_wait3A_219 : memref<1x1x2048xi32, #tpu.memory_space<vmem_shared>> -> memref<2048xi32, #tpu.memory_space<vmem_shared>>
      %dma_wait3A_221 = arith.constant 0 : i32
      %dma_wait3A_222 = tpu.memref_slice %arg8[%dma_wait3A_221] : memref<16384xi32, #tpu.memory_space<vmem>> -> memref<2048xi32, #tpu.memory_space<vmem>>
      %dma_wait3A_223 = arith.constant 0 : i32
      %dma_wait3A_224 = tpu.memref_slice %arg11[%dma_wait3A_214, %dma_wait3A_215, %dma_wait3A_223] : memref<2x8x2048xi32, #tpu.memory_space<vmem_shared>> -> memref<1x1x2048xi32, #tpu.memory_space<vmem_shared>>
      %dma_wait3A_225 = tpu.memref_squeeze %dma_wait3A_224 : memref<1x1x2048xi32, #tpu.memory_space<vmem_shared>> -> memref<2048xi32, #tpu.memory_space<vmem_shared>>
      tpu.wait_dma2 semaphore(%arg13 : memref<!tpu.dma_semaphore, #tpu.memory_space<semaphore_mem>>) src(%dma_wait3A_225 : memref<2048xi32, #tpu.memory_space<vmem_shared>>) dst(%dma_wait3A_222 : memref<2048xi32, #tpu.memory_space<vmem>>)
      %dma_wait3A_226 = arith.constant 0 : i32
      %dma_wait3A_227 = arith.constant 0 : i32
      %dma_wait3A_228 = arith.constant 0 : i32
      %dma_wait3A_229 = tpu.memref_slice %arg8[%dma_wait3A_228] : memref<16384xi32, #tpu.memory_space<vmem>> -> memref<2048xi32, #tpu.memory_space<vmem>>
      %dma_wait3A_230 = arith.constant 0 : i32
      %dma_wait3A_231 = tpu.memref_slice %arg11[%dma_wait3A_226, %dma_wait3A_227, %dma_wait3A_230] : memref<2x8x2048xi32, #tpu.memory_space<vmem_shared>> -> memref<1x1x2048xi32, #tpu.memory_space<vmem_shared>>
      %dma_wait3A_232 = tpu.memref_squeeze %dma_wait3A_231 : memref<1x1x2048xi32, #tpu.memory_space<vmem_shared>> -> memref<2048xi32, #tpu.memory_space<vmem_shared>>
      %dma_wait3A_233 = arith.constant 0 : i32
      %dma_wait3A_234 = tpu.memref_slice %arg8[%dma_wait3A_233] : memref<16384xi32, #tpu.memory_space<vmem>> -> memref<2048xi32, #tpu.memory_space<vmem>>
      %dma_wait3A_235 = arith.constant 0 : i32
      %dma_wait3A_236 = tpu.memref_slice %arg11[%dma_wait3A_226, %dma_wait3A_227, %dma_wait3A_235] : memref<2x8x2048xi32, #tpu.memory_space<vmem_shared>> -> memref<1x1x2048xi32, #tpu.memory_space<vmem_shared>>
      %dma_wait3A_237 = tpu.memref_squeeze %dma_wait3A_236 : memref<1x1x2048xi32, #tpu.memory_space<vmem_shared>> -> memref<2048xi32, #tpu.memory_space<vmem_shared>>
      tpu.wait_dma2 semaphore(%arg13 : memref<!tpu.dma_semaphore, #tpu.memory_space<semaphore_mem>>) src(%dma_wait3A_237 : memref<2048xi32, #tpu.memory_space<vmem_shared>>) dst(%dma_wait3A_234 : memref<2048xi32, #tpu.memory_space<vmem>>)
      %dma_wait3A_238 = arith.constant 0 : i32
      %dma_wait3A_239 = arith.constant 0 : i32
      %dma_wait3A_240 = arith.constant 0 : i32
      %dma_wait3A_241 = tpu.memref_slice %arg8[%dma_wait3A_240] : memref<16384xi32, #tpu.memory_space<vmem>> -> memref<2048xi32, #tpu.memory_space<vmem>>
      %dma_wait3A_242 = arith.constant 0 : i32
      %dma_wait3A_243 = tpu.memref_slice %arg11[%dma_wait3A_238, %dma_wait3A_239, %dma_wait3A_242] : memref<2x8x2048xi32, #tpu.memory_space<vmem_shared>> -> memref<1x1x2048xi32, #tpu.memory_space<vmem_shared>>
      %dma_wait3A_244 = tpu.memref_squeeze %dma_wait3A_243 : memref<1x1x2048xi32, #tpu.memory_space<vmem_shared>> -> memref<2048xi32, #tpu.memory_space<vmem_shared>>
      %dma_wait3A_245 = arith.constant 0 : i32
      %dma_wait3A_246 = tpu.memref_slice %arg8[%dma_wait3A_245] : memref<16384xi32, #tpu.memory_space<vmem>> -> memref<2048xi32, #tpu.memory_space<vmem>>
      %dma_wait3A_247 = arith.constant 0 : i32
      %dma_wait3A_248 = tpu.memref_slice %arg11[%dma_wait3A_238, %dma_wait3A_239, %dma_wait3A_247] : memref<2x8x2048xi32, #tpu.memory_space<vmem_shared>> -> memref<1x1x2048xi32, #tpu.memory_space<vmem_shared>>
      %dma_wait3A_249 = tpu.memref_squeeze %dma_wait3A_248 : memref<1x1x2048xi32, #tpu.memory_space<vmem_shared>> -> memref<2048xi32, #tpu.memory_space<vmem_shared>>
      tpu.wait_dma2 semaphore(%arg13 : memref<!tpu.dma_semaphore, #tpu.memory_space<semaphore_mem>>) src(%dma_wait3A_249 : memref<2048xi32, #tpu.memory_space<vmem_shared>>) dst(%dma_wait3A_246 : memref<2048xi32, #tpu.memory_space<vmem>>)
      %dma_wait3A_250 = arith.constant 0 : i32
      %dma_wait3A_251 = arith.constant 0 : i32
      %dma_wait3A_252 = tpu.memref_slice %arg6[%dma_wait3A_251] : memref<33536xf32, #tpu.memory_space<vmem>> -> memref<33280xf32, #tpu.memory_space<vmem>>
      %dma_wait3A_253 = arith.constant 0 : i32
      %dma_wait3A_254 = tpu.memref_slice %arg3[%dma_wait3A_250, %dma_wait3A_253] : memref<832x100000xf32, #tpu.memory_space<hbm>> -> memref<1x33280xf32, #tpu.memory_space<hbm>>
      %dma_wait3A_255 = tpu.memref_squeeze %dma_wait3A_254 : memref<1x33280xf32, #tpu.memory_space<hbm>> -> memref<33280xf32, #tpu.memory_space<hbm>>
      %dma_wait3A_256 = arith.constant 0 : i32
      %dma_wait3A_257 = tpu.memref_slice %arg6[%dma_wait3A_256] : memref<33536xf32, #tpu.memory_space<vmem>> -> memref<33280xf32, #tpu.memory_space<vmem>>
      %dma_wait3A_258 = arith.constant 0 : i32
      %dma_wait3A_259 = tpu.memref_slice %arg3[%dma_wait3A_250, %dma_wait3A_258] : memref<832x100000xf32, #tpu.memory_space<hbm>> -> memref<1x33280xf32, #tpu.memory_space<hbm>>
      %dma_wait3A_260 = tpu.memref_squeeze %dma_wait3A_259 : memref<1x33280xf32, #tpu.memory_space<hbm>> -> memref<33280xf32, #tpu.memory_space<hbm>>
      tpu.wait_dma2 semaphore(%arg12 : memref<!tpu.dma_semaphore, #tpu.memory_space<semaphore_mem>>) src(%dma_wait3A_260 : memref<33280xf32, #tpu.memory_space<hbm>>) dst(%dma_wait3A_257 : memref<33280xf32, #tpu.memory_space<vmem>>)
      %parallel_loop3A = arith.constant 0 : i32
      %parallel_loop3A_261 = arith.constant 1024 : i32
      %parallel_loop3A_262 = arith.constant 1 : i32
      scf.for %parallel_loop3A_1111 = %parallel_loop3A to %parallel_loop3A_261 step %parallel_loop3A_262  : i32 {
        %parallel_loop3A_1112 = arith.constant 16 : i32
        %parallel_loop3A_1113 = arith.muli %parallel_loop3A_1111, %parallel_loop3A_1112 : i32
        %parallel_loop3A_1114 = arith.index_cast %parallel_loop3A_1113 : i32 to index
        %parallel_loop3A_1115 = tpu.vector_load %arg8[%parallel_loop3A_1114] {strides = array<i32>} : memref<16384xi32, #tpu.memory_space<vmem>>, vector<16xi32>,
        %parallel_loop3A_1116 = arith.constant 0 : i32
        %parallel_loop3A_1117 = vector.broadcast %parallel_loop3A_1116 : i32 to vector<16xi32>
        %parallel_loop3A_1118 = arith.subi %parallel_loop3A_1115, %parallel_loop3A_1117 : vector<16xi32>
        %parallel_loop3A_1119 = vector.bitcast %parallel_loop3A_1118 : vector<16xi32> to vector<16xi32>
        %parallel_loop3A_1120 = arith.constant 33280 : i32
        %parallel_loop3A_1121 = vector.broadcast %parallel_loop3A_1120 : i32 to vector<16xi32>
        %parallel_loop3A_1122 = arith.cmpi ult, %parallel_loop3A_1119, %parallel_loop3A_1121 : vector<16xi32>
        %parallel_loop3A_1123 = tpu.vector_load_idx %arg6[%parallel_loop3A_1118] masked %parallel_loop3A_1122 : memref<33536xf32, #tpu.memory_space<vmem>>[vector<16xi32>], vector<16xf32>, vector<16xi1>
        %parallel_loop3A_1124 = arith.constant 0.000000e+00 : f32
        %parallel_loop3A_1125 = vector.broadcast %parallel_loop3A_1124 : f32 to vector<16xf32>
        %parallel_loop3A_1126 = arith.select %parallel_loop3A_1122, %parallel_loop3A_1123, %parallel_loop3A_1125 : vector<16xi1>, vector<16xf32>
        %parallel_loop3A_1127 = arith.index_cast %parallel_loop3A_1113 : i32 to index
        %parallel_loop3A_1128 = tpu.vector_load %arg9[%parallel_loop3A_1127] {strides = array<i32>} : memref<16384xf32, #tpu.memory_space<vmem>>, vector<16xf32>,
        tpu.vector_store %arg9[%parallel_loop3A_1127], %parallel_loop3A_1126 {strides = array<i32>} : memref<16384xf32, #tpu.memory_space<vmem>>, vector<16xf32>,
      } {sc.loop_unroll_factor = 8 : i64, sc.parallel_access}
      %mul3A_263 = arith.constant 32 : i32
      %mul3A_264 = arith.muli %add3A_149, %mul3A_263 : i32
      %add3A_265 = arith.addi %mul3A_264, %add3A : i32
      %dma_start3A_266 = arith.constant 0 : i32
      %dma_start3A_267 = tpu.memref_slice %arg6[%dma_start3A_266] : memref<33536xf32, #tpu.memory_space<vmem>> -> memref<33408xf32, #tpu.memory_space<vmem>>
      %dma_start3A_268 = arith.constant 66560 : i32
      %dma_start3A_269 = tpu.memref_slice %arg3[%add3A_265, %dma_start3A_268] : memref<832x100000xf32, #tpu.memory_space<hbm>> -> memref<1x33408xf32, #tpu.memory_space<hbm>>
      %dma_start3A_270 = tpu.memref_squeeze %dma_start3A_269 : memref<1x33408xf32, #tpu.memory_space<hbm>> -> memref<33408xf32, #tpu.memory_space<hbm>>
      %dma_start3A_271 = arith.constant 0 : i32
      %dma_start3A_272 = tpu.memref_slice %arg6[%dma_start3A_271] : memref<33536xf32, #tpu.memory_space<vmem>> -> memref<33408xf32, #tpu.memory_space<vmem>>
      %dma_start3A_273 = arith.constant 66560 : i32
      %dma_start3A_274 = tpu.memref_slice %arg3[%add3A_265, %dma_start3A_273] : memref<832x100000xf32, #tpu.memory_space<hbm>> -> memref<1x33408xf32, #tpu.memory_space<hbm>>
      %dma_start3A_275 = tpu.memref_squeeze %dma_start3A_274 : memref<1x33408xf32, #tpu.memory_space<hbm>> -> memref<33408xf32, #tpu.memory_space<hbm>>
      tpu.enqueue_dma source(%dma_start3A_275 : memref<33408xf32, #tpu.memory_space<hbm>>) target(%dma_start3A_272 : memref<33408xf32, #tpu.memory_space<vmem>>) target_semaphore(%arg12 : memref<!tpu.dma_semaphore, #tpu.memory_space<semaphore_mem>>)
      %dma_start3A_276 = arith.constant 33408 : i32
      %dma_start3A_277 = tpu.memref_slice %arg6[%dma_start3A_276] : memref<33536xf32, #tpu.memory_space<vmem>> -> memref<128xf32, #tpu.memory_space<vmem>>
      %dma_start3A_278 = arith.constant 0 : i32
      %dma_start3A_279 = tpu.memref_slice %arg4[%add3A_149, %add3A, %dma_start3A_278] : memref<26x32x128xf32, #tpu.memory_space<hbm>> -> memref<1x1x128xf32, #tpu.memory_space<hbm>>
      %dma_start3A_280 = tpu.memref_squeeze %dma_start3A_279 : memref<1x1x128xf32, #tpu.memory_space<hbm>> -> memref<128xf32, #tpu.memory_space<hbm>>
      %dma_start3A_281 = arith.constant 33408 : i32
      %dma_start3A_282 = tpu.memref_slice %arg6[%dma_start3A_281] : memref<33536xf32, #tpu.memory_space<vmem>> -> memref<128xf32, #tpu.memory_space<vmem>>
      %dma_start3A_283 = arith.constant 0 : i32
      %dma_start3A_284 = tpu.memref_slice %arg4[%add3A_149, %add3A, %dma_start3A_283] : memref<26x32x128xf32, #tpu.memory_space<hbm>> -> memref<1x1x128xf32, #tpu.memory_space<hbm>>
      %dma_start3A_285 = tpu.memref_squeeze %dma_start3A_284 : memref<1x1x128xf32, #tpu.memory_space<hbm>> -> memref<128xf32, #tpu.memory_space<hbm>>
      tpu.enqueue_dma source(%dma_start3A_285 : memref<128xf32, #tpu.memory_space<hbm>>) target(%dma_start3A_282 : memref<128xf32, #tpu.memory_space<vmem>>) target_semaphore(%arg12 : memref<!tpu.dma_semaphore, #tpu.memory_space<semaphore_mem>>)
      %dma_wait3A_286 = arith.constant 0 : i32
      %dma_wait3A_287 = arith.constant 0 : i32
      %dma_wait3A_288 = tpu.memref_slice %arg7[%dma_wait3A_287] : memref<33536xf32, #tpu.memory_space<vmem>> -> memref<33280xf32, #tpu.memory_space<vmem>>
      %dma_wait3A_289 = arith.constant 0 : i32
      %dma_wait3A_290 = tpu.memref_slice %arg3[%dma_wait3A_286, %dma_wait3A_289] : memref<832x100000xf32, #tpu.memory_space<hbm>> -> memref<1x33280xf32, #tpu.memory_space<hbm>>
      %dma_wait3A_291 = tpu.memref_squeeze %dma_wait3A_290 : memref<1x33280xf32, #tpu.memory_space<hbm>> -> memref<33280xf32, #tpu.memory_space<hbm>>
      %dma_wait3A_292 = arith.constant 0 : i32
      %dma_wait3A_293 = tpu.memref_slice %arg7[%dma_wait3A_292] : memref<33536xf32, #tpu.memory_space<vmem>> -> memref<33280xf32, #tpu.memory_space<vmem>>
      %dma_wait3A_294 = arith.constant 0 : i32
      %dma_wait3A_295 = tpu.memref_slice %arg3[%dma_wait3A_286, %dma_wait3A_294] : memref<832x100000xf32, #tpu.memory_space<hbm>> -> memref<1x33280xf32, #tpu.memory_space<hbm>>
      %dma_wait3A_296 = tpu.memref_squeeze %dma_wait3A_295 : memref<1x33280xf32, #tpu.memory_space<hbm>> -> memref<33280xf32, #tpu.memory_space<hbm>>
      tpu.wait_dma2 semaphore(%arg12 : memref<!tpu.dma_semaphore, #tpu.memory_space<semaphore_mem>>) src(%dma_wait3A_296 : memref<33280xf32, #tpu.memory_space<hbm>>) dst(%dma_wait3A_293 : memref<33280xf32, #tpu.memory_space<vmem>>)
      %parallel_loop3A_297 = arith.constant 0 : i32
      %parallel_loop3A_298 = arith.constant 1024 : i32
      %parallel_loop3A_299 = arith.constant 1 : i32
      scf.for %parallel_loop3A_1111 = %parallel_loop3A_297 to %parallel_loop3A_298 step %parallel_loop3A_299  : i32 {
        %parallel_loop3A_1112 = arith.constant 16 : i32
        %parallel_loop3A_1113 = arith.muli %parallel_loop3A_1111, %parallel_loop3A_1112 : i32
        %parallel_loop3A_1114 = arith.index_cast %parallel_loop3A_1113 : i32 to index
        %parallel_loop3A_1115 = tpu.vector_load %arg8[%parallel_loop3A_1114] {strides = array<i32>} : memref<16384xi32, #tpu.memory_space<vmem>>, vector<16xi32>,
        %parallel_loop3A_1116 = arith.constant 33280 : i32
        %parallel_loop3A_1117 = vector.broadcast %parallel_loop3A_1116 : i32 to vector<16xi32>
        %parallel_loop3A_1118 = arith.subi %parallel_loop3A_1115, %parallel_loop3A_1117 : vector<16xi32>
        %parallel_loop3A_1119 = vector.bitcast %parallel_loop3A_1118 : vector<16xi32> to vector<16xi32>
        %parallel_loop3A_1120 = arith.constant 33280 : i32
        %parallel_loop3A_1121 = vector.broadcast %parallel_loop3A_1120 : i32 to vector<16xi32>
        %parallel_loop3A_1122 = arith.cmpi ult, %parallel_loop3A_1119, %parallel_loop3A_1121 : vector<16xi32>
        %parallel_loop3A_1123 = tpu.vector_load_idx %arg7[%parallel_loop3A_1118] masked %parallel_loop3A_1122 : memref<33536xf32, #tpu.memory_space<vmem>>[vector<16xi32>], vector<16xf32>, vector<16xi1>
        %parallel_loop3A_1124 = arith.constant 0.000000e+00 : f32
        %parallel_loop3A_1125 = vector.broadcast %parallel_loop3A_1124 : f32 to vector<16xf32>
        %parallel_loop3A_1126 = arith.select %parallel_loop3A_1122, %parallel_loop3A_1123, %parallel_loop3A_1125 : vector<16xi1>, vector<16xf32>
        %parallel_loop3A_1127 = arith.index_cast %parallel_loop3A_1113 : i32 to index
        %parallel_loop3A_1128 = tpu.vector_load %arg9[%parallel_loop3A_1127] {strides = array<i32>} : memref<16384xf32, #tpu.memory_space<vmem>>, vector<16xf32>,
        tpu.vector_store %arg9[%parallel_loop3A_1127], %parallel_loop3A_1126 {add = true, strides = array<i32>} : memref<16384xf32, #tpu.memory_space<vmem>>, vector<16xf32>,
      } {sc.loop_unroll_factor = 8 : i64, sc.parallel_access}
      %add3A_300 = arith.constant 1 : i32
      %add3A_301 = arith.addi %add3A_149, %add3A_300 : i32
      %lt3A_302 = arith.constant 26 : i32
      %lt3A_303 = arith.cmpi slt, %add3A_301, %lt3A_302 : i32
      %convert_element_type3A_304 = arith.extui %lt3A_303 : i1 to i32
      %cond3A_305 = arith.constant 0 : i32
      %cond3A_306 = arith.cmpi ne, %convert_element_type3A_304, %cond3A_305 : i32
      scf.if %cond3A_306 {
        %add3A_1111 = arith.constant 1 : i32
        %add3A_1112 = arith.addi %add3A_149, %add3A_1111 : i32
        %mul3A_1113 = arith.constant 32 : i32
        %mul3A_1114 = arith.muli %add3A_1112, %mul3A_1113 : i32
        %add3A_1115 = arith.addi %mul3A_1114, %add3A : i32
        %dma_start3A_1116 = arith.constant 0 : i32
        %dma_start3A_1117 = tpu.memref_slice %arg7[%dma_start3A_1116] : memref<33536xf32, #tpu.memory_space<vmem>> -> memref<33280xf32, #tpu.memory_space<vmem>>
        %dma_start3A_1118 = arith.constant 0 : i32
        %dma_start3A_1119 = tpu.memref_slice %arg3[%add3A_1115, %dma_start3A_1118] : memref<832x100000xf32, #tpu.memory_space<hbm>> -> memref<1x33280xf32, #tpu.memory_space<hbm>>
        %dma_start3A_1120 = tpu.memref_squeeze %dma_start3A_1119 : memref<1x33280xf32, #tpu.memory_space<hbm>> -> memref<33280xf32, #tpu.memory_space<hbm>>
        %dma_start3A_1121 = arith.constant 0 : i32
        %dma_start3A_1122 = tpu.memref_slice %arg7[%dma_start3A_1121] : memref<33536xf32, #tpu.memory_space<vmem>> -> memref<33280xf32, #tpu.memory_space<vmem>>
        %dma_start3A_1123 = arith.constant 0 : i32
        %dma_start3A_1124 = tpu.memref_slice %arg3[%add3A_1115, %dma_start3A_1123] : memref<832x100000xf32, #tpu.memory_space<hbm>> -> memref<1x33280xf32, #tpu.memory_space<hbm>>
        %dma_start3A_1125 = tpu.memref_squeeze %dma_start3A_1124 : memref<1x33280xf32, #tpu.memory_space<hbm>> -> memref<33280xf32, #tpu.memory_space<hbm>>
        tpu.enqueue_dma source(%dma_start3A_1125 : memref<33280xf32, #tpu.memory_space<hbm>>) target(%dma_start3A_1122 : memref<33280xf32, #tpu.memory_space<vmem>>) target_semaphore(%arg12 : memref<!tpu.dma_semaphore, #tpu.memory_space<semaphore_mem>>)
      } else {
      }
      %dma_wait3A_307 = arith.constant 0 : i32
      %dma_wait3A_308 = arith.constant 0 : i32
      %dma_wait3A_309 = tpu.memref_slice %arg6[%dma_wait3A_308] : memref<33536xf32, #tpu.memory_space<vmem>> -> memref<33408xf32, #tpu.memory_space<vmem>>
      %dma_wait3A_310 = arith.constant 0 : i32
      %dma_wait3A_311 = tpu.memref_slice %arg3[%dma_wait3A_307, %dma_wait3A_310] : memref<832x100000xf32, #tpu.memory_space<hbm>> -> memref<1x33408xf32, #tpu.memory_space<hbm>>
      %dma_wait3A_312 = tpu.memref_squeeze %dma_wait3A_311 : memref<1x33408xf32, #tpu.memory_space<hbm>> -> memref<33408xf32, #tpu.memory_space<hbm>>
      %dma_wait3A_313 = arith.constant 0 : i32
      %dma_wait3A_314 = tpu.memref_slice %arg6[%dma_wait3A_313] : memref<33536xf32, #tpu.memory_space<vmem>> -> memref<33408xf32, #tpu.memory_space<vmem>>
      %dma_wait3A_315 = arith.constant 0 : i32
      %dma_wait3A_316 = tpu.memref_slice %arg3[%dma_wait3A_307, %dma_wait3A_315] : memref<832x100000xf32, #tpu.memory_space<hbm>> -> memref<1x33408xf32, #tpu.memory_space<hbm>>
      %dma_wait3A_317 = tpu.memref_squeeze %dma_wait3A_316 : memref<1x33408xf32, #tpu.memory_space<hbm>> -> memref<33408xf32, #tpu.memory_space<hbm>>
      tpu.wait_dma2 semaphore(%arg12 : memref<!tpu.dma_semaphore, #tpu.memory_space<semaphore_mem>>) src(%dma_wait3A_317 : memref<33408xf32, #tpu.memory_space<hbm>>) dst(%dma_wait3A_314 : memref<33408xf32, #tpu.memory_space<vmem>>)
      %dma_wait3A_318 = arith.constant 0 : i32
      %dma_wait3A_319 = arith.constant 0 : i32
      %dma_wait3A_320 = arith.constant 33408 : i32
      %dma_wait3A_321 = tpu.memref_slice %arg6[%dma_wait3A_320] : memref<33536xf32, #tpu.memory_space<vmem>> -> memref<128xf32, #tpu.memory_space<vmem>>
      %dma_wait3A_322 = arith.constant 0 : i32
      %dma_wait3A_323 = tpu.memref_slice %arg4[%dma_wait3A_318, %dma_wait3A_319, %dma_wait3A_322] : memref<26x32x128xf32, #tpu.memory_space<hbm>> -> memref<1x1x128xf32, #tpu.memory_space<hbm>>
      %dma_wait3A_324 = tpu.memref_squeeze %dma_wait3A_323 : memref<1x1x128xf32, #tpu.memory_space<hbm>> -> memref<128xf32, #tpu.memory_space<hbm>>
      %dma_wait3A_325 = arith.constant 33408 : i32
      %dma_wait3A_326 = tpu.memref_slice %arg6[%dma_wait3A_325] : memref<33536xf32, #tpu.memory_space<vmem>> -> memref<128xf32, #tpu.memory_space<vmem>>
      %dma_wait3A_327 = arith.constant 0 : i32
      %dma_wait3A_328 = tpu.memref_slice %arg4[%dma_wait3A_318, %dma_wait3A_319, %dma_wait3A_327] : memref<26x32x128xf32, #tpu.memory_space<hbm>> -> memref<1x1x128xf32, #tpu.memory_space<hbm>>
      %dma_wait3A_329 = tpu.memref_squeeze %dma_wait3A_328 : memref<1x1x128xf32, #tpu.memory_space<hbm>> -> memref<128xf32, #tpu.memory_space<hbm>>
      tpu.wait_dma2 semaphore(%arg12 : memref<!tpu.dma_semaphore, #tpu.memory_space<semaphore_mem>>) src(%dma_wait3A_329 : memref<128xf32, #tpu.memory_space<hbm>>) dst(%dma_wait3A_326 : memref<128xf32, #tpu.memory_space<vmem>>)
      %add3A_330 = arith.constant 1 : i32
      %add3A_331 = arith.addi %add3A_149, %add3A_330 : i32
      %lt3A_332 = arith.constant 26 : i32
      %lt3A_333 = arith.cmpi slt, %add3A_331, %lt3A_332 : i32
      %and3A_334 = arith.andi %eq3A_1, %lt3A_333 : i1
      %convert_element_type3A_335 = arith.extui %and3A_334 : i1 to i32
      %cond3A_336 = arith.constant 0 : i32
      %cond3A_337 = arith.cmpi ne, %convert_element_type3A_335, %cond3A_336 : i32
      scf.if %cond3A_337 {
        %dma_wait3A_1111 = arith.constant 0 : i32
        %dma_wait3A_1112 = arith.constant 0 : i32
        %dma_wait3A_1113 = arith.constant 0 : i32
        %dma_wait3A_1114 = arith.constant 0 : i32
        %dma_wait3A_1115 = tpu.memref_slice %arg11[%dma_wait3A_1112, %dma_wait3A_1113, %dma_wait3A_1114] : memref<2x8x2048xi32, #tpu.memory_space<vmem_shared>> -> memref<1x1x2048xi32, #tpu.memory_space<vmem_shared>>
        %dma_wait3A_1116 = tpu.memref_squeeze %dma_wait3A_1115 : memref<1x1x2048xi32, #tpu.memory_space<vmem_shared>> -> memref<2048xi32, #tpu.memory_space<vmem_shared>>
        %dma_wait3A_1117 = arith.constant 0 : i32
        %dma_wait3A_1118 = tpu.memref_slice %arg2[%dma_wait3A_1111, %dma_wait3A_1117] : memref<26x16384xi32, #tpu.memory_space<hbm>> -> memref<1x2048xi32, #tpu.memory_space<hbm>>
        %dma_wait3A_1119 = tpu.memref_squeeze %dma_wait3A_1118 : memref<1x2048xi32, #tpu.memory_space<hbm>> -> memref<2048xi32, #tpu.memory_space<hbm>>
        tpu.wait_dma2 semaphore(%arg15 : memref<!tpu.dma_semaphore, #tpu.memory_space<semaphore_mem>>) src(%dma_wait3A_1119 : memref<2048xi32, #tpu.memory_space<hbm>>) dst(%dma_wait3A_1116 : memref<2048xi32, #tpu.memory_space<vmem_shared>>)
        %dma_wait3A_1120 = arith.constant 0 : i32
        %dma_wait3A_1121 = arith.constant 0 : i32
        %dma_wait3A_1122 = arith.constant 0 : i32
        %dma_wait3A_1123 = arith.constant 0 : i32
        %dma_wait3A_1124 = tpu.memref_slice %arg11[%dma_wait3A_1121, %dma_wait3A_1122, %dma_wait3A_1123] : memref<2x8x2048xi32, #tpu.memory_space<vmem_shared>> -> memref<1x1x2048xi32, #tpu.memory_space<vmem_shared>>
        %dma_wait3A_1125 = tpu.memref_squeeze %dma_wait3A_1124 : memref<1x1x2048xi32, #tpu.memory_space<vmem_shared>> -> memref<2048xi32, #tpu.memory_space<vmem_shared>>
        %dma_wait3A_1126 = arith.constant 0 : i32
        %dma_wait3A_1127 = tpu.memref_slice %arg2[%dma_wait3A_1120, %dma_wait3A_1126] : memref<26x16384xi32, #tpu.memory_space<hbm>> -> memref<1x2048xi32, #tpu.memory_space<hbm>>
        %dma_wait3A_1128 = tpu.memref_squeeze %dma_wait3A_1127 : memref<1x2048xi32, #tpu.memory_space<hbm>> -> memref<2048xi32, #tpu.memory_space<hbm>>
        tpu.wait_dma2 semaphore(%arg15 : memref<!tpu.dma_semaphore, #tpu.memory_space<semaphore_mem>>) src(%dma_wait3A_1128 : memref<2048xi32, #tpu.memory_space<hbm>>) dst(%dma_wait3A_1125 : memref<2048xi32, #tpu.memory_space<vmem_shared>>)
        %dma_wait3A_1129 = arith.constant 0 : i32
        %dma_wait3A_1130 = arith.constant 0 : i32
        %dma_wait3A_1131 = arith.constant 0 : i32
        %dma_wait3A_1132 = arith.constant 0 : i32
        %dma_wait3A_1133 = tpu.memref_slice %arg11[%dma_wait3A_1130, %dma_wait3A_1131, %dma_wait3A_1132] : memref<2x8x2048xi32, #tpu.memory_space<vmem_shared>> -> memref<1x1x2048xi32, #tpu.memory_space<vmem_shared>>
        %dma_wait3A_1134 = tpu.memref_squeeze %dma_wait3A_1133 : memref<1x1x2048xi32, #tpu.memory_space<vmem_shared>> -> memref<2048xi32, #tpu.memory_space<vmem_shared>>
        %dma_wait3A_1135 = arith.constant 0 : i32
        %dma_wait3A_1136 = tpu.memref_slice %arg2[%dma_wait3A_1129, %dma_wait3A_1135] : memref<26x16384xi32, #tpu.memory_space<hbm>> -> memref<1x2048xi32, #tpu.memory_space<hbm>>
        %dma_wait3A_1137 = tpu.memref_squeeze %dma_wait3A_1136 : memref<1x2048xi32, #tpu.memory_space<hbm>> -> memref<2048xi32, #tpu.memory_space<hbm>>
        tpu.wait_dma2 semaphore(%arg15 : memref<!tpu.dma_semaphore, #tpu.memory_space<semaphore_mem>>) src(%dma_wait3A_1137 : memref<2048xi32, #tpu.memory_space<hbm>>) dst(%dma_wait3A_1134 : memref<2048xi32, #tpu.memory_space<vmem_shared>>)
        %dma_wait3A_1138 = arith.constant 0 : i32
        %dma_wait3A_1139 = arith.constant 0 : i32
        %dma_wait3A_1140 = arith.constant 0 : i32
        %dma_wait3A_1141 = arith.constant 0 : i32
        %dma_wait3A_1142 = tpu.memref_slice %arg11[%dma_wait3A_1139, %dma_wait3A_1140, %dma_wait3A_1141] : memref<2x8x2048xi32, #tpu.memory_space<vmem_shared>> -> memref<1x1x2048xi32, #tpu.memory_space<vmem_shared>>
        %dma_wait3A_1143 = tpu.memref_squeeze %dma_wait3A_1142 : memref<1x1x2048xi32, #tpu.memory_space<vmem_shared>> -> memref<2048xi32, #tpu.memory_space<vmem_shared>>
        %dma_wait3A_1144 = arith.constant 0 : i32
        %dma_wait3A_1145 = tpu.memref_slice %arg2[%dma_wait3A_1138, %dma_wait3A_1144] : memref<26x16384xi32, #tpu.memory_space<hbm>> -> memref<1x2048xi32, #tpu.memory_space<hbm>>
        %dma_wait3A_1146 = tpu.memref_squeeze %dma_wait3A_1145 : memref<1x2048xi32, #tpu.memory_space<hbm>> -> memref<2048xi32, #tpu.memory_space<hbm>>
        tpu.wait_dma2 semaphore(%arg15 : memref<!tpu.dma_semaphore, #tpu.memory_space<semaphore_mem>>) src(%dma_wait3A_1146 : memref<2048xi32, #tpu.memory_space<hbm>>) dst(%dma_wait3A_1143 : memref<2048xi32, #tpu.memory_space<vmem_shared>>)
        %dma_wait3A_1147 = arith.constant 0 : i32
        %dma_wait3A_1148 = arith.constant 0 : i32
        %dma_wait3A_1149 = arith.constant 0 : i32
        %dma_wait3A_1150 = arith.constant 0 : i32
        %dma_wait3A_1151 = tpu.memref_slice %arg11[%dma_wait3A_1148, %dma_wait3A_1149, %dma_wait3A_1150] : memref<2x8x2048xi32, #tpu.memory_space<vmem_shared>> -> memref<1x1x2048xi32, #tpu.memory_space<vmem_shared>>
        %dma_wait3A_1152 = tpu.memref_squeeze %dma_wait3A_1151 : memref<1x1x2048xi32, #tpu.memory_space<vmem_shared>> -> memref<2048xi32, #tpu.memory_space<vmem_shared>>
        %dma_wait3A_1153 = arith.constant 0 : i32
        %dma_wait3A_1154 = tpu.memref_slice %arg2[%dma_wait3A_1147, %dma_wait3A_1153] : memref<26x16384xi32, #tpu.memory_space<hbm>> -> memref<1x2048xi32, #tpu.memory_space<hbm>>
        %dma_wait3A_1155 = tpu.memref_squeeze %dma_wait3A_1154 : memref<1x2048xi32, #tpu.memory_space<hbm>> -> memref<2048xi32, #tpu.memory_space<hbm>>
        tpu.wait_dma2 semaphore(%arg15 : memref<!tpu.dma_semaphore, #tpu.memory_space<semaphore_mem>>) src(%dma_wait3A_1155 : memref<2048xi32, #tpu.memory_space<hbm>>) dst(%dma_wait3A_1152 : memref<2048xi32, #tpu.memory_space<vmem_shared>>)
        %dma_wait3A_1156 = arith.constant 0 : i32
        %dma_wait3A_1157 = arith.constant 0 : i32
        %dma_wait3A_1158 = arith.constant 0 : i32
        %dma_wait3A_1159 = arith.constant 0 : i32
        %dma_wait3A_1160 = tpu.memref_slice %arg11[%dma_wait3A_1157, %dma_wait3A_1158, %dma_wait3A_1159] : memref<2x8x2048xi32, #tpu.memory_space<vmem_shared>> -> memref<1x1x2048xi32, #tpu.memory_space<vmem_shared>>
        %dma_wait3A_1161 = tpu.memref_squeeze %dma_wait3A_1160 : memref<1x1x2048xi32, #tpu.memory_space<vmem_shared>> -> memref<2048xi32, #tpu.memory_space<vmem_shared>>
        %dma_wait3A_1162 = arith.constant 0 : i32
        %dma_wait3A_1163 = tpu.memref_slice %arg2[%dma_wait3A_1156, %dma_wait3A_1162] : memref<26x16384xi32, #tpu.memory_space<hbm>> -> memref<1x2048xi32, #tpu.memory_space<hbm>>
        %dma_wait3A_1164 = tpu.memref_squeeze %dma_wait3A_1163 : memref<1x2048xi32, #tpu.memory_space<hbm>> -> memref<2048xi32, #tpu.memory_space<hbm>>
        tpu.wait_dma2 semaphore(%arg15 : memref<!tpu.dma_semaphore, #tpu.memory_space<semaphore_mem>>) src(%dma_wait3A_1164 : memref<2048xi32, #tpu.memory_space<hbm>>) dst(%dma_wait3A_1161 : memref<2048xi32, #tpu.memory_space<vmem_shared>>)
        %dma_wait3A_1165 = arith.constant 0 : i32
        %dma_wait3A_1166 = arith.constant 0 : i32
        %dma_wait3A_1167 = arith.constant 0 : i32
        %dma_wait3A_1168 = arith.constant 0 : i32
        %dma_wait3A_1169 = tpu.memref_slice %arg11[%dma_wait3A_1166, %dma_wait3A_1167, %dma_wait3A_1168] : memref<2x8x2048xi32, #tpu.memory_space<vmem_shared>> -> memref<1x1x2048xi32, #tpu.memory_space<vmem_shared>>
        %dma_wait3A_1170 = tpu.memref_squeeze %dma_wait3A_1169 : memref<1x1x2048xi32, #tpu.memory_space<vmem_shared>> -> memref<2048xi32, #tpu.memory_space<vmem_shared>>
        %dma_wait3A_1171 = arith.constant 0 : i32
        %dma_wait3A_1172 = tpu.memref_slice %arg2[%dma_wait3A_1165, %dma_wait3A_1171] : memref<26x16384xi32, #tpu.memory_space<hbm>> -> memref<1x2048xi32, #tpu.memory_space<hbm>>
        %dma_wait3A_1173 = tpu.memref_squeeze %dma_wait3A_1172 : memref<1x2048xi32, #tpu.memory_space<hbm>> -> memref<2048xi32, #tpu.memory_space<hbm>>
        tpu.wait_dma2 semaphore(%arg15 : memref<!tpu.dma_semaphore, #tpu.memory_space<semaphore_mem>>) src(%dma_wait3A_1173 : memref<2048xi32, #tpu.memory_space<hbm>>) dst(%dma_wait3A_1170 : memref<2048xi32, #tpu.memory_space<vmem_shared>>)
        %dma_wait3A_1174 = arith.constant 0 : i32
        %dma_wait3A_1175 = arith.constant 0 : i32
        %dma_wait3A_1176 = arith.constant 0 : i32
        %dma_wait3A_1177 = arith.constant 0 : i32
        %dma_wait3A_1178 = tpu.memref_slice %arg11[%dma_wait3A_1175, %dma_wait3A_1176, %dma_wait3A_1177] : memref<2x8x2048xi32, #tpu.memory_space<vmem_shared>> -> memref<1x1x2048xi32, #tpu.memory_space<vmem_shared>>
        %dma_wait3A_1179 = tpu.memref_squeeze %dma_wait3A_1178 : memref<1x1x2048xi32, #tpu.memory_space<vmem_shared>> -> memref<2048xi32, #tpu.memory_space<vmem_shared>>
        %dma_wait3A_1180 = arith.constant 0 : i32
        %dma_wait3A_1181 = tpu.memref_slice %arg2[%dma_wait3A_1174, %dma_wait3A_1180] : memref<26x16384xi32, #tpu.memory_space<hbm>> -> memref<1x2048xi32, #tpu.memory_space<hbm>>
        %dma_wait3A_1182 = tpu.memref_squeeze %dma_wait3A_1181 : memref<1x2048xi32, #tpu.memory_space<hbm>> -> memref<2048xi32, #tpu.memory_space<hbm>>
        tpu.wait_dma2 semaphore(%arg15 : memref<!tpu.dma_semaphore, #tpu.memory_space<semaphore_mem>>) src(%dma_wait3A_1182 : memref<2048xi32, #tpu.memory_space<hbm>>) dst(%dma_wait3A_1179 : memref<2048xi32, #tpu.memory_space<vmem_shared>>)
      } else {
      }
      %barrier3A = arith.constant 0 : index
      tpu.barrier barrier_id(%barrier3A)
      %mul3A_338 = arith.constant 32 : i32
      %mul3A_339 = arith.muli %add3A_149, %mul3A_338 : i32
      %add3A_340 = arith.addi %mul3A_339, %add3A : i32
      %ge3A = arith.constant 1 : i32
      %ge3A_341 = arith.cmpi sge, %add3A_149, %ge3A : i32
      %convert_element_type3A_342 = arith.extui %ge3A_341 : i1 to i32
      %cond3A_343 = arith.constant 0 : i32
      %cond3A_344 = arith.cmpi ne, %convert_element_type3A_342, %cond3A_343 : i32
      scf.if %cond3A_344 {
        %dma_wait3A_1111 = arith.constant 0 : i32
        %dma_wait3A_1112 = arith.constant 0 : i32
        %dma_wait3A_1113 = arith.constant 0 : i32
        %dma_wait3A_1114 = tpu.memref_slice %arg10[%dma_wait3A_1111, %dma_wait3A_1113] : memref<2x2048xf32, #tpu.memory_space<vmem>> -> memref<1x2048xf32, #tpu.memory_space<vmem>>
        %dma_wait3A_1115 = tpu.memref_squeeze %dma_wait3A_1114 : memref<1x2048xf32, #tpu.memory_space<vmem>> -> memref<2048xf32, #tpu.memory_space<vmem>>
        %dma_wait3A_1116 = arith.constant 0 : i32
        %dma_wait3A_1117 = tpu.memref_slice %arg5[%dma_wait3A_1112, %dma_wait3A_1116] : memref<832x16384xf32, #tpu.memory_space<hbm>> -> memref<1x2048xf32, #tpu.memory_space<hbm>>
        %dma_wait3A_1118 = tpu.memref_squeeze %dma_wait3A_1117 : memref<1x2048xf32, #tpu.memory_space<hbm>> -> memref<2048xf32, #tpu.memory_space<hbm>>
        %dma_wait3A_1119 = arith.constant 0 : i32
        %dma_wait3A_1120 = tpu.memref_slice %arg5[%dma_wait3A_1112, %dma_wait3A_1119] : memref<832x16384xf32, #tpu.memory_space<hbm>> -> memref<1x2048xf32, #tpu.memory_space<hbm>>
        %dma_wait3A_1121 = tpu.memref_squeeze %dma_wait3A_1120 : memref<1x2048xf32, #tpu.memory_space<hbm>> -> memref<2048xf32, #tpu.memory_space<hbm>>
        %dma_wait3A_1122 = arith.constant 0 : i32
        %dma_wait3A_1123 = tpu.memref_slice %arg10[%dma_wait3A_1111, %dma_wait3A_1122] : memref<2x2048xf32, #tpu.memory_space<vmem>> -> memref<1x2048xf32, #tpu.memory_space<vmem>>
        %dma_wait3A_1124 = tpu.memref_squeeze %dma_wait3A_1123 : memref<1x2048xf32, #tpu.memory_space<vmem>> -> memref<2048xf32, #tpu.memory_space<vmem>>
        tpu.wait_dma2 semaphore(%arg14 : memref<!tpu.dma_semaphore, #tpu.memory_space<semaphore_mem>>) src(%dma_wait3A_1124 : memref<2048xf32, #tpu.memory_space<vmem>>) dst(%dma_wait3A_1121 : memref<2048xf32, #tpu.memory_space<hbm>>)
      } else {
      }
      %parallel_loop3A_345 = arith.constant 0 : i32
      %parallel_loop3A_346 = arith.constant 128 : i32
      %parallel_loop3A_347 = arith.constant 1 : i32
      scf.for %parallel_loop3A_1111 = %parallel_loop3A_345 to %parallel_loop3A_346 step %parallel_loop3A_347  : i32 {
        %parallel_loop3A_1112 = arith.constant 16 : i32
        %parallel_loop3A_1113 = arith.muli %parallel_loop3A_1111, %parallel_loop3A_1112 : i32
        %parallel_loop3A_1114 = arith.index_cast %parallel_loop3A_1113 : i32 to index
        %parallel_loop3A_1115 = tpu.vector_load %arg8[%parallel_loop3A_1114] {strides = array<i32>} : memref<16384xi32, #tpu.memory_space<vmem>>, vector<16xi32>,
        %parallel_loop3A_1116 = arith.constant 66560 : i32
        %parallel_loop3A_1117 = vector.broadcast %parallel_loop3A_1116 : i32 to vector<16xi32>
        %parallel_loop3A_1118 = arith.subi %parallel_loop3A_1115, %parallel_loop3A_1117 : vector<16xi32>
        %parallel_loop3A_1119 = vector.bitcast %parallel_loop3A_1118 : vector<16xi32> to vector<16xi32>
        %parallel_loop3A_1120 = arith.constant 33440 : i32
        %parallel_loop3A_1121 = vector.broadcast %parallel_loop3A_1120 : i32 to vector<16xi32>
        %parallel_loop3A_1122 = arith.cmpi ult, %parallel_loop3A_1119, %parallel_loop3A_1121 : vector<16xi32>
        %parallel_loop3A_1123 = tpu.vector_load_idx %arg6[%parallel_loop3A_1118] masked %parallel_loop3A_1122 : memref<33536xf32, #tpu.memory_space<vmem>>[vector<16xi32>], vector<16xf32>, vector<16xi1>
        %parallel_loop3A_1124 = arith.constant 0.000000e+00 : f32
        %parallel_loop3A_1125 = vector.broadcast %parallel_loop3A_1124 : f32 to vector<16xf32>
        %parallel_loop3A_1126 = arith.select %parallel_loop3A_1122, %parallel_loop3A_1123, %parallel_loop3A_1125 : vector<16xi1>, vector<16xf32>
        %parallel_loop3A_1127 = arith.constant 16 : i32
        %parallel_loop3A_1128 = arith.muli %parallel_loop3A_1111, %parallel_loop3A_1127 : i32
        %parallel_loop3A_1129 = arith.constant 0 : i32
        %parallel_loop3A_1130 = arith.subi %parallel_loop3A_1128, %parallel_loop3A_1129 : i32
        %parallel_loop3A_1131 = arith.index_cast %parallel_loop3A_1113 : i32 to index
        %parallel_loop3A_1132 = tpu.vector_load %arg9[%parallel_loop3A_1131] {strides = array<i32>} : memref<16384xf32, #tpu.memory_space<vmem>>, vector<16xf32>,
        %parallel_loop3A_1133 = arith.addf %parallel_loop3A_1132, %parallel_loop3A_1126 : vector<16xf32>
        %parallel_loop3A_1134 = arith.constant 0 : i32
        %parallel_loop3A_1135 = arith.index_cast %parallel_loop3A_1134 : i32 to index
        %parallel_loop3A_1136 = arith.index_cast %parallel_loop3A_1130 : i32 to index
        %parallel_loop3A_1137 = tpu.vector_load %arg10[%parallel_loop3A_1135, %parallel_loop3A_1136] {strides = array<i32>} : memref<2x2048xf32, #tpu.memory_space<vmem>>, vector<16xf32>,
        tpu.vector_store %arg10[%parallel_loop3A_1135, %parallel_loop3A_1136], %parallel_loop3A_1133 {strides = array<i32>} : memref<2x2048xf32, #tpu.memory_space<vmem>>, vector<16xf32>,
      } {sc.loop_unroll_factor = 8 : i64, sc.parallel_access}
      %dma_start3A_348 = arith.constant 0 : i32
      %dma_start3A_349 = arith.constant 0 : i32
      %dma_start3A_350 = tpu.memref_slice %arg10[%dma_start3A_348, %dma_start3A_349] : memref<2x2048xf32, #tpu.memory_space<vmem>> -> memref<1x2048xf32, #tpu.memory_space<vmem>>
      %dma_start3A_351 = tpu.memref_squeeze %dma_start3A_350 : memref<1x2048xf32, #tpu.memory_space<vmem>> -> memref<2048xf32, #tpu.memory_space<vmem>>
      %dma_start3A_352 = arith.constant 0 : i32
      %dma_start3A_353 = tpu.memref_slice %arg5[%add3A_340, %dma_start3A_352] : memref<832x16384xf32, #tpu.memory_space<hbm>> -> memref<1x2048xf32, #tpu.memory_space<hbm>>
      %dma_start3A_354 = tpu.memref_squeeze %dma_start3A_353 : memref<1x2048xf32, #tpu.memory_space<hbm>> -> memref<2048xf32, #tpu.memory_space<hbm>>
      %dma_start3A_355 = arith.constant 0 : i32
      %dma_start3A_356 = tpu.memref_slice %arg5[%add3A_340, %dma_start3A_355] : memref<832x16384xf32, #tpu.memory_space<hbm>> -> memref<1x2048xf32, #tpu.memory_space<hbm>>
      %dma_start3A_357 = tpu.memref_squeeze %dma_start3A_356 : memref<1x2048xf32, #tpu.memory_space<hbm>> -> memref<2048xf32, #tpu.memory_space<hbm>>
      %dma_start3A_358 = arith.constant 0 : i32
      %dma_start3A_359 = tpu.memref_slice %arg10[%dma_start3A_348, %dma_start3A_358] : memref<2x2048xf32, #tpu.memory_space<vmem>> -> memref<1x2048xf32, #tpu.memory_space<vmem>>
      %dma_start3A_360 = tpu.memref_squeeze %dma_start3A_359 : memref<1x2048xf32, #tpu.memory_space<vmem>> -> memref<2048xf32, #tpu.memory_space<vmem>>
      tpu.enqueue_dma source(%dma_start3A_360 : memref<2048xf32, #tpu.memory_space<vmem>>) target(%dma_start3A_357 : memref<2048xf32, #tpu.memory_space<hbm>>) target_semaphore(%arg14 : memref<!tpu.dma_semaphore, #tpu.memory_space<semaphore_mem>>)
      %add3A_361 = arith.constant 1 : i32
      %add3A_362 = arith.addi %add3A_149, %add3A_361 : i32
      %lt3A_363 = arith.constant 26 : i32
      %lt3A_364 = arith.cmpi slt, %add3A_362, %lt3A_363 : i32
      %convert_element_type3A_365 = arith.extui %lt3A_364 : i1 to i32
      %cond3A_366 = arith.constant 0 : i32
      %cond3A_367 = arith.cmpi ne, %convert_element_type3A_365, %cond3A_366 : i32
      scf.if %cond3A_367 {
        %dma_start3A_1111 = arith.constant 1 : i32
        %dma_start3A_1112 = arith.constant 0 : i32
        %dma_start3A_1113 = arith.constant 0 : i32
        %dma_start3A_1114 = tpu.memref_slice %arg8[%dma_start3A_1113] : memref<16384xi32, #tpu.memory_space<vmem>> -> memref<2048xi32, #tpu.memory_space<vmem>>
        %dma_start3A_1115 = arith.constant 0 : i32
        %dma_start3A_1116 = tpu.memref_slice %arg11[%dma_start3A_1111, %dma_start3A_1112, %dma_start3A_1115] : memref<2x8x2048xi32, #tpu.memory_space<vmem_shared>> -> memref<1x1x2048xi32, #tpu.memory_space<vmem_shared>>
        %dma_start3A_1117 = tpu.memref_squeeze %dma_start3A_1116 : memref<1x1x2048xi32, #tpu.memory_space<vmem_shared>> -> memref<2048xi32, #tpu.memory_space<vmem_shared>>
        %dma_start3A_1118 = arith.constant 0 : i32
        %dma_start3A_1119 = tpu.memref_slice %arg8[%dma_start3A_1118] : memref<16384xi32, #tpu.memory_space<vmem>> -> memref<2048xi32, #tpu.memory_space<vmem>>
        %dma_start3A_1120 = arith.constant 0 : i32
        %dma_start3A_1121 = tpu.memref_slice %arg11[%dma_start3A_1111, %dma_start3A_1112, %dma_start3A_1120] : memref<2x8x2048xi32, #tpu.memory_space<vmem_shared>> -> memref<1x1x2048xi32, #tpu.memory_space<vmem_shared>>
        %dma_start3A_1122 = tpu.memref_squeeze %dma_start3A_1121 : memref<1x1x2048xi32, #tpu.memory_space<vmem_shared>> -> memref<2048xi32, #tpu.memory_space<vmem_shared>>
        tpu.enqueue_dma source(%dma_start3A_1122 : memref<2048xi32, #tpu.memory_space<vmem_shared>>) target(%dma_start3A_1119 : memref<2048xi32, #tpu.memory_space<vmem>>) target_semaphore(%arg13 : memref<!tpu.dma_semaphore, #tpu.memory_space<semaphore_mem>>)
      } else {
      }
      %ge3A_368 = arith.constant 1 : i32
      %ge3A_369 = arith.cmpi sge, %add3A_149, %ge3A_368 : i32
      %convert_element_type3A_370 = arith.extui %ge3A_369 : i1 to i32
      %cond3A_371 = arith.constant 0 : i32
      %cond3A_372 = arith.cmpi ne, %convert_element_type3A_370, %cond3A_371 : i32
      scf.if %cond3A_372 {
        %dma_wait3A_1111 = arith.constant 0 : i32
        %dma_wait3A_1112 = arith.constant 0 : i32
        %dma_wait3A_1113 = arith.constant 0 : i32
        %dma_wait3A_1114 = tpu.memref_slice %arg10[%dma_wait3A_1111, %dma_wait3A_1113] : memref<2x2048xf32, #tpu.memory_space<vmem>> -> memref<1x2048xf32, #tpu.memory_space<vmem>>
        %dma_wait3A_1115 = tpu.memref_squeeze %dma_wait3A_1114 : memref<1x2048xf32, #tpu.memory_space<vmem>> -> memref<2048xf32, #tpu.memory_space<vmem>>
        %dma_wait3A_1116 = arith.constant 0 : i32
        %dma_wait3A_1117 = tpu.memref_slice %arg5[%dma_wait3A_1112, %dma_wait3A_1116] : memref<832x16384xf32, #tpu.memory_space<hbm>> -> memref<1x2048xf32, #tpu.memory_space<hbm>>
        %dma_wait3A_1118 = tpu.memref_squeeze %dma_wait3A_1117 : memref<1x2048xf32, #tpu.memory_space<hbm>> -> memref<2048xf32, #tpu.memory_space<hbm>>
        %dma_wait3A_1119 = arith.constant 0 : i32
        %dma_wait3A_1120 = tpu.memref_slice %arg5[%dma_wait3A_1112, %dma_wait3A_1119] : memref<832x16384xf32, #tpu.memory_space<hbm>> -> memref<1x2048xf32, #tpu.memory_space<hbm>>
        %dma_wait3A_1121 = tpu.memref_squeeze %dma_wait3A_1120 : memref<1x2048xf32, #tpu.memory_space<hbm>> -> memref<2048xf32, #tpu.memory_space<hbm>>
        %dma_wait3A_1122 = arith.constant 0 : i32
        %dma_wait3A_1123 = tpu.memref_slice %arg10[%dma_wait3A_1111, %dma_wait3A_1122] : memref<2x2048xf32, #tpu.memory_space<vmem>> -> memref<1x2048xf32, #tpu.memory_space<vmem>>
        %dma_wait3A_1124 = tpu.memref_squeeze %dma_wait3A_1123 : memref<1x2048xf32, #tpu.memory_space<vmem>> -> memref<2048xf32, #tpu.memory_space<vmem>>
        tpu.wait_dma2 semaphore(%arg14 : memref<!tpu.dma_semaphore, #tpu.memory_space<semaphore_mem>>) src(%dma_wait3A_1124 : memref<2048xf32, #tpu.memory_space<vmem>>) dst(%dma_wait3A_1121 : memref<2048xf32, #tpu.memory_space<hbm>>)
      } else {
      }
      %parallel_loop3A_373 = arith.constant 128 : i32
      %parallel_loop3A_374 = arith.constant 256 : i32
      %parallel_loop3A_375 = arith.constant 1 : i32
      scf.for %parallel_loop3A_1111 = %parallel_loop3A_373 to %parallel_loop3A_374 step %parallel_loop3A_375  : i32 {
        %parallel_loop3A_1112 = arith.constant 16 : i32
        %parallel_loop3A_1113 = arith.muli %parallel_loop3A_1111, %parallel_loop3A_1112 : i32
        %parallel_loop3A_1114 = arith.index_cast %parallel_loop3A_1113 : i32 to index
        %parallel_loop3A_1115 = tpu.vector_load %arg8[%parallel_loop3A_1114] {strides = array<i32>} : memref<16384xi32, #tpu.memory_space<vmem>>, vector<16xi32>,
        %parallel_loop3A_1116 = arith.constant 66560 : i32
        %parallel_loop3A_1117 = vector.broadcast %parallel_loop3A_1116 : i32 to vector<16xi32>
        %parallel_loop3A_1118 = arith.subi %parallel_loop3A_1115, %parallel_loop3A_1117 : vector<16xi32>
        %parallel_loop3A_1119 = vector.bitcast %parallel_loop3A_1118 : vector<16xi32> to vector<16xi32>
        %parallel_loop3A_1120 = arith.constant 33440 : i32
        %parallel_loop3A_1121 = vector.broadcast %parallel_loop3A_1120 : i32 to vector<16xi32>
        %parallel_loop3A_1122 = arith.cmpi ult, %parallel_loop3A_1119, %parallel_loop3A_1121 : vector<16xi32>
        %parallel_loop3A_1123 = tpu.vector_load_idx %arg6[%parallel_loop3A_1118] masked %parallel_loop3A_1122 : memref<33536xf32, #tpu.memory_space<vmem>>[vector<16xi32>], vector<16xf32>, vector<16xi1>
        %parallel_loop3A_1124 = arith.constant 0.000000e+00 : f32
        %parallel_loop3A_1125 = vector.broadcast %parallel_loop3A_1124 : f32 to vector<16xf32>
        %parallel_loop3A_1126 = arith.select %parallel_loop3A_1122, %parallel_loop3A_1123, %parallel_loop3A_1125 : vector<16xi1>, vector<16xf32>
        %parallel_loop3A_1127 = arith.constant 16 : i32
        %parallel_loop3A_1128 = arith.muli %parallel_loop3A_1111, %parallel_loop3A_1127 : i32
        %parallel_loop3A_1129 = arith.constant 2048 : i32
        %parallel_loop3A_1130 = arith.subi %parallel_loop3A_1128, %parallel_loop3A_1129 : i32
        %parallel_loop3A_1131 = arith.index_cast %parallel_loop3A_1113 : i32 to index
        %parallel_loop3A_1132 = tpu.vector_load %arg9[%parallel_loop3A_1131] {strides = array<i32>} : memref<16384xf32, #tpu.memory_space<vmem>>, vector<16xf32>,
        %parallel_loop3A_1133 = arith.addf %parallel_loop3A_1132, %parallel_loop3A_1126 : vector<16xf32>
        %parallel_loop3A_1134 = arith.constant 1 : i32
        %parallel_loop3A_1135 = arith.index_cast %parallel_loop3A_1134 : i32 to index
        %parallel_loop3A_1136 = arith.index_cast %parallel_loop3A_1130 : i32 to index
        %parallel_loop3A_1137 = tpu.vector_load %arg10[%parallel_loop3A_1135, %parallel_loop3A_1136] {strides = array<i32>} : memref<2x2048xf32, #tpu.memory_space<vmem>>, vector<16xf32>,
        tpu.vector_store %arg10[%parallel_loop3A_1135, %parallel_loop3A_1136], %parallel_loop3A_1133 {strides = array<i32>} : memref<2x2048xf32, #tpu.memory_space<vmem>>, vector<16xf32>,
      } {sc.loop_unroll_factor = 8 : i64, sc.parallel_access}
      %dma_start3A_376 = arith.constant 1 : i32
      %dma_start3A_377 = arith.constant 0 : i32
      %dma_start3A_378 = tpu.memref_slice %arg10[%dma_start3A_376, %dma_start3A_377] : memref<2x2048xf32, #tpu.memory_space<vmem>> -> memref<1x2048xf32, #tpu.memory_space<vmem>>
      %dma_start3A_379 = tpu.memref_squeeze %dma_start3A_378 : memref<1x2048xf32, #tpu.memory_space<vmem>> -> memref<2048xf32, #tpu.memory_space<vmem>>
      %dma_start3A_380 = arith.constant 2048 : i32
      %dma_start3A_381 = tpu.memref_slice %arg5[%add3A_340, %dma_start3A_380] : memref<832x16384xf32, #tpu.memory_space<hbm>> -> memref<1x2048xf32, #tpu.memory_space<hbm>>
      %dma_start3A_382 = tpu.memref_squeeze %dma_start3A_381 : memref<1x2048xf32, #tpu.memory_space<hbm>> -> memref<2048xf32, #tpu.memory_space<hbm>>
      %dma_start3A_383 = arith.constant 2048 : i32
      %dma_start3A_384 = tpu.memref_slice %arg5[%add3A_340, %dma_start3A_383] : memref<832x16384xf32, #tpu.memory_space<hbm>> -> memref<1x2048xf32, #tpu.memory_space<hbm>>
      %dma_start3A_385 = tpu.memref_squeeze %dma_start3A_384 : memref<1x2048xf32, #tpu.memory_space<hbm>> -> memref<2048xf32, #tpu.memory_space<hbm>>
      %dma_start3A_386 = arith.constant 0 : i32
      %dma_start3A_387 = tpu.memref_slice %arg10[%dma_start3A_376, %dma_start3A_386] : memref<2x2048xf32, #tpu.memory_space<vmem>> -> memref<1x2048xf32, #tpu.memory_space<vmem>>
      %dma_start3A_388 = tpu.memref_squeeze %dma_start3A_387 : memref<1x2048xf32, #tpu.memory_space<vmem>> -> memref<2048xf32, #tpu.memory_space<vmem>>
      tpu.enqueue_dma source(%dma_start3A_388 : memref<2048xf32, #tpu.memory_space<vmem>>) target(%dma_start3A_385 : memref<2048xf32, #tpu.memory_space<hbm>>) target_semaphore(%arg14 : memref<!tpu.dma_semaphore, #tpu.memory_space<semaphore_mem>>)
      %add3A_389 = arith.constant 1 : i32
      %add3A_390 = arith.addi %add3A_149, %add3A_389 : i32
      %lt3A_391 = arith.constant 26 : i32
      %lt3A_392 = arith.cmpi slt, %add3A_390, %lt3A_391 : i32
      %convert_element_type3A_393 = arith.extui %lt3A_392 : i1 to i32
      %cond3A_394 = arith.constant 0 : i32
      %cond3A_395 = arith.cmpi ne, %convert_element_type3A_393, %cond3A_394 : i32
      scf.if %cond3A_395 {
        %dma_start3A_1111 = arith.constant 1 : i32
        %dma_start3A_1112 = arith.constant 1 : i32
        %dma_start3A_1113 = arith.constant 2048 : i32
        %dma_start3A_1114 = tpu.memref_slice %arg8[%dma_start3A_1113] : memref<16384xi32, #tpu.memory_space<vmem>> -> memref<2048xi32, #tpu.memory_space<vmem>>
        %dma_start3A_1115 = arith.constant 0 : i32
        %dma_start3A_1116 = tpu.memref_slice %arg11[%dma_start3A_1111, %dma_start3A_1112, %dma_start3A_1115] : memref<2x8x2048xi32, #tpu.memory_space<vmem_shared>> -> memref<1x1x2048xi32, #tpu.memory_space<vmem_shared>>
        %dma_start3A_1117 = tpu.memref_squeeze %dma_start3A_1116 : memref<1x1x2048xi32, #tpu.memory_space<vmem_shared>> -> memref<2048xi32, #tpu.memory_space<vmem_shared>>
        %dma_start3A_1118 = arith.constant 2048 : i32
        %dma_start3A_1119 = tpu.memref_slice %arg8[%dma_start3A_1118] : memref<16384xi32, #tpu.memory_space<vmem>> -> memref<2048xi32, #tpu.memory_space<vmem>>
        %dma_start3A_1120 = arith.constant 0 : i32
        %dma_start3A_1121 = tpu.memref_slice %arg11[%dma_start3A_1111, %dma_start3A_1112, %dma_start3A_1120] : memref<2x8x2048xi32, #tpu.memory_space<vmem_shared>> -> memref<1x1x2048xi32, #tpu.memory_space<vmem_shared>>
        %dma_start3A_1122 = tpu.memref_squeeze %dma_start3A_1121 : memref<1x1x2048xi32, #tpu.memory_space<vmem_shared>> -> memref<2048xi32, #tpu.memory_space<vmem_shared>>
        tpu.enqueue_dma source(%dma_start3A_1122 : memref<2048xi32, #tpu.memory_space<vmem_shared>>) target(%dma_start3A_1119 : memref<2048xi32, #tpu.memory_space<vmem>>) target_semaphore(%arg13 : memref<!tpu.dma_semaphore, #tpu.memory_space<semaphore_mem>>)
      } else {
      }
      %dma_wait3A_396 = arith.constant 0 : i32
      %dma_wait3A_397 = arith.constant 0 : i32
      %dma_wait3A_398 = arith.constant 0 : i32
      %dma_wait3A_399 = tpu.memref_slice %arg10[%dma_wait3A_396, %dma_wait3A_398] : memref<2x2048xf32, #tpu.memory_space<vmem>> -> memref<1x2048xf32, #tpu.memory_space<vmem>>
      %dma_wait3A_400 = tpu.memref_squeeze %dma_wait3A_399 : memref<1x2048xf32, #tpu.memory_space<vmem>> -> memref<2048xf32, #tpu.memory_space<vmem>>
      %dma_wait3A_401 = arith.constant 0 : i32
      %dma_wait3A_402 = tpu.memref_slice %arg5[%dma_wait3A_397, %dma_wait3A_401] : memref<832x16384xf32, #tpu.memory_space<hbm>> -> memref<1x2048xf32, #tpu.memory_space<hbm>>
      %dma_wait3A_403 = tpu.memref_squeeze %dma_wait3A_402 : memref<1x2048xf32, #tpu.memory_space<hbm>> -> memref<2048xf32, #tpu.memory_space<hbm>>
      %dma_wait3A_404 = arith.constant 0 : i32
      %dma_wait3A_405 = tpu.memref_slice %arg5[%dma_wait3A_397, %dma_wait3A_404] : memref<832x16384xf32, #tpu.memory_space<hbm>> -> memref<1x2048xf32, #tpu.memory_space<hbm>>
      %dma_wait3A_406 = tpu.memref_squeeze %dma_wait3A_405 : memref<1x2048xf32, #tpu.memory_space<hbm>> -> memref<2048xf32, #tpu.memory_space<hbm>>
      %dma_wait3A_407 = arith.constant 0 : i32
      %dma_wait3A_408 = tpu.memref_slice %arg10[%dma_wait3A_396, %dma_wait3A_407] : memref<2x2048xf32, #tpu.memory_space<vmem>> -> memref<1x2048xf32, #tpu.memory_space<vmem>>
      %dma_wait3A_409 = tpu.memref_squeeze %dma_wait3A_408 : memref<1x2048xf32, #tpu.memory_space<vmem>> -> memref<2048xf32, #tpu.memory_space<vmem>>
      tpu.wait_dma2 semaphore(%arg14 : memref<!tpu.dma_semaphore, #tpu.memory_space<semaphore_mem>>) src(%dma_wait3A_409 : memref<2048xf32, #tpu.memory_space<vmem>>) dst(%dma_wait3A_406 : memref<2048xf32, #tpu.memory_space<hbm>>)
      %parallel_loop3A_410 = arith.constant 256 : i32
      %parallel_loop3A_411 = arith.constant 384 : i32
      %parallel_loop3A_412 = arith.constant 1 : i32
      scf.for %parallel_loop3A_1111 = %parallel_loop3A_410 to %parallel_loop3A_411 step %parallel_loop3A_412  : i32 {
        %parallel_loop3A_1112 = arith.constant 16 : i32
        %parallel_loop3A_1113 = arith.muli %parallel_loop3A_1111, %parallel_loop3A_1112 : i32
        %parallel_loop3A_1114 = arith.index_cast %parallel_loop3A_1113 : i32 to index
        %parallel_loop3A_1115 = tpu.vector_load %arg8[%parallel_loop3A_1114] {strides = array<i32>} : memref<16384xi32, #tpu.memory_space<vmem>>, vector<16xi32>,
        %parallel_loop3A_1116 = arith.constant 66560 : i32
        %parallel_loop3A_1117 = vector.broadcast %parallel_loop3A_1116 : i32 to vector<16xi32>
        %parallel_loop3A_1118 = arith.subi %parallel_loop3A_1115, %parallel_loop3A_1117 : vector<16xi32>
        %parallel_loop3A_1119 = vector.bitcast %parallel_loop3A_1118 : vector<16xi32> to vector<16xi32>
        %parallel_loop3A_1120 = arith.constant 33440 : i32
        %parallel_loop3A_1121 = vector.broadcast %parallel_loop3A_1120 : i32 to vector<16xi32>
        %parallel_loop3A_1122 = arith.cmpi ult, %parallel_loop3A_1119, %parallel_loop3A_1121 : vector<16xi32>
        %parallel_loop3A_1123 = tpu.vector_load_idx %arg6[%parallel_loop3A_1118] masked %parallel_loop3A_1122 : memref<33536xf32, #tpu.memory_space<vmem>>[vector<16xi32>], vector<16xf32>, vector<16xi1>
        %parallel_loop3A_1124 = arith.constant 0.000000e+00 : f32
        %parallel_loop3A_1125 = vector.broadcast %parallel_loop3A_1124 : f32 to vector<16xf32>
        %parallel_loop3A_1126 = arith.select %parallel_loop3A_1122, %parallel_loop3A_1123, %parallel_loop3A_1125 : vector<16xi1>, vector<16xf32>
        %parallel_loop3A_1127 = arith.constant 16 : i32
        %parallel_loop3A_1128 = arith.muli %parallel_loop3A_1111, %parallel_loop3A_1127 : i32
        %parallel_loop3A_1129 = arith.constant 4096 : i32
        %parallel_loop3A_1130 = arith.subi %parallel_loop3A_1128, %parallel_loop3A_1129 : i32
        %parallel_loop3A_1131 = arith.index_cast %parallel_loop3A_1113 : i32 to index
        %parallel_loop3A_1132 = tpu.vector_load %arg9[%parallel_loop3A_1131] {strides = array<i32>} : memref<16384xf32, #tpu.memory_space<vmem>>, vector<16xf32>,
        %parallel_loop3A_1133 = arith.addf %parallel_loop3A_1132, %parallel_loop3A_1126 : vector<16xf32>
        %parallel_loop3A_1134 = arith.constant 0 : i32
        %parallel_loop3A_1135 = arith.index_cast %parallel_loop3A_1134 : i32 to index
        %parallel_loop3A_1136 = arith.index_cast %parallel_loop3A_1130 : i32 to index
        %parallel_loop3A_1137 = tpu.vector_load %arg10[%parallel_loop3A_1135, %parallel_loop3A_1136] {strides = array<i32>} : memref<2x2048xf32, #tpu.memory_space<vmem>>, vector<16xf32>,
        tpu.vector_store %arg10[%parallel_loop3A_1135, %parallel_loop3A_1136], %parallel_loop3A_1133 {strides = array<i32>} : memref<2x2048xf32, #tpu.memory_space<vmem>>, vector<16xf32>,
      } {sc.loop_unroll_factor = 8 : i64, sc.parallel_access}
      %dma_start3A_413 = arith.constant 0 : i32
      %dma_start3A_414 = arith.constant 0 : i32
      %dma_start3A_415 = tpu.memref_slice %arg10[%dma_start3A_413, %dma_start3A_414] : memref<2x2048xf32, #tpu.memory_space<vmem>> -> memref<1x2048xf32, #tpu.memory_space<vmem>>
      %dma_start3A_416 = tpu.memref_squeeze %dma_start3A_415 : memref<1x2048xf32, #tpu.memory_space<vmem>> -> memref<2048xf32, #tpu.memory_space<vmem>>
      %dma_start3A_417 = arith.constant 4096 : i32
      %dma_start3A_418 = tpu.memref_slice %arg5[%add3A_340, %dma_start3A_417] : memref<832x16384xf32, #tpu.memory_space<hbm>> -> memref<1x2048xf32, #tpu.memory_space<hbm>>
      %dma_start3A_419 = tpu.memref_squeeze %dma_start3A_418 : memref<1x2048xf32, #tpu.memory_space<hbm>> -> memref<2048xf32, #tpu.memory_space<hbm>>
      %dma_start3A_420 = arith.constant 4096 : i32
      %dma_start3A_421 = tpu.memref_slice %arg5[%add3A_340, %dma_start3A_420] : memref<832x16384xf32, #tpu.memory_space<hbm>> -> memref<1x2048xf32, #tpu.memory_space<hbm>>
      %dma_start3A_422 = tpu.memref_squeeze %dma_start3A_421 : memref<1x2048xf32, #tpu.memory_space<hbm>> -> memref<2048xf32, #tpu.memory_space<hbm>>
      %dma_start3A_423 = arith.constant 0 : i32
      %dma_start3A_424 = tpu.memref_slice %arg10[%dma_start3A_413, %dma_start3A_423] : memref<2x2048xf32, #tpu.memory_space<vmem>> -> memref<1x2048xf32, #tpu.memory_space<vmem>>
      %dma_start3A_425 = tpu.memref_squeeze %dma_start3A_424 : memref<1x2048xf32, #tpu.memory_space<vmem>> -> memref<2048xf32, #tpu.memory_space<vmem>>
      tpu.enqueue_dma source(%dma_start3A_425 : memref<2048xf32, #tpu.memory_space<vmem>>) target(%dma_start3A_422 : memref<2048xf32, #tpu.memory_space<hbm>>) target_semaphore(%arg14 : memref<!tpu.dma_semaphore, #tpu.memory_space<semaphore_mem>>)
      %add3A_426 = arith.constant 1 : i32
      %add3A_427 = arith.addi %add3A_149, %add3A_426 : i32
      %lt3A_428 = arith.constant 26 : i32
      %lt3A_429 = arith.cmpi slt, %add3A_427, %lt3A_428 : i32
      %convert_element_type3A_430 = arith.extui %lt3A_429 : i1 to i32
      %cond3A_431 = arith.constant 0 : i32
      %cond3A_432 = arith.cmpi ne, %convert_element_type3A_430, %cond3A_431 : i32
      scf.if %cond3A_432 {
        %dma_start3A_1111 = arith.constant 1 : i32
        %dma_start3A_1112 = arith.constant 2 : i32
        %dma_start3A_1113 = arith.constant 4096 : i32
        %dma_start3A_1114 = tpu.memref_slice %arg8[%dma_start3A_1113] : memref<16384xi32, #tpu.memory_space<vmem>> -> memref<2048xi32, #tpu.memory_space<vmem>>
        %dma_start3A_1115 = arith.constant 0 : i32
        %dma_start3A_1116 = tpu.memref_slice %arg11[%dma_start3A_1111, %dma_start3A_1112, %dma_start3A_1115] : memref<2x8x2048xi32, #tpu.memory_space<vmem_shared>> -> memref<1x1x2048xi32, #tpu.memory_space<vmem_shared>>
        %dma_start3A_1117 = tpu.memref_squeeze %dma_start3A_1116 : memref<1x1x2048xi32, #tpu.memory_space<vmem_shared>> -> memref<2048xi32, #tpu.memory_space<vmem_shared>>
        %dma_start3A_1118 = arith.constant 4096 : i32
        %dma_start3A_1119 = tpu.memref_slice %arg8[%dma_start3A_1118] : memref<16384xi32, #tpu.memory_space<vmem>> -> memref<2048xi32, #tpu.memory_space<vmem>>
        %dma_start3A_1120 = arith.constant 0 : i32
        %dma_start3A_1121 = tpu.memref_slice %arg11[%dma_start3A_1111, %dma_start3A_1112, %dma_start3A_1120] : memref<2x8x2048xi32, #tpu.memory_space<vmem_shared>> -> memref<1x1x2048xi32, #tpu.memory_space<vmem_shared>>
        %dma_start3A_1122 = tpu.memref_squeeze %dma_start3A_1121 : memref<1x1x2048xi32, #tpu.memory_space<vmem_shared>> -> memref<2048xi32, #tpu.memory_space<vmem_shared>>
        tpu.enqueue_dma source(%dma_start3A_1122 : memref<2048xi32, #tpu.memory_space<vmem_shared>>) target(%dma_start3A_1119 : memref<2048xi32, #tpu.memory_space<vmem>>) target_semaphore(%arg13 : memref<!tpu.dma_semaphore, #tpu.memory_space<semaphore_mem>>)
      } else {
      }
      %dma_wait3A_433 = arith.constant 0 : i32
      %dma_wait3A_434 = arith.constant 0 : i32
      %dma_wait3A_435 = arith.constant 0 : i32
      %dma_wait3A_436 = tpu.memref_slice %arg10[%dma_wait3A_433, %dma_wait3A_435] : memref<2x2048xf32, #tpu.memory_space<vmem>> -> memref<1x2048xf32, #tpu.memory_space<vmem>>
      %dma_wait3A_437 = tpu.memref_squeeze %dma_wait3A_436 : memref<1x2048xf32, #tpu.memory_space<vmem>> -> memref<2048xf32, #tpu.memory_space<vmem>>
      %dma_wait3A_438 = arith.constant 0 : i32
      %dma_wait3A_439 = tpu.memref_slice %arg5[%dma_wait3A_434, %dma_wait3A_438] : memref<832x16384xf32, #tpu.memory_space<hbm>> -> memref<1x2048xf32, #tpu.memory_space<hbm>>
      %dma_wait3A_440 = tpu.memref_squeeze %dma_wait3A_439 : memref<1x2048xf32, #tpu.memory_space<hbm>> -> memref<2048xf32, #tpu.memory_space<hbm>>
      %dma_wait3A_441 = arith.constant 0 : i32
      %dma_wait3A_442 = tpu.memref_slice %arg5[%dma_wait3A_434, %dma_wait3A_441] : memref<832x16384xf32, #tpu.memory_space<hbm>> -> memref<1x2048xf32, #tpu.memory_space<hbm>>
      %dma_wait3A_443 = tpu.memref_squeeze %dma_wait3A_442 : memref<1x2048xf32, #tpu.memory_space<hbm>> -> memref<2048xf32, #tpu.memory_space<hbm>>
      %dma_wait3A_444 = arith.constant 0 : i32
      %dma_wait3A_445 = tpu.memref_slice %arg10[%dma_wait3A_433, %dma_wait3A_444] : memref<2x2048xf32, #tpu.memory_space<vmem>> -> memref<1x2048xf32, #tpu.memory_space<vmem>>
      %dma_wait3A_446 = tpu.memref_squeeze %dma_wait3A_445 : memref<1x2048xf32, #tpu.memory_space<vmem>> -> memref<2048xf32, #tpu.memory_space<vmem>>
      tpu.wait_dma2 semaphore(%arg14 : memref<!tpu.dma_semaphore, #tpu.memory_space<semaphore_mem>>) src(%dma_wait3A_446 : memref<2048xf32, #tpu.memory_space<vmem>>) dst(%dma_wait3A_443 : memref<2048xf32, #tpu.memory_space<hbm>>)
      %parallel_loop3A_447 = arith.constant 384 : i32
      %parallel_loop3A_448 = arith.constant 512 : i32
      %parallel_loop3A_449 = arith.constant 1 : i32
      scf.for %parallel_loop3A_1111 = %parallel_loop3A_447 to %parallel_loop3A_448 step %parallel_loop3A_449  : i32 {
        %parallel_loop3A_1112 = arith.constant 16 : i32
        %parallel_loop3A_1113 = arith.muli %parallel_loop3A_1111, %parallel_loop3A_1112 : i32
        %parallel_loop3A_1114 = arith.index_cast %parallel_loop3A_1113 : i32 to index
        %parallel_loop3A_1115 = tpu.vector_load %arg8[%parallel_loop3A_1114] {strides = array<i32>} : memref<16384xi32, #tpu.memory_space<vmem>>, vector<16xi32>,
        %parallel_loop3A_1116 = arith.constant 66560 : i32
        %parallel_loop3A_1117 = vector.broadcast %parallel_loop3A_1116 : i32 to vector<16xi32>
        %parallel_loop3A_1118 = arith.subi %parallel_loop3A_1115, %parallel_loop3A_1117 : vector<16xi32>
        %parallel_loop3A_1119 = vector.bitcast %parallel_loop3A_1118 : vector<16xi32> to vector<16xi32>
        %parallel_loop3A_1120 = arith.constant 33440 : i32
        %parallel_loop3A_1121 = vector.broadcast %parallel_loop3A_1120 : i32 to vector<16xi32>
        %parallel_loop3A_1122 = arith.cmpi ult, %parallel_loop3A_1119, %parallel_loop3A_1121 : vector<16xi32>
        %parallel_loop3A_1123 = tpu.vector_load_idx %arg6[%parallel_loop3A_1118] masked %parallel_loop3A_1122 : memref<33536xf32, #tpu.memory_space<vmem>>[vector<16xi32>], vector<16xf32>, vector<16xi1>
        %parallel_loop3A_1124 = arith.constant 0.000000e+00 : f32
        %parallel_loop3A_1125 = vector.broadcast %parallel_loop3A_1124 : f32 to vector<16xf32>
        %parallel_loop3A_1126 = arith.select %parallel_loop3A_1122, %parallel_loop3A_1123, %parallel_loop3A_1125 : vector<16xi1>, vector<16xf32>
        %parallel_loop3A_1127 = arith.constant 16 : i32
        %parallel_loop3A_1128 = arith.muli %parallel_loop3A_1111, %parallel_loop3A_1127 : i32
        %parallel_loop3A_1129 = arith.constant 6144 : i32
        %parallel_loop3A_1130 = arith.subi %parallel_loop3A_1128, %parallel_loop3A_1129 : i32
        %parallel_loop3A_1131 = arith.index_cast %parallel_loop3A_1113 : i32 to index
        %parallel_loop3A_1132 = tpu.vector_load %arg9[%parallel_loop3A_1131] {strides = array<i32>} : memref<16384xf32, #tpu.memory_space<vmem>>, vector<16xf32>,
        %parallel_loop3A_1133 = arith.addf %parallel_loop3A_1132, %parallel_loop3A_1126 : vector<16xf32>
        %parallel_loop3A_1134 = arith.constant 1 : i32
        %parallel_loop3A_1135 = arith.index_cast %parallel_loop3A_1134 : i32 to index
        %parallel_loop3A_1136 = arith.index_cast %parallel_loop3A_1130 : i32 to index
        %parallel_loop3A_1137 = tpu.vector_load %arg10[%parallel_loop3A_1135, %parallel_loop3A_1136] {strides = array<i32>} : memref<2x2048xf32, #tpu.memory_space<vmem>>, vector<16xf32>,
        tpu.vector_store %arg10[%parallel_loop3A_1135, %parallel_loop3A_1136], %parallel_loop3A_1133 {strides = array<i32>} : memref<2x2048xf32, #tpu.memory_space<vmem>>, vector<16xf32>,
      } {sc.loop_unroll_factor = 8 : i64, sc.parallel_access}
      %dma_start3A_450 = arith.constant 1 : i32
      %dma_start3A_451 = arith.constant 0 : i32
      %dma_start3A_452 = tpu.memref_slice %arg10[%dma_start3A_450, %dma_start3A_451] : memref<2x2048xf32, #tpu.memory_space<vmem>> -> memref<1x2048xf32, #tpu.memory_space<vmem>>
      %dma_start3A_453 = tpu.memref_squeeze %dma_start3A_452 : memref<1x2048xf32, #tpu.memory_space<vmem>> -> memref<2048xf32, #tpu.memory_space<vmem>>
      %dma_start3A_454 = arith.constant 6144 : i32
      %dma_start3A_455 = tpu.memref_slice %arg5[%add3A_340, %dma_start3A_454] : memref<832x16384xf32, #tpu.memory_space<hbm>> -> memref<1x2048xf32, #tpu.memory_space<hbm>>
      %dma_start3A_456 = tpu.memref_squeeze %dma_start3A_455 : memref<1x2048xf32, #tpu.memory_space<hbm>> -> memref<2048xf32, #tpu.memory_space<hbm>>
      %dma_start3A_457 = arith.constant 6144 : i32
      %dma_start3A_458 = tpu.memref_slice %arg5[%add3A_340, %dma_start3A_457] : memref<832x16384xf32, #tpu.memory_space<hbm>> -> memref<1x2048xf32, #tpu.memory_space<hbm>>
      %dma_start3A_459 = tpu.memref_squeeze %dma_start3A_458 : memref<1x2048xf32, #tpu.memory_space<hbm>> -> memref<2048xf32, #tpu.memory_space<hbm>>
      %dma_start3A_460 = arith.constant 0 : i32
      %dma_start3A_461 = tpu.memref_slice %arg10[%dma_start3A_450, %dma_start3A_460] : memref<2x2048xf32, #tpu.memory_space<vmem>> -> memref<1x2048xf32, #tpu.memory_space<vmem>>
      %dma_start3A_462 = tpu.memref_squeeze %dma_start3A_461 : memref<1x2048xf32, #tpu.memory_space<vmem>> -> memref<2048xf32, #tpu.memory_space<vmem>>
      tpu.enqueue_dma source(%dma_start3A_462 : memref<2048xf32, #tpu.memory_space<vmem>>) target(%dma_start3A_459 : memref<2048xf32, #tpu.memory_space<hbm>>) target_semaphore(%arg14 : memref<!tpu.dma_semaphore, #tpu.memory_space<semaphore_mem>>)
      %add3A_463 = arith.constant 1 : i32
      %add3A_464 = arith.addi %add3A_149, %add3A_463 : i32
      %lt3A_465 = arith.constant 26 : i32
      %lt3A_466 = arith.cmpi slt, %add3A_464, %lt3A_465 : i32
      %convert_element_type3A_467 = arith.extui %lt3A_466 : i1 to i32
      %cond3A_468 = arith.constant 0 : i32
      %cond3A_469 = arith.cmpi ne, %convert_element_type3A_467, %cond3A_468 : i32
      scf.if %cond3A_469 {
        %dma_start3A_1111 = arith.constant 1 : i32
        %dma_start3A_1112 = arith.constant 3 : i32
        %dma_start3A_1113 = arith.constant 6144 : i32
        %dma_start3A_1114 = tpu.memref_slice %arg8[%dma_start3A_1113] : memref<16384xi32, #tpu.memory_space<vmem>> -> memref<2048xi32, #tpu.memory_space<vmem>>
        %dma_start3A_1115 = arith.constant 0 : i32
        %dma_start3A_1116 = tpu.memref_slice %arg11[%dma_start3A_1111, %dma_start3A_1112, %dma_start3A_1115] : memref<2x8x2048xi32, #tpu.memory_space<vmem_shared>> -> memref<1x1x2048xi32, #tpu.memory_space<vmem_shared>>
        %dma_start3A_1117 = tpu.memref_squeeze %dma_start3A_1116 : memref<1x1x2048xi32, #tpu.memory_space<vmem_shared>> -> memref<2048xi32, #tpu.memory_space<vmem_shared>>
        %dma_start3A_1118 = arith.constant 6144 : i32
        %dma_start3A_1119 = tpu.memref_slice %arg8[%dma_start3A_1118] : memref<16384xi32, #tpu.memory_space<vmem>> -> memref<2048xi32, #tpu.memory_space<vmem>>
        %dma_start3A_1120 = arith.constant 0 : i32
        %dma_start3A_1121 = tpu.memref_slice %arg11[%dma_start3A_1111, %dma_start3A_1112, %dma_start3A_1120] : memref<2x8x2048xi32, #tpu.memory_space<vmem_shared>> -> memref<1x1x2048xi32, #tpu.memory_space<vmem_shared>>
        %dma_start3A_1122 = tpu.memref_squeeze %dma_start3A_1121 : memref<1x1x2048xi32, #tpu.memory_space<vmem_shared>> -> memref<2048xi32, #tpu.memory_space<vmem_shared>>
        tpu.enqueue_dma source(%dma_start3A_1122 : memref<2048xi32, #tpu.memory_space<vmem_shared>>) target(%dma_start3A_1119 : memref<2048xi32, #tpu.memory_space<vmem>>) target_semaphore(%arg13 : memref<!tpu.dma_semaphore, #tpu.memory_space<semaphore_mem>>)
      } else {
      }
      %dma_wait3A_470 = arith.constant 0 : i32
      %dma_wait3A_471 = arith.constant 0 : i32
      %dma_wait3A_472 = arith.constant 0 : i32
      %dma_wait3A_473 = tpu.memref_slice %arg10[%dma_wait3A_470, %dma_wait3A_472] : memref<2x2048xf32, #tpu.memory_space<vmem>> -> memref<1x2048xf32, #tpu.memory_space<vmem>>
      %dma_wait3A_474 = tpu.memref_squeeze %dma_wait3A_473 : memref<1x2048xf32, #tpu.memory_space<vmem>> -> memref<2048xf32, #tpu.memory_space<vmem>>
      %dma_wait3A_475 = arith.constant 0 : i32
      %dma_wait3A_476 = tpu.memref_slice %arg5[%dma_wait3A_471, %dma_wait3A_475] : memref<832x16384xf32, #tpu.memory_space<hbm>> -> memref<1x2048xf32, #tpu.memory_space<hbm>>
      %dma_wait3A_477 = tpu.memref_squeeze %dma_wait3A_476 : memref<1x2048xf32, #tpu.memory_space<hbm>> -> memref<2048xf32, #tpu.memory_space<hbm>>
      %dma_wait3A_478 = arith.constant 0 : i32
      %dma_wait3A_479 = tpu.memref_slice %arg5[%dma_wait3A_471, %dma_wait3A_478] : memref<832x16384xf32, #tpu.memory_space<hbm>> -> memref<1x2048xf32, #tpu.memory_space<hbm>>
      %dma_wait3A_480 = tpu.memref_squeeze %dma_wait3A_479 : memref<1x2048xf32, #tpu.memory_space<hbm>> -> memref<2048xf32, #tpu.memory_space<hbm>>
      %dma_wait3A_481 = arith.constant 0 : i32
      %dma_wait3A_482 = tpu.memref_slice %arg10[%dma_wait3A_470, %dma_wait3A_481] : memref<2x2048xf32, #tpu.memory_space<vmem>> -> memref<1x2048xf32, #tpu.memory_space<vmem>>
      %dma_wait3A_483 = tpu.memref_squeeze %dma_wait3A_482 : memref<1x2048xf32, #tpu.memory_space<vmem>> -> memref<2048xf32, #tpu.memory_space<vmem>>
      tpu.wait_dma2 semaphore(%arg14 : memref<!tpu.dma_semaphore, #tpu.memory_space<semaphore_mem>>) src(%dma_wait3A_483 : memref<2048xf32, #tpu.memory_space<vmem>>) dst(%dma_wait3A_480 : memref<2048xf32, #tpu.memory_space<hbm>>)
      %parallel_loop3A_484 = arith.constant 512 : i32
      %parallel_loop3A_485 = arith.constant 640 : i32
      %parallel_loop3A_486 = arith.constant 1 : i32
      scf.for %parallel_loop3A_1111 = %parallel_loop3A_484 to %parallel_loop3A_485 step %parallel_loop3A_486  : i32 {
        %parallel_loop3A_1112 = arith.constant 16 : i32
        %parallel_loop3A_1113 = arith.muli %parallel_loop3A_1111, %parallel_loop3A_1112 : i32
        %parallel_loop3A_1114 = arith.index_cast %parallel_loop3A_1113 : i32 to index
        %parallel_loop3A_1115 = tpu.vector_load %arg8[%parallel_loop3A_1114] {strides = array<i32>} : memref<16384xi32, #tpu.memory_space<vmem>>, vector<16xi32>,
        %parallel_loop3A_1116 = arith.constant 66560 : i32
        %parallel_loop3A_1117 = vector.broadcast %parallel_loop3A_1116 : i32 to vector<16xi32>
        %parallel_loop3A_1118 = arith.subi %parallel_loop3A_1115, %parallel_loop3A_1117 : vector<16xi32>
        %parallel_loop3A_1119 = vector.bitcast %parallel_loop3A_1118 : vector<16xi32> to vector<16xi32>
        %parallel_loop3A_1120 = arith.constant 33440 : i32
        %parallel_loop3A_1121 = vector.broadcast %parallel_loop3A_1120 : i32 to vector<16xi32>
        %parallel_loop3A_1122 = arith.cmpi ult, %parallel_loop3A_1119, %parallel_loop3A_1121 : vector<16xi32>
        %parallel_loop3A_1123 = tpu.vector_load_idx %arg6[%parallel_loop3A_1118] masked %parallel_loop3A_1122 : memref<33536xf32, #tpu.memory_space<vmem>>[vector<16xi32>], vector<16xf32>, vector<16xi1>
        %parallel_loop3A_1124 = arith.constant 0.000000e+00 : f32
        %parallel_loop3A_1125 = vector.broadcast %parallel_loop3A_1124 : f32 to vector<16xf32>
        %parallel_loop3A_1126 = arith.select %parallel_loop3A_1122, %parallel_loop3A_1123, %parallel_loop3A_1125 : vector<16xi1>, vector<16xf32>
        %parallel_loop3A_1127 = arith.constant 16 : i32
        %parallel_loop3A_1128 = arith.muli %parallel_loop3A_1111, %parallel_loop3A_1127 : i32
        %parallel_loop3A_1129 = arith.constant 8192 : i32
        %parallel_loop3A_1130 = arith.subi %parallel_loop3A_1128, %parallel_loop3A_1129 : i32
        %parallel_loop3A_1131 = arith.index_cast %parallel_loop3A_1113 : i32 to index
        %parallel_loop3A_1132 = tpu.vector_load %arg9[%parallel_loop3A_1131] {strides = array<i32>} : memref<16384xf32, #tpu.memory_space<vmem>>, vector<16xf32>,
        %parallel_loop3A_1133 = arith.addf %parallel_loop3A_1132, %parallel_loop3A_1126 : vector<16xf32>
        %parallel_loop3A_1134 = arith.constant 0 : i32
        %parallel_loop3A_1135 = arith.index_cast %parallel_loop3A_1134 : i32 to index
        %parallel_loop3A_1136 = arith.index_cast %parallel_loop3A_1130 : i32 to index
        %parallel_loop3A_1137 = tpu.vector_load %arg10[%parallel_loop3A_1135, %parallel_loop3A_1136] {strides = array<i32>} : memref<2x2048xf32, #tpu.memory_space<vmem>>, vector<16xf32>,
        tpu.vector_store %arg10[%parallel_loop3A_1135, %parallel_loop3A_1136], %parallel_loop3A_1133 {strides = array<i32>} : memref<2x2048xf32, #tpu.memory_space<vmem>>, vector<16xf32>,
      } {sc.loop_unroll_factor = 8 : i64, sc.parallel_access}
      %dma_start3A_487 = arith.constant 0 : i32
      %dma_start3A_488 = arith.constant 0 : i32
      %dma_start3A_489 = tpu.memref_slice %arg10[%dma_start3A_487, %dma_start3A_488] : memref<2x2048xf32, #tpu.memory_space<vmem>> -> memref<1x2048xf32, #tpu.memory_space<vmem>>
      %dma_start3A_490 = tpu.memref_squeeze %dma_start3A_489 : memref<1x2048xf32, #tpu.memory_space<vmem>> -> memref<2048xf32, #tpu.memory_space<vmem>>
      %dma_start3A_491 = arith.constant 8192 : i32
      %dma_start3A_492 = tpu.memref_slice %arg5[%add3A_340, %dma_start3A_491] : memref<832x16384xf32, #tpu.memory_space<hbm>> -> memref<1x2048xf32, #tpu.memory_space<hbm>>
      %dma_start3A_493 = tpu.memref_squeeze %dma_start3A_492 : memref<1x2048xf32, #tpu.memory_space<hbm>> -> memref<2048xf32, #tpu.memory_space<hbm>>
      %dma_start3A_494 = arith.constant 8192 : i32
      %dma_start3A_495 = tpu.memref_slice %arg5[%add3A_340, %dma_start3A_494] : memref<832x16384xf32, #tpu.memory_space<hbm>> -> memref<1x2048xf32, #tpu.memory_space<hbm>>
      %dma_start3A_496 = tpu.memref_squeeze %dma_start3A_495 : memref<1x2048xf32, #tpu.memory_space<hbm>> -> memref<2048xf32, #tpu.memory_space<hbm>>
      %dma_start3A_497 = arith.constant 0 : i32
      %dma_start3A_498 = tpu.memref_slice %arg10[%dma_start3A_487, %dma_start3A_497] : memref<2x2048xf32, #tpu.memory_space<vmem>> -> memref<1x2048xf32, #tpu.memory_space<vmem>>
      %dma_start3A_499 = tpu.memref_squeeze %dma_start3A_498 : memref<1x2048xf32, #tpu.memory_space<vmem>> -> memref<2048xf32, #tpu.memory_space<vmem>>
      tpu.enqueue_dma source(%dma_start3A_499 : memref<2048xf32, #tpu.memory_space<vmem>>) target(%dma_start3A_496 : memref<2048xf32, #tpu.memory_space<hbm>>) target_semaphore(%arg14 : memref<!tpu.dma_semaphore, #tpu.memory_space<semaphore_mem>>)
      %add3A_500 = arith.constant 1 : i32
      %add3A_501 = arith.addi %add3A_149, %add3A_500 : i32
      %lt3A_502 = arith.constant 26 : i32
      %lt3A_503 = arith.cmpi slt, %add3A_501, %lt3A_502 : i32
      %convert_element_type3A_504 = arith.extui %lt3A_503 : i1 to i32
      %cond3A_505 = arith.constant 0 : i32
      %cond3A_506 = arith.cmpi ne, %convert_element_type3A_504, %cond3A_505 : i32
      scf.if %cond3A_506 {
        %dma_start3A_1111 = arith.constant 1 : i32
        %dma_start3A_1112 = arith.constant 4 : i32
        %dma_start3A_1113 = arith.constant 8192 : i32
        %dma_start3A_1114 = tpu.memref_slice %arg8[%dma_start3A_1113] : memref<16384xi32, #tpu.memory_space<vmem>> -> memref<2048xi32, #tpu.memory_space<vmem>>
        %dma_start3A_1115 = arith.constant 0 : i32
        %dma_start3A_1116 = tpu.memref_slice %arg11[%dma_start3A_1111, %dma_start3A_1112, %dma_start3A_1115] : memref<2x8x2048xi32, #tpu.memory_space<vmem_shared>> -> memref<1x1x2048xi32, #tpu.memory_space<vmem_shared>>
        %dma_start3A_1117 = tpu.memref_squeeze %dma_start3A_1116 : memref<1x1x2048xi32, #tpu.memory_space<vmem_shared>> -> memref<2048xi32, #tpu.memory_space<vmem_shared>>
        %dma_start3A_1118 = arith.constant 8192 : i32
        %dma_start3A_1119 = tpu.memref_slice %arg8[%dma_start3A_1118] : memref<16384xi32, #tpu.memory_space<vmem>> -> memref<2048xi32, #tpu.memory_space<vmem>>
        %dma_start3A_1120 = arith.constant 0 : i32
        %dma_start3A_1121 = tpu.memref_slice %arg11[%dma_start3A_1111, %dma_start3A_1112, %dma_start3A_1120] : memref<2x8x2048xi32, #tpu.memory_space<vmem_shared>> -> memref<1x1x2048xi32, #tpu.memory_space<vmem_shared>>
        %dma_start3A_1122 = tpu.memref_squeeze %dma_start3A_1121 : memref<1x1x2048xi32, #tpu.memory_space<vmem_shared>> -> memref<2048xi32, #tpu.memory_space<vmem_shared>>
        tpu.enqueue_dma source(%dma_start3A_1122 : memref<2048xi32, #tpu.memory_space<vmem_shared>>) target(%dma_start3A_1119 : memref<2048xi32, #tpu.memory_space<vmem>>) target_semaphore(%arg13 : memref<!tpu.dma_semaphore, #tpu.memory_space<semaphore_mem>>)
      } else {
      }
      %dma_wait3A_507 = arith.constant 0 : i32
      %dma_wait3A_508 = arith.constant 0 : i32
      %dma_wait3A_509 = arith.constant 0 : i32
      %dma_wait3A_510 = tpu.memref_slice %arg10[%dma_wait3A_507, %dma_wait3A_509] : memref<2x2048xf32, #tpu.memory_space<vmem>> -> memref<1x2048xf32, #tpu.memory_space<vmem>>
      %dma_wait3A_511 = tpu.memref_squeeze %dma_wait3A_510 : memref<1x2048xf32, #tpu.memory_space<vmem>> -> memref<2048xf32, #tpu.memory_space<vmem>>
      %dma_wait3A_512 = arith.constant 0 : i32
      %dma_wait3A_513 = tpu.memref_slice %arg5[%dma_wait3A_508, %dma_wait3A_512] : memref<832x16384xf32, #tpu.memory_space<hbm>> -> memref<1x2048xf32, #tpu.memory_space<hbm>>
      %dma_wait3A_514 = tpu.memref_squeeze %dma_wait3A_513 : memref<1x2048xf32, #tpu.memory_space<hbm>> -> memref<2048xf32, #tpu.memory_space<hbm>>
      %dma_wait3A_515 = arith.constant 0 : i32
      %dma_wait3A_516 = tpu.memref_slice %arg5[%dma_wait3A_508, %dma_wait3A_515] : memref<832x16384xf32, #tpu.memory_space<hbm>> -> memref<1x2048xf32, #tpu.memory_space<hbm>>
      %dma_wait3A_517 = tpu.memref_squeeze %dma_wait3A_516 : memref<1x2048xf32, #tpu.memory_space<hbm>> -> memref<2048xf32, #tpu.memory_space<hbm>>
      %dma_wait3A_518 = arith.constant 0 : i32
      %dma_wait3A_519 = tpu.memref_slice %arg10[%dma_wait3A_507, %dma_wait3A_518] : memref<2x2048xf32, #tpu.memory_space<vmem>> -> memref<1x2048xf32, #tpu.memory_space<vmem>>
      %dma_wait3A_520 = tpu.memref_squeeze %dma_wait3A_519 : memref<1x2048xf32, #tpu.memory_space<vmem>> -> memref<2048xf32, #tpu.memory_space<vmem>>
      tpu.wait_dma2 semaphore(%arg14 : memref<!tpu.dma_semaphore, #tpu.memory_space<semaphore_mem>>) src(%dma_wait3A_520 : memref<2048xf32, #tpu.memory_space<vmem>>) dst(%dma_wait3A_517 : memref<2048xf32, #tpu.memory_space<hbm>>)
      %parallel_loop3A_521 = arith.constant 640 : i32
      %parallel_loop3A_522 = arith.constant 768 : i32
      %parallel_loop3A_523 = arith.constant 1 : i32
      scf.for %parallel_loop3A_1111 = %parallel_loop3A_521 to %parallel_loop3A_522 step %parallel_loop3A_523  : i32 {
        %parallel_loop3A_1112 = arith.constant 16 : i32
        %parallel_loop3A_1113 = arith.muli %parallel_loop3A_1111, %parallel_loop3A_1112 : i32
        %parallel_loop3A_1114 = arith.index_cast %parallel_loop3A_1113 : i32 to index
        %parallel_loop3A_1115 = tpu.vector_load %arg8[%parallel_loop3A_1114] {strides = array<i32>} : memref<16384xi32, #tpu.memory_space<vmem>>, vector<16xi32>,
        %parallel_loop3A_1116 = arith.constant 66560 : i32
        %parallel_loop3A_1117 = vector.broadcast %parallel_loop3A_1116 : i32 to vector<16xi32>
        %parallel_loop3A_1118 = arith.subi %parallel_loop3A_1115, %parallel_loop3A_1117 : vector<16xi32>
        %parallel_loop3A_1119 = vector.bitcast %parallel_loop3A_1118 : vector<16xi32> to vector<16xi32>
        %parallel_loop3A_1120 = arith.constant 33440 : i32
        %parallel_loop3A_1121 = vector.broadcast %parallel_loop3A_1120 : i32 to vector<16xi32>
        %parallel_loop3A_1122 = arith.cmpi ult, %parallel_loop3A_1119, %parallel_loop3A_1121 : vector<16xi32>
        %parallel_loop3A_1123 = tpu.vector_load_idx %arg6[%parallel_loop3A_1118] masked %parallel_loop3A_1122 : memref<33536xf32, #tpu.memory_space<vmem>>[vector<16xi32>], vector<16xf32>, vector<16xi1>
        %parallel_loop3A_1124 = arith.constant 0.000000e+00 : f32
        %parallel_loop3A_1125 = vector.broadcast %parallel_loop3A_1124 : f32 to vector<16xf32>
        %parallel_loop3A_1126 = arith.select %parallel_loop3A_1122, %parallel_loop3A_1123, %parallel_loop3A_1125 : vector<16xi1>, vector<16xf32>
        %parallel_loop3A_1127 = arith.constant 16 : i32
        %parallel_loop3A_1128 = arith.muli %parallel_loop3A_1111, %parallel_loop3A_1127 : i32
        %parallel_loop3A_1129 = arith.constant 10240 : i32
        %parallel_loop3A_1130 = arith.subi %parallel_loop3A_1128, %parallel_loop3A_1129 : i32
        %parallel_loop3A_1131 = arith.index_cast %parallel_loop3A_1113 : i32 to index
        %parallel_loop3A_1132 = tpu.vector_load %arg9[%parallel_loop3A_1131] {strides = array<i32>} : memref<16384xf32, #tpu.memory_space<vmem>>, vector<16xf32>,
        %parallel_loop3A_1133 = arith.addf %parallel_loop3A_1132, %parallel_loop3A_1126 : vector<16xf32>
        %parallel_loop3A_1134 = arith.constant 1 : i32
        %parallel_loop3A_1135 = arith.index_cast %parallel_loop3A_1134 : i32 to index
        %parallel_loop3A_1136 = arith.index_cast %parallel_loop3A_1130 : i32 to index
        %parallel_loop3A_1137 = tpu.vector_load %arg10[%parallel_loop3A_1135, %parallel_loop3A_1136] {strides = array<i32>} : memref<2x2048xf32, #tpu.memory_space<vmem>>, vector<16xf32>,
        tpu.vector_store %arg10[%parallel_loop3A_1135, %parallel_loop3A_1136], %parallel_loop3A_1133 {strides = array<i32>} : memref<2x2048xf32, #tpu.memory_space<vmem>>, vector<16xf32>,
      } {sc.loop_unroll_factor = 8 : i64, sc.parallel_access}
      %dma_start3A_524 = arith.constant 1 : i32
      %dma_start3A_525 = arith.constant 0 : i32
      %dma_start3A_526 = tpu.memref_slice %arg10[%dma_start3A_524, %dma_start3A_525] : memref<2x2048xf32, #tpu.memory_space<vmem>> -> memref<1x2048xf32, #tpu.memory_space<vmem>>
      %dma_start3A_527 = tpu.memref_squeeze %dma_start3A_526 : memref<1x2048xf32, #tpu.memory_space<vmem>> -> memref<2048xf32, #tpu.memory_space<vmem>>
      %dma_start3A_528 = arith.constant 10240 : i32
      %dma_start3A_529 = tpu.memref_slice %arg5[%add3A_340, %dma_start3A_528] : memref<832x16384xf32, #tpu.memory_space<hbm>> -> memref<1x2048xf32, #tpu.memory_space<hbm>>
      %dma_start3A_530 = tpu.memref_squeeze %dma_start3A_529 : memref<1x2048xf32, #tpu.memory_space<hbm>> -> memref<2048xf32, #tpu.memory_space<hbm>>
      %dma_start3A_531 = arith.constant 10240 : i32
      %dma_start3A_532 = tpu.memref_slice %arg5[%add3A_340, %dma_start3A_531] : memref<832x16384xf32, #tpu.memory_space<hbm>> -> memref<1x2048xf32, #tpu.memory_space<hbm>>
      %dma_start3A_533 = tpu.memref_squeeze %dma_start3A_532 : memref<1x2048xf32, #tpu.memory_space<hbm>> -> memref<2048xf32, #tpu.memory_space<hbm>>
      %dma_start3A_534 = arith.constant 0 : i32
      %dma_start3A_535 = tpu.memref_slice %arg10[%dma_start3A_524, %dma_start3A_534] : memref<2x2048xf32, #tpu.memory_space<vmem>> -> memref<1x2048xf32, #tpu.memory_space<vmem>>
      %dma_start3A_536 = tpu.memref_squeeze %dma_start3A_535 : memref<1x2048xf32, #tpu.memory_space<vmem>> -> memref<2048xf32, #tpu.memory_space<vmem>>
      tpu.enqueue_dma source(%dma_start3A_536 : memref<2048xf32, #tpu.memory_space<vmem>>) target(%dma_start3A_533 : memref<2048xf32, #tpu.memory_space<hbm>>) target_semaphore(%arg14 : memref<!tpu.dma_semaphore, #tpu.memory_space<semaphore_mem>>)
      %add3A_537 = arith.constant 1 : i32
      %add3A_538 = arith.addi %add3A_149, %add3A_537 : i32
      %lt3A_539 = arith.constant 26 : i32
      %lt3A_540 = arith.cmpi slt, %add3A_538, %lt3A_539 : i32
      %convert_element_type3A_541 = arith.extui %lt3A_540 : i1 to i32
      %cond3A_542 = arith.constant 0 : i32
      %cond3A_543 = arith.cmpi ne, %convert_element_type3A_541, %cond3A_542 : i32
      scf.if %cond3A_543 {
        %dma_start3A_1111 = arith.constant 1 : i32
        %dma_start3A_1112 = arith.constant 5 : i32
        %dma_start3A_1113 = arith.constant 10240 : i32
        %dma_start3A_1114 = tpu.memref_slice %arg8[%dma_start3A_1113] : memref<16384xi32, #tpu.memory_space<vmem>> -> memref<2048xi32, #tpu.memory_space<vmem>>
        %dma_start3A_1115 = arith.constant 0 : i32
        %dma_start3A_1116 = tpu.memref_slice %arg11[%dma_start3A_1111, %dma_start3A_1112, %dma_start3A_1115] : memref<2x8x2048xi32, #tpu.memory_space<vmem_shared>> -> memref<1x1x2048xi32, #tpu.memory_space<vmem_shared>>
        %dma_start3A_1117 = tpu.memref_squeeze %dma_start3A_1116 : memref<1x1x2048xi32, #tpu.memory_space<vmem_shared>> -> memref<2048xi32, #tpu.memory_space<vmem_shared>>
        %dma_start3A_1118 = arith.constant 10240 : i32
        %dma_start3A_1119 = tpu.memref_slice %arg8[%dma_start3A_1118] : memref<16384xi32, #tpu.memory_space<vmem>> -> memref<2048xi32, #tpu.memory_space<vmem>>
        %dma_start3A_1120 = arith.constant 0 : i32
        %dma_start3A_1121 = tpu.memref_slice %arg11[%dma_start3A_1111, %dma_start3A_1112, %dma_start3A_1120] : memref<2x8x2048xi32, #tpu.memory_space<vmem_shared>> -> memref<1x1x2048xi32, #tpu.memory_space<vmem_shared>>
        %dma_start3A_1122 = tpu.memref_squeeze %dma_start3A_1121 : memref<1x1x2048xi32, #tpu.memory_space<vmem_shared>> -> memref<2048xi32, #tpu.memory_space<vmem_shared>>
        tpu.enqueue_dma source(%dma_start3A_1122 : memref<2048xi32, #tpu.memory_space<vmem_shared>>) target(%dma_start3A_1119 : memref<2048xi32, #tpu.memory_space<vmem>>) target_semaphore(%arg13 : memref<!tpu.dma_semaphore, #tpu.memory_space<semaphore_mem>>)
      } else {
      }
      %dma_wait3A_544 = arith.constant 0 : i32
      %dma_wait3A_545 = arith.constant 0 : i32
      %dma_wait3A_546 = arith.constant 0 : i32
      %dma_wait3A_547 = tpu.memref_slice %arg10[%dma_wait3A_544, %dma_wait3A_546] : memref<2x2048xf32, #tpu.memory_space<vmem>> -> memref<1x2048xf32, #tpu.memory_space<vmem>>
      %dma_wait3A_548 = tpu.memref_squeeze %dma_wait3A_547 : memref<1x2048xf32, #tpu.memory_space<vmem>> -> memref<2048xf32, #tpu.memory_space<vmem>>
      %dma_wait3A_549 = arith.constant 0 : i32
      %dma_wait3A_550 = tpu.memref_slice %arg5[%dma_wait3A_545, %dma_wait3A_549] : memref<832x16384xf32, #tpu.memory_space<hbm>> -> memref<1x2048xf32, #tpu.memory_space<hbm>>
      %dma_wait3A_551 = tpu.memref_squeeze %dma_wait3A_550 : memref<1x2048xf32, #tpu.memory_space<hbm>> -> memref<2048xf32, #tpu.memory_space<hbm>>
      %dma_wait3A_552 = arith.constant 0 : i32
      %dma_wait3A_553 = tpu.memref_slice %arg5[%dma_wait3A_545, %dma_wait3A_552] : memref<832x16384xf32, #tpu.memory_space<hbm>> -> memref<1x2048xf32, #tpu.memory_space<hbm>>
      %dma_wait3A_554 = tpu.memref_squeeze %dma_wait3A_553 : memref<1x2048xf32, #tpu.memory_space<hbm>> -> memref<2048xf32, #tpu.memory_space<hbm>>
      %dma_wait3A_555 = arith.constant 0 : i32
      %dma_wait3A_556 = tpu.memref_slice %arg10[%dma_wait3A_544, %dma_wait3A_555] : memref<2x2048xf32, #tpu.memory_space<vmem>> -> memref<1x2048xf32, #tpu.memory_space<vmem>>
      %dma_wait3A_557 = tpu.memref_squeeze %dma_wait3A_556 : memref<1x2048xf32, #tpu.memory_space<vmem>> -> memref<2048xf32, #tpu.memory_space<vmem>>
      tpu.wait_dma2 semaphore(%arg14 : memref<!tpu.dma_semaphore, #tpu.memory_space<semaphore_mem>>) src(%dma_wait3A_557 : memref<2048xf32, #tpu.memory_space<vmem>>) dst(%dma_wait3A_554 : memref<2048xf32, #tpu.memory_space<hbm>>)
      %parallel_loop3A_558 = arith.constant 768 : i32
      %parallel_loop3A_559 = arith.constant 896 : i32
      %parallel_loop3A_560 = arith.constant 1 : i32
      scf.for %parallel_loop3A_1111 = %parallel_loop3A_558 to %parallel_loop3A_559 step %parallel_loop3A_560  : i32 {
        %parallel_loop3A_1112 = arith.constant 16 : i32
        %parallel_loop3A_1113 = arith.muli %parallel_loop3A_1111, %parallel_loop3A_1112 : i32
        %parallel_loop3A_1114 = arith.index_cast %parallel_loop3A_1113 : i32 to index
        %parallel_loop3A_1115 = tpu.vector_load %arg8[%parallel_loop3A_1114] {strides = array<i32>} : memref<16384xi32, #tpu.memory_space<vmem>>, vector<16xi32>,
        %parallel_loop3A_1116 = arith.constant 66560 : i32
        %parallel_loop3A_1117 = vector.broadcast %parallel_loop3A_1116 : i32 to vector<16xi32>
        %parallel_loop3A_1118 = arith.subi %parallel_loop3A_1115, %parallel_loop3A_1117 : vector<16xi32>
        %parallel_loop3A_1119 = vector.bitcast %parallel_loop3A_1118 : vector<16xi32> to vector<16xi32>
        %parallel_loop3A_1120 = arith.constant 33440 : i32
        %parallel_loop3A_1121 = vector.broadcast %parallel_loop3A_1120 : i32 to vector<16xi32>
        %parallel_loop3A_1122 = arith.cmpi ult, %parallel_loop3A_1119, %parallel_loop3A_1121 : vector<16xi32>
        %parallel_loop3A_1123 = tpu.vector_load_idx %arg6[%parallel_loop3A_1118] masked %parallel_loop3A_1122 : memref<33536xf32, #tpu.memory_space<vmem>>[vector<16xi32>], vector<16xf32>, vector<16xi1>
        %parallel_loop3A_1124 = arith.constant 0.000000e+00 : f32
        %parallel_loop3A_1125 = vector.broadcast %parallel_loop3A_1124 : f32 to vector<16xf32>
        %parallel_loop3A_1126 = arith.select %parallel_loop3A_1122, %parallel_loop3A_1123, %parallel_loop3A_1125 : vector<16xi1>, vector<16xf32>
        %parallel_loop3A_1127 = arith.constant 16 : i32
        %parallel_loop3A_1128 = arith.muli %parallel_loop3A_1111, %parallel_loop3A_1127 : i32
        %parallel_loop3A_1129 = arith.constant 12288 : i32
        %parallel_loop3A_1130 = arith.subi %parallel_loop3A_1128, %parallel_loop3A_1129 : i32
        %parallel_loop3A_1131 = arith.index_cast %parallel_loop3A_1113 : i32 to index
        %parallel_loop3A_1132 = tpu.vector_load %arg9[%parallel_loop3A_1131] {strides = array<i32>} : memref<16384xf32, #tpu.memory_space<vmem>>, vector<16xf32>,
        %parallel_loop3A_1133 = arith.addf %parallel_loop3A_1132, %parallel_loop3A_1126 : vector<16xf32>
        %parallel_loop3A_1134 = arith.constant 0 : i32
        %parallel_loop3A_1135 = arith.index_cast %parallel_loop3A_1134 : i32 to index
        %parallel_loop3A_1136 = arith.index_cast %parallel_loop3A_1130 : i32 to index
        %parallel_loop3A_1137 = tpu.vector_load %arg10[%parallel_loop3A_1135, %parallel_loop3A_1136] {strides = array<i32>} : memref<2x2048xf32, #tpu.memory_space<vmem>>, vector<16xf32>,
        tpu.vector_store %arg10[%parallel_loop3A_1135, %parallel_loop3A_1136], %parallel_loop3A_1133 {strides = array<i32>} : memref<2x2048xf32, #tpu.memory_space<vmem>>, vector<16xf32>,
      } {sc.loop_unroll_factor = 8 : i64, sc.parallel_access}
      %dma_start3A_561 = arith.constant 0 : i32
      %dma_start3A_562 = arith.constant 0 : i32
      %dma_start3A_563 = tpu.memref_slice %arg10[%dma_start3A_561, %dma_start3A_562] : memref<2x2048xf32, #tpu.memory_space<vmem>> -> memref<1x2048xf32, #tpu.memory_space<vmem>>
      %dma_start3A_564 = tpu.memref_squeeze %dma_start3A_563 : memref<1x2048xf32, #tpu.memory_space<vmem>> -> memref<2048xf32, #tpu.memory_space<vmem>>
      %dma_start3A_565 = arith.constant 12288 : i32
      %dma_start3A_566 = tpu.memref_slice %arg5[%add3A_340, %dma_start3A_565] : memref<832x16384xf32, #tpu.memory_space<hbm>> -> memref<1x2048xf32, #tpu.memory_space<hbm>>
      %dma_start3A_567 = tpu.memref_squeeze %dma_start3A_566 : memref<1x2048xf32, #tpu.memory_space<hbm>> -> memref<2048xf32, #tpu.memory_space<hbm>>
      %dma_start3A_568 = arith.constant 12288 : i32
      %dma_start3A_569 = tpu.memref_slice %arg5[%add3A_340, %dma_start3A_568] : memref<832x16384xf32, #tpu.memory_space<hbm>> -> memref<1x2048xf32, #tpu.memory_space<hbm>>
      %dma_start3A_570 = tpu.memref_squeeze %dma_start3A_569 : memref<1x2048xf32, #tpu.memory_space<hbm>> -> memref<2048xf32, #tpu.memory_space<hbm>>
      %dma_start3A_571 = arith.constant 0 : i32
      %dma_start3A_572 = tpu.memref_slice %arg10[%dma_start3A_561, %dma_start3A_571] : memref<2x2048xf32, #tpu.memory_space<vmem>> -> memref<1x2048xf32, #tpu.memory_space<vmem>>
      %dma_start3A_573 = tpu.memref_squeeze %dma_start3A_572 : memref<1x2048xf32, #tpu.memory_space<vmem>> -> memref<2048xf32, #tpu.memory_space<vmem>>
      tpu.enqueue_dma source(%dma_start3A_573 : memref<2048xf32, #tpu.memory_space<vmem>>) target(%dma_start3A_570 : memref<2048xf32, #tpu.memory_space<hbm>>) target_semaphore(%arg14 : memref<!tpu.dma_semaphore, #tpu.memory_space<semaphore_mem>>)
      %add3A_574 = arith.constant 1 : i32
      %add3A_575 = arith.addi %add3A_149, %add3A_574 : i32
      %lt3A_576 = arith.constant 26 : i32
      %lt3A_577 = arith.cmpi slt, %add3A_575, %lt3A_576 : i32
      %convert_element_type3A_578 = arith.extui %lt3A_577 : i1 to i32
      %cond3A_579 = arith.constant 0 : i32
      %cond3A_580 = arith.cmpi ne, %convert_element_type3A_578, %cond3A_579 : i32
      scf.if %cond3A_580 {
        %dma_start3A_1111 = arith.constant 1 : i32
        %dma_start3A_1112 = arith.constant 6 : i32
        %dma_start3A_1113 = arith.constant 12288 : i32
        %dma_start3A_1114 = tpu.memref_slice %arg8[%dma_start3A_1113] : memref<16384xi32, #tpu.memory_space<vmem>> -> memref<2048xi32, #tpu.memory_space<vmem>>
        %dma_start3A_1115 = arith.constant 0 : i32
        %dma_start3A_1116 = tpu.memref_slice %arg11[%dma_start3A_1111, %dma_start3A_1112, %dma_start3A_1115] : memref<2x8x2048xi32, #tpu.memory_space<vmem_shared>> -> memref<1x1x2048xi32, #tpu.memory_space<vmem_shared>>
        %dma_start3A_1117 = tpu.memref_squeeze %dma_start3A_1116 : memref<1x1x2048xi32, #tpu.memory_space<vmem_shared>> -> memref<2048xi32, #tpu.memory_space<vmem_shared>>
        %dma_start3A_1118 = arith.constant 12288 : i32
        %dma_start3A_1119 = tpu.memref_slice %arg8[%dma_start3A_1118] : memref<16384xi32, #tpu.memory_space<vmem>> -> memref<2048xi32, #tpu.memory_space<vmem>>
        %dma_start3A_1120 = arith.constant 0 : i32
        %dma_start3A_1121 = tpu.memref_slice %arg11[%dma_start3A_1111, %dma_start3A_1112, %dma_start3A_1120] : memref<2x8x2048xi32, #tpu.memory_space<vmem_shared>> -> memref<1x1x2048xi32, #tpu.memory_space<vmem_shared>>
        %dma_start3A_1122 = tpu.memref_squeeze %dma_start3A_1121 : memref<1x1x2048xi32, #tpu.memory_space<vmem_shared>> -> memref<2048xi32, #tpu.memory_space<vmem_shared>>
        tpu.enqueue_dma source(%dma_start3A_1122 : memref<2048xi32, #tpu.memory_space<vmem_shared>>) target(%dma_start3A_1119 : memref<2048xi32, #tpu.memory_space<vmem>>) target_semaphore(%arg13 : memref<!tpu.dma_semaphore, #tpu.memory_space<semaphore_mem>>)
      } else {
      }
      %dma_wait3A_581 = arith.constant 0 : i32
      %dma_wait3A_582 = arith.constant 0 : i32
      %dma_wait3A_583 = arith.constant 0 : i32
      %dma_wait3A_584 = tpu.memref_slice %arg10[%dma_wait3A_581, %dma_wait3A_583] : memref<2x2048xf32, #tpu.memory_space<vmem>> -> memref<1x2048xf32, #tpu.memory_space<vmem>>
      %dma_wait3A_585 = tpu.memref_squeeze %dma_wait3A_584 : memref<1x2048xf32, #tpu.memory_space<vmem>> -> memref<2048xf32, #tpu.memory_space<vmem>>
      %dma_wait3A_586 = arith.constant 0 : i32
      %dma_wait3A_587 = tpu.memref_slice %arg5[%dma_wait3A_582, %dma_wait3A_586] : memref<832x16384xf32, #tpu.memory_space<hbm>> -> memref<1x2048xf32, #tpu.memory_space<hbm>>
      %dma_wait3A_588 = tpu.memref_squeeze %dma_wait3A_587 : memref<1x2048xf32, #tpu.memory_space<hbm>> -> memref<2048xf32, #tpu.memory_space<hbm>>
      %dma_wait3A_589 = arith.constant 0 : i32
      %dma_wait3A_590 = tpu.memref_slice %arg5[%dma_wait3A_582, %dma_wait3A_589] : memref<832x16384xf32, #tpu.memory_space<hbm>> -> memref<1x2048xf32, #tpu.memory_space<hbm>>
      %dma_wait3A_591 = tpu.memref_squeeze %dma_wait3A_590 : memref<1x2048xf32, #tpu.memory_space<hbm>> -> memref<2048xf32, #tpu.memory_space<hbm>>
      %dma_wait3A_592 = arith.constant 0 : i32
      %dma_wait3A_593 = tpu.memref_slice %arg10[%dma_wait3A_581, %dma_wait3A_592] : memref<2x2048xf32, #tpu.memory_space<vmem>> -> memref<1x2048xf32, #tpu.memory_space<vmem>>
      %dma_wait3A_594 = tpu.memref_squeeze %dma_wait3A_593 : memref<1x2048xf32, #tpu.memory_space<vmem>> -> memref<2048xf32, #tpu.memory_space<vmem>>
      tpu.wait_dma2 semaphore(%arg14 : memref<!tpu.dma_semaphore, #tpu.memory_space<semaphore_mem>>) src(%dma_wait3A_594 : memref<2048xf32, #tpu.memory_space<vmem>>) dst(%dma_wait3A_591 : memref<2048xf32, #tpu.memory_space<hbm>>)
      %parallel_loop3A_595 = arith.constant 896 : i32
      %parallel_loop3A_596 = arith.constant 1024 : i32
      %parallel_loop3A_597 = arith.constant 1 : i32
      scf.for %parallel_loop3A_1111 = %parallel_loop3A_595 to %parallel_loop3A_596 step %parallel_loop3A_597  : i32 {
        %parallel_loop3A_1112 = arith.constant 16 : i32
        %parallel_loop3A_1113 = arith.muli %parallel_loop3A_1111, %parallel_loop3A_1112 : i32
        %parallel_loop3A_1114 = arith.index_cast %parallel_loop3A_1113 : i32 to index
        %parallel_loop3A_1115 = tpu.vector_load %arg8[%parallel_loop3A_1114] {strides = array<i32>} : memref<16384xi32, #tpu.memory_space<vmem>>, vector<16xi32>,
        %parallel_loop3A_1116 = arith.constant 66560 : i32
        %parallel_loop3A_1117 = vector.broadcast %parallel_loop3A_1116 : i32 to vector<16xi32>
        %parallel_loop3A_1118 = arith.subi %parallel_loop3A_1115, %parallel_loop3A_1117 : vector<16xi32>
        %parallel_loop3A_1119 = vector.bitcast %parallel_loop3A_1118 : vector<16xi32> to vector<16xi32>
        %parallel_loop3A_1120 = arith.constant 33440 : i32
        %parallel_loop3A_1121 = vector.broadcast %parallel_loop3A_1120 : i32 to vector<16xi32>
        %parallel_loop3A_1122 = arith.cmpi ult, %parallel_loop3A_1119, %parallel_loop3A_1121 : vector<16xi32>
        %parallel_loop3A_1123 = tpu.vector_load_idx %arg6[%parallel_loop3A_1118] masked %parallel_loop3A_1122 : memref<33536xf32, #tpu.memory_space<vmem>>[vector<16xi32>], vector<16xf32>, vector<16xi1>
        %parallel_loop3A_1124 = arith.constant 0.000000e+00 : f32
        %parallel_loop3A_1125 = vector.broadcast %parallel_loop3A_1124 : f32 to vector<16xf32>
        %parallel_loop3A_1126 = arith.select %parallel_loop3A_1122, %parallel_loop3A_1123, %parallel_loop3A_1125 : vector<16xi1>, vector<16xf32>
        %parallel_loop3A_1127 = arith.constant 16 : i32
        %parallel_loop3A_1128 = arith.muli %parallel_loop3A_1111, %parallel_loop3A_1127 : i32
        %parallel_loop3A_1129 = arith.constant 14336 : i32
        %parallel_loop3A_1130 = arith.subi %parallel_loop3A_1128, %parallel_loop3A_1129 : i32
        %parallel_loop3A_1131 = arith.index_cast %parallel_loop3A_1113 : i32 to index
        %parallel_loop3A_1132 = tpu.vector_load %arg9[%parallel_loop3A_1131] {strides = array<i32>} : memref<16384xf32, #tpu.memory_space<vmem>>, vector<16xf32>,
        %parallel_loop3A_1133 = arith.addf %parallel_loop3A_1132, %parallel_loop3A_1126 : vector<16xf32>
        %parallel_loop3A_1134 = arith.constant 1 : i32
        %parallel_loop3A_1135 = arith.index_cast %parallel_loop3A_1134 : i32 to index
        %parallel_loop3A_1136 = arith.index_cast %parallel_loop3A_1130 : i32 to index
        %parallel_loop3A_1137 = tpu.vector_load %arg10[%parallel_loop3A_1135, %parallel_loop3A_1136] {strides = array<i32>} : memref<2x2048xf32, #tpu.memory_space<vmem>>, vector<16xf32>,
        tpu.vector_store %arg10[%parallel_loop3A_1135, %parallel_loop3A_1136], %parallel_loop3A_1133 {strides = array<i32>} : memref<2x2048xf32, #tpu.memory_space<vmem>>, vector<16xf32>,
      } {sc.loop_unroll_factor = 8 : i64, sc.parallel_access}
      %dma_start3A_598 = arith.constant 1 : i32
      %dma_start3A_599 = arith.constant 0 : i32
      %dma_start3A_600 = tpu.memref_slice %arg10[%dma_start3A_598, %dma_start3A_599] : memref<2x2048xf32, #tpu.memory_space<vmem>> -> memref<1x2048xf32, #tpu.memory_space<vmem>>
      %dma_start3A_601 = tpu.memref_squeeze %dma_start3A_600 : memref<1x2048xf32, #tpu.memory_space<vmem>> -> memref<2048xf32, #tpu.memory_space<vmem>>
      %dma_start3A_602 = arith.constant 14336 : i32
      %dma_start3A_603 = tpu.memref_slice %arg5[%add3A_340, %dma_start3A_602] : memref<832x16384xf32, #tpu.memory_space<hbm>> -> memref<1x2048xf32, #tpu.memory_space<hbm>>
      %dma_start3A_604 = tpu.memref_squeeze %dma_start3A_603 : memref<1x2048xf32, #tpu.memory_space<hbm>> -> memref<2048xf32, #tpu.memory_space<hbm>>
      %dma_start3A_605 = arith.constant 14336 : i32
      %dma_start3A_606 = tpu.memref_slice %arg5[%add3A_340, %dma_start3A_605] : memref<832x16384xf32, #tpu.memory_space<hbm>> -> memref<1x2048xf32, #tpu.memory_space<hbm>>
      %dma_start3A_607 = tpu.memref_squeeze %dma_start3A_606 : memref<1x2048xf32, #tpu.memory_space<hbm>> -> memref<2048xf32, #tpu.memory_space<hbm>>
      %dma_start3A_608 = arith.constant 0 : i32
      %dma_start3A_609 = tpu.memref_slice %arg10[%dma_start3A_598, %dma_start3A_608] : memref<2x2048xf32, #tpu.memory_space<vmem>> -> memref<1x2048xf32, #tpu.memory_space<vmem>>
      %dma_start3A_610 = tpu.memref_squeeze %dma_start3A_609 : memref<1x2048xf32, #tpu.memory_space<vmem>> -> memref<2048xf32, #tpu.memory_space<vmem>>
      tpu.enqueue_dma source(%dma_start3A_610 : memref<2048xf32, #tpu.memory_space<vmem>>) target(%dma_start3A_607 : memref<2048xf32, #tpu.memory_space<hbm>>) target_semaphore(%arg14 : memref<!tpu.dma_semaphore, #tpu.memory_space<semaphore_mem>>)
      %add3A_611 = arith.constant 1 : i32
      %add3A_612 = arith.addi %add3A_149, %add3A_611 : i32
      %lt3A_613 = arith.constant 26 : i32
      %lt3A_614 = arith.cmpi slt, %add3A_612, %lt3A_613 : i32
      %convert_element_type3A_615 = arith.extui %lt3A_614 : i1 to i32
      %cond3A_616 = arith.constant 0 : i32
      %cond3A_617 = arith.cmpi ne, %convert_element_type3A_615, %cond3A_616 : i32
      scf.if %cond3A_617 {
        %dma_start3A_1111 = arith.constant 1 : i32
        %dma_start3A_1112 = arith.constant 7 : i32
        %dma_start3A_1113 = arith.constant 14336 : i32
        %dma_start3A_1114 = tpu.memref_slice %arg8[%dma_start3A_1113] : memref<16384xi32, #tpu.memory_space<vmem>> -> memref<2048xi32, #tpu.memory_space<vmem>>
        %dma_start3A_1115 = arith.constant 0 : i32
        %dma_start3A_1116 = tpu.memref_slice %arg11[%dma_start3A_1111, %dma_start3A_1112, %dma_start3A_1115] : memref<2x8x2048xi32, #tpu.memory_space<vmem_shared>> -> memref<1x1x2048xi32, #tpu.memory_space<vmem_shared>>
        %dma_start3A_1117 = tpu.memref_squeeze %dma_start3A_1116 : memref<1x1x2048xi32, #tpu.memory_space<vmem_shared>> -> memref<2048xi32, #tpu.memory_space<vmem_shared>>
        %dma_start3A_1118 = arith.constant 14336 : i32
        %dma_start3A_1119 = tpu.memref_slice %arg8[%dma_start3A_1118] : memref<16384xi32, #tpu.memory_space<vmem>> -> memref<2048xi32, #tpu.memory_space<vmem>>
        %dma_start3A_1120 = arith.constant 0 : i32
        %dma_start3A_1121 = tpu.memref_slice %arg11[%dma_start3A_1111, %dma_start3A_1112, %dma_start3A_1120] : memref<2x8x2048xi32, #tpu.memory_space<vmem_shared>> -> memref<1x1x2048xi32, #tpu.memory_space<vmem_shared>>
        %dma_start3A_1122 = tpu.memref_squeeze %dma_start3A_1121 : memref<1x1x2048xi32, #tpu.memory_space<vmem_shared>> -> memref<2048xi32, #tpu.memory_space<vmem_shared>>
        tpu.enqueue_dma source(%dma_start3A_1122 : memref<2048xi32, #tpu.memory_space<vmem_shared>>) target(%dma_start3A_1119 : memref<2048xi32, #tpu.memory_space<vmem>>) target_semaphore(%arg13 : memref<!tpu.dma_semaphore, #tpu.memory_space<semaphore_mem>>)
      } else {
      }
      %add3A_618 = arith.constant 1 : i32
      %add3A_619 = arith.addi %add3A_149, %add3A_618 : i32
      %lt3A_620 = arith.constant 26 : i32
      %lt3A_621 = arith.cmpi slt, %add3A_619, %lt3A_620 : i32
      %convert_element_type3A_622 = arith.extui %lt3A_621 : i1 to i32
      %cond3A_623 = arith.constant 0 : i32
      %cond3A_624 = arith.cmpi ne, %convert_element_type3A_622, %cond3A_623 : i32
      scf.if %cond3A_624 {
        %add3A_1111 = arith.constant 1 : i32
        %add3A_1112 = arith.addi %add3A_149, %add3A_1111 : i32
        %mul3A_1113 = arith.constant 32 : i32
        %mul3A_1114 = arith.muli %add3A_1112, %mul3A_1113 : i32
        %add3A_1115 = arith.addi %mul3A_1114, %add3A : i32
        %dma_start3A_1116 = arith.constant 0 : i32
        %dma_start3A_1117 = tpu.memref_slice %arg6[%dma_start3A_1116] : memref<33536xf32, #tpu.memory_space<vmem>> -> memref<33280xf32, #tpu.memory_space<vmem>>
        %dma_start3A_1118 = arith.constant 33280 : i32
        %dma_start3A_1119 = tpu.memref_slice %arg3[%add3A_1115, %dma_start3A_1118] : memref<832x100000xf32, #tpu.memory_space<hbm>> -> memref<1x33280xf32, #tpu.memory_space<hbm>>
        %dma_start3A_1120 = tpu.memref_squeeze %dma_start3A_1119 : memref<1x33280xf32, #tpu.memory_space<hbm>> -> memref<33280xf32, #tpu.memory_space<hbm>>
        %dma_start3A_1121 = arith.constant 0 : i32
        %dma_start3A_1122 = tpu.memref_slice %arg6[%dma_start3A_1121] : memref<33536xf32, #tpu.memory_space<vmem>> -> memref<33280xf32, #tpu.memory_space<vmem>>
        %dma_start3A_1123 = arith.constant 33280 : i32
        %dma_start3A_1124 = tpu.memref_slice %arg3[%add3A_1115, %dma_start3A_1123] : memref<832x100000xf32, #tpu.memory_space<hbm>> -> memref<1x33280xf32, #tpu.memory_space<hbm>>
        %dma_start3A_1125 = tpu.memref_squeeze %dma_start3A_1124 : memref<1x33280xf32, #tpu.memory_space<hbm>> -> memref<33280xf32, #tpu.memory_space<hbm>>
        tpu.enqueue_dma source(%dma_start3A_1125 : memref<33280xf32, #tpu.memory_space<hbm>>) target(%dma_start3A_1122 : memref<33280xf32, #tpu.memory_space<vmem>>) target_semaphore(%arg12 : memref<!tpu.dma_semaphore, #tpu.memory_space<semaphore_mem>>)
      } else {
      }
      %mul3A_625 = arith.constant 2 : i32
      %mul3A_626 = arith.muli %mul3A_625, %scan3A_145 : i32
      %add3A_627 = arith.constant 1 : i32
      %add3A_628 = arith.addi %mul3A_626, %add3A_627 : i32
      %add3A_629 = arith.constant 1 : i32
      %add3A_630 = arith.addi %add3A_628, %add3A_629 : i32
      %lt3A_631 = arith.constant 26 : i32
      %lt3A_632 = arith.cmpi slt, %add3A_630, %lt3A_631 : i32
      %and3A_633 = arith.andi %eq3A_1, %lt3A_632 : i1
      %convert_element_type3A_634 = arith.extui %and3A_633 : i1 to i32
      %cond3A_635 = arith.constant 0 : i32
      %cond3A_636 = arith.cmpi ne, %convert_element_type3A_634, %cond3A_635 : i32
      scf.if %cond3A_636 {
        %add3A_1111 = arith.constant 1 : i32
        %add3A_1112 = arith.addi %add3A_628, %add3A_1111 : i32
        %dma_start3A_1113 = arith.constant 0 : i32
        %dma_start3A_1114 = arith.constant 0 : i32
        %dma_start3A_1115 = arith.constant 0 : i32
        %dma_start3A_1116 = tpu.memref_slice %arg11[%dma_start3A_1113, %dma_start3A_1114, %dma_start3A_1115] : memref<2x8x2048xi32, #tpu.memory_space<vmem_shared>> -> memref<1x1x2048xi32, #tpu.memory_space<vmem_shared>>
        %dma_start3A_1117 = tpu.memref_squeeze %dma_start3A_1116 : memref<1x1x2048xi32, #tpu.memory_space<vmem_shared>> -> memref<2048xi32, #tpu.memory_space<vmem_shared>>
        %dma_start3A_1118 = arith.constant 0 : i32
        %dma_start3A_1119 = tpu.memref_slice %arg2[%add3A_1112, %dma_start3A_1118] : memref<26x16384xi32, #tpu.memory_space<hbm>> -> memref<1x2048xi32, #tpu.memory_space<hbm>>
        %dma_start3A_1120 = tpu.memref_squeeze %dma_start3A_1119 : memref<1x2048xi32, #tpu.memory_space<hbm>> -> memref<2048xi32, #tpu.memory_space<hbm>>
        tpu.enqueue_dma source(%dma_start3A_1120 : memref<2048xi32, #tpu.memory_space<hbm>>) target(%dma_start3A_1117 : memref<2048xi32, #tpu.memory_space<vmem_shared>>) target_semaphore(%arg15 : memref<!tpu.dma_semaphore, #tpu.memory_space<semaphore_mem>>)
        %dma_start3A_1121 = arith.constant 0 : i32
        %dma_start3A_1122 = arith.constant 1 : i32
        %dma_start3A_1123 = arith.constant 0 : i32
        %dma_start3A_1124 = tpu.memref_slice %arg11[%dma_start3A_1121, %dma_start3A_1122, %dma_start3A_1123] : memref<2x8x2048xi32, #tpu.memory_space<vmem_shared>> -> memref<1x1x2048xi32, #tpu.memory_space<vmem_shared>>
        %dma_start3A_1125 = tpu.memref_squeeze %dma_start3A_1124 : memref<1x1x2048xi32, #tpu.memory_space<vmem_shared>> -> memref<2048xi32, #tpu.memory_space<vmem_shared>>
        %dma_start3A_1126 = arith.constant 2048 : i32
        %dma_start3A_1127 = tpu.memref_slice %arg2[%add3A_1112, %dma_start3A_1126] : memref<26x16384xi32, #tpu.memory_space<hbm>> -> memref<1x2048xi32, #tpu.memory_space<hbm>>
        %dma_start3A_1128 = tpu.memref_squeeze %dma_start3A_1127 : memref<1x2048xi32, #tpu.memory_space<hbm>> -> memref<2048xi32, #tpu.memory_space<hbm>>
        tpu.enqueue_dma source(%dma_start3A_1128 : memref<2048xi32, #tpu.memory_space<hbm>>) target(%dma_start3A_1125 : memref<2048xi32, #tpu.memory_space<vmem_shared>>) target_semaphore(%arg15 : memref<!tpu.dma_semaphore, #tpu.memory_space<semaphore_mem>>)
        %dma_start3A_1129 = arith.constant 0 : i32
        %dma_start3A_1130 = arith.constant 2 : i32
        %dma_start3A_1131 = arith.constant 0 : i32
        %dma_start3A_1132 = tpu.memref_slice %arg11[%dma_start3A_1129, %dma_start3A_1130, %dma_start3A_1131] : memref<2x8x2048xi32, #tpu.memory_space<vmem_shared>> -> memref<1x1x2048xi32, #tpu.memory_space<vmem_shared>>
        %dma_start3A_1133 = tpu.memref_squeeze %dma_start3A_1132 : memref<1x1x2048xi32, #tpu.memory_space<vmem_shared>> -> memref<2048xi32, #tpu.memory_space<vmem_shared>>
        %dma_start3A_1134 = arith.constant 4096 : i32
        %dma_start3A_1135 = tpu.memref_slice %arg2[%add3A_1112, %dma_start3A_1134] : memref<26x16384xi32, #tpu.memory_space<hbm>> -> memref<1x2048xi32, #tpu.memory_space<hbm>>
        %dma_start3A_1136 = tpu.memref_squeeze %dma_start3A_1135 : memref<1x2048xi32, #tpu.memory_space<hbm>> -> memref<2048xi32, #tpu.memory_space<hbm>>
        tpu.enqueue_dma source(%dma_start3A_1136 : memref<2048xi32, #tpu.memory_space<hbm>>) target(%dma_start3A_1133 : memref<2048xi32, #tpu.memory_space<vmem_shared>>) target_semaphore(%arg15 : memref<!tpu.dma_semaphore, #tpu.memory_space<semaphore_mem>>)
        %dma_start3A_1137 = arith.constant 0 : i32
        %dma_start3A_1138 = arith.constant 3 : i32
        %dma_start3A_1139 = arith.constant 0 : i32
        %dma_start3A_1140 = tpu.memref_slice %arg11[%dma_start3A_1137, %dma_start3A_1138, %dma_start3A_1139] : memref<2x8x2048xi32, #tpu.memory_space<vmem_shared>> -> memref<1x1x2048xi32, #tpu.memory_space<vmem_shared>>
        %dma_start3A_1141 = tpu.memref_squeeze %dma_start3A_1140 : memref<1x1x2048xi32, #tpu.memory_space<vmem_shared>> -> memref<2048xi32, #tpu.memory_space<vmem_shared>>
        %dma_start3A_1142 = arith.constant 6144 : i32
        %dma_start3A_1143 = tpu.memref_slice %arg2[%add3A_1112, %dma_start3A_1142] : memref<26x16384xi32, #tpu.memory_space<hbm>> -> memref<1x2048xi32, #tpu.memory_space<hbm>>
        %dma_start3A_1144 = tpu.memref_squeeze %dma_start3A_1143 : memref<1x2048xi32, #tpu.memory_space<hbm>> -> memref<2048xi32, #tpu.memory_space<hbm>>
        tpu.enqueue_dma source(%dma_start3A_1144 : memref<2048xi32, #tpu.memory_space<hbm>>) target(%dma_start3A_1141 : memref<2048xi32, #tpu.memory_space<vmem_shared>>) target_semaphore(%arg15 : memref<!tpu.dma_semaphore, #tpu.memory_space<semaphore_mem>>)
        %dma_start3A_1145 = arith.constant 0 : i32
        %dma_start3A_1146 = arith.constant 4 : i32
        %dma_start3A_1147 = arith.constant 0 : i32
        %dma_start3A_1148 = tpu.memref_slice %arg11[%dma_start3A_1145, %dma_start3A_1146, %dma_start3A_1147] : memref<2x8x2048xi32, #tpu.memory_space<vmem_shared>> -> memref<1x1x2048xi32, #tpu.memory_space<vmem_shared>>
        %dma_start3A_1149 = tpu.memref_squeeze %dma_start3A_1148 : memref<1x1x2048xi32, #tpu.memory_space<vmem_shared>> -> memref<2048xi32, #tpu.memory_space<vmem_shared>>
        %dma_start3A_1150 = arith.constant 8192 : i32
        %dma_start3A_1151 = tpu.memref_slice %arg2[%add3A_1112, %dma_start3A_1150] : memref<26x16384xi32, #tpu.memory_space<hbm>> -> memref<1x2048xi32, #tpu.memory_space<hbm>>
        %dma_start3A_1152 = tpu.memref_squeeze %dma_start3A_1151 : memref<1x2048xi32, #tpu.memory_space<hbm>> -> memref<2048xi32, #tpu.memory_space<hbm>>
        tpu.enqueue_dma source(%dma_start3A_1152 : memref<2048xi32, #tpu.memory_space<hbm>>) target(%dma_start3A_1149 : memref<2048xi32, #tpu.memory_space<vmem_shared>>) target_semaphore(%arg15 : memref<!tpu.dma_semaphore, #tpu.memory_space<semaphore_mem>>)
        %dma_start3A_1153 = arith.constant 0 : i32
        %dma_start3A_1154 = arith.constant 5 : i32
        %dma_start3A_1155 = arith.constant 0 : i32
        %dma_start3A_1156 = tpu.memref_slice %arg11[%dma_start3A_1153, %dma_start3A_1154, %dma_start3A_1155] : memref<2x8x2048xi32, #tpu.memory_space<vmem_shared>> -> memref<1x1x2048xi32, #tpu.memory_space<vmem_shared>>
        %dma_start3A_1157 = tpu.memref_squeeze %dma_start3A_1156 : memref<1x1x2048xi32, #tpu.memory_space<vmem_shared>> -> memref<2048xi32, #tpu.memory_space<vmem_shared>>
        %dma_start3A_1158 = arith.constant 10240 : i32
        %dma_start3A_1159 = tpu.memref_slice %arg2[%add3A_1112, %dma_start3A_1158] : memref<26x16384xi32, #tpu.memory_space<hbm>> -> memref<1x2048xi32, #tpu.memory_space<hbm>>
        %dma_start3A_1160 = tpu.memref_squeeze %dma_start3A_1159 : memref<1x2048xi32, #tpu.memory_space<hbm>> -> memref<2048xi32, #tpu.memory_space<hbm>>
        tpu.enqueue_dma source(%dma_start3A_1160 : memref<2048xi32, #tpu.memory_space<hbm>>) target(%dma_start3A_1157 : memref<2048xi32, #tpu.memory_space<vmem_shared>>) target_semaphore(%arg15 : memref<!tpu.dma_semaphore, #tpu.memory_space<semaphore_mem>>)
        %dma_start3A_1161 = arith.constant 0 : i32
        %dma_start3A_1162 = arith.constant 6 : i32
        %dma_start3A_1163 = arith.constant 0 : i32
        %dma_start3A_1164 = tpu.memref_slice %arg11[%dma_start3A_1161, %dma_start3A_1162, %dma_start3A_1163] : memref<2x8x2048xi32, #tpu.memory_space<vmem_shared>> -> memref<1x1x2048xi32, #tpu.memory_space<vmem_shared>>
        %dma_start3A_1165 = tpu.memref_squeeze %dma_start3A_1164 : memref<1x1x2048xi32, #tpu.memory_space<vmem_shared>> -> memref<2048xi32, #tpu.memory_space<vmem_shared>>
        %dma_start3A_1166 = arith.constant 12288 : i32
        %dma_start3A_1167 = tpu.memref_slice %arg2[%add3A_1112, %dma_start3A_1166] : memref<26x16384xi32, #tpu.memory_space<hbm>> -> memref<1x2048xi32, #tpu.memory_space<hbm>>
        %dma_start3A_1168 = tpu.memref_squeeze %dma_start3A_1167 : memref<1x2048xi32, #tpu.memory_space<hbm>> -> memref<2048xi32, #tpu.memory_space<hbm>>
        tpu.enqueue_dma source(%dma_start3A_1168 : memref<2048xi32, #tpu.memory_space<hbm>>) target(%dma_start3A_1165 : memref<2048xi32, #tpu.memory_space<vmem_shared>>) target_semaphore(%arg15 : memref<!tpu.dma_semaphore, #tpu.memory_space<semaphore_mem>>)
        %dma_start3A_1169 = arith.constant 0 : i32
        %dma_start3A_1170 = arith.constant 7 : i32
        %dma_start3A_1171 = arith.constant 0 : i32
        %dma_start3A_1172 = tpu.memref_slice %arg11[%dma_start3A_1169, %dma_start3A_1170, %dma_start3A_1171] : memref<2x8x2048xi32, #tpu.memory_space<vmem_shared>> -> memref<1x1x2048xi32, #tpu.memory_space<vmem_shared>>
        %dma_start3A_1173 = tpu.memref_squeeze %dma_start3A_1172 : memref<1x1x2048xi32, #tpu.memory_space<vmem_shared>> -> memref<2048xi32, #tpu.memory_space<vmem_shared>>
        %dma_start3A_1174 = arith.constant 14336 : i32
        %dma_start3A_1175 = tpu.memref_slice %arg2[%add3A_1112, %dma_start3A_1174] : memref<26x16384xi32, #tpu.memory_space<hbm>> -> memref<1x2048xi32, #tpu.memory_space<hbm>>
        %dma_start3A_1176 = tpu.memref_squeeze %dma_start3A_1175 : memref<1x2048xi32, #tpu.memory_space<hbm>> -> memref<2048xi32, #tpu.memory_space<hbm>>
        tpu.enqueue_dma source(%dma_start3A_1176 : memref<2048xi32, #tpu.memory_space<hbm>>) target(%dma_start3A_1173 : memref<2048xi32, #tpu.memory_space<vmem_shared>>) target_semaphore(%arg15 : memref<!tpu.dma_semaphore, #tpu.memory_space<semaphore_mem>>)
      } else {
      }
      %dma_wait3A_637 = arith.constant 0 : i32
      %dma_wait3A_638 = arith.constant 0 : i32
      %dma_wait3A_639 = arith.constant 0 : i32
      %dma_wait3A_640 = tpu.memref_slice %arg8[%dma_wait3A_639] : memref<16384xi32, #tpu.memory_space<vmem>> -> memref<2048xi32, #tpu.memory_space<vmem>>
      %dma_wait3A_641 = arith.constant 0 : i32
      %dma_wait3A_642 = tpu.memref_slice %arg11[%dma_wait3A_637, %dma_wait3A_638, %dma_wait3A_641] : memref<2x8x2048xi32, #tpu.memory_space<vmem_shared>> -> memref<1x1x2048xi32, #tpu.memory_space<vmem_shared>>
      %dma_wait3A_643 = tpu.memref_squeeze %dma_wait3A_642 : memref<1x1x2048xi32, #tpu.memory_space<vmem_shared>> -> memref<2048xi32, #tpu.memory_space<vmem_shared>>
      %dma_wait3A_644 = arith.constant 0 : i32
      %dma_wait3A_645 = tpu.memref_slice %arg8[%dma_wait3A_644] : memref<16384xi32, #tpu.memory_space<vmem>> -> memref<2048xi32, #tpu.memory_space<vmem>>
      %dma_wait3A_646 = arith.constant 0 : i32
      %dma_wait3A_647 = tpu.memref_slice %arg11[%dma_wait3A_637, %dma_wait3A_638, %dma_wait3A_646] : memref<2x8x2048xi32, #tpu.memory_space<vmem_shared>> -> memref<1x1x2048xi32, #tpu.memory_space<vmem_shared>>
      %dma_wait3A_648 = tpu.memref_squeeze %dma_wait3A_647 : memref<1x1x2048xi32, #tpu.memory_space<vmem_shared>> -> memref<2048xi32, #tpu.memory_space<vmem_shared>>
      tpu.wait_dma2 semaphore(%arg13 : memref<!tpu.dma_semaphore, #tpu.memory_space<semaphore_mem>>) src(%dma_wait3A_648 : memref<2048xi32, #tpu.memory_space<vmem_shared>>) dst(%dma_wait3A_645 : memref<2048xi32, #tpu.memory_space<vmem>>)
      %dma_wait3A_649 = arith.constant 0 : i32
      %dma_wait3A_650 = arith.constant 0 : i32
      %dma_wait3A_651 = arith.constant 0 : i32
      %dma_wait3A_652 = tpu.memref_slice %arg8[%dma_wait3A_651] : memref<16384xi32, #tpu.memory_space<vmem>> -> memref<2048xi32, #tpu.memory_space<vmem>>
      %dma_wait3A_653 = arith.constant 0 : i32
      %dma_wait3A_654 = tpu.memref_slice %arg11[%dma_wait3A_649, %dma_wait3A_650, %dma_wait3A_653] : memref<2x8x2048xi32, #tpu.memory_space<vmem_shared>> -> memref<1x1x2048xi32, #tpu.memory_space<vmem_shared>>
      %dma_wait3A_655 = tpu.memref_squeeze %dma_wait3A_654 : memref<1x1x2048xi32, #tpu.memory_space<vmem_shared>> -> memref<2048xi32, #tpu.memory_space<vmem_shared>>
      %dma_wait3A_656 = arith.constant 0 : i32
      %dma_wait3A_657 = tpu.memref_slice %arg8[%dma_wait3A_656] : memref<16384xi32, #tpu.memory_space<vmem>> -> memref<2048xi32, #tpu.memory_space<vmem>>
      %dma_wait3A_658 = arith.constant 0 : i32
      %dma_wait3A_659 = tpu.memref_slice %arg11[%dma_wait3A_649, %dma_wait3A_650, %dma_wait3A_658] : memref<2x8x2048xi32, #tpu.memory_space<vmem_shared>> -> memref<1x1x2048xi32, #tpu.memory_space<vmem_shared>>
      %dma_wait3A_660 = tpu.memref_squeeze %dma_wait3A_659 : memref<1x1x2048xi32, #tpu.memory_space<vmem_shared>> -> memref<2048xi32, #tpu.memory_space<vmem_shared>>
      tpu.wait_dma2 semaphore(%arg13 : memref<!tpu.dma_semaphore, #tpu.memory_space<semaphore_mem>>) src(%dma_wait3A_660 : memref<2048xi32, #tpu.memory_space<vmem_shared>>) dst(%dma_wait3A_657 : memref<2048xi32, #tpu.memory_space<vmem>>)
      %dma_wait3A_661 = arith.constant 0 : i32
      %dma_wait3A_662 = arith.constant 0 : i32
      %dma_wait3A_663 = arith.constant 0 : i32
      %dma_wait3A_664 = tpu.memref_slice %arg8[%dma_wait3A_663] : memref<16384xi32, #tpu.memory_space<vmem>> -> memref<2048xi32, #tpu.memory_space<vmem>>
      %dma_wait3A_665 = arith.constant 0 : i32
      %dma_wait3A_666 = tpu.memref_slice %arg11[%dma_wait3A_661, %dma_wait3A_662, %dma_wait3A_665] : memref<2x8x2048xi32, #tpu.memory_space<vmem_shared>> -> memref<1x1x2048xi32, #tpu.memory_space<vmem_shared>>
      %dma_wait3A_667 = tpu.memref_squeeze %dma_wait3A_666 : memref<1x1x2048xi32, #tpu.memory_space<vmem_shared>> -> memref<2048xi32, #tpu.memory_space<vmem_shared>>
      %dma_wait3A_668 = arith.constant 0 : i32
      %dma_wait3A_669 = tpu.memref_slice %arg8[%dma_wait3A_668] : memref<16384xi32, #tpu.memory_space<vmem>> -> memref<2048xi32, #tpu.memory_space<vmem>>
      %dma_wait3A_670 = arith.constant 0 : i32
      %dma_wait3A_671 = tpu.memref_slice %arg11[%dma_wait3A_661, %dma_wait3A_662, %dma_wait3A_670] : memref<2x8x2048xi32, #tpu.memory_space<vmem_shared>> -> memref<1x1x2048xi32, #tpu.memory_space<vmem_shared>>
      %dma_wait3A_672 = tpu.memref_squeeze %dma_wait3A_671 : memref<1x1x2048xi32, #tpu.memory_space<vmem_shared>> -> memref<2048xi32, #tpu.memory_space<vmem_shared>>
      tpu.wait_dma2 semaphore(%arg13 : memref<!tpu.dma_semaphore, #tpu.memory_space<semaphore_mem>>) src(%dma_wait3A_672 : memref<2048xi32, #tpu.memory_space<vmem_shared>>) dst(%dma_wait3A_669 : memref<2048xi32, #tpu.memory_space<vmem>>)
      %dma_wait3A_673 = arith.constant 0 : i32
      %dma_wait3A_674 = arith.constant 0 : i32
      %dma_wait3A_675 = arith.constant 0 : i32
      %dma_wait3A_676 = tpu.memref_slice %arg8[%dma_wait3A_675] : memref<16384xi32, #tpu.memory_space<vmem>> -> memref<2048xi32, #tpu.memory_space<vmem>>
      %dma_wait3A_677 = arith.constant 0 : i32
      %dma_wait3A_678 = tpu.memref_slice %arg11[%dma_wait3A_673, %dma_wait3A_674, %dma_wait3A_677] : memref<2x8x2048xi32, #tpu.memory_space<vmem_shared>> -> memref<1x1x2048xi32, #tpu.memory_space<vmem_shared>>
      %dma_wait3A_679 = tpu.memref_squeeze %dma_wait3A_678 : memref<1x1x2048xi32, #tpu.memory_space<vmem_shared>> -> memref<2048xi32, #tpu.memory_space<vmem_shared>>
      %dma_wait3A_680 = arith.constant 0 : i32
      %dma_wait3A_681 = tpu.memref_slice %arg8[%dma_wait3A_680] : memref<16384xi32, #tpu.memory_space<vmem>> -> memref<2048xi32, #tpu.memory_space<vmem>>
      %dma_wait3A_682 = arith.constant 0 : i32
      %dma_wait3A_683 = tpu.memref_slice %arg11[%dma_wait3A_673, %dma_wait3A_674, %dma_wait3A_682] : memref<2x8x2048xi32, #tpu.memory_space<vmem_shared>> -> memref<1x1x2048xi32, #tpu.memory_space<vmem_shared>>
      %dma_wait3A_684 = tpu.memref_squeeze %dma_wait3A_683 : memref<1x1x2048xi32, #tpu.memory_space<vmem_shared>> -> memref<2048xi32, #tpu.memory_space<vmem_shared>>
      tpu.wait_dma2 semaphore(%arg13 : memref<!tpu.dma_semaphore, #tpu.memory_space<semaphore_mem>>) src(%dma_wait3A_684 : memref<2048xi32, #tpu.memory_space<vmem_shared>>) dst(%dma_wait3A_681 : memref<2048xi32, #tpu.memory_space<vmem>>)
      %dma_wait3A_685 = arith.constant 0 : i32
      %dma_wait3A_686 = arith.constant 0 : i32
      %dma_wait3A_687 = arith.constant 0 : i32
      %dma_wait3A_688 = tpu.memref_slice %arg8[%dma_wait3A_687] : memref<16384xi32, #tpu.memory_space<vmem>> -> memref<2048xi32, #tpu.memory_space<vmem>>
      %dma_wait3A_689 = arith.constant 0 : i32
      %dma_wait3A_690 = tpu.memref_slice %arg11[%dma_wait3A_685, %dma_wait3A_686, %dma_wait3A_689] : memref<2x8x2048xi32, #tpu.memory_space<vmem_shared>> -> memref<1x1x2048xi32, #tpu.memory_space<vmem_shared>>
      %dma_wait3A_691 = tpu.memref_squeeze %dma_wait3A_690 : memref<1x1x2048xi32, #tpu.memory_space<vmem_shared>> -> memref<2048xi32, #tpu.memory_space<vmem_shared>>
      %dma_wait3A_692 = arith.constant 0 : i32
      %dma_wait3A_693 = tpu.memref_slice %arg8[%dma_wait3A_692] : memref<16384xi32, #tpu.memory_space<vmem>> -> memref<2048xi32, #tpu.memory_space<vmem>>
      %dma_wait3A_694 = arith.constant 0 : i32
      %dma_wait3A_695 = tpu.memref_slice %arg11[%dma_wait3A_685, %dma_wait3A_686, %dma_wait3A_694] : memref<2x8x2048xi32, #tpu.memory_space<vmem_shared>> -> memref<1x1x2048xi32, #tpu.memory_space<vmem_shared>>
      %dma_wait3A_696 = tpu.memref_squeeze %dma_wait3A_695 : memref<1x1x2048xi32, #tpu.memory_space<vmem_shared>> -> memref<2048xi32, #tpu.memory_space<vmem_shared>>
      tpu.wait_dma2 semaphore(%arg13 : memref<!tpu.dma_semaphore, #tpu.memory_space<semaphore_mem>>) src(%dma_wait3A_696 : memref<2048xi32, #tpu.memory_space<vmem_shared>>) dst(%dma_wait3A_693 : memref<2048xi32, #tpu.memory_space<vmem>>)
      %dma_wait3A_697 = arith.constant 0 : i32
      %dma_wait3A_698 = arith.constant 0 : i32
      %dma_wait3A_699 = arith.constant 0 : i32
      %dma_wait3A_700 = tpu.memref_slice %arg8[%dma_wait3A_699] : memref<16384xi32, #tpu.memory_space<vmem>> -> memref<2048xi32, #tpu.memory_space<vmem>>
      %dma_wait3A_701 = arith.constant 0 : i32
      %dma_wait3A_702 = tpu.memref_slice %arg11[%dma_wait3A_697, %dma_wait3A_698, %dma_wait3A_701] : memref<2x8x2048xi32, #tpu.memory_space<vmem_shared>> -> memref<1x1x2048xi32, #tpu.memory_space<vmem_shared>>
      %dma_wait3A_703 = tpu.memref_squeeze %dma_wait3A_702 : memref<1x1x2048xi32, #tpu.memory_space<vmem_shared>> -> memref<2048xi32, #tpu.memory_space<vmem_shared>>
      %dma_wait3A_704 = arith.constant 0 : i32
      %dma_wait3A_705 = tpu.memref_slice %arg8[%dma_wait3A_704] : memref<16384xi32, #tpu.memory_space<vmem>> -> memref<2048xi32, #tpu.memory_space<vmem>>
      %dma_wait3A_706 = arith.constant 0 : i32
      %dma_wait3A_707 = tpu.memref_slice %arg11[%dma_wait3A_697, %dma_wait3A_698, %dma_wait3A_706] : memref<2x8x2048xi32, #tpu.memory_space<vmem_shared>> -> memref<1x1x2048xi32, #tpu.memory_space<vmem_shared>>
      %dma_wait3A_708 = tpu.memref_squeeze %dma_wait3A_707 : memref<1x1x2048xi32, #tpu.memory_space<vmem_shared>> -> memref<2048xi32, #tpu.memory_space<vmem_shared>>
      tpu.wait_dma2 semaphore(%arg13 : memref<!tpu.dma_semaphore, #tpu.memory_space<semaphore_mem>>) src(%dma_wait3A_708 : memref<2048xi32, #tpu.memory_space<vmem_shared>>) dst(%dma_wait3A_705 : memref<2048xi32, #tpu.memory_space<vmem>>)
      %dma_wait3A_709 = arith.constant 0 : i32
      %dma_wait3A_710 = arith.constant 0 : i32
      %dma_wait3A_711 = arith.constant 0 : i32
      %dma_wait3A_712 = tpu.memref_slice %arg8[%dma_wait3A_711] : memref<16384xi32, #tpu.memory_space<vmem>> -> memref<2048xi32, #tpu.memory_space<vmem>>
      %dma_wait3A_713 = arith.constant 0 : i32
      %dma_wait3A_714 = tpu.memref_slice %arg11[%dma_wait3A_709, %dma_wait3A_710, %dma_wait3A_713] : memref<2x8x2048xi32, #tpu.memory_space<vmem_shared>> -> memref<1x1x2048xi32, #tpu.memory_space<vmem_shared>>
      %dma_wait3A_715 = tpu.memref_squeeze %dma_wait3A_714 : memref<1x1x2048xi32, #tpu.memory_space<vmem_shared>> -> memref<2048xi32, #tpu.memory_space<vmem_shared>>
      %dma_wait3A_716 = arith.constant 0 : i32
      %dma_wait3A_717 = tpu.memref_slice %arg8[%dma_wait3A_716] : memref<16384xi32, #tpu.memory_space<vmem>> -> memref<2048xi32, #tpu.memory_space<vmem>>
      %dma_wait3A_718 = arith.constant 0 : i32
      %dma_wait3A_719 = tpu.memref_slice %arg11[%dma_wait3A_709, %dma_wait3A_710, %dma_wait3A_718] : memref<2x8x2048xi32, #tpu.memory_space<vmem_shared>> -> memref<1x1x2048xi32, #tpu.memory_space<vmem_shared>>
      %dma_wait3A_720 = tpu.memref_squeeze %dma_wait3A_719 : memref<1x1x2048xi32, #tpu.memory_space<vmem_shared>> -> memref<2048xi32, #tpu.memory_space<vmem_shared>>
      tpu.wait_dma2 semaphore(%arg13 : memref<!tpu.dma_semaphore, #tpu.memory_space<semaphore_mem>>) src(%dma_wait3A_720 : memref<2048xi32, #tpu.memory_space<vmem_shared>>) dst(%dma_wait3A_717 : memref<2048xi32, #tpu.memory_space<vmem>>)
      %dma_wait3A_721 = arith.constant 0 : i32
      %dma_wait3A_722 = arith.constant 0 : i32
      %dma_wait3A_723 = arith.constant 0 : i32
      %dma_wait3A_724 = tpu.memref_slice %arg8[%dma_wait3A_723] : memref<16384xi32, #tpu.memory_space<vmem>> -> memref<2048xi32, #tpu.memory_space<vmem>>
      %dma_wait3A_725 = arith.constant 0 : i32
      %dma_wait3A_726 = tpu.memref_slice %arg11[%dma_wait3A_721, %dma_wait3A_722, %dma_wait3A_725] : memref<2x8x2048xi32, #tpu.memory_space<vmem_shared>> -> memref<1x1x2048xi32, #tpu.memory_space<vmem_shared>>
      %dma_wait3A_727 = tpu.memref_squeeze %dma_wait3A_726 : memref<1x1x2048xi32, #tpu.memory_space<vmem_shared>> -> memref<2048xi32, #tpu.memory_space<vmem_shared>>
      %dma_wait3A_728 = arith.constant 0 : i32
      %dma_wait3A_729 = tpu.memref_slice %arg8[%dma_wait3A_728] : memref<16384xi32, #tpu.memory_space<vmem>> -> memref<2048xi32, #tpu.memory_space<vmem>>
      %dma_wait3A_730 = arith.constant 0 : i32
      %dma_wait3A_731 = tpu.memref_slice %arg11[%dma_wait3A_721, %dma_wait3A_722, %dma_wait3A_730] : memref<2x8x2048xi32, #tpu.memory_space<vmem_shared>> -> memref<1x1x2048xi32, #tpu.memory_space<vmem_shared>>
      %dma_wait3A_732 = tpu.memref_squeeze %dma_wait3A_731 : memref<1x1x2048xi32, #tpu.memory_space<vmem_shared>> -> memref<2048xi32, #tpu.memory_space<vmem_shared>>
      tpu.wait_dma2 semaphore(%arg13 : memref<!tpu.dma_semaphore, #tpu.memory_space<semaphore_mem>>) src(%dma_wait3A_732 : memref<2048xi32, #tpu.memory_space<vmem_shared>>) dst(%dma_wait3A_729 : memref<2048xi32, #tpu.memory_space<vmem>>)
      %dma_wait3A_733 = arith.constant 0 : i32
      %dma_wait3A_734 = arith.constant 0 : i32
      %dma_wait3A_735 = tpu.memref_slice %arg7[%dma_wait3A_734] : memref<33536xf32, #tpu.memory_space<vmem>> -> memref<33280xf32, #tpu.memory_space<vmem>>
      %dma_wait3A_736 = arith.constant 0 : i32
      %dma_wait3A_737 = tpu.memref_slice %arg3[%dma_wait3A_733, %dma_wait3A_736] : memref<832x100000xf32, #tpu.memory_space<hbm>> -> memref<1x33280xf32, #tpu.memory_space<hbm>>
      %dma_wait3A_738 = tpu.memref_squeeze %dma_wait3A_737 : memref<1x33280xf32, #tpu.memory_space<hbm>> -> memref<33280xf32, #tpu.memory_space<hbm>>
      %dma_wait3A_739 = arith.constant 0 : i32
      %dma_wait3A_740 = tpu.memref_slice %arg7[%dma_wait3A_739] : memref<33536xf32, #tpu.memory_space<vmem>> -> memref<33280xf32, #tpu.memory_space<vmem>>
      %dma_wait3A_741 = arith.constant 0 : i32
      %dma_wait3A_742 = tpu.memref_slice %arg3[%dma_wait3A_733, %dma_wait3A_741] : memref<832x100000xf32, #tpu.memory_space<hbm>> -> memref<1x33280xf32, #tpu.memory_space<hbm>>
      %dma_wait3A_743 = tpu.memref_squeeze %dma_wait3A_742 : memref<1x33280xf32, #tpu.memory_space<hbm>> -> memref<33280xf32, #tpu.memory_space<hbm>>
      tpu.wait_dma2 semaphore(%arg12 : memref<!tpu.dma_semaphore, #tpu.memory_space<semaphore_mem>>) src(%dma_wait3A_743 : memref<33280xf32, #tpu.memory_space<hbm>>) dst(%dma_wait3A_740 : memref<33280xf32, #tpu.memory_space<vmem>>)
      %parallel_loop3A_744 = arith.constant 0 : i32
      %parallel_loop3A_745 = arith.constant 1024 : i32
      %parallel_loop3A_746 = arith.constant 1 : i32
      scf.for %parallel_loop3A_1111 = %parallel_loop3A_744 to %parallel_loop3A_745 step %parallel_loop3A_746  : i32 {
        %parallel_loop3A_1112 = arith.constant 16 : i32
        %parallel_loop3A_1113 = arith.muli %parallel_loop3A_1111, %parallel_loop3A_1112 : i32
        %parallel_loop3A_1114 = arith.index_cast %parallel_loop3A_1113 : i32 to index
        %parallel_loop3A_1115 = tpu.vector_load %arg8[%parallel_loop3A_1114] {strides = array<i32>} : memref<16384xi32, #tpu.memory_space<vmem>>, vector<16xi32>,
        %parallel_loop3A_1116 = arith.constant 0 : i32
        %parallel_loop3A_1117 = vector.broadcast %parallel_loop3A_1116 : i32 to vector<16xi32>
        %parallel_loop3A_1118 = arith.subi %parallel_loop3A_1115, %parallel_loop3A_1117 : vector<16xi32>
        %parallel_loop3A_1119 = vector.bitcast %parallel_loop3A_1118 : vector<16xi32> to vector<16xi32>
        %parallel_loop3A_1120 = arith.constant 33280 : i32
        %parallel_loop3A_1121 = vector.broadcast %parallel_loop3A_1120 : i32 to vector<16xi32>
        %parallel_loop3A_1122 = arith.cmpi ult, %parallel_loop3A_1119, %parallel_loop3A_1121 : vector<16xi32>
        %parallel_loop3A_1123 = tpu.vector_load_idx %arg7[%parallel_loop3A_1118] masked %parallel_loop3A_1122 : memref<33536xf32, #tpu.memory_space<vmem>>[vector<16xi32>], vector<16xf32>, vector<16xi1>
        %parallel_loop3A_1124 = arith.constant 0.000000e+00 : f32
        %parallel_loop3A_1125 = vector.broadcast %parallel_loop3A_1124 : f32 to vector<16xf32>
        %parallel_loop3A_1126 = arith.select %parallel_loop3A_1122, %parallel_loop3A_1123, %parallel_loop3A_1125 : vector<16xi1>, vector<16xf32>
        %parallel_loop3A_1127 = arith.index_cast %parallel_loop3A_1113 : i32 to index
        %parallel_loop3A_1128 = tpu.vector_load %arg9[%parallel_loop3A_1127] {strides = array<i32>} : memref<16384xf32, #tpu.memory_space<vmem>>, vector<16xf32>,
        tpu.vector_store %arg9[%parallel_loop3A_1127], %parallel_loop3A_1126 {strides = array<i32>} : memref<16384xf32, #tpu.memory_space<vmem>>, vector<16xf32>,
      } {sc.loop_unroll_factor = 8 : i64, sc.parallel_access}
      %mul3A_747 = arith.constant 32 : i32
      %mul3A_748 = arith.muli %add3A_628, %mul3A_747 : i32
      %add3A_749 = arith.addi %mul3A_748, %add3A : i32
      %dma_start3A_750 = arith.constant 0 : i32
      %dma_start3A_751 = tpu.memref_slice %arg7[%dma_start3A_750] : memref<33536xf32, #tpu.memory_space<vmem>> -> memref<33408xf32, #tpu.memory_space<vmem>>
      %dma_start3A_752 = arith.constant 66560 : i32
      %dma_start3A_753 = tpu.memref_slice %arg3[%add3A_749, %dma_start3A_752] : memref<832x100000xf32, #tpu.memory_space<hbm>> -> memref<1x33408xf32, #tpu.memory_space<hbm>>
      %dma_start3A_754 = tpu.memref_squeeze %dma_start3A_753 : memref<1x33408xf32, #tpu.memory_space<hbm>> -> memref<33408xf32, #tpu.memory_space<hbm>>
      %dma_start3A_755 = arith.constant 0 : i32
      %dma_start3A_756 = tpu.memref_slice %arg7[%dma_start3A_755] : memref<33536xf32, #tpu.memory_space<vmem>> -> memref<33408xf32, #tpu.memory_space<vmem>>
      %dma_start3A_757 = arith.constant 66560 : i32
      %dma_start3A_758 = tpu.memref_slice %arg3[%add3A_749, %dma_start3A_757] : memref<832x100000xf32, #tpu.memory_space<hbm>> -> memref<1x33408xf32, #tpu.memory_space<hbm>>
      %dma_start3A_759 = tpu.memref_squeeze %dma_start3A_758 : memref<1x33408xf32, #tpu.memory_space<hbm>> -> memref<33408xf32, #tpu.memory_space<hbm>>
      tpu.enqueue_dma source(%dma_start3A_759 : memref<33408xf32, #tpu.memory_space<hbm>>) target(%dma_start3A_756 : memref<33408xf32, #tpu.memory_space<vmem>>) target_semaphore(%arg12 : memref<!tpu.dma_semaphore, #tpu.memory_space<semaphore_mem>>)
      %dma_start3A_760 = arith.constant 33408 : i32
      %dma_start3A_761 = tpu.memref_slice %arg7[%dma_start3A_760] : memref<33536xf32, #tpu.memory_space<vmem>> -> memref<128xf32, #tpu.memory_space<vmem>>
      %dma_start3A_762 = arith.constant 0 : i32
      %dma_start3A_763 = tpu.memref_slice %arg4[%add3A_628, %add3A, %dma_start3A_762] : memref<26x32x128xf32, #tpu.memory_space<hbm>> -> memref<1x1x128xf32, #tpu.memory_space<hbm>>
      %dma_start3A_764 = tpu.memref_squeeze %dma_start3A_763 : memref<1x1x128xf32, #tpu.memory_space<hbm>> -> memref<128xf32, #tpu.memory_space<hbm>>
      %dma_start3A_765 = arith.constant 33408 : i32
      %dma_start3A_766 = tpu.memref_slice %arg7[%dma_start3A_765] : memref<33536xf32, #tpu.memory_space<vmem>> -> memref<128xf32, #tpu.memory_space<vmem>>
      %dma_start3A_767 = arith.constant 0 : i32
      %dma_start3A_768 = tpu.memref_slice %arg4[%add3A_628, %add3A, %dma_start3A_767] : memref<26x32x128xf32, #tpu.memory_space<hbm>> -> memref<1x1x128xf32, #tpu.memory_space<hbm>>
      %dma_start3A_769 = tpu.memref_squeeze %dma_start3A_768 : memref<1x1x128xf32, #tpu.memory_space<hbm>> -> memref<128xf32, #tpu.memory_space<hbm>>
      tpu.enqueue_dma source(%dma_start3A_769 : memref<128xf32, #tpu.memory_space<hbm>>) target(%dma_start3A_766 : memref<128xf32, #tpu.memory_space<vmem>>) target_semaphore(%arg12 : memref<!tpu.dma_semaphore, #tpu.memory_space<semaphore_mem>>)
      %dma_wait3A_770 = arith.constant 0 : i32
      %dma_wait3A_771 = arith.constant 0 : i32
      %dma_wait3A_772 = tpu.memref_slice %arg6[%dma_wait3A_771] : memref<33536xf32, #tpu.memory_space<vmem>> -> memref<33280xf32, #tpu.memory_space<vmem>>
      %dma_wait3A_773 = arith.constant 0 : i32
      %dma_wait3A_774 = tpu.memref_slice %arg3[%dma_wait3A_770, %dma_wait3A_773] : memref<832x100000xf32, #tpu.memory_space<hbm>> -> memref<1x33280xf32, #tpu.memory_space<hbm>>
      %dma_wait3A_775 = tpu.memref_squeeze %dma_wait3A_774 : memref<1x33280xf32, #tpu.memory_space<hbm>> -> memref<33280xf32, #tpu.memory_space<hbm>>
      %dma_wait3A_776 = arith.constant 0 : i32
      %dma_wait3A_777 = tpu.memref_slice %arg6[%dma_wait3A_776] : memref<33536xf32, #tpu.memory_space<vmem>> -> memref<33280xf32, #tpu.memory_space<vmem>>
      %dma_wait3A_778 = arith.constant 0 : i32
      %dma_wait3A_779 = tpu.memref_slice %arg3[%dma_wait3A_770, %dma_wait3A_778] : memref<832x100000xf32, #tpu.memory_space<hbm>> -> memref<1x33280xf32, #tpu.memory_space<hbm>>
      %dma_wait3A_780 = tpu.memref_squeeze %dma_wait3A_779 : memref<1x33280xf32, #tpu.memory_space<hbm>> -> memref<33280xf32, #tpu.memory_space<hbm>>
      tpu.wait_dma2 semaphore(%arg12 : memref<!tpu.dma_semaphore, #tpu.memory_space<semaphore_mem>>) src(%dma_wait3A_780 : memref<33280xf32, #tpu.memory_space<hbm>>) dst(%dma_wait3A_777 : memref<33280xf32, #tpu.memory_space<vmem>>)
      %parallel_loop3A_781 = arith.constant 0 : i32
      %parallel_loop3A_782 = arith.constant 1024 : i32
      %parallel_loop3A_783 = arith.constant 1 : i32
      scf.for %parallel_loop3A_1111 = %parallel_loop3A_781 to %parallel_loop3A_782 step %parallel_loop3A_783  : i32 {
        %parallel_loop3A_1112 = arith.constant 16 : i32
        %parallel_loop3A_1113 = arith.muli %parallel_loop3A_1111, %parallel_loop3A_1112 : i32
        %parallel_loop3A_1114 = arith.index_cast %parallel_loop3A_1113 : i32 to index
        %parallel_loop3A_1115 = tpu.vector_load %arg8[%parallel_loop3A_1114] {strides = array<i32>} : memref<16384xi32, #tpu.memory_space<vmem>>, vector<16xi32>,
        %parallel_loop3A_1116 = arith.constant 33280 : i32
        %parallel_loop3A_1117 = vector.broadcast %parallel_loop3A_1116 : i32 to vector<16xi32>
        %parallel_loop3A_1118 = arith.subi %parallel_loop3A_1115, %parallel_loop3A_1117 : vector<16xi32>
        %parallel_loop3A_1119 = vector.bitcast %parallel_loop3A_1118 : vector<16xi32> to vector<16xi32>
        %parallel_loop3A_1120 = arith.constant 33280 : i32
        %parallel_loop3A_1121 = vector.broadcast %parallel_loop3A_1120 : i32 to vector<16xi32>
        %parallel_loop3A_1122 = arith.cmpi ult, %parallel_loop3A_1119, %parallel_loop3A_1121 : vector<16xi32>
        %parallel_loop3A_1123 = tpu.vector_load_idx %arg6[%parallel_loop3A_1118] masked %parallel_loop3A_1122 : memref<33536xf32, #tpu.memory_space<vmem>>[vector<16xi32>], vector<16xf32>, vector<16xi1>
        %parallel_loop3A_1124 = arith.constant 0.000000e+00 : f32
        %parallel_loop3A_1125 = vector.broadcast %parallel_loop3A_1124 : f32 to vector<16xf32>
        %parallel_loop3A_1126 = arith.select %parallel_loop3A_1122, %parallel_loop3A_1123, %parallel_loop3A_1125 : vector<16xi1>, vector<16xf32>
        %parallel_loop3A_1127 = arith.index_cast %parallel_loop3A_1113 : i32 to index
        %parallel_loop3A_1128 = tpu.vector_load %arg9[%parallel_loop3A_1127] {strides = array<i32>} : memref<16384xf32, #tpu.memory_space<vmem>>, vector<16xf32>,
        tpu.vector_store %arg9[%parallel_loop3A_1127], %parallel_loop3A_1126 {add = true, strides = array<i32>} : memref<16384xf32, #tpu.memory_space<vmem>>, vector<16xf32>,
      } {sc.loop_unroll_factor = 8 : i64, sc.parallel_access}
      %add3A_784 = arith.constant 1 : i32
      %add3A_785 = arith.addi %add3A_628, %add3A_784 : i32
      %lt3A_786 = arith.constant 26 : i32
      %lt3A_787 = arith.cmpi slt, %add3A_785, %lt3A_786 : i32
      %convert_element_type3A_788 = arith.extui %lt3A_787 : i1 to i32
      %cond3A_789 = arith.constant 0 : i32
      %cond3A_790 = arith.cmpi ne, %convert_element_type3A_788, %cond3A_789 : i32
      scf.if %cond3A_790 {
        %add3A_1111 = arith.constant 1 : i32
        %add3A_1112 = arith.addi %add3A_628, %add3A_1111 : i32
        %mul3A_1113 = arith.constant 32 : i32
        %mul3A_1114 = arith.muli %add3A_1112, %mul3A_1113 : i32
        %add3A_1115 = arith.addi %mul3A_1114, %add3A : i32
        %dma_start3A_1116 = arith.constant 0 : i32
        %dma_start3A_1117 = tpu.memref_slice %arg6[%dma_start3A_1116] : memref<33536xf32, #tpu.memory_space<vmem>> -> memref<33280xf32, #tpu.memory_space<vmem>>
        %dma_start3A_1118 = arith.constant 0 : i32
        %dma_start3A_1119 = tpu.memref_slice %arg3[%add3A_1115, %dma_start3A_1118] : memref<832x100000xf32, #tpu.memory_space<hbm>> -> memref<1x33280xf32, #tpu.memory_space<hbm>>
        %dma_start3A_1120 = tpu.memref_squeeze %dma_start3A_1119 : memref<1x33280xf32, #tpu.memory_space<hbm>> -> memref<33280xf32, #tpu.memory_space<hbm>>
        %dma_start3A_1121 = arith.constant 0 : i32
        %dma_start3A_1122 = tpu.memref_slice %arg6[%dma_start3A_1121] : memref<33536xf32, #tpu.memory_space<vmem>> -> memref<33280xf32, #tpu.memory_space<vmem>>
        %dma_start3A_1123 = arith.constant 0 : i32
        %dma_start3A_1124 = tpu.memref_slice %arg3[%add3A_1115, %dma_start3A_1123] : memref<832x100000xf32, #tpu.memory_space<hbm>> -> memref<1x33280xf32, #tpu.memory_space<hbm>>
        %dma_start3A_1125 = tpu.memref_squeeze %dma_start3A_1124 : memref<1x33280xf32, #tpu.memory_space<hbm>> -> memref<33280xf32, #tpu.memory_space<hbm>>
        tpu.enqueue_dma source(%dma_start3A_1125 : memref<33280xf32, #tpu.memory_space<hbm>>) target(%dma_start3A_1122 : memref<33280xf32, #tpu.memory_space<vmem>>) target_semaphore(%arg12 : memref<!tpu.dma_semaphore, #tpu.memory_space<semaphore_mem>>)
      } else {
      }
      %dma_wait3A_791 = arith.constant 0 : i32
      %dma_wait3A_792 = arith.constant 0 : i32
      %dma_wait3A_793 = tpu.memref_slice %arg7[%dma_wait3A_792] : memref<33536xf32, #tpu.memory_space<vmem>> -> memref<33408xf32, #tpu.memory_space<vmem>>
      %dma_wait3A_794 = arith.constant 0 : i32
      %dma_wait3A_795 = tpu.memref_slice %arg3[%dma_wait3A_791, %dma_wait3A_794] : memref<832x100000xf32, #tpu.memory_space<hbm>> -> memref<1x33408xf32, #tpu.memory_space<hbm>>
      %dma_wait3A_796 = tpu.memref_squeeze %dma_wait3A_795 : memref<1x33408xf32, #tpu.memory_space<hbm>> -> memref<33408xf32, #tpu.memory_space<hbm>>
      %dma_wait3A_797 = arith.constant 0 : i32
      %dma_wait3A_798 = tpu.memref_slice %arg7[%dma_wait3A_797] : memref<33536xf32, #tpu.memory_space<vmem>> -> memref<33408xf32, #tpu.memory_space<vmem>>
      %dma_wait3A_799 = arith.constant 0 : i32
      %dma_wait3A_800 = tpu.memref_slice %arg3[%dma_wait3A_791, %dma_wait3A_799] : memref<832x100000xf32, #tpu.memory_space<hbm>> -> memref<1x33408xf32, #tpu.memory_space<hbm>>
      %dma_wait3A_801 = tpu.memref_squeeze %dma_wait3A_800 : memref<1x33408xf32, #tpu.memory_space<hbm>> -> memref<33408xf32, #tpu.memory_space<hbm>>
      tpu.wait_dma2 semaphore(%arg12 : memref<!tpu.dma_semaphore, #tpu.memory_space<semaphore_mem>>) src(%dma_wait3A_801 : memref<33408xf32, #tpu.memory_space<hbm>>) dst(%dma_wait3A_798 : memref<33408xf32, #tpu.memory_space<vmem>>)
      %dma_wait3A_802 = arith.constant 0 : i32
      %dma_wait3A_803 = arith.constant 0 : i32
      %dma_wait3A_804 = arith.constant 33408 : i32
      %dma_wait3A_805 = tpu.memref_slice %arg7[%dma_wait3A_804] : memref<33536xf32, #tpu.memory_space<vmem>> -> memref<128xf32, #tpu.memory_space<vmem>>
      %dma_wait3A_806 = arith.constant 0 : i32
      %dma_wait3A_807 = tpu.memref_slice %arg4[%dma_wait3A_802, %dma_wait3A_803, %dma_wait3A_806] : memref<26x32x128xf32, #tpu.memory_space<hbm>> -> memref<1x1x128xf32, #tpu.memory_space<hbm>>
      %dma_wait3A_808 = tpu.memref_squeeze %dma_wait3A_807 : memref<1x1x128xf32, #tpu.memory_space<hbm>> -> memref<128xf32, #tpu.memory_space<hbm>>
      %dma_wait3A_809 = arith.constant 33408 : i32
      %dma_wait3A_810 = tpu.memref_slice %arg7[%dma_wait3A_809] : memref<33536xf32, #tpu.memory_space<vmem>> -> memref<128xf32, #tpu.memory_space<vmem>>
      %dma_wait3A_811 = arith.constant 0 : i32
      %dma_wait3A_812 = tpu.memref_slice %arg4[%dma_wait3A_802, %dma_wait3A_803, %dma_wait3A_811] : memref<26x32x128xf32, #tpu.memory_space<hbm>> -> memref<1x1x128xf32, #tpu.memory_space<hbm>>
      %dma_wait3A_813 = tpu.memref_squeeze %dma_wait3A_812 : memref<1x1x128xf32, #tpu.memory_space<hbm>> -> memref<128xf32, #tpu.memory_space<hbm>>
      tpu.wait_dma2 semaphore(%arg12 : memref<!tpu.dma_semaphore, #tpu.memory_space<semaphore_mem>>) src(%dma_wait3A_813 : memref<128xf32, #tpu.memory_space<hbm>>) dst(%dma_wait3A_810 : memref<128xf32, #tpu.memory_space<vmem>>)
      %add3A_814 = arith.constant 1 : i32
      %add3A_815 = arith.addi %add3A_628, %add3A_814 : i32
      %lt3A_816 = arith.constant 26 : i32
      %lt3A_817 = arith.cmpi slt, %add3A_815, %lt3A_816 : i32
      %and3A_818 = arith.andi %eq3A_1, %lt3A_817 : i1
      %convert_element_type3A_819 = arith.extui %and3A_818 : i1 to i32
      %cond3A_820 = arith.constant 0 : i32
      %cond3A_821 = arith.cmpi ne, %convert_element_type3A_819, %cond3A_820 : i32
      scf.if %cond3A_821 {
        %dma_wait3A_1111 = arith.constant 0 : i32
        %dma_wait3A_1112 = arith.constant 0 : i32
        %dma_wait3A_1113 = arith.constant 0 : i32
        %dma_wait3A_1114 = arith.constant 0 : i32
        %dma_wait3A_1115 = tpu.memref_slice %arg11[%dma_wait3A_1112, %dma_wait3A_1113, %dma_wait3A_1114] : memref<2x8x2048xi32, #tpu.memory_space<vmem_shared>> -> memref<1x1x2048xi32, #tpu.memory_space<vmem_shared>>
        %dma_wait3A_1116 = tpu.memref_squeeze %dma_wait3A_1115 : memref<1x1x2048xi32, #tpu.memory_space<vmem_shared>> -> memref<2048xi32, #tpu.memory_space<vmem_shared>>
        %dma_wait3A_1117 = arith.constant 0 : i32
        %dma_wait3A_1118 = tpu.memref_slice %arg2[%dma_wait3A_1111, %dma_wait3A_1117] : memref<26x16384xi32, #tpu.memory_space<hbm>> -> memref<1x2048xi32, #tpu.memory_space<hbm>>
        %dma_wait3A_1119 = tpu.memref_squeeze %dma_wait3A_1118 : memref<1x2048xi32, #tpu.memory_space<hbm>> -> memref<2048xi32, #tpu.memory_space<hbm>>
        tpu.wait_dma2 semaphore(%arg15 : memref<!tpu.dma_semaphore, #tpu.memory_space<semaphore_mem>>) src(%dma_wait3A_1119 : memref<2048xi32, #tpu.memory_space<hbm>>) dst(%dma_wait3A_1116 : memref<2048xi32, #tpu.memory_space<vmem_shared>>)
        %dma_wait3A_1120 = arith.constant 0 : i32
        %dma_wait3A_1121 = arith.constant 0 : i32
        %dma_wait3A_1122 = arith.constant 0 : i32
        %dma_wait3A_1123 = arith.constant 0 : i32
        %dma_wait3A_1124 = tpu.memref_slice %arg11[%dma_wait3A_1121, %dma_wait3A_1122, %dma_wait3A_1123] : memref<2x8x2048xi32, #tpu.memory_space<vmem_shared>> -> memref<1x1x2048xi32, #tpu.memory_space<vmem_shared>>
        %dma_wait3A_1125 = tpu.memref_squeeze %dma_wait3A_1124 : memref<1x1x2048xi32, #tpu.memory_space<vmem_shared>> -> memref<2048xi32, #tpu.memory_space<vmem_shared>>
        %dma_wait3A_1126 = arith.constant 0 : i32
        %dma_wait3A_1127 = tpu.memref_slice %arg2[%dma_wait3A_1120, %dma_wait3A_1126] : memref<26x16384xi32, #tpu.memory_space<hbm>> -> memref<1x2048xi32, #tpu.memory_space<hbm>>
        %dma_wait3A_1128 = tpu.memref_squeeze %dma_wait3A_1127 : memref<1x2048xi32, #tpu.memory_space<hbm>> -> memref<2048xi32, #tpu.memory_space<hbm>>
        tpu.wait_dma2 semaphore(%arg15 : memref<!tpu.dma_semaphore, #tpu.memory_space<semaphore_mem>>) src(%dma_wait3A_1128 : memref<2048xi32, #tpu.memory_space<hbm>>) dst(%dma_wait3A_1125 : memref<2048xi32, #tpu.memory_space<vmem_shared>>)
        %dma_wait3A_1129 = arith.constant 0 : i32
        %dma_wait3A_1130 = arith.constant 0 : i32
        %dma_wait3A_1131 = arith.constant 0 : i32
        %dma_wait3A_1132 = arith.constant 0 : i32
        %dma_wait3A_1133 = tpu.memref_slice %arg11[%dma_wait3A_1130, %dma_wait3A_1131, %dma_wait3A_1132] : memref<2x8x2048xi32, #tpu.memory_space<vmem_shared>> -> memref<1x1x2048xi32, #tpu.memory_space<vmem_shared>>
        %dma_wait3A_1134 = tpu.memref_squeeze %dma_wait3A_1133 : memref<1x1x2048xi32, #tpu.memory_space<vmem_shared>> -> memref<2048xi32, #tpu.memory_space<vmem_shared>>
        %dma_wait3A_1135 = arith.constant 0 : i32
        %dma_wait3A_1136 = tpu.memref_slice %arg2[%dma_wait3A_1129, %dma_wait3A_1135] : memref<26x16384xi32, #tpu.memory_space<hbm>> -> memref<1x2048xi32, #tpu.memory_space<hbm>>
        %dma_wait3A_1137 = tpu.memref_squeeze %dma_wait3A_1136 : memref<1x2048xi32, #tpu.memory_space<hbm>> -> memref<2048xi32, #tpu.memory_space<hbm>>
        tpu.wait_dma2 semaphore(%arg15 : memref<!tpu.dma_semaphore, #tpu.memory_space<semaphore_mem>>) src(%dma_wait3A_1137 : memref<2048xi32, #tpu.memory_space<hbm>>) dst(%dma_wait3A_1134 : memref<2048xi32, #tpu.memory_space<vmem_shared>>)
        %dma_wait3A_1138 = arith.constant 0 : i32
        %dma_wait3A_1139 = arith.constant 0 : i32
        %dma_wait3A_1140 = arith.constant 0 : i32
        %dma_wait3A_1141 = arith.constant 0 : i32
        %dma_wait3A_1142 = tpu.memref_slice %arg11[%dma_wait3A_1139, %dma_wait3A_1140, %dma_wait3A_1141] : memref<2x8x2048xi32, #tpu.memory_space<vmem_shared>> -> memref<1x1x2048xi32, #tpu.memory_space<vmem_shared>>
        %dma_wait3A_1143 = tpu.memref_squeeze %dma_wait3A_1142 : memref<1x1x2048xi32, #tpu.memory_space<vmem_shared>> -> memref<2048xi32, #tpu.memory_space<vmem_shared>>
        %dma_wait3A_1144 = arith.constant 0 : i32
        %dma_wait3A_1145 = tpu.memref_slice %arg2[%dma_wait3A_1138, %dma_wait3A_1144] : memref<26x16384xi32, #tpu.memory_space<hbm>> -> memref<1x2048xi32, #tpu.memory_space<hbm>>
        %dma_wait3A_1146 = tpu.memref_squeeze %dma_wait3A_1145 : memref<1x2048xi32, #tpu.memory_space<hbm>> -> memref<2048xi32, #tpu.memory_space<hbm>>
        tpu.wait_dma2 semaphore(%arg15 : memref<!tpu.dma_semaphore, #tpu.memory_space<semaphore_mem>>) src(%dma_wait3A_1146 : memref<2048xi32, #tpu.memory_space<hbm>>) dst(%dma_wait3A_1143 : memref<2048xi32, #tpu.memory_space<vmem_shared>>)
        %dma_wait3A_1147 = arith.constant 0 : i32
        %dma_wait3A_1148 = arith.constant 0 : i32
        %dma_wait3A_1149 = arith.constant 0 : i32
        %dma_wait3A_1150 = arith.constant 0 : i32
        %dma_wait3A_1151 = tpu.memref_slice %arg11[%dma_wait3A_1148, %dma_wait3A_1149, %dma_wait3A_1150] : memref<2x8x2048xi32, #tpu.memory_space<vmem_shared>> -> memref<1x1x2048xi32, #tpu.memory_space<vmem_shared>>
        %dma_wait3A_1152 = tpu.memref_squeeze %dma_wait3A_1151 : memref<1x1x2048xi32, #tpu.memory_space<vmem_shared>> -> memref<2048xi32, #tpu.memory_space<vmem_shared>>
        %dma_wait3A_1153 = arith.constant 0 : i32
        %dma_wait3A_1154 = tpu.memref_slice %arg2[%dma_wait3A_1147, %dma_wait3A_1153] : memref<26x16384xi32, #tpu.memory_space<hbm>> -> memref<1x2048xi32, #tpu.memory_space<hbm>>
        %dma_wait3A_1155 = tpu.memref_squeeze %dma_wait3A_1154 : memref<1x2048xi32, #tpu.memory_space<hbm>> -> memref<2048xi32, #tpu.memory_space<hbm>>
        tpu.wait_dma2 semaphore(%arg15 : memref<!tpu.dma_semaphore, #tpu.memory_space<semaphore_mem>>) src(%dma_wait3A_1155 : memref<2048xi32, #tpu.memory_space<hbm>>) dst(%dma_wait3A_1152 : memref<2048xi32, #tpu.memory_space<vmem_shared>>)
        %dma_wait3A_1156 = arith.constant 0 : i32
        %dma_wait3A_1157 = arith.constant 0 : i32
        %dma_wait3A_1158 = arith.constant 0 : i32
        %dma_wait3A_1159 = arith.constant 0 : i32
        %dma_wait3A_1160 = tpu.memref_slice %arg11[%dma_wait3A_1157, %dma_wait3A_1158, %dma_wait3A_1159] : memref<2x8x2048xi32, #tpu.memory_space<vmem_shared>> -> memref<1x1x2048xi32, #tpu.memory_space<vmem_shared>>
        %dma_wait3A_1161 = tpu.memref_squeeze %dma_wait3A_1160 : memref<1x1x2048xi32, #tpu.memory_space<vmem_shared>> -> memref<2048xi32, #tpu.memory_space<vmem_shared>>
        %dma_wait3A_1162 = arith.constant 0 : i32
        %dma_wait3A_1163 = tpu.memref_slice %arg2[%dma_wait3A_1156, %dma_wait3A_1162] : memref<26x16384xi32, #tpu.memory_space<hbm>> -> memref<1x2048xi32, #tpu.memory_space<hbm>>
        %dma_wait3A_1164 = tpu.memref_squeeze %dma_wait3A_1163 : memref<1x2048xi32, #tpu.memory_space<hbm>> -> memref<2048xi32, #tpu.memory_space<hbm>>
        tpu.wait_dma2 semaphore(%arg15 : memref<!tpu.dma_semaphore, #tpu.memory_space<semaphore_mem>>) src(%dma_wait3A_1164 : memref<2048xi32, #tpu.memory_space<hbm>>) dst(%dma_wait3A_1161 : memref<2048xi32, #tpu.memory_space<vmem_shared>>)
        %dma_wait3A_1165 = arith.constant 0 : i32
        %dma_wait3A_1166 = arith.constant 0 : i32
        %dma_wait3A_1167 = arith.constant 0 : i32
        %dma_wait3A_1168 = arith.constant 0 : i32
        %dma_wait3A_1169 = tpu.memref_slice %arg11[%dma_wait3A_1166, %dma_wait3A_1167, %dma_wait3A_1168] : memref<2x8x2048xi32, #tpu.memory_space<vmem_shared>> -> memref<1x1x2048xi32, #tpu.memory_space<vmem_shared>>
        %dma_wait3A_1170 = tpu.memref_squeeze %dma_wait3A_1169 : memref<1x1x2048xi32, #tpu.memory_space<vmem_shared>> -> memref<2048xi32, #tpu.memory_space<vmem_shared>>
        %dma_wait3A_1171 = arith.constant 0 : i32
        %dma_wait3A_1172 = tpu.memref_slice %arg2[%dma_wait3A_1165, %dma_wait3A_1171] : memref<26x16384xi32, #tpu.memory_space<hbm>> -> memref<1x2048xi32, #tpu.memory_space<hbm>>
        %dma_wait3A_1173 = tpu.memref_squeeze %dma_wait3A_1172 : memref<1x2048xi32, #tpu.memory_space<hbm>> -> memref<2048xi32, #tpu.memory_space<hbm>>
        tpu.wait_dma2 semaphore(%arg15 : memref<!tpu.dma_semaphore, #tpu.memory_space<semaphore_mem>>) src(%dma_wait3A_1173 : memref<2048xi32, #tpu.memory_space<hbm>>) dst(%dma_wait3A_1170 : memref<2048xi32, #tpu.memory_space<vmem_shared>>)
        %dma_wait3A_1174 = arith.constant 0 : i32
        %dma_wait3A_1175 = arith.constant 0 : i32
        %dma_wait3A_1176 = arith.constant 0 : i32
        %dma_wait3A_1177 = arith.constant 0 : i32
        %dma_wait3A_1178 = tpu.memref_slice %arg11[%dma_wait3A_1175, %dma_wait3A_1176, %dma_wait3A_1177] : memref<2x8x2048xi32, #tpu.memory_space<vmem_shared>> -> memref<1x1x2048xi32, #tpu.memory_space<vmem_shared>>
        %dma_wait3A_1179 = tpu.memref_squeeze %dma_wait3A_1178 : memref<1x1x2048xi32, #tpu.memory_space<vmem_shared>> -> memref<2048xi32, #tpu.memory_space<vmem_shared>>
        %dma_wait3A_1180 = arith.constant 0 : i32
        %dma_wait3A_1181 = tpu.memref_slice %arg2[%dma_wait3A_1174, %dma_wait3A_1180] : memref<26x16384xi32, #tpu.memory_space<hbm>> -> memref<1x2048xi32, #tpu.memory_space<hbm>>
        %dma_wait3A_1182 = tpu.memref_squeeze %dma_wait3A_1181 : memref<1x2048xi32, #tpu.memory_space<hbm>> -> memref<2048xi32, #tpu.memory_space<hbm>>
        tpu.wait_dma2 semaphore(%arg15 : memref<!tpu.dma_semaphore, #tpu.memory_space<semaphore_mem>>) src(%dma_wait3A_1182 : memref<2048xi32, #tpu.memory_space<hbm>>) dst(%dma_wait3A_1179 : memref<2048xi32, #tpu.memory_space<vmem_shared>>)
      } else {
      }
      %barrier3A_822 = arith.constant 0 : index
      tpu.barrier barrier_id(%barrier3A_822)
      %mul3A_823 = arith.constant 32 : i32
      %mul3A_824 = arith.muli %add3A_628, %mul3A_823 : i32
      %add3A_825 = arith.addi %mul3A_824, %add3A : i32
      %ge3A_826 = arith.constant 1 : i32
      %ge3A_827 = arith.cmpi sge, %add3A_628, %ge3A_826 : i32
      %convert_element_type3A_828 = arith.extui %ge3A_827 : i1 to i32
      %cond3A_829 = arith.constant 0 : i32
      %cond3A_830 = arith.cmpi ne, %convert_element_type3A_828, %cond3A_829 : i32
      scf.if %cond3A_830 {
        %dma_wait3A_1111 = arith.constant 0 : i32
        %dma_wait3A_1112 = arith.constant 0 : i32
        %dma_wait3A_1113 = arith.constant 0 : i32
        %dma_wait3A_1114 = tpu.memref_slice %arg10[%dma_wait3A_1111, %dma_wait3A_1113] : memref<2x2048xf32, #tpu.memory_space<vmem>> -> memref<1x2048xf32, #tpu.memory_space<vmem>>
        %dma_wait3A_1115 = tpu.memref_squeeze %dma_wait3A_1114 : memref<1x2048xf32, #tpu.memory_space<vmem>> -> memref<2048xf32, #tpu.memory_space<vmem>>
        %dma_wait3A_1116 = arith.constant 0 : i32
        %dma_wait3A_1117 = tpu.memref_slice %arg5[%dma_wait3A_1112, %dma_wait3A_1116] : memref<832x16384xf32, #tpu.memory_space<hbm>> -> memref<1x2048xf32, #tpu.memory_space<hbm>>
        %dma_wait3A_1118 = tpu.memref_squeeze %dma_wait3A_1117 : memref<1x2048xf32, #tpu.memory_space<hbm>> -> memref<2048xf32, #tpu.memory_space<hbm>>
        %dma_wait3A_1119 = arith.constant 0 : i32
        %dma_wait3A_1120 = tpu.memref_slice %arg5[%dma_wait3A_1112, %dma_wait3A_1119] : memref<832x16384xf32, #tpu.memory_space<hbm>> -> memref<1x2048xf32, #tpu.memory_space<hbm>>
        %dma_wait3A_1121 = tpu.memref_squeeze %dma_wait3A_1120 : memref<1x2048xf32, #tpu.memory_space<hbm>> -> memref<2048xf32, #tpu.memory_space<hbm>>
        %dma_wait3A_1122 = arith.constant 0 : i32
        %dma_wait3A_1123 = tpu.memref_slice %arg10[%dma_wait3A_1111, %dma_wait3A_1122] : memref<2x2048xf32, #tpu.memory_space<vmem>> -> memref<1x2048xf32, #tpu.memory_space<vmem>>
        %dma_wait3A_1124 = tpu.memref_squeeze %dma_wait3A_1123 : memref<1x2048xf32, #tpu.memory_space<vmem>> -> memref<2048xf32, #tpu.memory_space<vmem>>
        tpu.wait_dma2 semaphore(%arg14 : memref<!tpu.dma_semaphore, #tpu.memory_space<semaphore_mem>>) src(%dma_wait3A_1124 : memref<2048xf32, #tpu.memory_space<vmem>>) dst(%dma_wait3A_1121 : memref<2048xf32, #tpu.memory_space<hbm>>)
      } else {
      }
      %parallel_loop3A_831 = arith.constant 0 : i32
      %parallel_loop3A_832 = arith.constant 128 : i32
      %parallel_loop3A_833 = arith.constant 1 : i32
      scf.for %parallel_loop3A_1111 = %parallel_loop3A_831 to %parallel_loop3A_832 step %parallel_loop3A_833  : i32 {
        %parallel_loop3A_1112 = arith.constant 16 : i32
        %parallel_loop3A_1113 = arith.muli %parallel_loop3A_1111, %parallel_loop3A_1112 : i32
        %parallel_loop3A_1114 = arith.index_cast %parallel_loop3A_1113 : i32 to index
        %parallel_loop3A_1115 = tpu.vector_load %arg8[%parallel_loop3A_1114] {strides = array<i32>} : memref<16384xi32, #tpu.memory_space<vmem>>, vector<16xi32>,
        %parallel_loop3A_1116 = arith.constant 66560 : i32
        %parallel_loop3A_1117 = vector.broadcast %parallel_loop3A_1116 : i32 to vector<16xi32>
        %parallel_loop3A_1118 = arith.subi %parallel_loop3A_1115, %parallel_loop3A_1117 : vector<16xi32>
        %parallel_loop3A_1119 = vector.bitcast %parallel_loop3A_1118 : vector<16xi32> to vector<16xi32>
        %parallel_loop3A_1120 = arith.constant 33440 : i32
        %parallel_loop3A_1121 = vector.broadcast %parallel_loop3A_1120 : i32 to vector<16xi32>
        %parallel_loop3A_1122 = arith.cmpi ult, %parallel_loop3A_1119, %parallel_loop3A_1121 : vector<16xi32>
        %parallel_loop3A_1123 = tpu.vector_load_idx %arg7[%parallel_loop3A_1118] masked %parallel_loop3A_1122 : memref<33536xf32, #tpu.memory_space<vmem>>[vector<16xi32>], vector<16xf32>, vector<16xi1>
        %parallel_loop3A_1124 = arith.constant 0.000000e+00 : f32
        %parallel_loop3A_1125 = vector.broadcast %parallel_loop3A_1124 : f32 to vector<16xf32>
        %parallel_loop3A_1126 = arith.select %parallel_loop3A_1122, %parallel_loop3A_1123, %parallel_loop3A_1125 : vector<16xi1>, vector<16xf32>
        %parallel_loop3A_1127 = arith.constant 16 : i32
        %parallel_loop3A_1128 = arith.muli %parallel_loop3A_1111, %parallel_loop3A_1127 : i32
        %parallel_loop3A_1129 = arith.constant 0 : i32
        %parallel_loop3A_1130 = arith.subi %parallel_loop3A_1128, %parallel_loop3A_1129 : i32
        %parallel_loop3A_1131 = arith.index_cast %parallel_loop3A_1113 : i32 to index
        %parallel_loop3A_1132 = tpu.vector_load %arg9[%parallel_loop3A_1131] {strides = array<i32>} : memref<16384xf32, #tpu.memory_space<vmem>>, vector<16xf32>,
        %parallel_loop3A_1133 = arith.addf %parallel_loop3A_1132, %parallel_loop3A_1126 : vector<16xf32>
        %parallel_loop3A_1134 = arith.constant 0 : i32
        %parallel_loop3A_1135 = arith.index_cast %parallel_loop3A_1134 : i32 to index
        %parallel_loop3A_1136 = arith.index_cast %parallel_loop3A_1130 : i32 to index
        %parallel_loop3A_1137 = tpu.vector_load %arg10[%parallel_loop3A_1135, %parallel_loop3A_1136] {strides = array<i32>} : memref<2x2048xf32, #tpu.memory_space<vmem>>, vector<16xf32>,
        tpu.vector_store %arg10[%parallel_loop3A_1135, %parallel_loop3A_1136], %parallel_loop3A_1133 {strides = array<i32>} : memref<2x2048xf32, #tpu.memory_space<vmem>>, vector<16xf32>,
      } {sc.loop_unroll_factor = 8 : i64, sc.parallel_access}
      %dma_start3A_834 = arith.constant 0 : i32
      %dma_start3A_835 = arith.constant 0 : i32
      %dma_start3A_836 = tpu.memref_slice %arg10[%dma_start3A_834, %dma_start3A_835] : memref<2x2048xf32, #tpu.memory_space<vmem>> -> memref<1x2048xf32, #tpu.memory_space<vmem>>
      %dma_start3A_837 = tpu.memref_squeeze %dma_start3A_836 : memref<1x2048xf32, #tpu.memory_space<vmem>> -> memref<2048xf32, #tpu.memory_space<vmem>>
      %dma_start3A_838 = arith.constant 0 : i32
      %dma_start3A_839 = tpu.memref_slice %arg5[%add3A_825, %dma_start3A_838] : memref<832x16384xf32, #tpu.memory_space<hbm>> -> memref<1x2048xf32, #tpu.memory_space<hbm>>
      %dma_start3A_840 = tpu.memref_squeeze %dma_start3A_839 : memref<1x2048xf32, #tpu.memory_space<hbm>> -> memref<2048xf32, #tpu.memory_space<hbm>>
      %dma_start3A_841 = arith.constant 0 : i32
      %dma_start3A_842 = tpu.memref_slice %arg5[%add3A_825, %dma_start3A_841] : memref<832x16384xf32, #tpu.memory_space<hbm>> -> memref<1x2048xf32, #tpu.memory_space<hbm>>
      %dma_start3A_843 = tpu.memref_squeeze %dma_start3A_842 : memref<1x2048xf32, #tpu.memory_space<hbm>> -> memref<2048xf32, #tpu.memory_space<hbm>>
      %dma_start3A_844 = arith.constant 0 : i32
      %dma_start3A_845 = tpu.memref_slice %arg10[%dma_start3A_834, %dma_start3A_844] : memref<2x2048xf32, #tpu.memory_space<vmem>> -> memref<1x2048xf32, #tpu.memory_space<vmem>>
      %dma_start3A_846 = tpu.memref_squeeze %dma_start3A_845 : memref<1x2048xf32, #tpu.memory_space<vmem>> -> memref<2048xf32, #tpu.memory_space<vmem>>
      tpu.enqueue_dma source(%dma_start3A_846 : memref<2048xf32, #tpu.memory_space<vmem>>) target(%dma_start3A_843 : memref<2048xf32, #tpu.memory_space<hbm>>) target_semaphore(%arg14 : memref<!tpu.dma_semaphore, #tpu.memory_space<semaphore_mem>>)
      %add3A_847 = arith.constant 1 : i32
      %add3A_848 = arith.addi %add3A_628, %add3A_847 : i32
      %lt3A_849 = arith.constant 26 : i32
      %lt3A_850 = arith.cmpi slt, %add3A_848, %lt3A_849 : i32
      %convert_element_type3A_851 = arith.extui %lt3A_850 : i1 to i32
      %cond3A_852 = arith.constant 0 : i32
      %cond3A_853 = arith.cmpi ne, %convert_element_type3A_851, %cond3A_852 : i32
      scf.if %cond3A_853 {
        %dma_start3A_1111 = arith.constant 0 : i32
        %dma_start3A_1112 = arith.constant 0 : i32
        %dma_start3A_1113 = arith.constant 0 : i32
        %dma_start3A_1114 = tpu.memref_slice %arg8[%dma_start3A_1113] : memref<16384xi32, #tpu.memory_space<vmem>> -> memref<2048xi32, #tpu.memory_space<vmem>>
        %dma_start3A_1115 = arith.constant 0 : i32
        %dma_start3A_1116 = tpu.memref_slice %arg11[%dma_start3A_1111, %dma_start3A_1112, %dma_start3A_1115] : memref<2x8x2048xi32, #tpu.memory_space<vmem_shared>> -> memref<1x1x2048xi32, #tpu.memory_space<vmem_shared>>
        %dma_start3A_1117 = tpu.memref_squeeze %dma_start3A_1116 : memref<1x1x2048xi32, #tpu.memory_space<vmem_shared>> -> memref<2048xi32, #tpu.memory_space<vmem_shared>>
        %dma_start3A_1118 = arith.constant 0 : i32
        %dma_start3A_1119 = tpu.memref_slice %arg8[%dma_start3A_1118] : memref<16384xi32, #tpu.memory_space<vmem>> -> memref<2048xi32, #tpu.memory_space<vmem>>
        %dma_start3A_1120 = arith.constant 0 : i32
        %dma_start3A_1121 = tpu.memref_slice %arg11[%dma_start3A_1111, %dma_start3A_1112, %dma_start3A_1120] : memref<2x8x2048xi32, #tpu.memory_space<vmem_shared>> -> memref<1x1x2048xi32, #tpu.memory_space<vmem_shared>>
        %dma_start3A_1122 = tpu.memref_squeeze %dma_start3A_1121 : memref<1x1x2048xi32, #tpu.memory_space<vmem_shared>> -> memref<2048xi32, #tpu.memory_space<vmem_shared>>
        tpu.enqueue_dma source(%dma_start3A_1122 : memref<2048xi32, #tpu.memory_space<vmem_shared>>) target(%dma_start3A_1119 : memref<2048xi32, #tpu.memory_space<vmem>>) target_semaphore(%arg13 : memref<!tpu.dma_semaphore, #tpu.memory_space<semaphore_mem>>)
      } else {
      }
      %ge3A_854 = arith.constant 1 : i32
      %ge3A_855 = arith.cmpi sge, %add3A_628, %ge3A_854 : i32
      %convert_element_type3A_856 = arith.extui %ge3A_855 : i1 to i32
      %cond3A_857 = arith.constant 0 : i32
      %cond3A_858 = arith.cmpi ne, %convert_element_type3A_856, %cond3A_857 : i32
      scf.if %cond3A_858 {
        %dma_wait3A_1111 = arith.constant 0 : i32
        %dma_wait3A_1112 = arith.constant 0 : i32
        %dma_wait3A_1113 = arith.constant 0 : i32
        %dma_wait3A_1114 = tpu.memref_slice %arg10[%dma_wait3A_1111, %dma_wait3A_1113] : memref<2x2048xf32, #tpu.memory_space<vmem>> -> memref<1x2048xf32, #tpu.memory_space<vmem>>
        %dma_wait3A_1115 = tpu.memref_squeeze %dma_wait3A_1114 : memref<1x2048xf32, #tpu.memory_space<vmem>> -> memref<2048xf32, #tpu.memory_space<vmem>>
        %dma_wait3A_1116 = arith.constant 0 : i32
        %dma_wait3A_1117 = tpu.memref_slice %arg5[%dma_wait3A_1112, %dma_wait3A_1116] : memref<832x16384xf32, #tpu.memory_space<hbm>> -> memref<1x2048xf32, #tpu.memory_space<hbm>>
        %dma_wait3A_1118 = tpu.memref_squeeze %dma_wait3A_1117 : memref<1x2048xf32, #tpu.memory_space<hbm>> -> memref<2048xf32, #tpu.memory_space<hbm>>
        %dma_wait3A_1119 = arith.constant 0 : i32
        %dma_wait3A_1120 = tpu.memref_slice %arg5[%dma_wait3A_1112, %dma_wait3A_1119] : memref<832x16384xf32, #tpu.memory_space<hbm>> -> memref<1x2048xf32, #tpu.memory_space<hbm>>
        %dma_wait3A_1121 = tpu.memref_squeeze %dma_wait3A_1120 : memref<1x2048xf32, #tpu.memory_space<hbm>> -> memref<2048xf32, #tpu.memory_space<hbm>>
        %dma_wait3A_1122 = arith.constant 0 : i32
        %dma_wait3A_1123 = tpu.memref_slice %arg10[%dma_wait3A_1111, %dma_wait3A_1122] : memref<2x2048xf32, #tpu.memory_space<vmem>> -> memref<1x2048xf32, #tpu.memory_space<vmem>>
        %dma_wait3A_1124 = tpu.memref_squeeze %dma_wait3A_1123 : memref<1x2048xf32, #tpu.memory_space<vmem>> -> memref<2048xf32, #tpu.memory_space<vmem>>
        tpu.wait_dma2 semaphore(%arg14 : memref<!tpu.dma_semaphore, #tpu.memory_space<semaphore_mem>>) src(%dma_wait3A_1124 : memref<2048xf32, #tpu.memory_space<vmem>>) dst(%dma_wait3A_1121 : memref<2048xf32, #tpu.memory_space<hbm>>)
      } else {
      }
      %parallel_loop3A_859 = arith.constant 128 : i32
      %parallel_loop3A_860 = arith.constant 256 : i32
      %parallel_loop3A_861 = arith.constant 1 : i32
      scf.for %parallel_loop3A_1111 = %parallel_loop3A_859 to %parallel_loop3A_860 step %parallel_loop3A_861  : i32 {
        %parallel_loop3A_1112 = arith.constant 16 : i32
        %parallel_loop3A_1113 = arith.muli %parallel_loop3A_1111, %parallel_loop3A_1112 : i32
        %parallel_loop3A_1114 = arith.index_cast %parallel_loop3A_1113 : i32 to index
        %parallel_loop3A_1115 = tpu.vector_load %arg8[%parallel_loop3A_1114] {strides = array<i32>} : memref<16384xi32, #tpu.memory_space<vmem>>, vector<16xi32>,
        %parallel_loop3A_1116 = arith.constant 66560 : i32
        %parallel_loop3A_1117 = vector.broadcast %parallel_loop3A_1116 : i32 to vector<16xi32>
        %parallel_loop3A_1118 = arith.subi %parallel_loop3A_1115, %parallel_loop3A_1117 : vector<16xi32>
        %parallel_loop3A_1119 = vector.bitcast %parallel_loop3A_1118 : vector<16xi32> to vector<16xi32>
        %parallel_loop3A_1120 = arith.constant 33440 : i32
        %parallel_loop3A_1121 = vector.broadcast %parallel_loop3A_1120 : i32 to vector<16xi32>
        %parallel_loop3A_1122 = arith.cmpi ult, %parallel_loop3A_1119, %parallel_loop3A_1121 : vector<16xi32>
        %parallel_loop3A_1123 = tpu.vector_load_idx %arg7[%parallel_loop3A_1118] masked %parallel_loop3A_1122 : memref<33536xf32, #tpu.memory_space<vmem>>[vector<16xi32>], vector<16xf32>, vector<16xi1>
        %parallel_loop3A_1124 = arith.constant 0.000000e+00 : f32
        %parallel_loop3A_1125 = vector.broadcast %parallel_loop3A_1124 : f32 to vector<16xf32>
        %parallel_loop3A_1126 = arith.select %parallel_loop3A_1122, %parallel_loop3A_1123, %parallel_loop3A_1125 : vector<16xi1>, vector<16xf32>
        %parallel_loop3A_1127 = arith.constant 16 : i32
        %parallel_loop3A_1128 = arith.muli %parallel_loop3A_1111, %parallel_loop3A_1127 : i32
        %parallel_loop3A_1129 = arith.constant 2048 : i32
        %parallel_loop3A_1130 = arith.subi %parallel_loop3A_1128, %parallel_loop3A_1129 : i32
        %parallel_loop3A_1131 = arith.index_cast %parallel_loop3A_1113 : i32 to index
        %parallel_loop3A_1132 = tpu.vector_load %arg9[%parallel_loop3A_1131] {strides = array<i32>} : memref<16384xf32, #tpu.memory_space<vmem>>, vector<16xf32>,
        %parallel_loop3A_1133 = arith.addf %parallel_loop3A_1132, %parallel_loop3A_1126 : vector<16xf32>
        %parallel_loop3A_1134 = arith.constant 1 : i32
        %parallel_loop3A_1135 = arith.index_cast %parallel_loop3A_1134 : i32 to index
        %parallel_loop3A_1136 = arith.index_cast %parallel_loop3A_1130 : i32 to index
        %parallel_loop3A_1137 = tpu.vector_load %arg10[%parallel_loop3A_1135, %parallel_loop3A_1136] {strides = array<i32>} : memref<2x2048xf32, #tpu.memory_space<vmem>>, vector<16xf32>,
        tpu.vector_store %arg10[%parallel_loop3A_1135, %parallel_loop3A_1136], %parallel_loop3A_1133 {strides = array<i32>} : memref<2x2048xf32, #tpu.memory_space<vmem>>, vector<16xf32>,
      } {sc.loop_unroll_factor = 8 : i64, sc.parallel_access}
      %dma_start3A_862 = arith.constant 1 : i32
      %dma_start3A_863 = arith.constant 0 : i32
      %dma_start3A_864 = tpu.memref_slice %arg10[%dma_start3A_862, %dma_start3A_863] : memref<2x2048xf32, #tpu.memory_space<vmem>> -> memref<1x2048xf32, #tpu.memory_space<vmem>>
      %dma_start3A_865 = tpu.memref_squeeze %dma_start3A_864 : memref<1x2048xf32, #tpu.memory_space<vmem>> -> memref<2048xf32, #tpu.memory_space<vmem>>
      %dma_start3A_866 = arith.constant 2048 : i32
      %dma_start3A_867 = tpu.memref_slice %arg5[%add3A_825, %dma_start3A_866] : memref<832x16384xf32, #tpu.memory_space<hbm>> -> memref<1x2048xf32, #tpu.memory_space<hbm>>
      %dma_start3A_868 = tpu.memref_squeeze %dma_start3A_867 : memref<1x2048xf32, #tpu.memory_space<hbm>> -> memref<2048xf32, #tpu.memory_space<hbm>>
      %dma_start3A_869 = arith.constant 2048 : i32
      %dma_start3A_870 = tpu.memref_slice %arg5[%add3A_825, %dma_start3A_869] : memref<832x16384xf32, #tpu.memory_space<hbm>> -> memref<1x2048xf32, #tpu.memory_space<hbm>>
      %dma_start3A_871 = tpu.memref_squeeze %dma_start3A_870 : memref<1x2048xf32, #tpu.memory_space<hbm>> -> memref<2048xf32, #tpu.memory_space<hbm>>
      %dma_start3A_872 = arith.constant 0 : i32
      %dma_start3A_873 = tpu.memref_slice %arg10[%dma_start3A_862, %dma_start3A_872] : memref<2x2048xf32, #tpu.memory_space<vmem>> -> memref<1x2048xf32, #tpu.memory_space<vmem>>
      %dma_start3A_874 = tpu.memref_squeeze %dma_start3A_873 : memref<1x2048xf32, #tpu.memory_space<vmem>> -> memref<2048xf32, #tpu.memory_space<vmem>>
      tpu.enqueue_dma source(%dma_start3A_874 : memref<2048xf32, #tpu.memory_space<vmem>>) target(%dma_start3A_871 : memref<2048xf32, #tpu.memory_space<hbm>>) target_semaphore(%arg14 : memref<!tpu.dma_semaphore, #tpu.memory_space<semaphore_mem>>)
      %add3A_875 = arith.constant 1 : i32
      %add3A_876 = arith.addi %add3A_628, %add3A_875 : i32
      %lt3A_877 = arith.constant 26 : i32
      %lt3A_878 = arith.cmpi slt, %add3A_876, %lt3A_877 : i32
      %convert_element_type3A_879 = arith.extui %lt3A_878 : i1 to i32
      %cond3A_880 = arith.constant 0 : i32
      %cond3A_881 = arith.cmpi ne, %convert_element_type3A_879, %cond3A_880 : i32
      scf.if %cond3A_881 {
        %dma_start3A_1111 = arith.constant 0 : i32
        %dma_start3A_1112 = arith.constant 1 : i32
        %dma_start3A_1113 = arith.constant 2048 : i32
        %dma_start3A_1114 = tpu.memref_slice %arg8[%dma_start3A_1113] : memref<16384xi32, #tpu.memory_space<vmem>> -> memref<2048xi32, #tpu.memory_space<vmem>>
        %dma_start3A_1115 = arith.constant 0 : i32
        %dma_start3A_1116 = tpu.memref_slice %arg11[%dma_start3A_1111, %dma_start3A_1112, %dma_start3A_1115] : memref<2x8x2048xi32, #tpu.memory_space<vmem_shared>> -> memref<1x1x2048xi32, #tpu.memory_space<vmem_shared>>
        %dma_start3A_1117 = tpu.memref_squeeze %dma_start3A_1116 : memref<1x1x2048xi32, #tpu.memory_space<vmem_shared>> -> memref<2048xi32, #tpu.memory_space<vmem_shared>>
        %dma_start3A_1118 = arith.constant 2048 : i32
        %dma_start3A_1119 = tpu.memref_slice %arg8[%dma_start3A_1118] : memref<16384xi32, #tpu.memory_space<vmem>> -> memref<2048xi32, #tpu.memory_space<vmem>>
        %dma_start3A_1120 = arith.constant 0 : i32
        %dma_start3A_1121 = tpu.memref_slice %arg11[%dma_start3A_1111, %dma_start3A_1112, %dma_start3A_1120] : memref<2x8x2048xi32, #tpu.memory_space<vmem_shared>> -> memref<1x1x2048xi32, #tpu.memory_space<vmem_shared>>
        %dma_start3A_1122 = tpu.memref_squeeze %dma_start3A_1121 : memref<1x1x2048xi32, #tpu.memory_space<vmem_shared>> -> memref<2048xi32, #tpu.memory_space<vmem_shared>>
        tpu.enqueue_dma source(%dma_start3A_1122 : memref<2048xi32, #tpu.memory_space<vmem_shared>>) target(%dma_start3A_1119 : memref<2048xi32, #tpu.memory_space<vmem>>) target_semaphore(%arg13 : memref<!tpu.dma_semaphore, #tpu.memory_space<semaphore_mem>>)
      } else {
      }
      %dma_wait3A_882 = arith.constant 0 : i32
      %dma_wait3A_883 = arith.constant 0 : i32
      %dma_wait3A_884 = arith.constant 0 : i32
      %dma_wait3A_885 = tpu.memref_slice %arg10[%dma_wait3A_882, %dma_wait3A_884] : memref<2x2048xf32, #tpu.memory_space<vmem>> -> memref<1x2048xf32, #tpu.memory_space<vmem>>
      %dma_wait3A_886 = tpu.memref_squeeze %dma_wait3A_885 : memref<1x2048xf32, #tpu.memory_space<vmem>> -> memref<2048xf32, #tpu.memory_space<vmem>>
      %dma_wait3A_887 = arith.constant 0 : i32
      %dma_wait3A_888 = tpu.memref_slice %arg5[%dma_wait3A_883, %dma_wait3A_887] : memref<832x16384xf32, #tpu.memory_space<hbm>> -> memref<1x2048xf32, #tpu.memory_space<hbm>>
      %dma_wait3A_889 = tpu.memref_squeeze %dma_wait3A_888 : memref<1x2048xf32, #tpu.memory_space<hbm>> -> memref<2048xf32, #tpu.memory_space<hbm>>
      %dma_wait3A_890 = arith.constant 0 : i32
      %dma_wait3A_891 = tpu.memref_slice %arg5[%dma_wait3A_883, %dma_wait3A_890] : memref<832x16384xf32, #tpu.memory_space<hbm>> -> memref<1x2048xf32, #tpu.memory_space<hbm>>
      %dma_wait3A_892 = tpu.memref_squeeze %dma_wait3A_891 : memref<1x2048xf32, #tpu.memory_space<hbm>> -> memref<2048xf32, #tpu.memory_space<hbm>>
      %dma_wait3A_893 = arith.constant 0 : i32
      %dma_wait3A_894 = tpu.memref_slice %arg10[%dma_wait3A_882, %dma_wait3A_893] : memref<2x2048xf32, #tpu.memory_space<vmem>> -> memref<1x2048xf32, #tpu.memory_space<vmem>>
      %dma_wait3A_895 = tpu.memref_squeeze %dma_wait3A_894 : memref<1x2048xf32, #tpu.memory_space<vmem>> -> memref<2048xf32, #tpu.memory_space<vmem>>
      tpu.wait_dma2 semaphore(%arg14 : memref<!tpu.dma_semaphore, #tpu.memory_space<semaphore_mem>>) src(%dma_wait3A_895 : memref<2048xf32, #tpu.memory_space<vmem>>) dst(%dma_wait3A_892 : memref<2048xf32, #tpu.memory_space<hbm>>)
      %parallel_loop3A_896 = arith.constant 256 : i32
      %parallel_loop3A_897 = arith.constant 384 : i32
      %parallel_loop3A_898 = arith.constant 1 : i32
      scf.for %parallel_loop3A_1111 = %parallel_loop3A_896 to %parallel_loop3A_897 step %parallel_loop3A_898  : i32 {
        %parallel_loop3A_1112 = arith.constant 16 : i32
        %parallel_loop3A_1113 = arith.muli %parallel_loop3A_1111, %parallel_loop3A_1112 : i32
        %parallel_loop3A_1114 = arith.index_cast %parallel_loop3A_1113 : i32 to index
        %parallel_loop3A_1115 = tpu.vector_load %arg8[%parallel_loop3A_1114] {strides = array<i32>} : memref<16384xi32, #tpu.memory_space<vmem>>, vector<16xi32>,
        %parallel_loop3A_1116 = arith.constant 66560 : i32
        %parallel_loop3A_1117 = vector.broadcast %parallel_loop3A_1116 : i32 to vector<16xi32>
        %parallel_loop3A_1118 = arith.subi %parallel_loop3A_1115, %parallel_loop3A_1117 : vector<16xi32>
        %parallel_loop3A_1119 = vector.bitcast %parallel_loop3A_1118 : vector<16xi32> to vector<16xi32>
        %parallel_loop3A_1120 = arith.constant 33440 : i32
        %parallel_loop3A_1121 = vector.broadcast %parallel_loop3A_1120 : i32 to vector<16xi32>
        %parallel_loop3A_1122 = arith.cmpi ult, %parallel_loop3A_1119, %parallel_loop3A_1121 : vector<16xi32>
        %parallel_loop3A_1123 = tpu.vector_load_idx %arg7[%parallel_loop3A_1118] masked %parallel_loop3A_1122 : memref<33536xf32, #tpu.memory_space<vmem>>[vector<16xi32>], vector<16xf32>, vector<16xi1>
        %parallel_loop3A_1124 = arith.constant 0.000000e+00 : f32
        %parallel_loop3A_1125 = vector.broadcast %parallel_loop3A_1124 : f32 to vector<16xf32>
        %parallel_loop3A_1126 = arith.select %parallel_loop3A_1122, %parallel_loop3A_1123, %parallel_loop3A_1125 : vector<16xi1>, vector<16xf32>
        %parallel_loop3A_1127 = arith.constant 16 : i32
        %parallel_loop3A_1128 = arith.muli %parallel_loop3A_1111, %parallel_loop3A_1127 : i32
        %parallel_loop3A_1129 = arith.constant 4096 : i32
        %parallel_loop3A_1130 = arith.subi %parallel_loop3A_1128, %parallel_loop3A_1129 : i32
        %parallel_loop3A_1131 = arith.index_cast %parallel_loop3A_1113 : i32 to index
        %parallel_loop3A_1132 = tpu.vector_load %arg9[%parallel_loop3A_1131] {strides = array<i32>} : memref<16384xf32, #tpu.memory_space<vmem>>, vector<16xf32>,
        %parallel_loop3A_1133 = arith.addf %parallel_loop3A_1132, %parallel_loop3A_1126 : vector<16xf32>
        %parallel_loop3A_1134 = arith.constant 0 : i32
        %parallel_loop3A_1135 = arith.index_cast %parallel_loop3A_1134 : i32 to index
        %parallel_loop3A_1136 = arith.index_cast %parallel_loop3A_1130 : i32 to index
        %parallel_loop3A_1137 = tpu.vector_load %arg10[%parallel_loop3A_1135, %parallel_loop3A_1136] {strides = array<i32>} : memref<2x2048xf32, #tpu.memory_space<vmem>>, vector<16xf32>,
        tpu.vector_store %arg10[%parallel_loop3A_1135, %parallel_loop3A_1136], %parallel_loop3A_1133 {strides = array<i32>} : memref<2x2048xf32, #tpu.memory_space<vmem>>, vector<16xf32>,
      } {sc.loop_unroll_factor = 8 : i64, sc.parallel_access}
      %dma_start3A_899 = arith.constant 0 : i32
      %dma_start3A_900 = arith.constant 0 : i32
      %dma_start3A_901 = tpu.memref_slice %arg10[%dma_start3A_899, %dma_start3A_900] : memref<2x2048xf32, #tpu.memory_space<vmem>> -> memref<1x2048xf32, #tpu.memory_space<vmem>>
      %dma_start3A_902 = tpu.memref_squeeze %dma_start3A_901 : memref<1x2048xf32, #tpu.memory_space<vmem>> -> memref<2048xf32, #tpu.memory_space<vmem>>
      %dma_start3A_903 = arith.constant 4096 : i32
      %dma_start3A_904 = tpu.memref_slice %arg5[%add3A_825, %dma_start3A_903] : memref<832x16384xf32, #tpu.memory_space<hbm>> -> memref<1x2048xf32, #tpu.memory_space<hbm>>
      %dma_start3A_905 = tpu.memref_squeeze %dma_start3A_904 : memref<1x2048xf32, #tpu.memory_space<hbm>> -> memref<2048xf32, #tpu.memory_space<hbm>>
      %dma_start3A_906 = arith.constant 4096 : i32
      %dma_start3A_907 = tpu.memref_slice %arg5[%add3A_825, %dma_start3A_906] : memref<832x16384xf32, #tpu.memory_space<hbm>> -> memref<1x2048xf32, #tpu.memory_space<hbm>>
      %dma_start3A_908 = tpu.memref_squeeze %dma_start3A_907 : memref<1x2048xf32, #tpu.memory_space<hbm>> -> memref<2048xf32, #tpu.memory_space<hbm>>
      %dma_start3A_909 = arith.constant 0 : i32
      %dma_start3A_910 = tpu.memref_slice %arg10[%dma_start3A_899, %dma_start3A_909] : memref<2x2048xf32, #tpu.memory_space<vmem>> -> memref<1x2048xf32, #tpu.memory_space<vmem>>
      %dma_start3A_911 = tpu.memref_squeeze %dma_start3A_910 : memref<1x2048xf32, #tpu.memory_space<vmem>> -> memref<2048xf32, #tpu.memory_space<vmem>>
      tpu.enqueue_dma source(%dma_start3A_911 : memref<2048xf32, #tpu.memory_space<vmem>>) target(%dma_start3A_908 : memref<2048xf32, #tpu.memory_space<hbm>>) target_semaphore(%arg14 : memref<!tpu.dma_semaphore, #tpu.memory_space<semaphore_mem>>)
      %add3A_912 = arith.constant 1 : i32
      %add3A_913 = arith.addi %add3A_628, %add3A_912 : i32
      %lt3A_914 = arith.constant 26 : i32
      %lt3A_915 = arith.cmpi slt, %add3A_913, %lt3A_914 : i32
      %convert_element_type3A_916 = arith.extui %lt3A_915 : i1 to i32
      %cond3A_917 = arith.constant 0 : i32
      %cond3A_918 = arith.cmpi ne, %convert_element_type3A_916, %cond3A_917 : i32
      scf.if %cond3A_918 {
        %dma_start3A_1111 = arith.constant 0 : i32
        %dma_start3A_1112 = arith.constant 2 : i32
        %dma_start3A_1113 = arith.constant 4096 : i32
        %dma_start3A_1114 = tpu.memref_slice %arg8[%dma_start3A_1113] : memref<16384xi32, #tpu.memory_space<vmem>> -> memref<2048xi32, #tpu.memory_space<vmem>>
        %dma_start3A_1115 = arith.constant 0 : i32
        %dma_start3A_1116 = tpu.memref_slice %arg11[%dma_start3A_1111, %dma_start3A_1112, %dma_start3A_1115] : memref<2x8x2048xi32, #tpu.memory_space<vmem_shared>> -> memref<1x1x2048xi32, #tpu.memory_space<vmem_shared>>
        %dma_start3A_1117 = tpu.memref_squeeze %dma_start3A_1116 : memref<1x1x2048xi32, #tpu.memory_space<vmem_shared>> -> memref<2048xi32, #tpu.memory_space<vmem_shared>>
        %dma_start3A_1118 = arith.constant 4096 : i32
        %dma_start3A_1119 = tpu.memref_slice %arg8[%dma_start3A_1118] : memref<16384xi32, #tpu.memory_space<vmem>> -> memref<2048xi32, #tpu.memory_space<vmem>>
        %dma_start3A_1120 = arith.constant 0 : i32
        %dma_start3A_1121 = tpu.memref_slice %arg11[%dma_start3A_1111, %dma_start3A_1112, %dma_start3A_1120] : memref<2x8x2048xi32, #tpu.memory_space<vmem_shared>> -> memref<1x1x2048xi32, #tpu.memory_space<vmem_shared>>
        %dma_start3A_1122 = tpu.memref_squeeze %dma_start3A_1121 : memref<1x1x2048xi32, #tpu.memory_space<vmem_shared>> -> memref<2048xi32, #tpu.memory_space<vmem_shared>>
        tpu.enqueue_dma source(%dma_start3A_1122 : memref<2048xi32, #tpu.memory_space<vmem_shared>>) target(%dma_start3A_1119 : memref<2048xi32, #tpu.memory_space<vmem>>) target_semaphore(%arg13 : memref<!tpu.dma_semaphore, #tpu.memory_space<semaphore_mem>>)
      } else {
      }
      %dma_wait3A_919 = arith.constant 0 : i32
      %dma_wait3A_920 = arith.constant 0 : i32
      %dma_wait3A_921 = arith.constant 0 : i32
      %dma_wait3A_922 = tpu.memref_slice %arg10[%dma_wait3A_919, %dma_wait3A_921] : memref<2x2048xf32, #tpu.memory_space<vmem>> -> memref<1x2048xf32, #tpu.memory_space<vmem>>
      %dma_wait3A_923 = tpu.memref_squeeze %dma_wait3A_922 : memref<1x2048xf32, #tpu.memory_space<vmem>> -> memref<2048xf32, #tpu.memory_space<vmem>>
      %dma_wait3A_924 = arith.constant 0 : i32
      %dma_wait3A_925 = tpu.memref_slice %arg5[%dma_wait3A_920, %dma_wait3A_924] : memref<832x16384xf32, #tpu.memory_space<hbm>> -> memref<1x2048xf32, #tpu.memory_space<hbm>>
      %dma_wait3A_926 = tpu.memref_squeeze %dma_wait3A_925 : memref<1x2048xf32, #tpu.memory_space<hbm>> -> memref<2048xf32, #tpu.memory_space<hbm>>
      %dma_wait3A_927 = arith.constant 0 : i32
      %dma_wait3A_928 = tpu.memref_slice %arg5[%dma_wait3A_920, %dma_wait3A_927] : memref<832x16384xf32, #tpu.memory_space<hbm>> -> memref<1x2048xf32, #tpu.memory_space<hbm>>
      %dma_wait3A_929 = tpu.memref_squeeze %dma_wait3A_928 : memref<1x2048xf32, #tpu.memory_space<hbm>> -> memref<2048xf32, #tpu.memory_space<hbm>>
      %dma_wait3A_930 = arith.constant 0 : i32
      %dma_wait3A_931 = tpu.memref_slice %arg10[%dma_wait3A_919, %dma_wait3A_930] : memref<2x2048xf32, #tpu.memory_space<vmem>> -> memref<1x2048xf32, #tpu.memory_space<vmem>>
      %dma_wait3A_932 = tpu.memref_squeeze %dma_wait3A_931 : memref<1x2048xf32, #tpu.memory_space<vmem>> -> memref<2048xf32, #tpu.memory_space<vmem>>
      tpu.wait_dma2 semaphore(%arg14 : memref<!tpu.dma_semaphore, #tpu.memory_space<semaphore_mem>>) src(%dma_wait3A_932 : memref<2048xf32, #tpu.memory_space<vmem>>) dst(%dma_wait3A_929 : memref<2048xf32, #tpu.memory_space<hbm>>)
      %parallel_loop3A_933 = arith.constant 384 : i32
      %parallel_loop3A_934 = arith.constant 512 : i32
      %parallel_loop3A_935 = arith.constant 1 : i32
      scf.for %parallel_loop3A_1111 = %parallel_loop3A_933 to %parallel_loop3A_934 step %parallel_loop3A_935  : i32 {
        %parallel_loop3A_1112 = arith.constant 16 : i32
        %parallel_loop3A_1113 = arith.muli %parallel_loop3A_1111, %parallel_loop3A_1112 : i32
        %parallel_loop3A_1114 = arith.index_cast %parallel_loop3A_1113 : i32 to index
        %parallel_loop3A_1115 = tpu.vector_load %arg8[%parallel_loop3A_1114] {strides = array<i32>} : memref<16384xi32, #tpu.memory_space<vmem>>, vector<16xi32>,
        %parallel_loop3A_1116 = arith.constant 66560 : i32
        %parallel_loop3A_1117 = vector.broadcast %parallel_loop3A_1116 : i32 to vector<16xi32>
        %parallel_loop3A_1118 = arith.subi %parallel_loop3A_1115, %parallel_loop3A_1117 : vector<16xi32>
        %parallel_loop3A_1119 = vector.bitcast %parallel_loop3A_1118 : vector<16xi32> to vector<16xi32>
        %parallel_loop3A_1120 = arith.constant 33440 : i32
        %parallel_loop3A_1121 = vector.broadcast %parallel_loop3A_1120 : i32 to vector<16xi32>
        %parallel_loop3A_1122 = arith.cmpi ult, %parallel_loop3A_1119, %parallel_loop3A_1121 : vector<16xi32>
        %parallel_loop3A_1123 = tpu.vector_load_idx %arg7[%parallel_loop3A_1118] masked %parallel_loop3A_1122 : memref<33536xf32, #tpu.memory_space<vmem>>[vector<16xi32>], vector<16xf32>, vector<16xi1>
        %parallel_loop3A_1124 = arith.constant 0.000000e+00 : f32
        %parallel_loop3A_1125 = vector.broadcast %parallel_loop3A_1124 : f32 to vector<16xf32>
        %parallel_loop3A_1126 = arith.select %parallel_loop3A_1122, %parallel_loop3A_1123, %parallel_loop3A_1125 : vector<16xi1>, vector<16xf32>
        %parallel_loop3A_1127 = arith.constant 16 : i32
        %parallel_loop3A_1128 = arith.muli %parallel_loop3A_1111, %parallel_loop3A_1127 : i32
        %parallel_loop3A_1129 = arith.constant 6144 : i32
        %parallel_loop3A_1130 = arith.subi %parallel_loop3A_1128, %parallel_loop3A_1129 : i32
        %parallel_loop3A_1131 = arith.index_cast %parallel_loop3A_1113 : i32 to index
        %parallel_loop3A_1132 = tpu.vector_load %arg9[%parallel_loop3A_1131] {strides = array<i32>} : memref<16384xf32, #tpu.memory_space<vmem>>, vector<16xf32>,
        %parallel_loop3A_1133 = arith.addf %parallel_loop3A_1132, %parallel_loop3A_1126 : vector<16xf32>
        %parallel_loop3A_1134 = arith.constant 1 : i32
        %parallel_loop3A_1135 = arith.index_cast %parallel_loop3A_1134 : i32 to index
        %parallel_loop3A_1136 = arith.index_cast %parallel_loop3A_1130 : i32 to index
        %parallel_loop3A_1137 = tpu.vector_load %arg10[%parallel_loop3A_1135, %parallel_loop3A_1136] {strides = array<i32>} : memref<2x2048xf32, #tpu.memory_space<vmem>>, vector<16xf32>,
        tpu.vector_store %arg10[%parallel_loop3A_1135, %parallel_loop3A_1136], %parallel_loop3A_1133 {strides = array<i32>} : memref<2x2048xf32, #tpu.memory_space<vmem>>, vector<16xf32>,
      } {sc.loop_unroll_factor = 8 : i64, sc.parallel_access}
      %dma_start3A_936 = arith.constant 1 : i32
      %dma_start3A_937 = arith.constant 0 : i32
      %dma_start3A_938 = tpu.memref_slice %arg10[%dma_start3A_936, %dma_start3A_937] : memref<2x2048xf32, #tpu.memory_space<vmem>> -> memref<1x2048xf32, #tpu.memory_space<vmem>>
      %dma_start3A_939 = tpu.memref_squeeze %dma_start3A_938 : memref<1x2048xf32, #tpu.memory_space<vmem>> -> memref<2048xf32, #tpu.memory_space<vmem>>
      %dma_start3A_940 = arith.constant 6144 : i32
      %dma_start3A_941 = tpu.memref_slice %arg5[%add3A_825, %dma_start3A_940] : memref<832x16384xf32, #tpu.memory_space<hbm>> -> memref<1x2048xf32, #tpu.memory_space<hbm>>
      %dma_start3A_942 = tpu.memref_squeeze %dma_start3A_941 : memref<1x2048xf32, #tpu.memory_space<hbm>> -> memref<2048xf32, #tpu.memory_space<hbm>>
      %dma_start3A_943 = arith.constant 6144 : i32
      %dma_start3A_944 = tpu.memref_slice %arg5[%add3A_825, %dma_start3A_943] : memref<832x16384xf32, #tpu.memory_space<hbm>> -> memref<1x2048xf32, #tpu.memory_space<hbm>>
      %dma_start3A_945 = tpu.memref_squeeze %dma_start3A_944 : memref<1x2048xf32, #tpu.memory_space<hbm>> -> memref<2048xf32, #tpu.memory_space<hbm>>
      %dma_start3A_946 = arith.constant 0 : i32
      %dma_start3A_947 = tpu.memref_slice %arg10[%dma_start3A_936, %dma_start3A_946] : memref<2x2048xf32, #tpu.memory_space<vmem>> -> memref<1x2048xf32, #tpu.memory_space<vmem>>
      %dma_start3A_948 = tpu.memref_squeeze %dma_start3A_947 : memref<1x2048xf32, #tpu.memory_space<vmem>> -> memref<2048xf32, #tpu.memory_space<vmem>>
      tpu.enqueue_dma source(%dma_start3A_948 : memref<2048xf32, #tpu.memory_space<vmem>>) target(%dma_start3A_945 : memref<2048xf32, #tpu.memory_space<hbm>>) target_semaphore(%arg14 : memref<!tpu.dma_semaphore, #tpu.memory_space<semaphore_mem>>)
      %add3A_949 = arith.constant 1 : i32
      %add3A_950 = arith.addi %add3A_628, %add3A_949 : i32
      %lt3A_951 = arith.constant 26 : i32
      %lt3A_952 = arith.cmpi slt, %add3A_950, %lt3A_951 : i32
      %convert_element_type3A_953 = arith.extui %lt3A_952 : i1 to i32
      %cond3A_954 = arith.constant 0 : i32
      %cond3A_955 = arith.cmpi ne, %convert_element_type3A_953, %cond3A_954 : i32
      scf.if %cond3A_955 {
        %dma_start3A_1111 = arith.constant 0 : i32
        %dma_start3A_1112 = arith.constant 3 : i32
        %dma_start3A_1113 = arith.constant 6144 : i32
        %dma_start3A_1114 = tpu.memref_slice %arg8[%dma_start3A_1113] : memref<16384xi32, #tpu.memory_space<vmem>> -> memref<2048xi32, #tpu.memory_space<vmem>>
        %dma_start3A_1115 = arith.constant 0 : i32
        %dma_start3A_1116 = tpu.memref_slice %arg11[%dma_start3A_1111, %dma_start3A_1112, %dma_start3A_1115] : memref<2x8x2048xi32, #tpu.memory_space<vmem_shared>> -> memref<1x1x2048xi32, #tpu.memory_space<vmem_shared>>
        %dma_start3A_1117 = tpu.memref_squeeze %dma_start3A_1116 : memref<1x1x2048xi32, #tpu.memory_space<vmem_shared>> -> memref<2048xi32, #tpu.memory_space<vmem_shared>>
        %dma_start3A_1118 = arith.constant 6144 : i32
        %dma_start3A_1119 = tpu.memref_slice %arg8[%dma_start3A_1118] : memref<16384xi32, #tpu.memory_space<vmem>> -> memref<2048xi32, #tpu.memory_space<vmem>>
        %dma_start3A_1120 = arith.constant 0 : i32
        %dma_start3A_1121 = tpu.memref_slice %arg11[%dma_start3A_1111, %dma_start3A_1112, %dma_start3A_1120] : memref<2x8x2048xi32, #tpu.memory_space<vmem_shared>> -> memref<1x1x2048xi32, #tpu.memory_space<vmem_shared>>
        %dma_start3A_1122 = tpu.memref_squeeze %dma_start3A_1121 : memref<1x1x2048xi32, #tpu.memory_space<vmem_shared>> -> memref<2048xi32, #tpu.memory_space<vmem_shared>>
        tpu.enqueue_dma source(%dma_start3A_1122 : memref<2048xi32, #tpu.memory_space<vmem_shared>>) target(%dma_start3A_1119 : memref<2048xi32, #tpu.memory_space<vmem>>) target_semaphore(%arg13 : memref<!tpu.dma_semaphore, #tpu.memory_space<semaphore_mem>>)
      } else {
      }
      %dma_wait3A_956 = arith.constant 0 : i32
      %dma_wait3A_957 = arith.constant 0 : i32
      %dma_wait3A_958 = arith.constant 0 : i32
      %dma_wait3A_959 = tpu.memref_slice %arg10[%dma_wait3A_956, %dma_wait3A_958] : memref<2x2048xf32, #tpu.memory_space<vmem>> -> memref<1x2048xf32, #tpu.memory_space<vmem>>
      %dma_wait3A_960 = tpu.memref_squeeze %dma_wait3A_959 : memref<1x2048xf32, #tpu.memory_space<vmem>> -> memref<2048xf32, #tpu.memory_space<vmem>>
      %dma_wait3A_961 = arith.constant 0 : i32
      %dma_wait3A_962 = tpu.memref_slice %arg5[%dma_wait3A_957, %dma_wait3A_961] : memref<832x16384xf32, #tpu.memory_space<hbm>> -> memref<1x2048xf32, #tpu.memory_space<hbm>>
      %dma_wait3A_963 = tpu.memref_squeeze %dma_wait3A_962 : memref<1x2048xf32, #tpu.memory_space<hbm>> -> memref<2048xf32, #tpu.memory_space<hbm>>
      %dma_wait3A_964 = arith.constant 0 : i32
      %dma_wait3A_965 = tpu.memref_slice %arg5[%dma_wait3A_957, %dma_wait3A_964] : memref<832x16384xf32, #tpu.memory_space<hbm>> -> memref<1x2048xf32, #tpu.memory_space<hbm>>
      %dma_wait3A_966 = tpu.memref_squeeze %dma_wait3A_965 : memref<1x2048xf32, #tpu.memory_space<hbm>> -> memref<2048xf32, #tpu.memory_space<hbm>>
      %dma_wait3A_967 = arith.constant 0 : i32
      %dma_wait3A_968 = tpu.memref_slice %arg10[%dma_wait3A_956, %dma_wait3A_967] : memref<2x2048xf32, #tpu.memory_space<vmem>> -> memref<1x2048xf32, #tpu.memory_space<vmem>>
      %dma_wait3A_969 = tpu.memref_squeeze %dma_wait3A_968 : memref<1x2048xf32, #tpu.memory_space<vmem>> -> memref<2048xf32, #tpu.memory_space<vmem>>
      tpu.wait_dma2 semaphore(%arg14 : memref<!tpu.dma_semaphore, #tpu.memory_space<semaphore_mem>>) src(%dma_wait3A_969 : memref<2048xf32, #tpu.memory_space<vmem>>) dst(%dma_wait3A_966 : memref<2048xf32, #tpu.memory_space<hbm>>)
      %parallel_loop3A_970 = arith.constant 512 : i32
      %parallel_loop3A_971 = arith.constant 640 : i32
      %parallel_loop3A_972 = arith.constant 1 : i32
      scf.for %parallel_loop3A_1111 = %parallel_loop3A_970 to %parallel_loop3A_971 step %parallel_loop3A_972  : i32 {
        %parallel_loop3A_1112 = arith.constant 16 : i32
        %parallel_loop3A_1113 = arith.muli %parallel_loop3A_1111, %parallel_loop3A_1112 : i32
        %parallel_loop3A_1114 = arith.index_cast %parallel_loop3A_1113 : i32 to index
        %parallel_loop3A_1115 = tpu.vector_load %arg8[%parallel_loop3A_1114] {strides = array<i32>} : memref<16384xi32, #tpu.memory_space<vmem>>, vector<16xi32>,
        %parallel_loop3A_1116 = arith.constant 66560 : i32
        %parallel_loop3A_1117 = vector.broadcast %parallel_loop3A_1116 : i32 to vector<16xi32>
        %parallel_loop3A_1118 = arith.subi %parallel_loop3A_1115, %parallel_loop3A_1117 : vector<16xi32>
        %parallel_loop3A_1119 = vector.bitcast %parallel_loop3A_1118 : vector<16xi32> to vector<16xi32>
        %parallel_loop3A_1120 = arith.constant 33440 : i32
        %parallel_loop3A_1121 = vector.broadcast %parallel_loop3A_1120 : i32 to vector<16xi32>
        %parallel_loop3A_1122 = arith.cmpi ult, %parallel_loop3A_1119, %parallel_loop3A_1121 : vector<16xi32>
        %parallel_loop3A_1123 = tpu.vector_load_idx %arg7[%parallel_loop3A_1118] masked %parallel_loop3A_1122 : memref<33536xf32, #tpu.memory_space<vmem>>[vector<16xi32>], vector<16xf32>, vector<16xi1>
        %parallel_loop3A_1124 = arith.constant 0.000000e+00 : f32
        %parallel_loop3A_1125 = vector.broadcast %parallel_loop3A_1124 : f32 to vector<16xf32>
        %parallel_loop3A_1126 = arith.select %parallel_loop3A_1122, %parallel_loop3A_1123, %parallel_loop3A_1125 : vector<16xi1>, vector<16xf32>
        %parallel_loop3A_1127 = arith.constant 16 : i32
        %parallel_loop3A_1128 = arith.muli %parallel_loop3A_1111, %parallel_loop3A_1127 : i32
        %parallel_loop3A_1129 = arith.constant 8192 : i32
        %parallel_loop3A_1130 = arith.subi %parallel_loop3A_1128, %parallel_loop3A_1129 : i32
        %parallel_loop3A_1131 = arith.index_cast %parallel_loop3A_1113 : i32 to index
        %parallel_loop3A_1132 = tpu.vector_load %arg9[%parallel_loop3A_1131] {strides = array<i32>} : memref<16384xf32, #tpu.memory_space<vmem>>, vector<16xf32>,
        %parallel_loop3A_1133 = arith.addf %parallel_loop3A_1132, %parallel_loop3A_1126 : vector<16xf32>
        %parallel_loop3A_1134 = arith.constant 0 : i32
        %parallel_loop3A_1135 = arith.index_cast %parallel_loop3A_1134 : i32 to index
        %parallel_loop3A_1136 = arith.index_cast %parallel_loop3A_1130 : i32 to index
        %parallel_loop3A_1137 = tpu.vector_load %arg10[%parallel_loop3A_1135, %parallel_loop3A_1136] {strides = array<i32>} : memref<2x2048xf32, #tpu.memory_space<vmem>>, vector<16xf32>,
        tpu.vector_store %arg10[%parallel_loop3A_1135, %parallel_loop3A_1136], %parallel_loop3A_1133 {strides = array<i32>} : memref<2x2048xf32, #tpu.memory_space<vmem>>, vector<16xf32>,
      } {sc.loop_unroll_factor = 8 : i64, sc.parallel_access}
      %dma_start3A_973 = arith.constant 0 : i32
      %dma_start3A_974 = arith.constant 0 : i32
      %dma_start3A_975 = tpu.memref_slice %arg10[%dma_start3A_973, %dma_start3A_974] : memref<2x2048xf32, #tpu.memory_space<vmem>> -> memref<1x2048xf32, #tpu.memory_space<vmem>>
      %dma_start3A_976 = tpu.memref_squeeze %dma_start3A_975 : memref<1x2048xf32, #tpu.memory_space<vmem>> -> memref<2048xf32, #tpu.memory_space<vmem>>
      %dma_start3A_977 = arith.constant 8192 : i32
      %dma_start3A_978 = tpu.memref_slice %arg5[%add3A_825, %dma_start3A_977] : memref<832x16384xf32, #tpu.memory_space<hbm>> -> memref<1x2048xf32, #tpu.memory_space<hbm>>
      %dma_start3A_979 = tpu.memref_squeeze %dma_start3A_978 : memref<1x2048xf32, #tpu.memory_space<hbm>> -> memref<2048xf32, #tpu.memory_space<hbm>>
      %dma_start3A_980 = arith.constant 8192 : i32
      %dma_start3A_981 = tpu.memref_slice %arg5[%add3A_825, %dma_start3A_980] : memref<832x16384xf32, #tpu.memory_space<hbm>> -> memref<1x2048xf32, #tpu.memory_space<hbm>>
      %dma_start3A_982 = tpu.memref_squeeze %dma_start3A_981 : memref<1x2048xf32, #tpu.memory_space<hbm>> -> memref<2048xf32, #tpu.memory_space<hbm>>
      %dma_start3A_983 = arith.constant 0 : i32
      %dma_start3A_984 = tpu.memref_slice %arg10[%dma_start3A_973, %dma_start3A_983] : memref<2x2048xf32, #tpu.memory_space<vmem>> -> memref<1x2048xf32, #tpu.memory_space<vmem>>
      %dma_start3A_985 = tpu.memref_squeeze %dma_start3A_984 : memref<1x2048xf32, #tpu.memory_space<vmem>> -> memref<2048xf32, #tpu.memory_space<vmem>>
      tpu.enqueue_dma source(%dma_start3A_985 : memref<2048xf32, #tpu.memory_space<vmem>>) target(%dma_start3A_982 : memref<2048xf32, #tpu.memory_space<hbm>>) target_semaphore(%arg14 : memref<!tpu.dma_semaphore, #tpu.memory_space<semaphore_mem>>)
      %add3A_986 = arith.constant 1 : i32
      %add3A_987 = arith.addi %add3A_628, %add3A_986 : i32
      %lt3A_988 = arith.constant 26 : i32
      %lt3A_989 = arith.cmpi slt, %add3A_987, %lt3A_988 : i32
      %convert_element_type3A_990 = arith.extui %lt3A_989 : i1 to i32
      %cond3A_991 = arith.constant 0 : i32
      %cond3A_992 = arith.cmpi ne, %convert_element_type3A_990, %cond3A_991 : i32
      scf.if %cond3A_992 {
        %dma_start3A_1111 = arith.constant 0 : i32
        %dma_start3A_1112 = arith.constant 4 : i32
        %dma_start3A_1113 = arith.constant 8192 : i32
        %dma_start3A_1114 = tpu.memref_slice %arg8[%dma_start3A_1113] : memref<16384xi32, #tpu.memory_space<vmem>> -> memref<2048xi32, #tpu.memory_space<vmem>>
        %dma_start3A_1115 = arith.constant 0 : i32
        %dma_start3A_1116 = tpu.memref_slice %arg11[%dma_start3A_1111, %dma_start3A_1112, %dma_start3A_1115] : memref<2x8x2048xi32, #tpu.memory_space<vmem_shared>> -> memref<1x1x2048xi32, #tpu.memory_space<vmem_shared>>
        %dma_start3A_1117 = tpu.memref_squeeze %dma_start3A_1116 : memref<1x1x2048xi32, #tpu.memory_space<vmem_shared>> -> memref<2048xi32, #tpu.memory_space<vmem_shared>>
        %dma_start3A_1118 = arith.constant 8192 : i32
        %dma_start3A_1119 = tpu.memref_slice %arg8[%dma_start3A_1118] : memref<16384xi32, #tpu.memory_space<vmem>> -> memref<2048xi32, #tpu.memory_space<vmem>>
        %dma_start3A_1120 = arith.constant 0 : i32
        %dma_start3A_1121 = tpu.memref_slice %arg11[%dma_start3A_1111, %dma_start3A_1112, %dma_start3A_1120] : memref<2x8x2048xi32, #tpu.memory_space<vmem_shared>> -> memref<1x1x2048xi32, #tpu.memory_space<vmem_shared>>
        %dma_start3A_1122 = tpu.memref_squeeze %dma_start3A_1121 : memref<1x1x2048xi32, #tpu.memory_space<vmem_shared>> -> memref<2048xi32, #tpu.memory_space<vmem_shared>>
        tpu.enqueue_dma source(%dma_start3A_1122 : memref<2048xi32, #tpu.memory_space<vmem_shared>>) target(%dma_start3A_1119 : memref<2048xi32, #tpu.memory_space<vmem>>) target_semaphore(%arg13 : memref<!tpu.dma_semaphore, #tpu.memory_space<semaphore_mem>>)
      } else {
      }
      %dma_wait3A_993 = arith.constant 0 : i32
      %dma_wait3A_994 = arith.constant 0 : i32
      %dma_wait3A_995 = arith.constant 0 : i32
      %dma_wait3A_996 = tpu.memref_slice %arg10[%dma_wait3A_993, %dma_wait3A_995] : memref<2x2048xf32, #tpu.memory_space<vmem>> -> memref<1x2048xf32, #tpu.memory_space<vmem>>
      %dma_wait3A_997 = tpu.memref_squeeze %dma_wait3A_996 : memref<1x2048xf32, #tpu.memory_space<vmem>> -> memref<2048xf32, #tpu.memory_space<vmem>>
      %dma_wait3A_998 = arith.constant 0 : i32
      %dma_wait3A_999 = tpu.memref_slice %arg5[%dma_wait3A_994, %dma_wait3A_998] : memref<832x16384xf32, #tpu.memory_space<hbm>> -> memref<1x2048xf32, #tpu.memory_space<hbm>>
      %dma_wait3A_1000 = tpu.memref_squeeze %dma_wait3A_999 : memref<1x2048xf32, #tpu.memory_space<hbm>> -> memref<2048xf32, #tpu.memory_space<hbm>>
      %dma_wait3A_1001 = arith.constant 0 : i32
      %dma_wait3A_1002 = tpu.memref_slice %arg5[%dma_wait3A_994, %dma_wait3A_1001] : memref<832x16384xf32, #tpu.memory_space<hbm>> -> memref<1x2048xf32, #tpu.memory_space<hbm>>
      %dma_wait3A_1003 = tpu.memref_squeeze %dma_wait3A_1002 : memref<1x2048xf32, #tpu.memory_space<hbm>> -> memref<2048xf32, #tpu.memory_space<hbm>>
      %dma_wait3A_1004 = arith.constant 0 : i32
      %dma_wait3A_1005 = tpu.memref_slice %arg10[%dma_wait3A_993, %dma_wait3A_1004] : memref<2x2048xf32, #tpu.memory_space<vmem>> -> memref<1x2048xf32, #tpu.memory_space<vmem>>
      %dma_wait3A_1006 = tpu.memref_squeeze %dma_wait3A_1005 : memref<1x2048xf32, #tpu.memory_space<vmem>> -> memref<2048xf32, #tpu.memory_space<vmem>>
      tpu.wait_dma2 semaphore(%arg14 : memref<!tpu.dma_semaphore, #tpu.memory_space<semaphore_mem>>) src(%dma_wait3A_1006 : memref<2048xf32, #tpu.memory_space<vmem>>) dst(%dma_wait3A_1003 : memref<2048xf32, #tpu.memory_space<hbm>>)
      %parallel_loop3A_1007 = arith.constant 640 : i32
      %parallel_loop3A_1008 = arith.constant 768 : i32
      %parallel_loop3A_1009 = arith.constant 1 : i32
      scf.for %parallel_loop3A_1111 = %parallel_loop3A_1007 to %parallel_loop3A_1008 step %parallel_loop3A_1009  : i32 {
        %parallel_loop3A_1112 = arith.constant 16 : i32
        %parallel_loop3A_1113 = arith.muli %parallel_loop3A_1111, %parallel_loop3A_1112 : i32
        %parallel_loop3A_1114 = arith.index_cast %parallel_loop3A_1113 : i32 to index
        %parallel_loop3A_1115 = tpu.vector_load %arg8[%parallel_loop3A_1114] {strides = array<i32>} : memref<16384xi32, #tpu.memory_space<vmem>>, vector<16xi32>,
        %parallel_loop3A_1116 = arith.constant 66560 : i32
        %parallel_loop3A_1117 = vector.broadcast %parallel_loop3A_1116 : i32 to vector<16xi32>
        %parallel_loop3A_1118 = arith.subi %parallel_loop3A_1115, %parallel_loop3A_1117 : vector<16xi32>
        %parallel_loop3A_1119 = vector.bitcast %parallel_loop3A_1118 : vector<16xi32> to vector<16xi32>
        %parallel_loop3A_1120 = arith.constant 33440 : i32
        %parallel_loop3A_1121 = vector.broadcast %parallel_loop3A_1120 : i32 to vector<16xi32>
        %parallel_loop3A_1122 = arith.cmpi ult, %parallel_loop3A_1119, %parallel_loop3A_1121 : vector<16xi32>
        %parallel_loop3A_1123 = tpu.vector_load_idx %arg7[%parallel_loop3A_1118] masked %parallel_loop3A_1122 : memref<33536xf32, #tpu.memory_space<vmem>>[vector<16xi32>], vector<16xf32>, vector<16xi1>
        %parallel_loop3A_1124 = arith.constant 0.000000e+00 : f32
        %parallel_loop3A_1125 = vector.broadcast %parallel_loop3A_1124 : f32 to vector<16xf32>
        %parallel_loop3A_1126 = arith.select %parallel_loop3A_1122, %parallel_loop3A_1123, %parallel_loop3A_1125 : vector<16xi1>, vector<16xf32>
        %parallel_loop3A_1127 = arith.constant 16 : i32
        %parallel_loop3A_1128 = arith.muli %parallel_loop3A_1111, %parallel_loop3A_1127 : i32
        %parallel_loop3A_1129 = arith.constant 10240 : i32
        %parallel_loop3A_1130 = arith.subi %parallel_loop3A_1128, %parallel_loop3A_1129 : i32
        %parallel_loop3A_1131 = arith.index_cast %parallel_loop3A_1113 : i32 to index
        %parallel_loop3A_1132 = tpu.vector_load %arg9[%parallel_loop3A_1131] {strides = array<i32>} : memref<16384xf32, #tpu.memory_space<vmem>>, vector<16xf32>,
        %parallel_loop3A_1133 = arith.addf %parallel_loop3A_1132, %parallel_loop3A_1126 : vector<16xf32>
        %parallel_loop3A_1134 = arith.constant 1 : i32
        %parallel_loop3A_1135 = arith.index_cast %parallel_loop3A_1134 : i32 to index
        %parallel_loop3A_1136 = arith.index_cast %parallel_loop3A_1130 : i32 to index
        %parallel_loop3A_1137 = tpu.vector_load %arg10[%parallel_loop3A_1135, %parallel_loop3A_1136] {strides = array<i32>} : memref<2x2048xf32, #tpu.memory_space<vmem>>, vector<16xf32>,
        tpu.vector_store %arg10[%parallel_loop3A_1135, %parallel_loop3A_1136], %parallel_loop3A_1133 {strides = array<i32>} : memref<2x2048xf32, #tpu.memory_space<vmem>>, vector<16xf32>,
      } {sc.loop_unroll_factor = 8 : i64, sc.parallel_access}
      %dma_start3A_1010 = arith.constant 1 : i32
      %dma_start3A_1011 = arith.constant 0 : i32
      %dma_start3A_1012 = tpu.memref_slice %arg10[%dma_start3A_1010, %dma_start3A_1011] : memref<2x2048xf32, #tpu.memory_space<vmem>> -> memref<1x2048xf32, #tpu.memory_space<vmem>>
      %dma_start3A_1013 = tpu.memref_squeeze %dma_start3A_1012 : memref<1x2048xf32, #tpu.memory_space<vmem>> -> memref<2048xf32, #tpu.memory_space<vmem>>
      %dma_start3A_1014 = arith.constant 10240 : i32
      %dma_start3A_1015 = tpu.memref_slice %arg5[%add3A_825, %dma_start3A_1014] : memref<832x16384xf32, #tpu.memory_space<hbm>> -> memref<1x2048xf32, #tpu.memory_space<hbm>>
      %dma_start3A_1016 = tpu.memref_squeeze %dma_start3A_1015 : memref<1x2048xf32, #tpu.memory_space<hbm>> -> memref<2048xf32, #tpu.memory_space<hbm>>
      %dma_start3A_1017 = arith.constant 10240 : i32
      %dma_start3A_1018 = tpu.memref_slice %arg5[%add3A_825, %dma_start3A_1017] : memref<832x16384xf32, #tpu.memory_space<hbm>> -> memref<1x2048xf32, #tpu.memory_space<hbm>>
      %dma_start3A_1019 = tpu.memref_squeeze %dma_start3A_1018 : memref<1x2048xf32, #tpu.memory_space<hbm>> -> memref<2048xf32, #tpu.memory_space<hbm>>
      %dma_start3A_1020 = arith.constant 0 : i32
      %dma_start3A_1021 = tpu.memref_slice %arg10[%dma_start3A_1010, %dma_start3A_1020] : memref<2x2048xf32, #tpu.memory_space<vmem>> -> memref<1x2048xf32, #tpu.memory_space<vmem>>
      %dma_start3A_1022 = tpu.memref_squeeze %dma_start3A_1021 : memref<1x2048xf32, #tpu.memory_space<vmem>> -> memref<2048xf32, #tpu.memory_space<vmem>>
      tpu.enqueue_dma source(%dma_start3A_1022 : memref<2048xf32, #tpu.memory_space<vmem>>) target(%dma_start3A_1019 : memref<2048xf32, #tpu.memory_space<hbm>>) target_semaphore(%arg14 : memref<!tpu.dma_semaphore, #tpu.memory_space<semaphore_mem>>)
      %add3A_1023 = arith.constant 1 : i32
      %add3A_1024 = arith.addi %add3A_628, %add3A_1023 : i32
      %lt3A_1025 = arith.constant 26 : i32
      %lt3A_1026 = arith.cmpi slt, %add3A_1024, %lt3A_1025 : i32
      %convert_element_type3A_1027 = arith.extui %lt3A_1026 : i1 to i32
      %cond3A_1028 = arith.constant 0 : i32
      %cond3A_1029 = arith.cmpi ne, %convert_element_type3A_1027, %cond3A_1028 : i32
      scf.if %cond3A_1029 {
        %dma_start3A_1111 = arith.constant 0 : i32
        %dma_start3A_1112 = arith.constant 5 : i32
        %dma_start3A_1113 = arith.constant 10240 : i32
        %dma_start3A_1114 = tpu.memref_slice %arg8[%dma_start3A_1113] : memref<16384xi32, #tpu.memory_space<vmem>> -> memref<2048xi32, #tpu.memory_space<vmem>>
        %dma_start3A_1115 = arith.constant 0 : i32
        %dma_start3A_1116 = tpu.memref_slice %arg11[%dma_start3A_1111, %dma_start3A_1112, %dma_start3A_1115] : memref<2x8x2048xi32, #tpu.memory_space<vmem_shared>> -> memref<1x1x2048xi32, #tpu.memory_space<vmem_shared>>
        %dma_start3A_1117 = tpu.memref_squeeze %dma_start3A_1116 : memref<1x1x2048xi32, #tpu.memory_space<vmem_shared>> -> memref<2048xi32, #tpu.memory_space<vmem_shared>>
        %dma_start3A_1118 = arith.constant 10240 : i32
        %dma_start3A_1119 = tpu.memref_slice %arg8[%dma_start3A_1118] : memref<16384xi32, #tpu.memory_space<vmem>> -> memref<2048xi32, #tpu.memory_space<vmem>>
        %dma_start3A_1120 = arith.constant 0 : i32
        %dma_start3A_1121 = tpu.memref_slice %arg11[%dma_start3A_1111, %dma_start3A_1112, %dma_start3A_1120] : memref<2x8x2048xi32, #tpu.memory_space<vmem_shared>> -> memref<1x1x2048xi32, #tpu.memory_space<vmem_shared>>
        %dma_start3A_1122 = tpu.memref_squeeze %dma_start3A_1121 : memref<1x1x2048xi32, #tpu.memory_space<vmem_shared>> -> memref<2048xi32, #tpu.memory_space<vmem_shared>>
        tpu.enqueue_dma source(%dma_start3A_1122 : memref<2048xi32, #tpu.memory_space<vmem_shared>>) target(%dma_start3A_1119 : memref<2048xi32, #tpu.memory_space<vmem>>) target_semaphore(%arg13 : memref<!tpu.dma_semaphore, #tpu.memory_space<semaphore_mem>>)
      } else {
      }
      %dma_wait3A_1030 = arith.constant 0 : i32
      %dma_wait3A_1031 = arith.constant 0 : i32
      %dma_wait3A_1032 = arith.constant 0 : i32
      %dma_wait3A_1033 = tpu.memref_slice %arg10[%dma_wait3A_1030, %dma_wait3A_1032] : memref<2x2048xf32, #tpu.memory_space<vmem>> -> memref<1x2048xf32, #tpu.memory_space<vmem>>
      %dma_wait3A_1034 = tpu.memref_squeeze %dma_wait3A_1033 : memref<1x2048xf32, #tpu.memory_space<vmem>> -> memref<2048xf32, #tpu.memory_space<vmem>>
      %dma_wait3A_1035 = arith.constant 0 : i32
      %dma_wait3A_1036 = tpu.memref_slice %arg5[%dma_wait3A_1031, %dma_wait3A_1035] : memref<832x16384xf32, #tpu.memory_space<hbm>> -> memref<1x2048xf32, #tpu.memory_space<hbm>>
      %dma_wait3A_1037 = tpu.memref_squeeze %dma_wait3A_1036 : memref<1x2048xf32, #tpu.memory_space<hbm>> -> memref<2048xf32, #tpu.memory_space<hbm>>
      %dma_wait3A_1038 = arith.constant 0 : i32
      %dma_wait3A_1039 = tpu.memref_slice %arg5[%dma_wait3A_1031, %dma_wait3A_1038] : memref<832x16384xf32, #tpu.memory_space<hbm>> -> memref<1x2048xf32, #tpu.memory_space<hbm>>
      %dma_wait3A_1040 = tpu.memref_squeeze %dma_wait3A_1039 : memref<1x2048xf32, #tpu.memory_space<hbm>> -> memref<2048xf32, #tpu.memory_space<hbm>>
      %dma_wait3A_1041 = arith.constant 0 : i32
      %dma_wait3A_1042 = tpu.memref_slice %arg10[%dma_wait3A_1030, %dma_wait3A_1041] : memref<2x2048xf32, #tpu.memory_space<vmem>> -> memref<1x2048xf32, #tpu.memory_space<vmem>>
      %dma_wait3A_1043 = tpu.memref_squeeze %dma_wait3A_1042 : memref<1x2048xf32, #tpu.memory_space<vmem>> -> memref<2048xf32, #tpu.memory_space<vmem>>
      tpu.wait_dma2 semaphore(%arg14 : memref<!tpu.dma_semaphore, #tpu.memory_space<semaphore_mem>>) src(%dma_wait3A_1043 : memref<2048xf32, #tpu.memory_space<vmem>>) dst(%dma_wait3A_1040 : memref<2048xf32, #tpu.memory_space<hbm>>)
      %parallel_loop3A_1044 = arith.constant 768 : i32
      %parallel_loop3A_1045 = arith.constant 896 : i32
      %parallel_loop3A_1046 = arith.constant 1 : i32
      scf.for %parallel_loop3A_1111 = %parallel_loop3A_1044 to %parallel_loop3A_1045 step %parallel_loop3A_1046  : i32 {
        %parallel_loop3A_1112 = arith.constant 16 : i32
        %parallel_loop3A_1113 = arith.muli %parallel_loop3A_1111, %parallel_loop3A_1112 : i32
        %parallel_loop3A_1114 = arith.index_cast %parallel_loop3A_1113 : i32 to index
        %parallel_loop3A_1115 = tpu.vector_load %arg8[%parallel_loop3A_1114] {strides = array<i32>} : memref<16384xi32, #tpu.memory_space<vmem>>, vector<16xi32>,
        %parallel_loop3A_1116 = arith.constant 66560 : i32
        %parallel_loop3A_1117 = vector.broadcast %parallel_loop3A_1116 : i32 to vector<16xi32>
        %parallel_loop3A_1118 = arith.subi %parallel_loop3A_1115, %parallel_loop3A_1117 : vector<16xi32>
        %parallel_loop3A_1119 = vector.bitcast %parallel_loop3A_1118 : vector<16xi32> to vector<16xi32>
        %parallel_loop3A_1120 = arith.constant 33440 : i32
        %parallel_loop3A_1121 = vector.broadcast %parallel_loop3A_1120 : i32 to vector<16xi32>
        %parallel_loop3A_1122 = arith.cmpi ult, %parallel_loop3A_1119, %parallel_loop3A_1121 : vector<16xi32>
        %parallel_loop3A_1123 = tpu.vector_load_idx %arg7[%parallel_loop3A_1118] masked %parallel_loop3A_1122 : memref<33536xf32, #tpu.memory_space<vmem>>[vector<16xi32>], vector<16xf32>, vector<16xi1>
        %parallel_loop3A_1124 = arith.constant 0.000000e+00 : f32
        %parallel_loop3A_1125 = vector.broadcast %parallel_loop3A_1124 : f32 to vector<16xf32>
        %parallel_loop3A_1126 = arith.select %parallel_loop3A_1122, %parallel_loop3A_1123, %parallel_loop3A_1125 : vector<16xi1>, vector<16xf32>
        %parallel_loop3A_1127 = arith.constant 16 : i32
        %parallel_loop3A_1128 = arith.muli %parallel_loop3A_1111, %parallel_loop3A_1127 : i32
        %parallel_loop3A_1129 = arith.constant 12288 : i32
        %parallel_loop3A_1130 = arith.subi %parallel_loop3A_1128, %parallel_loop3A_1129 : i32
        %parallel_loop3A_1131 = arith.index_cast %parallel_loop3A_1113 : i32 to index
        %parallel_loop3A_1132 = tpu.vector_load %arg9[%parallel_loop3A_1131] {strides = array<i32>} : memref<16384xf32, #tpu.memory_space<vmem>>, vector<16xf32>,
        %parallel_loop3A_1133 = arith.addf %parallel_loop3A_1132, %parallel_loop3A_1126 : vector<16xf32>
        %parallel_loop3A_1134 = arith.constant 0 : i32
        %parallel_loop3A_1135 = arith.index_cast %parallel_loop3A_1134 : i32 to index
        %parallel_loop3A_1136 = arith.index_cast %parallel_loop3A_1130 : i32 to index
        %parallel_loop3A_1137 = tpu.vector_load %arg10[%parallel_loop3A_1135, %parallel_loop3A_1136] {strides = array<i32>} : memref<2x2048xf32, #tpu.memory_space<vmem>>, vector<16xf32>,
        tpu.vector_store %arg10[%parallel_loop3A_1135, %parallel_loop3A_1136], %parallel_loop3A_1133 {strides = array<i32>} : memref<2x2048xf32, #tpu.memory_space<vmem>>, vector<16xf32>,
      } {sc.loop_unroll_factor = 8 : i64, sc.parallel_access}
      %dma_start3A_1047 = arith.constant 0 : i32
      %dma_start3A_1048 = arith.constant 0 : i32
      %dma_start3A_1049 = tpu.memref_slice %arg10[%dma_start3A_1047, %dma_start3A_1048] : memref<2x2048xf32, #tpu.memory_space<vmem>> -> memref<1x2048xf32, #tpu.memory_space<vmem>>
      %dma_start3A_1050 = tpu.memref_squeeze %dma_start3A_1049 : memref<1x2048xf32, #tpu.memory_space<vmem>> -> memref<2048xf32, #tpu.memory_space<vmem>>
      %dma_start3A_1051 = arith.constant 12288 : i32
      %dma_start3A_1052 = tpu.memref_slice %arg5[%add3A_825, %dma_start3A_1051] : memref<832x16384xf32, #tpu.memory_space<hbm>> -> memref<1x2048xf32, #tpu.memory_space<hbm>>
      %dma_start3A_1053 = tpu.memref_squeeze %dma_start3A_1052 : memref<1x2048xf32, #tpu.memory_space<hbm>> -> memref<2048xf32, #tpu.memory_space<hbm>>
      %dma_start3A_1054 = arith.constant 12288 : i32
      %dma_start3A_1055 = tpu.memref_slice %arg5[%add3A_825, %dma_start3A_1054] : memref<832x16384xf32, #tpu.memory_space<hbm>> -> memref<1x2048xf32, #tpu.memory_space<hbm>>
      %dma_start3A_1056 = tpu.memref_squeeze %dma_start3A_1055 : memref<1x2048xf32, #tpu.memory_space<hbm>> -> memref<2048xf32, #tpu.memory_space<hbm>>
      %dma_start3A_1057 = arith.constant 0 : i32
      %dma_start3A_1058 = tpu.memref_slice %arg10[%dma_start3A_1047, %dma_start3A_1057] : memref<2x2048xf32, #tpu.memory_space<vmem>> -> memref<1x2048xf32, #tpu.memory_space<vmem>>
      %dma_start3A_1059 = tpu.memref_squeeze %dma_start3A_1058 : memref<1x2048xf32, #tpu.memory_space<vmem>> -> memref<2048xf32, #tpu.memory_space<vmem>>
      tpu.enqueue_dma source(%dma_start3A_1059 : memref<2048xf32, #tpu.memory_space<vmem>>) target(%dma_start3A_1056 : memref<2048xf32, #tpu.memory_space<hbm>>) target_semaphore(%arg14 : memref<!tpu.dma_semaphore, #tpu.memory_space<semaphore_mem>>)
      %add3A_1060 = arith.constant 1 : i32
      %add3A_1061 = arith.addi %add3A_628, %add3A_1060 : i32
      %lt3A_1062 = arith.constant 26 : i32
      %lt3A_1063 = arith.cmpi slt, %add3A_1061, %lt3A_1062 : i32
      %convert_element_type3A_1064 = arith.extui %lt3A_1063 : i1 to i32
      %cond3A_1065 = arith.constant 0 : i32
      %cond3A_1066 = arith.cmpi ne, %convert_element_type3A_1064, %cond3A_1065 : i32
      scf.if %cond3A_1066 {
        %dma_start3A_1111 = arith.constant 0 : i32
        %dma_start3A_1112 = arith.constant 6 : i32
        %dma_start3A_1113 = arith.constant 12288 : i32
        %dma_start3A_1114 = tpu.memref_slice %arg8[%dma_start3A_1113] : memref<16384xi32, #tpu.memory_space<vmem>> -> memref<2048xi32, #tpu.memory_space<vmem>>
        %dma_start3A_1115 = arith.constant 0 : i32
        %dma_start3A_1116 = tpu.memref_slice %arg11[%dma_start3A_1111, %dma_start3A_1112, %dma_start3A_1115] : memref<2x8x2048xi32, #tpu.memory_space<vmem_shared>> -> memref<1x1x2048xi32, #tpu.memory_space<vmem_shared>>
        %dma_start3A_1117 = tpu.memref_squeeze %dma_start3A_1116 : memref<1x1x2048xi32, #tpu.memory_space<vmem_shared>> -> memref<2048xi32, #tpu.memory_space<vmem_shared>>
        %dma_start3A_1118 = arith.constant 12288 : i32
        %dma_start3A_1119 = tpu.memref_slice %arg8[%dma_start3A_1118] : memref<16384xi32, #tpu.memory_space<vmem>> -> memref<2048xi32, #tpu.memory_space<vmem>>
        %dma_start3A_1120 = arith.constant 0 : i32
        %dma_start3A_1121 = tpu.memref_slice %arg11[%dma_start3A_1111, %dma_start3A_1112, %dma_start3A_1120] : memref<2x8x2048xi32, #tpu.memory_space<vmem_shared>> -> memref<1x1x2048xi32, #tpu.memory_space<vmem_shared>>
        %dma_start3A_1122 = tpu.memref_squeeze %dma_start3A_1121 : memref<1x1x2048xi32, #tpu.memory_space<vmem_shared>> -> memref<2048xi32, #tpu.memory_space<vmem_shared>>
        tpu.enqueue_dma source(%dma_start3A_1122 : memref<2048xi32, #tpu.memory_space<vmem_shared>>) target(%dma_start3A_1119 : memref<2048xi32, #tpu.memory_space<vmem>>) target_semaphore(%arg13 : memref<!tpu.dma_semaphore, #tpu.memory_space<semaphore_mem>>)
      } else {
      }
      %dma_wait3A_1067 = arith.constant 0 : i32
      %dma_wait3A_1068 = arith.constant 0 : i32
      %dma_wait3A_1069 = arith.constant 0 : i32
      %dma_wait3A_1070 = tpu.memref_slice %arg10[%dma_wait3A_1067, %dma_wait3A_1069] : memref<2x2048xf32, #tpu.memory_space<vmem>> -> memref<1x2048xf32, #tpu.memory_space<vmem>>
      %dma_wait3A_1071 = tpu.memref_squeeze %dma_wait3A_1070 : memref<1x2048xf32, #tpu.memory_space<vmem>> -> memref<2048xf32, #tpu.memory_space<vmem>>
      %dma_wait3A_1072 = arith.constant 0 : i32
      %dma_wait3A_1073 = tpu.memref_slice %arg5[%dma_wait3A_1068, %dma_wait3A_1072] : memref<832x16384xf32, #tpu.memory_space<hbm>> -> memref<1x2048xf32, #tpu.memory_space<hbm>>
      %dma_wait3A_1074 = tpu.memref_squeeze %dma_wait3A_1073 : memref<1x2048xf32, #tpu.memory_space<hbm>> -> memref<2048xf32, #tpu.memory_space<hbm>>
      %dma_wait3A_1075 = arith.constant 0 : i32
      %dma_wait3A_1076 = tpu.memref_slice %arg5[%dma_wait3A_1068, %dma_wait3A_1075] : memref<832x16384xf32, #tpu.memory_space<hbm>> -> memref<1x2048xf32, #tpu.memory_space<hbm>>
      %dma_wait3A_1077 = tpu.memref_squeeze %dma_wait3A_1076 : memref<1x2048xf32, #tpu.memory_space<hbm>> -> memref<2048xf32, #tpu.memory_space<hbm>>
      %dma_wait3A_1078 = arith.constant 0 : i32
      %dma_wait3A_1079 = tpu.memref_slice %arg10[%dma_wait3A_1067, %dma_wait3A_1078] : memref<2x2048xf32, #tpu.memory_space<vmem>> -> memref<1x2048xf32, #tpu.memory_space<vmem>>
      %dma_wait3A_1080 = tpu.memref_squeeze %dma_wait3A_1079 : memref<1x2048xf32, #tpu.memory_space<vmem>> -> memref<2048xf32, #tpu.memory_space<vmem>>
      tpu.wait_dma2 semaphore(%arg14 : memref<!tpu.dma_semaphore, #tpu.memory_space<semaphore_mem>>) src(%dma_wait3A_1080 : memref<2048xf32, #tpu.memory_space<vmem>>) dst(%dma_wait3A_1077 : memref<2048xf32, #tpu.memory_space<hbm>>)
      %parallel_loop3A_1081 = arith.constant 896 : i32
      %parallel_loop3A_1082 = arith.constant 1024 : i32
      %parallel_loop3A_1083 = arith.constant 1 : i32
      scf.for %parallel_loop3A_1111 = %parallel_loop3A_1081 to %parallel_loop3A_1082 step %parallel_loop3A_1083  : i32 {
        %parallel_loop3A_1112 = arith.constant 16 : i32
        %parallel_loop3A_1113 = arith.muli %parallel_loop3A_1111, %parallel_loop3A_1112 : i32
        %parallel_loop3A_1114 = arith.index_cast %parallel_loop3A_1113 : i32 to index
        %parallel_loop3A_1115 = tpu.vector_load %arg8[%parallel_loop3A_1114] {strides = array<i32>} : memref<16384xi32, #tpu.memory_space<vmem>>, vector<16xi32>,
        %parallel_loop3A_1116 = arith.constant 66560 : i32
        %parallel_loop3A_1117 = vector.broadcast %parallel_loop3A_1116 : i32 to vector<16xi32>
        %parallel_loop3A_1118 = arith.subi %parallel_loop3A_1115, %parallel_loop3A_1117 : vector<16xi32>
        %parallel_loop3A_1119 = vector.bitcast %parallel_loop3A_1118 : vector<16xi32> to vector<16xi32>
        %parallel_loop3A_1120 = arith.constant 33440 : i32
        %parallel_loop3A_1121 = vector.broadcast %parallel_loop3A_1120 : i32 to vector<16xi32>
        %parallel_loop3A_1122 = arith.cmpi ult, %parallel_loop3A_1119, %parallel_loop3A_1121 : vector<16xi32>
        %parallel_loop3A_1123 = tpu.vector_load_idx %arg7[%parallel_loop3A_1118] masked %parallel_loop3A_1122 : memref<33536xf32, #tpu.memory_space<vmem>>[vector<16xi32>], vector<16xf32>, vector<16xi1>
        %parallel_loop3A_1124 = arith.constant 0.000000e+00 : f32
        %parallel_loop3A_1125 = vector.broadcast %parallel_loop3A_1124 : f32 to vector<16xf32>
        %parallel_loop3A_1126 = arith.select %parallel_loop3A_1122, %parallel_loop3A_1123, %parallel_loop3A_1125 : vector<16xi1>, vector<16xf32>
        %parallel_loop3A_1127 = arith.constant 16 : i32
        %parallel_loop3A_1128 = arith.muli %parallel_loop3A_1111, %parallel_loop3A_1127 : i32
        %parallel_loop3A_1129 = arith.constant 14336 : i32
        %parallel_loop3A_1130 = arith.subi %parallel_loop3A_1128, %parallel_loop3A_1129 : i32
        %parallel_loop3A_1131 = arith.index_cast %parallel_loop3A_1113 : i32 to index
        %parallel_loop3A_1132 = tpu.vector_load %arg9[%parallel_loop3A_1131] {strides = array<i32>} : memref<16384xf32, #tpu.memory_space<vmem>>, vector<16xf32>,
        %parallel_loop3A_1133 = arith.addf %parallel_loop3A_1132, %parallel_loop3A_1126 : vector<16xf32>
        %parallel_loop3A_1134 = arith.constant 1 : i32
        %parallel_loop3A_1135 = arith.index_cast %parallel_loop3A_1134 : i32 to index
        %parallel_loop3A_1136 = arith.index_cast %parallel_loop3A_1130 : i32 to index
        %parallel_loop3A_1137 = tpu.vector_load %arg10[%parallel_loop3A_1135, %parallel_loop3A_1136] {strides = array<i32>} : memref<2x2048xf32, #tpu.memory_space<vmem>>, vector<16xf32>,
        tpu.vector_store %arg10[%parallel_loop3A_1135, %parallel_loop3A_1136], %parallel_loop3A_1133 {strides = array<i32>} : memref<2x2048xf32, #tpu.memory_space<vmem>>, vector<16xf32>,
      } {sc.loop_unroll_factor = 8 : i64, sc.parallel_access}
      %dma_start3A_1084 = arith.constant 1 : i32
      %dma_start3A_1085 = arith.constant 0 : i32
      %dma_start3A_1086 = tpu.memref_slice %arg10[%dma_start3A_1084, %dma_start3A_1085] : memref<2x2048xf32, #tpu.memory_space<vmem>> -> memref<1x2048xf32, #tpu.memory_space<vmem>>
      %dma_start3A_1087 = tpu.memref_squeeze %dma_start3A_1086 : memref<1x2048xf32, #tpu.memory_space<vmem>> -> memref<2048xf32, #tpu.memory_space<vmem>>
      %dma_start3A_1088 = arith.constant 14336 : i32
      %dma_start3A_1089 = tpu.memref_slice %arg5[%add3A_825, %dma_start3A_1088] : memref<832x16384xf32, #tpu.memory_space<hbm>> -> memref<1x2048xf32, #tpu.memory_space<hbm>>
      %dma_start3A_1090 = tpu.memref_squeeze %dma_start3A_1089 : memref<1x2048xf32, #tpu.memory_space<hbm>> -> memref<2048xf32, #tpu.memory_space<hbm>>
      %dma_start3A_1091 = arith.constant 14336 : i32
      %dma_start3A_1092 = tpu.memref_slice %arg5[%add3A_825, %dma_start3A_1091] : memref<832x16384xf32, #tpu.memory_space<hbm>> -> memref<1x2048xf32, #tpu.memory_space<hbm>>
      %dma_start3A_1093 = tpu.memref_squeeze %dma_start3A_1092 : memref<1x2048xf32, #tpu.memory_space<hbm>> -> memref<2048xf32, #tpu.memory_space<hbm>>
      %dma_start3A_1094 = arith.constant 0 : i32
      %dma_start3A_1095 = tpu.memref_slice %arg10[%dma_start3A_1084, %dma_start3A_1094] : memref<2x2048xf32, #tpu.memory_space<vmem>> -> memref<1x2048xf32, #tpu.memory_space<vmem>>
      %dma_start3A_1096 = tpu.memref_squeeze %dma_start3A_1095 : memref<1x2048xf32, #tpu.memory_space<vmem>> -> memref<2048xf32, #tpu.memory_space<vmem>>
      tpu.enqueue_dma source(%dma_start3A_1096 : memref<2048xf32, #tpu.memory_space<vmem>>) target(%dma_start3A_1093 : memref<2048xf32, #tpu.memory_space<hbm>>) target_semaphore(%arg14 : memref<!tpu.dma_semaphore, #tpu.memory_space<semaphore_mem>>)
      %add3A_1097 = arith.constant 1 : i32
      %add3A_1098 = arith.addi %add3A_628, %add3A_1097 : i32
      %lt3A_1099 = arith.constant 26 : i32
      %lt3A_1100 = arith.cmpi slt, %add3A_1098, %lt3A_1099 : i32
      %convert_element_type3A_1101 = arith.extui %lt3A_1100 : i1 to i32
      %cond3A_1102 = arith.constant 0 : i32
      %cond3A_1103 = arith.cmpi ne, %convert_element_type3A_1101, %cond3A_1102 : i32
      scf.if %cond3A_1103 {
        %dma_start3A_1111 = arith.constant 0 : i32
        %dma_start3A_1112 = arith.constant 7 : i32
        %dma_start3A_1113 = arith.constant 14336 : i32
        %dma_start3A_1114 = tpu.memref_slice %arg8[%dma_start3A_1113] : memref<16384xi32, #tpu.memory_space<vmem>> -> memref<2048xi32, #tpu.memory_space<vmem>>
        %dma_start3A_1115 = arith.constant 0 : i32
        %dma_start3A_1116 = tpu.memref_slice %arg11[%dma_start3A_1111, %dma_start3A_1112, %dma_start3A_1115] : memref<2x8x2048xi32, #tpu.memory_space<vmem_shared>> -> memref<1x1x2048xi32, #tpu.memory_space<vmem_shared>>
        %dma_start3A_1117 = tpu.memref_squeeze %dma_start3A_1116 : memref<1x1x2048xi32, #tpu.memory_space<vmem_shared>> -> memref<2048xi32, #tpu.memory_space<vmem_shared>>
        %dma_start3A_1118 = arith.constant 14336 : i32
        %dma_start3A_1119 = tpu.memref_slice %arg8[%dma_start3A_1118] : memref<16384xi32, #tpu.memory_space<vmem>> -> memref<2048xi32, #tpu.memory_space<vmem>>
        %dma_start3A_1120 = arith.constant 0 : i32
        %dma_start3A_1121 = tpu.memref_slice %arg11[%dma_start3A_1111, %dma_start3A_1112, %dma_start3A_1120] : memref<2x8x2048xi32, #tpu.memory_space<vmem_shared>> -> memref<1x1x2048xi32, #tpu.memory_space<vmem_shared>>
        %dma_start3A_1122 = tpu.memref_squeeze %dma_start3A_1121 : memref<1x1x2048xi32, #tpu.memory_space<vmem_shared>> -> memref<2048xi32, #tpu.memory_space<vmem_shared>>
        tpu.enqueue_dma source(%dma_start3A_1122 : memref<2048xi32, #tpu.memory_space<vmem_shared>>) target(%dma_start3A_1119 : memref<2048xi32, #tpu.memory_space<vmem>>) target_semaphore(%arg13 : memref<!tpu.dma_semaphore, #tpu.memory_space<semaphore_mem>>)
      } else {
      }
      %add3A_1104 = arith.constant 1 : i32
      %add3A_1105 = arith.addi %add3A_628, %add3A_1104 : i32
      %lt3A_1106 = arith.constant 26 : i32
      %lt3A_1107 = arith.cmpi slt, %add3A_1105, %lt3A_1106 : i32
      %convert_element_type3A_1108 = arith.extui %lt3A_1107 : i1 to i32
      %cond3A_1109 = arith.constant 0 : i32
      %cond3A_1110 = arith.cmpi ne, %convert_element_type3A_1108, %cond3A_1109 : i32
      scf.if %cond3A_1110 {
        %add3A_1111 = arith.constant 1 : i32
        %add3A_1112 = arith.addi %add3A_628, %add3A_1111 : i32
        %mul3A_1113 = arith.constant 32 : i32
        %mul3A_1114 = arith.muli %add3A_1112, %mul3A_1113 : i32
        %add3A_1115 = arith.addi %mul3A_1114, %add3A : i32
        %dma_start3A_1116 = arith.constant 0 : i32
        %dma_start3A_1117 = tpu.memref_slice %arg7[%dma_start3A_1116] : memref<33536xf32, #tpu.memory_space<vmem>> -> memref<33280xf32, #tpu.memory_space<vmem>>
        %dma_start3A_1118 = arith.constant 33280 : i32
        %dma_start3A_1119 = tpu.memref_slice %arg3[%add3A_1115, %dma_start3A_1118] : memref<832x100000xf32, #tpu.memory_space<hbm>> -> memref<1x33280xf32, #tpu.memory_space<hbm>>
        %dma_start3A_1120 = tpu.memref_squeeze %dma_start3A_1119 : memref<1x33280xf32, #tpu.memory_space<hbm>> -> memref<33280xf32, #tpu.memory_space<hbm>>
        %dma_start3A_1121 = arith.constant 0 : i32
        %dma_start3A_1122 = tpu.memref_slice %arg7[%dma_start3A_1121] : memref<33536xf32, #tpu.memory_space<vmem>> -> memref<33280xf32, #tpu.memory_space<vmem>>
        %dma_start3A_1123 = arith.constant 33280 : i32
        %dma_start3A_1124 = tpu.memref_slice %arg3[%add3A_1115, %dma_start3A_1123] : memref<832x100000xf32, #tpu.memory_space<hbm>> -> memref<1x33280xf32, #tpu.memory_space<hbm>>
        %dma_start3A_1125 = tpu.memref_squeeze %dma_start3A_1124 : memref<1x33280xf32, #tpu.memory_space<hbm>> -> memref<33280xf32, #tpu.memory_space<hbm>>
        tpu.enqueue_dma source(%dma_start3A_1125 : memref<33280xf32, #tpu.memory_space<hbm>>) target(%dma_start3A_1122 : memref<33280xf32, #tpu.memory_space<vmem>>) target_semaphore(%arg12 : memref<!tpu.dma_semaphore, #tpu.memory_space<semaphore_mem>>)
      } else {
      }
    }
    %scan3A_117 = arith.constant 13 : i32
    %dma_wait3A = arith.constant 0 : i32
    %dma_wait3A_118 = arith.constant 0 : i32
    %dma_wait3A_119 = arith.constant 0 : i32
    %dma_wait3A_120 = tpu.memref_slice %arg10[%dma_wait3A, %dma_wait3A_119] : memref<2x2048xf32, #tpu.memory_space<vmem>> -> memref<1x2048xf32, #tpu.memory_space<vmem>>
    %dma_wait3A_121 = tpu.memref_squeeze %dma_wait3A_120 : memref<1x2048xf32, #tpu.memory_space<vmem>> -> memref<2048xf32, #tpu.memory_space<vmem>>
    %dma_wait3A_122 = arith.constant 0 : i32
    %dma_wait3A_123 = tpu.memref_slice %arg5[%dma_wait3A_118, %dma_wait3A_122] : memref<832x16384xf32, #tpu.memory_space<hbm>> -> memref<1x2048xf32, #tpu.memory_space<hbm>>
    %dma_wait3A_124 = tpu.memref_squeeze %dma_wait3A_123 : memref<1x2048xf32, #tpu.memory_space<hbm>> -> memref<2048xf32, #tpu.memory_space<hbm>>
    %dma_wait3A_125 = arith.constant 0 : i32
    %dma_wait3A_126 = tpu.memref_slice %arg5[%dma_wait3A_118, %dma_wait3A_125] : memref<832x16384xf32, #tpu.memory_space<hbm>> -> memref<1x2048xf32, #tpu.memory_space<hbm>>
    %dma_wait3A_127 = tpu.memref_squeeze %dma_wait3A_126 : memref<1x2048xf32, #tpu.memory_space<hbm>> -> memref<2048xf32, #tpu.memory_space<hbm>>
    %dma_wait3A_128 = arith.constant 0 : i32
    %dma_wait3A_129 = tpu.memref_slice %arg10[%dma_wait3A, %dma_wait3A_128] : memref<2x2048xf32, #tpu.memory_space<vmem>> -> memref<1x2048xf32, #tpu.memory_space<vmem>>
    %dma_wait3A_130 = tpu.memref_squeeze %dma_wait3A_129 : memref<1x2048xf32, #tpu.memory_space<vmem>> -> memref<2048xf32, #tpu.memory_space<vmem>>
    tpu.wait_dma2 semaphore(%arg14 : memref<!tpu.dma_semaphore, #tpu.memory_space<semaphore_mem>>) src(%dma_wait3A_130 : memref<2048xf32, #tpu.memory_space<vmem>>) dst(%dma_wait3A_127 : memref<2048xf32, #tpu.memory_space<hbm>>)
    %dma_wait3A_131 = arith.constant 0 : i32
    %dma_wait3A_132 = arith.constant 0 : i32
    %dma_wait3A_133 = arith.constant 0 : i32
    %dma_wait3A_134 = tpu.memref_slice %arg10[%dma_wait3A_131, %dma_wait3A_133] : memref<2x2048xf32, #tpu.memory_space<vmem>> -> memref<1x2048xf32, #tpu.memory_space<vmem>>
    %dma_wait3A_135 = tpu.memref_squeeze %dma_wait3A_134 : memref<1x2048xf32, #tpu.memory_space<vmem>> -> memref<2048xf32, #tpu.memory_space<vmem>>
    %dma_wait3A_136 = arith.constant 0 : i32
    %dma_wait3A_137 = tpu.memref_slice %arg5[%dma_wait3A_132, %dma_wait3A_136] : memref<832x16384xf32, #tpu.memory_space<hbm>> -> memref<1x2048xf32, #tpu.memory_space<hbm>>
    %dma_wait3A_138 = tpu.memref_squeeze %dma_wait3A_137 : memref<1x2048xf32, #tpu.memory_space<hbm>> -> memref<2048xf32, #tpu.memory_space<hbm>>
    %dma_wait3A_139 = arith.constant 0 : i32
    %dma_wait3A_140 = tpu.memref_slice %arg5[%dma_wait3A_132, %dma_wait3A_139] : memref<832x16384xf32, #tpu.memory_space<hbm>> -> memref<1x2048xf32, #tpu.memory_space<hbm>>
    %dma_wait3A_141 = tpu.memref_squeeze %dma_wait3A_140 : memref<1x2048xf32, #tpu.memory_space<hbm>> -> memref<2048xf32, #tpu.memory_space<hbm>>
    %dma_wait3A_142 = arith.constant 0 : i32
    %dma_wait3A_143 = tpu.memref_slice %arg10[%dma_wait3A_131, %dma_wait3A_142] : memref<2x2048xf32, #tpu.memory_space<vmem>> -> memref<1x2048xf32, #tpu.memory_space<vmem>>
    %dma_wait3A_144 = tpu.memref_squeeze %dma_wait3A_143 : memref<1x2048xf32, #tpu.memory_space<vmem>> -> memref<2048xf32, #tpu.memory_space<vmem>>
    tpu.wait_dma2 semaphore(%arg14 : memref<!tpu.dma_semaphore, #tpu.memory_space<semaphore_mem>>) src(%dma_wait3A_144 : memref<2048xf32, #tpu.memory_space<vmem>>) dst(%dma_wait3A_141 : memref<2048xf32, #tpu.memory_space<hbm>>)
    return
  }
}

</mosaic_0001>

<sc_bundles>
// kernel: kernel.3.cloned.1.call-start
scs
__scs_entry_jumppad:
0x0: {  	(pc) =	sbr.rel $0x88, $3  }
0x1: {  	(tag) =	ssettag $0x0;
	lr =	simm.s32 $0x1  }
0x2: {  	[smem:$0x3F9F] =	sst lr;
	_ =	strace $0xD0000000  }
0x3: {  	_ = 	snop  }
0x4: {  	_ = 	snop  }
0x5: {  	_ = 	snop  }
0x6: {  	_ = 	snop  }
0x7: {  	_ = 	snop  }
__scs_overlays_trampoline_lowered:
0x8: {  	[smem:$0x3FAE] =	sst s0  }
0x9: {  	[smem:$0x3FAF] =	sst s1  }
0xa: {  	[smem:$0x3FB0] =	sst s2  }
0xb: {  	[smem:$0x3FB1] =	sst s3  }
0xc: {  	[smem:$0x3FB2] =	sst s4  }
0xd: {  	[smem:$0x3FB3] =	sst s5  }
0xe: {  	[smem:$0x3FB4] =	sst s6  }
0xf: {  	[smem:$0x3FB5] =	sst s7  }
0x10: {  	[smem:$0x3FB6] =	sst s8  }
0x11: {  	[smem:$0x3FB7] =	sst s9;
	s0 =	simm.s32 @!p0 $0x0  }
0x12: {  	s1 =	sld [smem:$0x3F9D];
	s0 =	simm.s32 @p0 $0x1  }
0x13: {  	[smem:$0x3FB8] =	sst s0;
	s0 =	simm.s32 @!p1 $0x0  }
0x14: {  	s2 =	sld [smem:$0x3F9C];
	s0 =	simm.s32 @p1 $0x1  }
0x15: {  	[smem:$0x3FB9] =	sst s0;
	s0 =	simm.s32 @!p2 $0x0  }
0x16: {  	s3 =	sld [smem:$0x3FDB];
	s0 =	simm.s32 @p2 $0x1  }
0x17: {  	s4 =	simm.s32 $0x1BF5;
	[smem:$0x3FBB] =	sst s0  }
0x18: {  	s0 =	sld [smem:$0x3F9E];
	_ =	swait.ge [sflag:s4], $0x0  }
0x19: {  	s7 =	sld [smem:$0x3F9F]  }
0x1a: {  	s8 =	sadd.s32 $0xFFFFE003, lr  }
0x1b: {  	s9 =	sadd.s32 $0xFFFFFEF7, lr;
	s5 =	simm.s32 $0xFFFFFFFF;
	p2 =	slt.u32 s8, $0xFFFFF086  }
0x1c: {  	p1 =	slt.u32 s9, $0xF7A;
	s5 =	simm.s32 @!p2 $0x0  }
0x1d: {  	s5 =	simm.s32 @p1 $0x1;
	p0 =	seq.s32 s7, s2  }
0x1e: {  	s7 =	smul.u32 @!p0 $0xF7A, s2;
	p2 =	seq.s32 @!p0 s5, $0x0  }
0x1f: {  	s9 =	smul.u32 $0xF7A, s1;
	s8 =	simm.s32 @!p0 $0x1BF5;
	p2 =	por !p2, p0  }
0x20: {  	[sflag:s8] =	ssyncset.s32 @!p0 $0xFFFFF086;
	s6 =	sadd.s32 @!p0 s3, s7;
	s7 =	simm.s32 @!p0 $0x108  }
0x21: {  	s3 =	sadd.s32 s3, s9;
	s6 =	sadd.s32 @!p0 $0x88, s6;
	s7 =	simm.s32 @p2 $0x1082  }
0x22: {  	[simem:s7], [sflag:s8] =	dma.local @!p0 [hbm:s6], $0xF7A  }
0x23: {  	s9 =	sor.u32 $0xD0000000, s2;
	s6 =	simm.s32 $0x108;
	_ =	swait.ge @!p0 [sflag:s8], $0x0  }
0x24: {  	s3 =	sadd.s32 $0x88, s3;
	s6 =	simm.s32 @!p1 $0x1082;
	[sflag:s4] =	ssyncset.s32 $0xFFFFF086  }
0x25: {  	[simem:s6], [sflag:s4] =	dma.local [hbm:s3], $0xF7A  }
0x26: {  	[smem:$0x3F9F] =	sst s1;
	(tag) =	ssettag s2;
	_ =	strace s9  }
0x27: {  	s1 =	sld [smem:$0x3FAF]  }
0x28: {  	s2 =	sld [smem:$0x3FB0]  }
0x29: {  	s4 =	sld [smem:$0x3FB2]  }
0x2a: {  	p0 =	seq.s32 s5, $0x0;
	s5 =	sld [smem:$0x3FB3]  }
0x2b: {  	s6 =	sld [smem:$0x3FB4]  }
0x2c: {  	s7 =	sld [smem:$0x3FB5]  }
0x2d: {  	s3 =	simm.s32 $0x108;
	s8 =	sld [smem:$0x3FB6]  }
0x2e: {  	s3 =	simm.s32 @!p0 $0x1082;
	s9 =	sld [smem:$0x3FB7]  }
0x2f: {  	lr =	sadd.s32 s0, s3;
	s0 =	sld [smem:$0x3FAE]  }
0x30: {  	s3 =	sld [smem:$0x3FB1]  }
0x31: {  	[smem:$0x3FBA] =	sst s10  }
0x32: {  	s10 =	sld [smem:$0x3FB8];
	_ =	sdelay $0x3  }
0x33: {  	p0 =	seq.s32 s10, $0x1;
	s10 =	sld [smem:$0x3FBA];
	_ =	sdelay $0x3  }
0x34: {  	[smem:$0x3FBA] =	sst s10  }
0x35: {  	s10 =	sld [smem:$0x3FB9];
	_ =	sdelay $0x3  }
0x36: {  	p1 =	seq.s32 s10, $0x1;
	s10 =	sld [smem:$0x3FBA];
	_ =	sdelay $0x3  }
0x37: {  	[smem:$0x3FBA] =	sst s10  }
0x38: {  	s10 =	sld [smem:$0x3FBB]  }
0x39: {  	_ = 	snop;
	(pc) =	sbr.ind lr, $3  }
0x3a: {  	_ = 	snop  }
0x3b: {  	_ = 	snop  }
0x3c: {  	p2 =	seq.s32 s10, $0x1;
	s10 =	sld [smem:$0x3FBA]  }
0x3d: {  	_ =	shalt  }
0x3e: {  	_ =	shalt  }
0x3f: {  	_ =	shalt  }
0x40: {  	_ =	shalt  }
0x41: {  	_ =	shalt  }
0x42: {  	_ =	shalt  }
0x43: {  	_ =	shalt  }
0x44: {  	_ =	shalt  }
0x45: {  	_ =	shalt  }
0x46: {  	_ =	shalt  }
0x47: {  	_ =	shalt  }
0x48: {  	_ =	shalt  }
0x49: {  	_ =	shalt  }
0x4a: {  	_ =	shalt  }
0x4b: {  	_ =	shalt  }
0x4c: {  	_ =	shalt  }
0x4d: {  	_ =	shalt  }
0x4e: {  	_ =	shalt  }
0x4f: {  	_ =	shalt  }
0x50: {  	_ =	shalt  }
0x51: {  	_ =	shalt  }
0x52: {  	_ =	shalt  }
0x53: {  	_ =	shalt  }
0x54: {  	_ =	shalt  }
0x55: {  	_ =	shalt  }
0x56: {  	_ =	shalt  }
0x57: {  	_ =	shalt  }
0x58: {  	_ =	shalt  }
0x59: {  	_ =	shalt  }
0x5a: {  	_ =	shalt  }
0x5b: {  	_ =	shalt  }
0x5c: {  	_ =	shalt  }
0x5d: {  	_ =	shalt  }
0x5e: {  	_ =	shalt  }
0x5f: {  	_ =	shalt  }
0x60: {  	_ =	shalt  }
0x61: {  	_ =	shalt  }
0x62: {  	_ =	shalt  }
0x63: {  	_ =	shalt  }
0x64: {  	_ =	shalt  }
0x65: {  	_ =	shalt  }
0x66: {  	_ =	shalt  }
0x67: {  	_ =	shalt  }
0x68: {  	_ =	shalt  }
0x69: {  	_ =	shalt  }
0x6a: {  	_ =	shalt  }
0x6b: {  	_ =	shalt  }
0x6c: {  	_ =	shalt  }
0x6d: {  	_ =	shalt  }
0x6e: {  	_ =	shalt  }
0x6f: {  	_ =	shalt  }
0x70: {  	_ =	shalt  }
0x71: {  	_ =	shalt  }
0x72: {  	_ =	shalt  }
0x73: {  	_ =	shalt  }
0x74: {  	_ =	shalt  }
0x75: {  	_ =	shalt  }
0x76: {  	_ =	shalt  }
0x77: {  	_ =	shalt  }
0x78: {  	_ =	shalt  }
0x79: {  	_ =	shalt  }
0x7a: {  	_ =	shalt  }
0x7b: {  	_ =	shalt  }
0x7c: {  	_ =	shalt  }
0x7d: {  	_ =	shalt  }
0x7e: {  	_ =	shalt  }
0x7f: {  	_ =	shalt  }
0x80: {  	_ =	shalt  }
0x81: {  	_ =	shalt  }
0x82: {  	_ =	shalt  }
0x83: {  	_ =	shalt  }
0x84: {  	_ =	shalt  }
0x85: {  	_ =	shalt  }
0x86: {  	_ =	shalt  }
0x87: {  	_ =	shalt  }
.Lfunc_end0:
.L_simem_size_0:
called_computation_lowered:
.L_overlay_start_0:
0x88: {  	s2 =	sld [smem:$0x3FD9]  }
0x89: {  	s3 =	sld [smem:$0x3FFE];
	_ =	sdelay $0x1  }
0x8a: {  	s1 =	srdreg.scid  }
0x8b: {  	s0 =	sand.u32 $0x1, s1  }
0x8c: {  	s17 =	sshll.u32 s0, $0xA;
	s2 =	sadd.s32 s3, s2  }
0x8d: {  	s2 =	sadd.s32 s2, s17  }
0x8e: {  	[smem:$0x3FC6] =	sst s2  }
0x8f: {  	_ = 	snop  }
0x90: {  	s2 =	sld [smem:$0x3FC9]  }
0x91: {  	s18 =	sld [smem:$0x3FC8]  }
0x92: {  	s4 =	sld [smem:$0x3FD0];
	(tm) =	ssettm $0x1  }
0x93: {  	s5 =	sld [smem:$0x3FFB];
	_ =	sdelay $0x3  }
0x94: {  	_ =	strace s5  }
0x95: {  	s5 =	sld [smem:$0x3FFC];
	_ =	sdelay $0x3  }
0x96: {  	_ =	strace s5  }
0x97: {  	s5 =	sld [smem:$0x3FFD];
	_ =	sdelay $0x3  }
0x98: {  	_ =	strace s5  }
0x99: {  	_ =	strace $0x8FFFFFFF  }
0x9a: {  	s19 =	sld [smem:$0x3FDB];
	_ =	sdelay $0x1  }
0x9b: {  	s6 =	simm.s32 $_scs_section_size  }
0x9c: {  	s7 =	simm.s32 $_size__tile_overlayer_lowered;
	s8 =	simm.s32 $_tile_overlayer_lowered  }
0x9d: {  	s22 =	simm.s32 $0x1BFF;
	s21 =	sshll.u32 s8, $0x1;
	s5 =	sadd.s32 s6, s19  }
0x9e: {  	s9 =	simm.s32 $0x0;
	s20 =	sshll.u32 s7, $0x1;
	s7 =	sadd.s32 s21, s5  }
0x9f: {  	[timem:s9], [sflag:s22] =	dma.local [hbm:s7], s20  }
0xa0: {  	_ =	swait.ge [sflag:s22], s20  }
0xa1: {  	s6 =	ssub.s32 $0x0, s20;
	[sflag:s22] =	ssyncset.done $0x0  }
0xa2: {  	[sflag:s22] =	ssyncadd.s32 s6;
	_ =	sdelay $0x1  }
0xa3: {  	s23 =	simm.s32 $0x1B8B  }
0xa4: {  	_ =	swait.ge [sflag:s23], $0x1  }
0xa5: {  	[sflag:s23] =	ssyncset.done $0x0  }
0xa6: {  	s25 =	simm.s32 $0x1B8E;
	s24 =	sld [smem:$0x3FFE];
	[sflag:s23] =	ssyncadd.s32 $0xFFFFFFFF  }
0xa7: {  	s26 =	simm.s32 $execute0_lowered;
	[smem:$0x3FD2] =	sst s25  }
0xa8: {  	s7 =	sshll.u32 s26, $0x1;
	_ =	strace $0x80000046;
	[dreg:$0x1] =	wrdreg $0xFFFFFFFF  }
0xa9: {  	s28 =	simm.s32 $_size_execute0_lowered;
	s5 =	sadd.s32 s5, s7;
	[dreg:$0x0] =	wrdreg $0x0  }
0xaa: {  	s7 =	sshll.u32 s28, $0x1;
	[dreg:$0x2] =	wrdreg s5  }
0xab: {  	[dreg:$0x3] =	wrdreg s7  }
0xac: {  	[dreg:$0x4] =	wrdreg $0xC0  }
0xad: {  	_ =	task [dreg:s9], $0x5FFFF  }
0xae: {  	[dreg:$0x1] =	wrdreg $0xFFFFFFFF  }
0xaf: {  	[dreg:$0x0] =	wrdreg $0x60  }
0xb0: {  	[dreg:$0x2] =	wrdreg s2  }
0xb1: {  	[dreg:$0x3] =	wrdreg s18  }
0xb2: {  	[dreg:$0x4] =	wrdreg s24  }
0xb3: {  	[dreg:$0x5] =	wrdreg s4  }
0xb4: {  	[dreg:$0x6] =	wrdreg $0x196000  }
0xb5: {  	[dreg:$0x7] =	wrdreg $0x9  }
0xb6: {  	_ =	task.clear_ibuf [dreg:s9], $0x8FFFF;
	_ =	strace $0x90000046  }
0xb7: {  	s29 =	simm.s32 $0x9;
	_ =	strace $0x80000048  }
0xb8: {  	_ =	swait.ge [sflag:s29], $0x1  }
0xb9: {  	[sflag:s29] =	ssyncadd.s32 $0xFFFFFFFF  }
0xba: {  	_ =	strace $0x90000048  }
0xbb: {  	_ =	sfence  }
0xbc: {  	s30 =	sld [smem:$0x0];
	_ =	sdelay $0x2  }
0xbd: {  	s31 =	sshll.u32 s1, $0xD;
	s1 =	sshrl.u32 s1, $0x2  }
0xbe: {  	s3 =	sand.u32 $0x4000, s31;
	s1 =	sadd.s32 s1, s30  }
0xbf: {  	s0 =	sor.u32 s3, s0;
	s1 =	sshll.u32 s1, $0x11  }
0xc0: {  	s0 =	sor.u32 s1, s0  }
0xc1: {  	s0 =	sadd.s32 $0x8F2B, s0  }
0xc2: {  	[sflag:s0] =	ssyncadd.remote.s32 $0x1  }
0xc3: {  	_ =	sfence.sel $0xFFFF  }
0xc4: {  	[dreg:$0x0] =	wrdreg $0xFFFFFFFF;
	(pc) =	sbr.abs _section_cstart, $3  }
0xc5: {  	[dreg:$0x1] =	wrdreg $0xFFFFFFFF  }
0xc6: {  	_ =	task.clear_ibuf [dreg:s9], $0x2FFFF;
	_ =	strace $0x9FFFFFFF  }
0xc7: {  	(tm) =	ssettm $0x7FFFFFFF  }
tec
execute0_lowered:
.L_overlay_start_1:
0x0: {  	(tag) =	ssettag $0x1  }
0x1: {  	s7 =	rddreg [dreg:$0x0]  }
0x2: {  	s12 =	rddreg [dreg:$0x1]  }
0x3: {  	s0 =	rddreg [dreg:$0x2]  }
0x4: {  	s13 =	rddreg [dreg:$0x3]  }
0x5: {  	s8 =	rddreg [dreg:$0x4];
	s5 =	simm.s32 $0x0  }
0x6: {  	[smem:$0x7FF] =	sst s5;
	s0 =	sadd.s32 $0x400, s0  }
0x7: {  	s19 =	sadd.s32 $0x800, s7;
	_ =	strace $0x80000047;
	[dreg:$0x6] =	wrdreg s0  }
0x8: {  	s20 =	sadd.s32 $0x1000, s7;
	[dreg:$0x7] =	wrdreg s19  }
0x9: {  	s1 =	srdreg.scid;
	s21 =	sadd.s32 $0x1800, s7;
	[dreg:$0x8] =	wrdreg s20  }
0xa: {  	s2 =	stileid.u32;
	s23 =	sadd.s32 $0x2000, s7;
	[dreg:$0x9] =	wrdreg s21  }
0xb: {  	s1 =	sand.u32 $0x1, s1;
	s24 =	sadd.s32 $0x2800, s7;
	[dreg:$0xa] =	wrdreg s23  }
0xc: {  	s4 =	sshll.u32 s2, $0x7;
	s10 =	sadd.s32 $0x3000, s7;
	[dreg:$0xb] =	wrdreg s24  }
0xd: {  	s7 =	sadd.s32 $0x3800, s7;
	s28 =	sadd.s32 $0x4000, s8;
	[dreg:$0xc] =	wrdreg s10  }
0xe: {  	s29 =	sadd.s32 $0x4080, s8;
	s11 =	sadd.s32 $0x4280, s8;
	[dreg:$0xd] =	wrdreg s7  }
0xf: {  	s30 =	sadd.s32 $0x4100, s8;
	s14 =	sadd.s32 $0x4300, s8;
	[dreg:$0x15] =	wrdreg s11  }
0x10: {  	p0 =	sne.s32 s2, $0x0;
	s15 =	sadd.s32 $0x4380, s8;
	[dreg:$0x16] =	wrdreg s14  }
0x11: {  	p1 =	seq.s32 s2, $0x0;
	s31 =	sadd.s32 $0x4200, s8;
	[dreg:$0x17] =	wrdreg s15  }
0x12: {  	s3 =	sshll.u32 s1, $0x4;
	s19 =	sadd.s32 $0x3000, s13;
	[dreg:$0x12] =	wrdreg s30  }
0x13: {  	s16 =	ssub.s32 $0x2, s1;
	s20 =	sadd.s32 $0x3800, s13;
	[dreg:$0x1b] =	wrdreg s19  }
0x14: {  	s4 =	sand.u32 $0x380, s4;
	s21 =	sadd.s32 $0x80, s8;
	[dreg:$0x1c] =	wrdreg s20  }
0x15: {  	s14 =	sadd.s32 $0x1000, s13;
	s23 =	sadd.s32 $0x180, s8;
	[dreg:$0x1d] =	wrdreg s21  }
0x16: {  	s24 =	sadd.s32 $0x200, s8;
	s9 =	sor.u32 s2, s3;
	[dreg:$0x1f] =	wrdreg s23  }
0x17: {  	s18 =	sshrl.u32 s16, $0x1;
	[smem:$0x7FA] =	sst s24;
	s20 =	sadd.s32 $0x280, s8  }
0x18: {  	s21 =	simm.s32 $0x80;
	s23 =	simm.s32 $0x8300;
	s17 =	sshrl.u32 s9, $0x3  }
0x19: {  	s0 =	ssub.s32 s16, s18;
	s2 =	smov.u32 s9;
	s9 =	sadd.s32 $0x4180, s8  }
0x1a: {  	s16 =	sadd.s32 $0x1800, s13;
	s18 =	sadd.s32 $0x2800, s13;
	[smem:$0x7FD] =	sst s20  }
0x1b: {  	s6 =	smul.u32 $0xC3800, s17;
	s1 =	sshll.u32 s17, $0xA;
	[dreg:$0x18] =	wrdreg s16  }
0x1c: {  	s0 =	smax.u32 s0, $0x1;
	s17 =	sadd.s32 $0x2000, s13;
	[dreg:$0x1a] =	wrdreg s18  }
0x1d: {  	[dreg:$0x13] =	wrdreg s0;
	s22 =	sor.u32 s4, s6;
	s6 =	smov.u32 s4  }
0x1e: {  	s16 =	simm.s32 $0x3;
	[dreg:$0x19] =	wrdreg s17;
	s7 =	sor.u32 $0x41000, s6  }
0x1f: {  	s25 =	sadd.s32 $0x41000, s22;
	s10 =	sor.u32 s6, s1;
	[dreg:$0x11] =	wrdreg s7  }
0x20: {  	s3 =	sshrl.u32 s22, $0x3;
	s22 =	sadd.s32 $0x100, s8;
	[dreg:$0x14] =	wrdreg s10  }
0x21: {  	s4 =	sshrl.u32 s25, $0x3;
	s3 =	sadd.s32 s12, s3;
	[dreg:$0x1e] =	wrdreg s22  }
.Ltmp0:
0x22: {  	s25 =	sadd.s32 $0x300, s8;
	[dreg:$0xe] =	wrdreg s3;
	(pc) =	sbr.rel .LBB2_1-.Ltmp0, $4  }
0x23: {  	s1 =	sadd.s32 $0x800, s13;
	s26 =	sadd.s32 s12, s4;
	[smem:$0x7FB] =	sst s25  }
0x24: {  	s22 =	simm.s32 $0x400;
	s4 =	sor.u32 $0x82000, s6;
	[dreg:$0xf] =	wrdreg s26  }
0x25: {  	s25 =	simm.s32 $0x2;
	[dreg:$0x10] =	wrdreg s4;
	s26 =	sadd.s32 $0x380, s8  }
0x26: {  	s3 =	simm.s32 $0x0;
	[smem:$0x7FC] =	sst s26;
	s26 =	simm.s32 $0x1  }
.LBB2_44:
0x27: {  	_ =	swait.ge [sflag:s16], $0x800  }
0x28: {  	[sflag:s16] =	ssyncset.done $0x0  }
0x29: {  	[sflag:s16] =	ssyncadd.s32 $0xFFFFF800  }
0x2a: {  	_ =	swait.ge [sflag:s16], $0x800  }
0x2b: {  	s3 =	sld [smem:$0x7F9];
	_ =	sdelay $0x2  }
0x2c: {  	s0 =	rddreg [dreg:$0x13];
	s3 =	sadd.s32 $0x1, s3  }
0x2d: {  	p2 =	sne.s32 s3, s0  }
.Ltmp1:
0x2e: {  	_ = 	snop;
	(pc) =	sbr.rel @!p2 .LBB2_45-.Ltmp1, $3  }
0x2f: {  	_ =	sdelay $0x1  }
0x30: {  	[sflag:s16] =	ssyncset.done $0x0  }
0x31: {  	[sflag:s16] =	ssyncadd.s32 $0xFFFFF800  }
.LBB2_1:
0x32: {  	[smem:$0x7F9] =	sst s3  }
0x33: {  	s17 =	rddreg [dreg:$0x0];
	s0 =	simm.s32 $0x10600  }
0x34: {  	[tilespmem:s0], [sflag:$0x2] =	stream.strided.gather [hbm4b:s17+s21], $0x800, s22, s21, $0x38;
	[tilespmem:$0x19E00] =	vst v63  }
0x35: {  	s18 =	rddreg [dreg:$0x7];
	s19 =	simm.s32 $0x10E00  }
0x36: {  	[tilespmem:s19], [sflag:$0x2] =	stream.strided.gather [hbm4b:s18+s21], $0x800, s22, s21, $0x38;
	[tilespmem:$0x19E00] =	vst v63  }
0x37: {  	s20 =	rddreg [dreg:$0x8];
	s24 =	simm.s32 $0x11600  }
0x38: {  	[tilespmem:s24], [sflag:$0x2] =	stream.strided.gather [hbm4b:s20+s21], $0x800, s22, s21, $0x38;
	[tilespmem:$0x19E00] =	vst v63  }
0x39: {  	s3 =	rddreg [dreg:$0x9];
	s4 =	simm.s32 $0x11E00  }
0x3a: {  	[tilespmem:s4], [sflag:$0x2] =	stream.strided.gather [hbm4b:s3+s21], $0x800, s22, s21, $0x38;
	[tilespmem:$0x19E00] =	vst v63  }
0x3b: {  	s7 =	rddreg [dreg:$0xa];
	s8 =	simm.s32 $0x12600  }
0x3c: {  	[tilespmem:s8], [sflag:$0x2] =	stream.strided.gather [hbm4b:s7+s21], $0x800, s22, s21, $0x38;
	[tilespmem:$0x19E00] =	vst v63  }
0x3d: {  	s10 =	rddreg [dreg:$0xb];
	s11 =	simm.s32 $0x12E00  }
0x3e: {  	[tilespmem:s11], [sflag:$0x2] =	stream.strided.gather [hbm4b:s10+s21], $0x800, s22, s21, $0x38;
	[tilespmem:$0x19E00] =	vst v63  }
0x3f: {  	s15 =	rddreg [dreg:$0xc];
	s17 =	simm.s32 $0x13600  }
0x40: {  	[tilespmem:s17], [sflag:$0x2] =	stream.strided.gather [hbm4b:s15+s21], $0x800, s22, s21, $0x38;
	[tilespmem:$0x19E00] =	vst v63  }
0x41: {  	s18 =	rddreg [dreg:$0xd];
	s19 =	simm.s32 $0x13E00  }
0x42: {  	[tilespmem:s19], [sflag:$0x2] =	stream.strided.gather [hbm4b:s18+s21], $0x800, s22, s21, $0x38;
	[tilespmem:$0x19E00] =	vst v63  }
0x43: {  	s20 =	rddreg [dreg:$0xe]  }
0x44: {  	[tilespmem:s5], [sflag:$0x1] =	stream.strided.gather [hbm4b:s20+s21], $0x8200, s22, s21, $0x38;
	[tilespmem:$0x19E00] =	vst v63  }
0x45: {  	s24 =	rddreg [dreg:$0xf];
	s17 =	simm.s32 $0x0  }
0x46: {  	[tilespmem:s23], [sflag:$0x1] =	stream.strided.gather [hbm4b:s24+s21], $0x8200, s22, s21, $0x38;
	[tilespmem:$0x19E00] =	vst v63  }
.LBB2_2:
0x47: {  	s24 =	sshllo.u32 s17, $0x1  }
0x48: {  	s3 =	sshll.u32 @!p0 s17, $0xF;
	s4 =	sshll.u32 @!p0 s24, $0x7  }
0x49: {  	s7 =	sand.u32 @!p0 $0x60000, s3;
	s4 =	sand.u32 @!p0 $0x380, s4  }
0x4a: {  	s11 =	rddreg [dreg:$0x0];
	s7 =	sor.u32 @!p0 s7, s4  }
0x4b: {  	s10 =	sshrl.u32 @!p0 s28, $0x3;
	s18 =	simm.s32 @!p0 $0x1;
	s7 =	sshrl.u32 @!p0 s7, $0x3  }
0x4c: {  	s19 =	simm.s32 @!p0 $0x80;
	s20 =	simm.s32 @!p0 $0x1C04;
	s8 =	sadd.s32 @!p0 s11, s7  }
0x4d: {  	[spmem:s10@s19], [sflag:s20] =	dma.strided @!p0 [hbm:s8@s19], $0x100, s18, $0x10   }
0x4e: {  	s0 =	rddreg [dreg:$0x7]  }
0x4f: {  	s10 =	sshrl.u32 @!p0 s29, $0x3;
	s8 =	sadd.s32 @!p0 s7, s0  }
0x50: {  	[spmem:s10@s19], [sflag:s20] =	dma.strided @!p0 [hbm:s8@s19], $0x100, s18, $0x10   }
0x51: {  	s0 =	rddreg [dreg:$0x8]  }
0x52: {  	s10 =	sshrl.u32 @!p0 s30, $0x3;
	s8 =	sadd.s32 @!p0 s7, s0  }
0x53: {  	[spmem:s10@s19], [sflag:s20] =	dma.strided @!p0 [hbm:s8@s19], $0x100, s18, $0x10   }
0x54: {  	s0 =	rddreg [dreg:$0x9]  }
0x55: {  	s10 =	sshrl.u32 @!p0 s9, $0x3;
	s8 =	sadd.s32 @!p0 s7, s0  }
0x56: {  	[spmem:s10@s19], [sflag:s20] =	dma.strided @!p0 [hbm:s8@s19], $0x100, s18, $0x10   }
0x57: {  	s0 =	rddreg [dreg:$0xa]  }
0x58: {  	s10 =	sshrl.u32 @!p0 s31, $0x3;
	s8 =	sadd.s32 @!p0 s7, s0  }
0x59: {  	[spmem:s10@s19], [sflag:s20] =	dma.strided @!p0 [hbm:s8@s19], $0x100, s18, $0x10   }
0x5a: {  	s0 =	rddreg [dreg:$0xb]  }
0x5b: {  	s3 =	sor.u32 @!p0 s3, s4;
	s7 =	sadd.s32 @!p0 s7, s0;
	s0 =	rddreg [dreg:$0x15]  }
0x5c: {  	s3 =	sshrl.u32 @!p0 s3, $0x3;
	s8 =	sshrl.u32 @!p0 s0, $0x3  }
0x5d: {  	[spmem:s8@s19], [sflag:s20] =	dma.strided @!p0 [hbm:s7@s19], $0x100, s18, $0x10   }
0x5e: {  	s4 =	sor.u32 @!p0 $0x3000, s3;
	s0 =	rddreg [dreg:$0x16]  }
0x5f: {  	s4 =	sadd.s32 @!p0 s11, s4;
	s7 =	sshrl.u32 @!p0 s0, $0x3  }
0x60: {  	[spmem:s7@s19], [sflag:s20] =	dma.strided @!p0 [hbm:s4@s19], $0x100, s18, $0x10   }
0x61: {  	s3 =	sor.u32 @!p0 $0x3800, s3;
	s0 =	rddreg [dreg:$0x17]  }
0x62: {  	s3 =	sadd.s32 @!p0 s11, s3;
	s4 =	sshrl.u32 @!p0 s0, $0x3  }
0x63: {  	[spmem:s4@s19], [sflag:s20] =	dma.strided @!p0 [hbm:s3@s19], $0x100, s18, $0x10   }
0x64: {  	_ =	swait.ge [sflag:s25], $0x800  }
0x65: {  	[sflag:s25] =	ssyncset.done $0x0  }
0x66: {  	[sflag:s25] =	ssyncadd.s32 $0xFFFFF800  }
0x67: {  	_ =	swait.ge [sflag:s25], $0x800  }
0x68: {  	[sflag:s25] =	ssyncset.done $0x0  }
0x69: {  	[sflag:s25] =	ssyncadd.s32 $0xFFFFF800  }
0x6a: {  	_ =	swait.ge [sflag:s25], $0x800  }
0x6b: {  	[sflag:s25] =	ssyncset.done $0x0  }
0x6c: {  	[sflag:s25] =	ssyncadd.s32 $0xFFFFF800  }
0x6d: {  	_ =	swait.ge [sflag:s25], $0x800  }
0x6e: {  	[sflag:s25] =	ssyncset.done $0x0  }
0x6f: {  	[sflag:s25] =	ssyncadd.s32 $0xFFFFF800  }
0x70: {  	_ =	swait.ge [sflag:s25], $0x800  }
0x71: {  	[sflag:s25] =	ssyncset.done $0x0  }
0x72: {  	[sflag:s25] =	ssyncadd.s32 $0xFFFFF800  }
0x73: {  	_ =	swait.ge [sflag:s25], $0x800  }
0x74: {  	[sflag:s25] =	ssyncset.done $0x0  }
0x75: {  	[sflag:s25] =	ssyncadd.s32 $0xFFFFF800  }
0x76: {  	_ =	swait.ge [sflag:s25], $0x800  }
0x77: {  	[sflag:s25] =	ssyncset.done $0x0  }
0x78: {  	[sflag:s25] =	ssyncadd.s32 $0xFFFFF800  }
0x79: {  	_ =	swait.ge [sflag:s25], $0x800  }
0x7a: {  	[sflag:s25] =	ssyncset.done $0x0  }
0x7b: {  	[sflag:s25] =	ssyncadd.s32 $0xFFFFF800  }
0x7c: {  	_ =	swait.ge [sflag:s26], $0x8200  }
0x7d: {  	[sflag:s26] =	ssyncset.done $0x0  }
0x7e: {  	s19 =	simm.s32 $0x10640;
	[sflag:s26] =	ssyncadd.s32 $0xFFFF7E00  }
0x7f: {  	v0 =	vld [tilespmem:s19+$0x30]  }
0x80: {  	v1 =	vld [tilespmem:s19+$0xFFFFFFD0]  }
0x81: {  	v2 =	vld [tilespmem:s19+$0xFFFFFFE0]  }
0x82: {  	v3 =	vld [tilespmem:s19+$0xFFFFFFF0]  }
0x83: {  	v4 =	vld [tilespmem:s19+$0x0]  }
0x84: {  	v5 =	vld [tilespmem:s19+$0x10]  }
0x85: {  	v6 =	vld [tilespmem:s19+$0x20]  }
0x86: {  	s20 =	simm.s32 $0x106C0;
	v7 =	vld [tilespmem:s19+$0xFFFFFFC0];
	vm1 =	vlt.u32 v0, $0x8200  }
0x87: {  	v11 =	vld [tilespmem:s20+$0x30];
	vm10 =	vlt.u32 v1, $0x8200  }
0x88: {  	v12 =	vld [tilespmem:s20+$0xFFFFFFD0];
	vm9 =	vlt.u32 v2, $0x8200  }
0x89: {  	v13 =	vld [tilespmem:s20+$0xFFFFFFE0];
	vm6 =	vlt.u32 v3, $0x8200  }
0x8a: {  	v14 =	vld [tilespmem:s20+$0xFFFFFFF0];
	vm4 =	vlt.u32 v4, $0x8200  }
0x8b: {  	v15 =	vld [tilespmem:s20+$0x0]  }
0x8c: {  	v8 =	vld.idx.msk [tilespmem:v0+s5+$0x0], vm1  }
0x8d: {  	vm0 =	vlt.u32 v7, $0x8200;
	v9 =	vld.idx.msk [tilespmem:v1+s5+$0x0], vm10  }
0x8e: {  	vm2 =	vlt.u32 v5, $0x8200;
	vm11 =	vmmov vm0;
	v10 =	vld.idx.msk [tilespmem:v2+s5+$0x0], vm9  }
0x8f: {  	vm8 =	vmmov vm2;
	v3 =	vld.idx.msk [tilespmem:v3+s5+$0x0], vm6  }
0x90: {  	vm7 =	vlt.u32 v11, $0x8200;
	vm0 =	vlt.u32 v6, $0x8200;
	v4 =	vld.idx.msk [tilespmem:v4+s5+$0x0], vm4  }
0x91: {  	vm0 =	vmmov vm0;
	v0 =	vld [tilespmem:s20+$0x10]  }
0x92: {  	vm5 =	vlt.u32 v12, $0x8200;
	v1 =	vld [tilespmem:s20+$0x20]  }
0x93: {  	vm3 =	vlt.u32 v13, $0x8200;
	v2 =	vld [tilespmem:s20+$0xFFFFFFC0]  }
0x94: {  	vm2 =	vlt.u32 v14, $0x8200;
	v16 =	vld.idx.msk [tilespmem:v7+s5+$0x0], vm11  }
0x95: {  	s3 =	simm.s32 $0x14640;
	v17 =	vld.idx.msk [tilespmem:v5+s5+$0x0], vm8;
	v7 =	vnsel vm1, $0x0, v8;
	vm1 =	vlt.u32 v15, $0x8200  }
0x96: {  	v5 =	vnsel vm10, $0x0, v9;
	v8 =	vld.idx.msk [tilespmem:v11+s5+$0x0], vm7;
	[tilespmem:s3+$0x30] =	vst v7  }
0x97: {  	v3 =	vnsel vm6, $0x0, v3;
	v7 =	vld.idx.msk [tilespmem:v6+s5+$0x0], vm0;
	[tilespmem:s3+$0xFFFFFFD0] =	vst v5  }
0x98: {  	v5 =	vnsel vm9, $0x0, v10;
	v6 =	vld.idx.msk [tilespmem:v12+s5+$0x0], vm5;
	[tilespmem:s3+$0xFFFFFFF0] =	vst v3  }
0x99: {  	vm6 =	vlt.u32 v0, $0x8200;
	v3 =	vnsel vm4, $0x0, v4;
	[tilespmem:s3+$0xFFFFFFE0] =	vst v5;
	v5 =	vld.idx.msk [tilespmem:v13+s5+$0x0], vm3  }
0x9a: {  	vm9 =	vlt.u32 v1, $0x8200;
	vm4 =	vlt.u32 v2, $0x8200;
	v9 =	vnsel vm11, $0x0, v16;
	[tilespmem:s3+$0x0] =	vst v3;
	v3 =	vld.idx.msk [tilespmem:v14+s5+$0x0], vm2  }
0x9b: {  	s8 =	simm.s32 $0x10740;
	s7 =	simm.s32 $0x8;
	s4 =	sshll.u32 s17, $0x1;
	vm6 =	vmmov vm6;
	vm4 =	vmmov vm4;
	[tilespmem:s3+$0xFFFFFFC0] =	vst v9;
	v9 =	vnsel vm8, $0x0, v17;
	v4 =	vld.idx.msk [tilespmem:v15+s5+$0x0], vm1  }
.LBB2_3:
0x9c: {  	v10 =	vld [tilespmem:s8+$0x30];
	s7 =	sadd.s32 $0x8, s7;
	[tilespmem:s3+$0x10] =	vst v9;
	v7 =	vnsel vm0, $0x0, v7;
	vm0 =	vmmov vm9  }
0x9d: {  	v8 =	vnsel vm7, $0x0, v8;
	v9 =	vld [tilespmem:s8+$0xFFFFFFD0];
	p2 =	slt.u32 s7, $0x3F8;
	[tilespmem:s3+$0x20] =	vst v7;
	s3 =	sadd.s32 $0x80, s3  }
0x9e: {  	v6 =	vnsel vm5, $0x0, v6;
	v11 =	vld [tilespmem:s8+$0xFFFFFFE0];
	[tilespmem:s3+$0x30] =	vst v8  }
0x9f: {  	v5 =	vnsel vm3, $0x0, v5;
	v12 =	vld [tilespmem:s8+$0xFFFFFFF0];
	[tilespmem:s3+$0xFFFFFFD0] =	vst v6  }
0xa0: {  	v3 =	vnsel vm2, $0x0, v3;
	v13 =	vld [tilespmem:s8+$0x0];
	[tilespmem:s3+$0xFFFFFFE0] =	vst v5  }
0xa1: {  	v5 =	vld [tilespmem:s8+$0x10];
	vm7 =	vlt.u32 v10, $0x8200;
	[tilespmem:s3+$0xFFFFFFF0] =	vst v3;
	v3 =	vnsel vm1, $0x0, v4  }
0xa2: {  	vm5 =	vlt.u32 v9, $0x8200;
	v4 =	vld [tilespmem:s8+$0x20];
	[tilespmem:s3+$0x0] =	vst v3  }
0xa3: {  	v3 =	vld [tilespmem:s8+$0xFFFFFFC0];
	vm3 =	vlt.u32 v11, $0x8200  }
0xa4: {  	vm2 =	vlt.u32 v12, $0x8200;
	v14 =	vld.idx.msk [tilespmem:v2+s5+$0x0], vm4  }
0xa5: {  	vm1 =	vlt.u32 v13, $0x8200;
	v15 =	vld.idx.msk [tilespmem:v0+s5+$0x0], vm6  }
0xa6: {  	vm8 =	vlt.u32 v5, $0x8200;
	v7 =	vld.idx.msk [tilespmem:v1+s5+$0x0], vm9;
	v0 =	vmov v5  }
.Ltmp2:
0xa7: {  	vm9 =	vlt.u32 v4, $0x8200;
	v8 =	vld.idx.msk [tilespmem:v10+s5+$0x0], vm7;
	v1 =	vmov v4;
	(pc) =	sbr.rel @p2 .LBB2_3-.Ltmp2, $4  }
0xa8: {  	vm10 =	vlt.u32 v3, $0x8200;
	v6 =	vld.idx.msk [tilespmem:v9+s5+$0x0], vm5;
	v2 =	vmov v3  }
0xa9: {  	v5 =	vld.idx.msk [tilespmem:v11+s5+$0x0], vm3  }
0xaa: {  	v9 =	vnsel vm4, $0x0, v14;
	vm4 =	vmmov vm10;
	v3 =	vld.idx.msk [tilespmem:v12+s5+$0x0], vm2  }
0xab: {  	s8 =	sadd.s32 $0x80, s8;
	v4 =	vld.idx.msk [tilespmem:v13+s5+$0x0], vm1;
	[tilespmem:s3+$0xFFFFFFC0] =	vst v9;
	v9 =	vnsel vm6, $0x0, v15;
	vm6 =	vmmov vm8  }
0xac: {  	_ =	sdelay $0x3  }
0xad: {  	[tilespmem:s3+$0x10] =	vst v9;
	v7 =	vnsel vm0, $0x0, v7  }
0xae: {  	v8 =	vnsel vm7, $0x0, v8;
	s20 =	sadd.s32 $0x80, s3;
	v2 =	vld.idx.msk [tilespmem:v2+s5+$0x0], vm4;
	[tilespmem:s3+$0x20] =	vst v7  }
0xaf: {  	v0 =	vld.idx.msk [tilespmem:v0+s5+$0x0], vm6;
	v6 =	vnsel vm5, $0x0, v6;
	[tilespmem:s20+$0x30] =	vst v8  }
0xb0: {  	v1 =	vld.idx.msk [tilespmem:v1+s5+$0x0], vm9;
	[tilespmem:s20+$0xFFFFFFD0] =	vst v6;
	v5 =	vnsel vm3, $0x0, v5  }
0xb1: {  	s7 =	sshll.u32 s17, $0x6;
	[tilespmem:s20+$0xFFFFFFE0] =	vst v5;
	v3 =	vnsel vm2, $0x0, v3  }
0xb2: {  	s7 =	sor.u32 s2, s7;
	[tilespmem:s20+$0xFFFFFFF0] =	vst v3;
	v3 =	vnsel vm1, $0x0, v4  }
0xb3: {  	s7 =	sshrl.u32 s7, $0x3;
	[tilespmem:s20+$0x0] =	vst v3;
	v2 =	vnsel vm4, $0x0, v2  }
0xb4: {  	vm8 =	vmmov vm9;
	s8 =	smul.u32 $0xC3800, s7;
	v0 =	vnsel vm6, $0x0, v0;
	[tilespmem:s20+$0xFFFFFFC0] =	vst v2  }
0xb5: {  	s0 =	rddreg [dreg:$0x10];
	[tilespmem:s20+$0x10] =	vst v0;
	v0 =	vnsel vm8, $0x0, v1  }
0xb6: {  	s8 =	sadd.s32 s0, s8;
	[tilespmem:s20+$0x20] =	vst v0  }
0xb7: {  	s15 =	sshll.u32 s17, $0xD;
	s8 =	sshrl.u32 s8, $0x3;
	s18 =	rddreg [dreg:$0x14]  }
0xb8: {  	s11 =	simm.s32 $0x0;
	s10 =	sadd.s32 s12, s8;
	s3 =	sor.u32 s18, s15  }
0xb9: {  	[tilespmem:s11], [sflag:$0x1] =	stream.strided.gather [hbm4b:s10+s21], $0x8280, s22, s21, $0x38;
	[tilespmem:$0x19E00] =	vst v63  }
0xba: {  	s19 =	rddreg [dreg:$0x6];
	s3 =	sshrl.u32 s3, $0x3  }
0xbb: {  	s20 =	simm.s32 $0x8280;
	s3 =	sadd.s32 s19, s3  }
0xbc: {  	[tilespmem:s20], [sflag:$0x1] =	stream.linear.gather [hbm4b:s3+s11], $0x80, $0x38;
	[tilespmem:$0x19E00] =	vst v63  }
0xbd: {  	_ =	swait.ge [sflag:s26], $0x8200  }
0xbe: {  	[sflag:s26] =	ssyncset.done $0x0  }
0xbf: {  	s18 =	simm.s32 $0x0;
	[sflag:s26] =	ssyncadd.s32 $0xFFFF7E00  }
0xc0: {  	v0 =	vld [tilespmem:s18+$0x10670]  }
0xc1: {  	v1 =	vld [tilespmem:s18+$0x10600]  }
0xc2: {  	v2 =	vld [tilespmem:s18+$0x10610]  }
0xc3: {  	v3 =	vld [tilespmem:s18+$0x10620]  }
0xc4: {  	v4 =	vld [tilespmem:s18+$0x10630]  }
0xc5: {  	v5 =	vld [tilespmem:s18+$0x10640];
	v0 =	vadd.s32 $0xFFFF7E00, v0  }
0xc6: {  	v6 =	vld [tilespmem:s18+$0x10650];
	v1 =	vadd.s32 $0xFFFF7E00, v1;
	vm3 =	vlt.u32 v0, $0x8200  }
0xc7: {  	v2 =	vadd.s32 $0xFFFF7E00, v2;
	vm12 =	vlt.u32 v1, $0x8200  }
0xc8: {  	v7 =	vld [tilespmem:s18+$0x10660];
	v3 =	vadd.s32 $0xFFFF7E00, v3;
	vm13 =	vlt.u32 v2, $0x8200  }
0xc9: {  	v4 =	vadd.s32 $0xFFFF7E00, v4;
	vm14 =	vlt.u32 v3, $0x8200  }
0xca: {  	v5 =	vadd.s32 $0xFFFF7E00, v5;
	vm15 =	vlt.u32 v4, $0x8200  }
0xcb: {  	v6 =	vadd.s32 $0xFFFF7E00, v6;
	vm0 =	vlt.u32 v5, $0x8200  }
0xcc: {  	vm1 =	vlt.u32 v6, $0x8200;
	v62 =	vld.idx.msk [tilespmem:v0+s23+$0x0], vm3  }
0xcd: {  	v7 =	vadd.s32 $0xFFFF7E00, v7;
	v1 =	vld.idx.msk [tilespmem:v1+s23+$0x0], vm12  }
0xce: {  	vm2 =	vlt.u32 v7, $0x8200;
	v63 =	vld.idx.msk [tilespmem:v2+s23+$0x0], vm13  }
0xcf: {  	v10 =	vld.idx.msk [tilespmem:v3+s23+$0x0], vm14  }
0xd0: {  	v11 =	vld.idx.msk [tilespmem:v4+s23+$0x0], vm15  }
0xd1: {  	v2 =	vld.idx.msk [tilespmem:v5+s23+$0x0], vm0  }
0xd2: {  	v0 =	vld.idx.msk [tilespmem:v6+s23+$0x0], vm1;
	v3 =	vnsel vm3, $0x0, v62  }
0xd3: {  	[tilespmem:s18+$0x14670] =	vst.add.f32.msk $0xffff, v3  }
0xd4: {  	v1 =	vnsel vm12, $0x0, v1;
	v3 =	vld.idx.msk [tilespmem:v7+s23+$0x0], vm2  }
0xd5: {  	v5 =	vnsel vm13, $0x0, v63;
	[tilespmem:s18+$0x14600] =	vst.add.f32.msk $0xffff, v1  }
0xd6: {  	s8 =	simm.s32 $0x200;
	s3 =	simm.s32 $0x0;
	s11 =	simm.s32 $0x18600;
	v4 =	vnsel vm14, $0x0, v10;
	[tilespmem:s18+$0x14610] =	vst.add.f32.msk $0xffff, v5;
	v1 =	vnsel vm15, $0x0, v11  }
.LBB2_5:
0xd7: {  	s10 =	sshra.s32 s8, $0x2;
	s3 =	sadd.s32 $0x8, s3;
	[tilespmem:s18+$0x14620] =	vst.add.f32.msk $0xffff, v4;
	v2 =	vnsel vm0, $0x0, v2  }
0xd8: {  	v0 =	vnsel vm1, $0x0, v0;
	v4 =	vld [tilespmem:s10+$0x10670];
	p2 =	slt.u32 s3, $0x3F8  }
0xd9: {  	v5 =	vld [tilespmem:s10+$0x10600]  }
0xda: {  	v3 =	vnsel vm2, $0x0, v3;
	v6 =	vld [tilespmem:s10+$0x10610]  }
0xdb: {  	v7 =	vld [tilespmem:s10+$0x10620]  }
0xdc: {  	v8 =	vld [tilespmem:s10+$0x10630]  }
0xdd: {  	v9 =	vld [tilespmem:s10+$0x10640];
	v4 =	vadd.s32 $0xFFFF7E00, v4  }
0xde: {  	v5 =	vadd.s32 $0xFFFF7E00, v5;
	v10 =	vld [tilespmem:s10+$0x10650];
	vm4 =	vlt.u32 v4, $0x8200  }
0xdf: {  	vm3 =	vlt.u32 v5, $0x8200;
	v6 =	vadd.s32 $0xFFFF7E00, v6;
	v11 =	vld [tilespmem:s10+$0x10660]  }
0xe0: {  	vm5 =	vlt.u32 v6, $0x8200;
	v7 =	vadd.s32 $0xFFFF7E00, v7;
	[tilespmem:s18+$0x14630] =	vst.add.f32.msk $0xffff, v1  }
0xe1: {  	vm6 =	vlt.u32 v7, $0x8200;
	v1 =	vadd.s32 $0xFFFF7E00, v8;
	[tilespmem:s18+$0x14640] =	vst.add.f32.msk $0xffff, v2  }
0xe2: {  	vm7 =	vlt.u32 v1, $0x8200;
	v2 =	vadd.s32 $0xFFFF7E00, v9;
	[tilespmem:s18+$0x14650] =	vst.add.f32.msk $0xffff, v0  }
0xe3: {  	vm0 =	vlt.u32 v2, $0x8200;
	v0 =	vadd.s32 $0xFFFF7E00, v10;
	[tilespmem:s18+$0x14660] =	vst.add.f32.msk $0xffff, v3;
	s18 =	smov.u32 s10  }
0xe4: {  	vm1 =	vlt.u32 v0, $0x8200;
	v3 =	vadd.s32 $0xFFFF7E00, v11;
	v4 =	vld.idx.msk [tilespmem:v4+s23+$0x0], vm4  }
0xe5: {  	v5 =	vld.idx.msk [tilespmem:v5+s23+$0x0], vm3;
	vm2 =	vlt.u32 v3, $0x8200  }
0xe6: {  	v6 =	vld.idx.msk [tilespmem:v6+s23+$0x0], vm5  }
0xe7: {  	v7 =	vld.idx.msk [tilespmem:v7+s23+$0x0], vm6  }
0xe8: {  	v1 =	vld.idx.msk [tilespmem:v1+s23+$0x0], vm7  }
0xe9: {  	v2 =	vld.idx.msk [tilespmem:v2+s23+$0x0], vm0  }
.Ltmp3:
0xea: {  	v4 =	vnsel vm4, $0x0, v4;
	v0 =	vld.idx.msk [tilespmem:v0+s23+$0x0], vm1;
	(pc) =	sbr.rel @p2 .LBB2_5-.Ltmp3, $4  }
0xeb: {  	v5 =	vnsel vm3, $0x0, v5;
	[tilespmem:s18+$0x14670] =	vst.add.f32.msk $0xffff, v4  }
0xec: {  	v6 =	vnsel vm5, $0x0, v6;
	v3 =	vld.idx.msk [tilespmem:v3+s23+$0x0], vm2  }
0xed: {  	v4 =	vnsel vm6, $0x0, v7;
	[tilespmem:s18+$0x14600] =	vst.add.f32.msk $0xffff, v5  }
0xee: {  	s8 =	sadd.s32 $0x200, s8;
	v1 =	vnsel vm7, $0x0, v1;
	[tilespmem:s18+$0x14610] =	vst.add.f32.msk $0xffff, v6  }
0xef: {  	s3 =	sshll.u32 s24, $0x5  }
0xf0: {  	s3 =	sor.u32 s2, s3  }
0xf1: {  	s3 =	sshrl.u32 s3, $0x3  }
0xf2: {  	[tilespmem:s18+$0x14620] =	vst.add.f32.msk $0xffff, v4;
	s19 =	smul.u32 $0xC3800, s3  }
0xf3: {  	v2 =	vnsel vm0, $0x0, v2;
	[tilespmem:s18+$0x14630] =	vst.add.f32.msk $0xffff, v1  }
0xf4: {  	v0 =	vnsel vm1, $0x0, v0;
	[tilespmem:s18+$0x14640] =	vst.add.f32.msk $0xffff, v2;
	s8 =	sor.u32 s6, s19  }
0xf5: {  	[tilespmem:s18+$0x14650] =	vst.add.f32.msk $0xffff, v0;
	v1 =	vnsel vm2, $0x0, v3;
	s8 =	sshrl.u32 s8, $0x3  }
0xf6: {  	[tilespmem:s18+$0x14660] =	vst.add.f32.msk $0xffff, v1;
	s8 =	sadd.s32 s12, s8  }
0xf7: {  	[tilespmem:s23], [sflag:$0x1] =	stream.strided.gather [hbm4b:s8+s21], $0x8200, s22, s21, $0x38;
	[tilespmem:$0x19E00] =	vst v63  }
0xf8: {  	_ =	swait.ge [sflag:s26], $0x8280  }
0xf9: {  	[sflag:s26] =	ssyncset.done $0x0  }
0xfa: {  	[sflag:s26] =	ssyncadd.s32 $0xFFFF7D80  }
0xfb: {  	_ =	swait.ge [sflag:s26], $0x80  }
0xfc: {  	[sflag:s26] =	ssyncset.done $0x0  }
0xfd: {  	s8 =	simm.s32 @!p0 $0x4;
	[sflag:s26] =	ssyncadd.s32 $0xFFFFFF80  }
0xfe: {  	_ =	swait.ge @!p0 [sflag:s8], $0x100  }
0xff: {  	[sflag:s8] =	ssyncset.done @!p0 $0x0  }
0x100: {  	[sflag:s8] =	ssyncadd.s32 @!p0 $0xFFFFFF00  }
0x101: {  	_ =	swait.ge @!p0 [sflag:s8], $0x100  }
0x102: {  	[sflag:s8] =	ssyncset.done @!p0 $0x0  }
0x103: {  	[sflag:s8] =	ssyncadd.s32 @!p0 $0xFFFFFF00  }
0x104: {  	_ =	swait.ge @!p0 [sflag:s8], $0x100  }
0x105: {  	[sflag:s8] =	ssyncset.done @!p0 $0x0  }
0x106: {  	[sflag:s8] =	ssyncadd.s32 @!p0 $0xFFFFFF00  }
0x107: {  	_ =	swait.ge @!p0 [sflag:s8], $0x100  }
0x108: {  	[sflag:s8] =	ssyncset.done @!p0 $0x0  }
0x109: {  	[sflag:s8] =	ssyncadd.s32 @!p0 $0xFFFFFF00  }
0x10a: {  	_ =	swait.ge @!p0 [sflag:s8], $0x100  }
0x10b: {  	[sflag:s8] =	ssyncset.done @!p0 $0x0  }
0x10c: {  	[sflag:s8] =	ssyncadd.s32 @!p0 $0xFFFFFF00  }
0x10d: {  	_ =	swait.ge @!p0 [sflag:s8], $0x100  }
0x10e: {  	[sflag:s8] =	ssyncset.done @!p0 $0x0  }
0x10f: {  	[sflag:s8] =	ssyncadd.s32 @!p0 $0xFFFFFF00  }
0x110: {  	_ =	swait.ge @!p0 [sflag:s8], $0x100  }
0x111: {  	[sflag:s8] =	ssyncset.done @!p0 $0x0  }
0x112: {  	[sflag:s8] =	ssyncadd.s32 @!p0 $0xFFFFFF00  }
0x113: {  	_ =	swait.ge @!p0 [sflag:s8], $0x100  }
0x114: {  	[sflag:s8] =	ssyncset.done @!p0 $0x0  }
0x115: {  	p2 =	seq.s32 s17, $0x0;
	[sflag:s8] =	ssyncadd.s32 @!p0 $0xFFFFFF00  }
0x116: {  	s8 =	simm.s32 @!p2 $0x3;
	[bflag:$0x0] =	sbarrier.arrive $0xFFFF  }
0x117: {  	_ =	swait.ge @!p2 [sflag:s8], $0x800  }
0x118: {  	[sflag:s8] =	ssyncset.done @!p2 $0x0  }
0x119: {  	s20 =	simm.s32 $0x10640;
	[sflag:s8] =	ssyncadd.s32 @!p2 $0xFFFFF800  }
0x11a: {  	v0 =	vld [tilespmem:s20+$0x30]  }
0x11b: {  	v1 =	vld [tilespmem:s20+$0xFFFFFFD0]  }
0x11c: {  	v2 =	vld [tilespmem:s20+$0xFFFFFFE0]  }
0x11d: {  	v3 =	vld [tilespmem:s20+$0xFFFFFFF0]  }
0x11e: {  	v4 =	vld [tilespmem:s20+$0x0]  }
0x11f: {  	v5 =	vld [tilespmem:s20+$0x10];
	v0 =	vadd.s32 $0xFFFEFC00, v0  }
0x120: {  	v6 =	vld [tilespmem:s20+$0xFFFFFFC0];
	v1 =	vadd.s32 $0xFFFEFC00, v1;
	vm3 =	vlt.u32 v0, $0x82A0  }
0x121: {  	v7 =	vld [tilespmem:s20+$0x20];
	v2 =	vadd.s32 $0xFFFEFC00, v2;
	vm4 =	vlt.u32 v1, $0x82A0  }
0x122: {  	v3 =	vadd.s32 $0xFFFEFC00, v3;
	vm5 =	vlt.u32 v2, $0x82A0  }
0x123: {  	v4 =	vadd.s32 $0xFFFEFC00, v4;
	vm6 =	vlt.u32 v3, $0x82A0  }
0x124: {  	s20 =	simm.s32 $0x14640;
	v5 =	vadd.s32 $0xFFFEFC00, v5;
	vm7 =	vlt.u32 v4, $0x82A0  }
0x125: {  	v8 =	vld [tilespmem:s20+$0x30];
	v6 =	vadd.s32 $0xFFFEFC00, v6;
	vm0 =	vlt.u32 v5, $0x82A0  }
0x126: {  	v7 =	vadd.s32 $0xFFFEFC00, v7;
	vm2 =	vlt.u32 v6, $0x82A0;
	v0 =	vld.idx.msk [tilespmem:v0+s5+$0x0], vm3  }
0x127: {  	vm1 =	vlt.u32 v7, $0x82A0;
	v1 =	vld.idx.msk [tilespmem:v1+s5+$0x0], vm4  }
0x128: {  	v9 =	vld.idx.msk [tilespmem:v2+s5+$0x0], vm5  }
0x129: {  	v10 =	vld.idx.msk [tilespmem:v3+s5+$0x0], vm6  }
0x12a: {  	v11 =	vld.idx.msk [tilespmem:v4+s5+$0x0], vm7  }
0x12b: {  	v2 =	vld.idx.msk [tilespmem:v5+s5+$0x0], vm0  }
0x12c: {  	v6 =	vld.idx.msk [tilespmem:v6+s5+$0x0], vm2  }
0x12d: {  	v3 =	vld.idx.msk [tilespmem:v7+s5+$0x0], vm1;
	v0 =	vnsel vm3, $0x0, v0  }
0x12e: {  	v7 =	vld [tilespmem:s20+$0xFFFFFFC0];
	v0 =	vadd.f32 v0, v8  }
0x12f: {  	s18 =	simm.s32 $0x18640;
	v4 =	vnsel vm4, $0x0, v1;
	v8 =	vld [tilespmem:s20+$0xFFFFFFD0]  }
0x130: {  	s10 =	simm.s32 $0x106C0;
	s8 =	simm.s32 $0x0;
	v5 =	vnsel vm5, $0x0, v9;
	v1 =	vnsel vm6, $0x0, v10;
	v9 =	vld [tilespmem:s20+$0xFFFFFFE0];
	[tilespmem:s18+$0x30] =	vst v0;
	v0 =	vnsel vm7, $0x0, v11  }
.LBB2_7:
0x131: {  	v10 =	vld [tilespmem:s10+$0x30];
	s8 =	sadd.s32 $0x8, s8;
	v2 =	vnsel vm0, $0x0, v2  }
0x132: {  	v6 =	vnsel vm2, $0x0, v6;
	v11 =	vld [tilespmem:s10+$0xFFFFFFD0];
	p3 =	slt.u32 s8, $0x78  }
0x133: {  	v3 =	vnsel vm1, $0x0, v3;
	v12 =	vld [tilespmem:s10+$0xFFFFFFE0];
	v6 =	vadd.f32 v6, v7  }
0x134: {  	v7 =	vld [tilespmem:s10+$0xFFFFFFF0];
	v4 =	vadd.f32 v4, v8  }
0x135: {  	v8 =	vld [tilespmem:s10+$0x0];
	[tilespmem:s18+$0xFFFFFFC0] =	vst v6;
	v5 =	vadd.f32 v5, v9  }
0x136: {  	v6 =	vld [tilespmem:s10+$0x10];
	v9 =	vadd.s32 $0xFFFEFC00, v10;
	[tilespmem:s18+$0xFFFFFFD0] =	vst v4  }
0x137: {  	v4 =	vadd.s32 $0xFFFEFC00, v11;
	v10 =	vld [tilespmem:s10+$0x20];
	vm7 =	vlt.u32 v9, $0x82A0;
	[tilespmem:s18+$0xFFFFFFE0] =	vst v5  }
0x138: {  	v5 =	vld [tilespmem:s10+$0xFFFFFFC0];
	vm6 =	vlt.u32 v4, $0x82A0;
	v11 =	vadd.s32 $0xFFFEFC00, v12  }
0x139: {  	vm3 =	vlt.u32 v11, $0x82A0;
	v7 =	vadd.s32 $0xFFFEFC00, v7;
	v12 =	vld [tilespmem:s20+$0xFFFFFFF0]  }
0x13a: {  	vm4 =	vlt.u32 v7, $0x82A0;
	v8 =	vadd.s32 $0xFFFEFC00, v8;
	v13 =	vld [tilespmem:s20+$0x0]  }
0x13b: {  	vm5 =	vlt.u32 v8, $0x82A0;
	v6 =	vadd.s32 $0xFFFEFC00, v6;
	v14 =	vld [tilespmem:s20+$0x10]  }
0x13c: {  	vm0 =	vlt.u32 v6, $0x82A0;
	v10 =	vadd.s32 $0xFFFEFC00, v10;
	v15 =	vld [tilespmem:s20+$0x20]  }
0x13d: {  	v5 =	vadd.s32 $0xFFFEFC00, v5;
	vm1 =	vlt.u32 v10, $0x82A0;
	v9 =	vld.idx.msk [tilespmem:v9+s5+$0x0], vm7  }
0x13e: {  	s20 =	sadd.s32 $0x80, s20;
	vm2 =	vlt.u32 v5, $0x82A0;
	v4 =	vld.idx.msk [tilespmem:v4+s5+$0x0], vm6;
	v1 =	vadd.f32 v1, v12  }
0x13f: {  	v12 =	vld [tilespmem:s20+$0x30];
	v0 =	vadd.f32 v0, v13  }
0x140: {  	v11 =	vld.idx.msk [tilespmem:v11+s5+$0x0], vm3;
	[tilespmem:s18+$0xFFFFFFF0] =	vst v1;
	v1 =	vadd.f32 v2, v14  }
0x141: {  	v13 =	vld.idx.msk [tilespmem:v7+s5+$0x0], vm4;
	[tilespmem:s18+$0x0] =	vst v0;
	v0 =	vadd.f32 v3, v15  }
0x142: {  	v14 =	vld.idx.msk [tilespmem:v8+s5+$0x0], vm5;
	[tilespmem:s18+$0x10] =	vst v1  }
0x143: {  	v1 =	vnsel vm7, $0x0, v9;
	v2 =	vld.idx.msk [tilespmem:v6+s5+$0x0], vm0;
	[tilespmem:s18+$0x20] =	vst v0  }
.Ltmp4:
0x144: {  	v4 =	vnsel vm6, $0x0, v4;
	v6 =	vld.idx.msk [tilespmem:v5+s5+$0x0], vm2;
	v0 =	vadd.f32 v1, v12;
	(pc) =	sbr.rel @p3 .LBB2_7-.Ltmp4, $4  }
0x145: {  	s18 =	sadd.s32 $0x100, s18;
	v3 =	vld.idx.msk [tilespmem:v10+s5+$0x0], vm1  }
0x146: {  	v5 =	vnsel vm3, $0x0, v11;
	v7 =	vld [tilespmem:s20+$0xFFFFFFC0];
	[tilespmem:s18+$0x30] =	vst v0  }
0x147: {  	v1 =	vnsel vm4, $0x0, v13;
	v8 =	vld [tilespmem:s20+$0xFFFFFFD0]  }
0x148: {  	s10 =	sadd.s32 $0x80, s10;
	v0 =	vnsel vm5, $0x0, v14;
	v9 =	vld [tilespmem:s20+$0xFFFFFFE0]  }
0x149: {  	v10 =	vld [tilespmem:s20+$0xFFFFFFF0]  }
0x14a: {  	v6 =	vnsel vm2, $0x0, v6;
	v11 =	vld [tilespmem:s20+$0x0]  }
0x14b: {  	v6 =	vadd.f32 v6, v7;
	v7 =	vld [tilespmem:s20+$0x10]  }
0x14c: {  	v4 =	vadd.f32 v4, v8;
	v8 =	vld [tilespmem:s20+$0x20]  }
0x14d: {  	[tilespmem:s18+$0xFFFFFFC0] =	vst v6;
	v5 =	vadd.f32 v5, v9  }
0x14e: {  	[tilespmem:s18+$0xFFFFFFD0] =	vst v4;
	v1 =	vadd.f32 v1, v10  }
0x14f: {  	v2 =	vnsel vm0, $0x0, v2;
	v0 =	vadd.f32 v0, v11;
	[tilespmem:s18+$0xFFFFFFE0] =	vst v5  }
0x150: {  	s7 =	sshll.u32 s7, $0x11;
	v3 =	vnsel vm1, $0x0, v3;
	[tilespmem:s18+$0xFFFFFFF0] =	vst v1;
	v1 =	vadd.f32 v2, v7  }
0x151: {  	s7 =	sor.u32 s6, s7;
	[tilespmem:s18+$0x0] =	vst v0;
	v0 =	vadd.f32 v3, v8  }
0x152: {  	s7 =	sshrl.u32 s7, $0x3;
	[tilespmem:s18+$0x10] =	vst v1  }
0x153: {  	s8 =	sadd.s32 s13, s7;
	[tilespmem:s18+$0x20] =	vst v0  }
0x154: {  	[hbm4b:s8+s5] =	stream.linear.scatter [tilespmem:s11], [sflag:$0x3], $0x80, $0x38;
	[tilespmem:$0x19E00] =	vst v63  }
0x155: {  	s0 =	simm.s32 $0x18700;
	s10 =	sadd.s32 $0x80, s8  }
0x156: {  	[hbm4b:s10+s5] =	stream.linear.scatter [tilespmem:s0], [sflag:$0x3], $0x80, $0x38;
	[tilespmem:$0x19E00] =	vst v63  }
0x157: {  	s20 =	simm.s32 $0x18800;
	s18 =	sadd.s32 $0x100, s8  }
0x158: {  	[hbm4b:s18+s5] =	stream.linear.scatter [tilespmem:s20], [sflag:$0x3], $0x80, $0x38;
	[tilespmem:$0x19E00] =	vst v63  }
0x159: {  	s15 =	simm.s32 $0x18900;
	s0 =	sadd.s32 $0x180, s8  }
0x15a: {  	[hbm4b:s0+s5] =	stream.linear.scatter [tilespmem:s15], [sflag:$0x3], $0x80, $0x38;
	[tilespmem:$0x19E00] =	vst v63  }
0x15b: {  	s18 =	sadd.s32 $0x200, s8;
	s20 =	simm.s32 $0x18A00  }
0x15c: {  	[hbm4b:s18+s5] =	stream.linear.scatter [tilespmem:s20], [sflag:$0x3], $0x80, $0x38;
	[tilespmem:$0x19E00] =	vst v63  }
0x15d: {  	s0 =	sadd.s32 $0x280, s8;
	s15 =	simm.s32 $0x18B00  }
0x15e: {  	[hbm4b:s0+s5] =	stream.linear.scatter [tilespmem:s15], [sflag:$0x3], $0x80, $0x38;
	[tilespmem:$0x19E00] =	vst v63  }
0x15f: {  	s18 =	sadd.s32 $0x300, s8;
	s20 =	simm.s32 $0x18C00  }
0x160: {  	[hbm4b:s18+s5] =	stream.linear.scatter [tilespmem:s20], [sflag:$0x3], $0x80, $0x38;
	[tilespmem:$0x19E00] =	vst v63  }
0x161: {  	s0 =	sadd.s32 $0x380, s8;
	s15 =	simm.s32 $0x18D00  }
0x162: {  	[hbm4b:s0+s5] =	stream.linear.scatter [tilespmem:s15], [sflag:$0x3], $0x80, $0x38;
	[tilespmem:$0x19E00] =	vst v63  }
0x163: {  	s18 =	sadd.s32 $0x400, s8;
	s20 =	simm.s32 $0x18E00  }
0x164: {  	[hbm4b:s18+s5] =	stream.linear.scatter [tilespmem:s20], [sflag:$0x3], $0x80, $0x38;
	[tilespmem:$0x19E00] =	vst v63  }
0x165: {  	s0 =	sadd.s32 $0x480, s8;
	s15 =	simm.s32 $0x18F00  }
0x166: {  	[hbm4b:s0+s5] =	stream.linear.scatter [tilespmem:s15], [sflag:$0x3], $0x80, $0x38;
	[tilespmem:$0x19E00] =	vst v63  }
0x167: {  	s18 =	sadd.s32 $0x500, s8;
	s20 =	simm.s32 $0x19000  }
0x168: {  	[hbm4b:s18+s5] =	stream.linear.scatter [tilespmem:s20], [sflag:$0x3], $0x80, $0x38;
	[tilespmem:$0x19E00] =	vst v63  }
0x169: {  	s0 =	sadd.s32 $0x580, s8;
	s15 =	simm.s32 $0x19100  }
0x16a: {  	[hbm4b:s0+s5] =	stream.linear.scatter [tilespmem:s15], [sflag:$0x3], $0x80, $0x38;
	[tilespmem:$0x19E00] =	vst v63  }
0x16b: {  	s18 =	sadd.s32 $0x600, s8;
	s20 =	simm.s32 $0x19200  }
0x16c: {  	[hbm4b:s18+s5] =	stream.linear.scatter [tilespmem:s20], [sflag:$0x3], $0x80, $0x38;
	[tilespmem:$0x19E00] =	vst v63  }
0x16d: {  	s0 =	sadd.s32 $0x680, s8;
	s15 =	simm.s32 $0x19300  }
0x16e: {  	[hbm4b:s0+s5] =	stream.linear.scatter [tilespmem:s15], [sflag:$0x3], $0x80, $0x38;
	[tilespmem:$0x19E00] =	vst v63  }
0x16f: {  	s18 =	sadd.s32 $0x700, s8;
	s20 =	simm.s32 $0x19400  }
0x170: {  	[hbm4b:s18+s5] =	stream.linear.scatter [tilespmem:s20], [sflag:$0x3], $0x80, $0x38;
	[tilespmem:$0x19E00] =	vst v63  }
0x171: {  	s8 =	sadd.s32 $0x780, s8;
	s15 =	simm.s32 $0x19500  }
0x172: {  	[hbm4b:s8+s5] =	stream.linear.scatter [tilespmem:s15], [sflag:$0x3], $0x80, $0x38;
	[tilespmem:$0x19E00] =	vst v63  }
0x173: {  	s18 =	simm.s32 $0x10600;
	s8 =	simm.s32 @!p2 $0x3  }
0x174: {  	[tilespmem:s18], [sflag:$0x2] =	stream.strided.gather [spmem:s28], $0x800, s22, s21, $0x38;
	[tilespmem:$0x19E00] =	vst v63  }
0x175: {  	_ =	swait.ge @!p2 [sflag:s8], $0x800  }
0x176: {  	[sflag:s8] =	ssyncset.done @!p2 $0x0  }
0x177: {  	s20 =	simm.s32 $0x10E70;
	[sflag:s8] =	ssyncadd.s32 @!p2 $0xFFFFF800  }
0x178: {  	v0 =	vld [tilespmem:s20+$0x0]  }
0x179: {  	v1 =	vld [tilespmem:s20+$0xFFFFFFA0]  }
0x17a: {  	v2 =	vld [tilespmem:s20+$0xFFFFFFB0]  }
0x17b: {  	v3 =	vld [tilespmem:s20+$0xFFFFFFC0]  }
0x17c: {  	v4 =	vld [tilespmem:s20+$0xFFFFFFD0]  }
0x17d: {  	v5 =	vld [tilespmem:s20+$0xFFFFFFE0];
	v0 =	vadd.s32 $0xFFFEFC00, v0  }
0x17e: {  	v6 =	vld [tilespmem:s20+$0xFFFFFF90];
	v1 =	vadd.s32 $0xFFFEFC00, v1;
	vm3 =	vlt.u32 v0, $0x82A0  }
0x17f: {  	v7 =	vld [tilespmem:s20+$0xFFFFFFF0];
	v2 =	vadd.s32 $0xFFFEFC00, v2;
	vm4 =	vlt.u32 v1, $0x82A0  }
0x180: {  	v3 =	vadd.s32 $0xFFFEFC00, v3;
	vm5 =	vlt.u32 v2, $0x82A0  }
0x181: {  	v4 =	vadd.s32 $0xFFFEFC00, v4;
	vm6 =	vlt.u32 v3, $0x82A0  }
0x182: {  	s18 =	simm.s32 $0x14E70;
	v5 =	vadd.s32 $0xFFFEFC00, v5;
	vm7 =	vlt.u32 v4, $0x82A0  }
0x183: {  	v8 =	vld [tilespmem:s18+$0x0];
	v6 =	vadd.s32 $0xFFFEFC00, v6;
	vm0 =	vlt.u32 v5, $0x82A0  }
0x184: {  	v7 =	vadd.s32 $0xFFFEFC00, v7;
	vm2 =	vlt.u32 v6, $0x82A0;
	v0 =	vld.idx.msk [tilespmem:v0+s5+$0x0], vm3  }
0x185: {  	vm1 =	vlt.u32 v7, $0x82A0;
	v1 =	vld.idx.msk [tilespmem:v1+s5+$0x0], vm4  }
0x186: {  	v9 =	vld.idx.msk [tilespmem:v2+s5+$0x0], vm5  }
0x187: {  	v10 =	vld.idx.msk [tilespmem:v3+s5+$0x0], vm6  }
0x188: {  	v11 =	vld.idx.msk [tilespmem:v4+s5+$0x0], vm7  }
0x189: {  	v2 =	vld.idx.msk [tilespmem:v5+s5+$0x0], vm0  }
0x18a: {  	v6 =	vld.idx.msk [tilespmem:v6+s5+$0x0], vm2  }
0x18b: {  	v3 =	vld.idx.msk [tilespmem:v7+s5+$0x0], vm1;
	v0 =	vnsel vm3, $0x0, v0  }
0x18c: {  	v7 =	vld [tilespmem:s18+$0xFFFFFF90];
	v0 =	vadd.f32 v0, v8  }
0x18d: {  	s20 =	simm.s32 $0x186F0;
	v4 =	vnsel vm4, $0x0, v1;
	v8 =	vld [tilespmem:s18+$0xFFFFFFA0]  }
0x18e: {  	s10 =	simm.s32 $0x10EF0;
	s8 =	simm.s32 $0x80;
	v5 =	vnsel vm5, $0x0, v9;
	v1 =	vnsel vm6, $0x0, v10;
	v9 =	vld [tilespmem:s18+$0xFFFFFFB0];
	[tilespmem:s20+$0x0] =	vst v0;
	v0 =	vnsel vm7, $0x0, v11  }
.LBB2_9:
0x18f: {  	v10 =	vld [tilespmem:s10+$0x0];
	s8 =	sadd.s32 $0x8, s8;
	v2 =	vnsel vm0, $0x0, v2  }
0x190: {  	v6 =	vnsel vm2, $0x0, v6;
	v11 =	vld [tilespmem:s10+$0xFFFFFFA0];
	p2 =	slt.u32 s8, $0xF8  }
0x191: {  	v3 =	vnsel vm1, $0x0, v3;
	v12 =	vld [tilespmem:s10+$0xFFFFFFB0];
	v6 =	vadd.f32 v6, v7  }
0x192: {  	v7 =	vld [tilespmem:s10+$0xFFFFFFC0];
	v4 =	vadd.f32 v4, v8  }
0x193: {  	v8 =	vld [tilespmem:s10+$0xFFFFFFD0];
	[tilespmem:s20+$0xFFFFFF90] =	vst v6;
	v5 =	vadd.f32 v5, v9  }
0x194: {  	v6 =	vld [tilespmem:s10+$0xFFFFFFE0];
	v9 =	vadd.s32 $0xFFFEFC00, v10;
	[tilespmem:s20+$0xFFFFFFA0] =	vst v4  }
0x195: {  	v4 =	vadd.s32 $0xFFFEFC00, v11;
	v10 =	vld [tilespmem:s10+$0xFFFFFFF0];
	vm7 =	vlt.u32 v9, $0x82A0;
	[tilespmem:s20+$0xFFFFFFB0] =	vst v5  }
0x196: {  	v5 =	vld [tilespmem:s10+$0xFFFFFF90];
	vm6 =	vlt.u32 v4, $0x82A0;
	v11 =	vadd.s32 $0xFFFEFC00, v12  }
0x197: {  	vm3 =	vlt.u32 v11, $0x82A0;
	v7 =	vadd.s32 $0xFFFEFC00, v7;
	v12 =	vld [tilespmem:s18+$0xFFFFFFC0]  }
0x198: {  	vm4 =	vlt.u32 v7, $0x82A0;
	v8 =	vadd.s32 $0xFFFEFC00, v8;
	v13 =	vld [tilespmem:s18+$0xFFFFFFD0]  }
0x199: {  	vm5 =	vlt.u32 v8, $0x82A0;
	v6 =	vadd.s32 $0xFFFEFC00, v6;
	v14 =	vld [tilespmem:s18+$0xFFFFFFE0]  }
0x19a: {  	vm0 =	vlt.u32 v6, $0x82A0;
	v10 =	vadd.s32 $0xFFFEFC00, v10;
	v15 =	vld [tilespmem:s18+$0xFFFFFFF0]  }
0x19b: {  	v5 =	vadd.s32 $0xFFFEFC00, v5;
	vm1 =	vlt.u32 v10, $0x82A0;
	v9 =	vld.idx.msk [tilespmem:v9+s5+$0x0], vm7  }
0x19c: {  	s18 =	sadd.s32 $0x80, s18;
	vm2 =	vlt.u32 v5, $0x82A0;
	v4 =	vld.idx.msk [tilespmem:v4+s5+$0x0], vm6;
	v1 =	vadd.f32 v1, v12  }
0x19d: {  	v12 =	vld [tilespmem:s18+$0x0];
	v0 =	vadd.f32 v0, v13  }
0x19e: {  	v11 =	vld.idx.msk [tilespmem:v11+s5+$0x0], vm3;
	[tilespmem:s20+$0xFFFFFFC0] =	vst v1;
	v1 =	vadd.f32 v2, v14  }
0x19f: {  	v13 =	vld.idx.msk [tilespmem:v7+s5+$0x0], vm4;
	[tilespmem:s20+$0xFFFFFFD0] =	vst v0;
	v0 =	vadd.f32 v3, v15  }
0x1a0: {  	v14 =	vld.idx.msk [tilespmem:v8+s5+$0x0], vm5;
	[tilespmem:s20+$0xFFFFFFE0] =	vst v1  }
0x1a1: {  	v1 =	vnsel vm7, $0x0, v9;
	v2 =	vld.idx.msk [tilespmem:v6+s5+$0x0], vm0;
	[tilespmem:s20+$0xFFFFFFF0] =	vst v0  }
.Ltmp5:
0x1a2: {  	v4 =	vnsel vm6, $0x0, v4;
	v6 =	vld.idx.msk [tilespmem:v5+s5+$0x0], vm2;
	v0 =	vadd.f32 v1, v12;
	(pc) =	sbr.rel @p2 .LBB2_9-.Ltmp5, $4  }
0x1a3: {  	s20 =	sadd.s32 $0x100, s20;
	v3 =	vld.idx.msk [tilespmem:v10+s5+$0x0], vm1  }
0x1a4: {  	v5 =	vnsel vm3, $0x0, v11;
	v7 =	vld [tilespmem:s18+$0xFFFFFF90];
	[tilespmem:s20+$0x0] =	vst v0  }
0x1a5: {  	v1 =	vnsel vm4, $0x0, v13;
	v8 =	vld [tilespmem:s18+$0xFFFFFFA0]  }
0x1a6: {  	s10 =	sadd.s32 $0x80, s10;
	v0 =	vnsel vm5, $0x0, v14;
	v9 =	vld [tilespmem:s18+$0xFFFFFFB0]  }
0x1a7: {  	v10 =	vld [tilespmem:s18+$0xFFFFFFC0]  }
0x1a8: {  	v6 =	vnsel vm2, $0x0, v6;
	v11 =	vld [tilespmem:s18+$0xFFFFFFD0]  }
0x1a9: {  	v6 =	vadd.f32 v6, v7;
	v7 =	vld [tilespmem:s18+$0xFFFFFFE0]  }
0x1aa: {  	v4 =	vadd.f32 v4, v8;
	v8 =	vld [tilespmem:s18+$0xFFFFFFF0]  }
0x1ab: {  	[tilespmem:s20+$0xFFFFFF90] =	vst v6;
	v5 =	vadd.f32 v5, v9  }
0x1ac: {  	[tilespmem:s20+$0xFFFFFFA0] =	vst v4;
	v1 =	vadd.f32 v1, v10  }
0x1ad: {  	v2 =	vnsel vm0, $0x0, v2;
	v0 =	vadd.f32 v0, v11;
	[tilespmem:s20+$0xFFFFFFB0] =	vst v5  }
0x1ae: {  	v3 =	vnsel vm1, $0x0, v3;
	[tilespmem:s20+$0xFFFFFFC0] =	vst v1;
	v1 =	vadd.f32 v2, v7  }
0x1af: {  	[tilespmem:s20+$0xFFFFFFD0] =	vst v0;
	v0 =	vadd.f32 v3, v8  }
0x1b0: {  	[tilespmem:s20+$0xFFFFFFE0] =	vst v1  }
0x1b1: {  	s8 =	sadd.s32 s7, s1;
	s0 =	simm.s32 $0x18680;
	[tilespmem:s20+$0xFFFFFFF0] =	vst v0  }
0x1b2: {  	[hbm4b:s8+s5] =	stream.linear.scatter [tilespmem:s0], [sflag:$0x3], $0x80, $0x38;
	[tilespmem:$0x19E00] =	vst v63  }
0x1b3: {  	s15 =	simm.s32 $0x18780;
	s10 =	sadd.s32 $0x80, s8  }
0x1b4: {  	[hbm4b:s10+s5] =	stream.linear.scatter [tilespmem:s15], [sflag:$0x3], $0x80, $0x38;
	[tilespmem:$0x19E00] =	vst v63  }
0x1b5: {  	s18 =	sadd.s32 $0x100, s8;
	s20 =	simm.s32 $0x18880  }
0x1b6: {  	[hbm4b:s18+s5] =	stream.linear.scatter [tilespmem:s20], [sflag:$0x3], $0x80, $0x38;
	[tilespmem:$0x19E00] =	vst v63  }
0x1b7: {  	s0 =	sadd.s32 $0x180, s8;
	s15 =	simm.s32 $0x18980  }
0x1b8: {  	[hbm4b:s0+s5] =	stream.linear.scatter [tilespmem:s15], [sflag:$0x3], $0x80, $0x38;
	[tilespmem:$0x19E00] =	vst v63  }
0x1b9: {  	s18 =	sadd.s32 $0x200, s8;
	s20 =	simm.s32 $0x18A80  }
0x1ba: {  	[hbm4b:s18+s5] =	stream.linear.scatter [tilespmem:s20], [sflag:$0x3], $0x80, $0x38;
	[tilespmem:$0x19E00] =	vst v63  }
0x1bb: {  	s0 =	sadd.s32 $0x280, s8;
	s15 =	simm.s32 $0x18B80  }
0x1bc: {  	[hbm4b:s0+s5] =	stream.linear.scatter [tilespmem:s15], [sflag:$0x3], $0x80, $0x38;
	[tilespmem:$0x19E00] =	vst v63  }
0x1bd: {  	s18 =	sadd.s32 $0x300, s8;
	s20 =	simm.s32 $0x18C80  }
0x1be: {  	[hbm4b:s18+s5] =	stream.linear.scatter [tilespmem:s20], [sflag:$0x3], $0x80, $0x38;
	[tilespmem:$0x19E00] =	vst v63  }
0x1bf: {  	s0 =	sadd.s32 $0x380, s8;
	s15 =	simm.s32 $0x18D80  }
0x1c0: {  	[hbm4b:s0+s5] =	stream.linear.scatter [tilespmem:s15], [sflag:$0x3], $0x80, $0x38;
	[tilespmem:$0x19E00] =	vst v63  }
0x1c1: {  	s18 =	sadd.s32 $0x400, s8;
	s20 =	simm.s32 $0x18E80  }
0x1c2: {  	[hbm4b:s18+s5] =	stream.linear.scatter [tilespmem:s20], [sflag:$0x3], $0x80, $0x38;
	[tilespmem:$0x19E00] =	vst v63  }
0x1c3: {  	s0 =	sadd.s32 $0x480, s8;
	s15 =	simm.s32 $0x18F80  }
0x1c4: {  	[hbm4b:s0+s5] =	stream.linear.scatter [tilespmem:s15], [sflag:$0x3], $0x80, $0x38;
	[tilespmem:$0x19E00] =	vst v63  }
0x1c5: {  	s18 =	sadd.s32 $0x500, s8;
	s20 =	simm.s32 $0x19080  }
0x1c6: {  	[hbm4b:s18+s5] =	stream.linear.scatter [tilespmem:s20], [sflag:$0x3], $0x80, $0x38;
	[tilespmem:$0x19E00] =	vst v63  }
0x1c7: {  	s0 =	sadd.s32 $0x580, s8;
	s15 =	simm.s32 $0x19180  }
0x1c8: {  	[hbm4b:s0+s5] =	stream.linear.scatter [tilespmem:s15], [sflag:$0x3], $0x80, $0x38;
	[tilespmem:$0x19E00] =	vst v63  }
0x1c9: {  	s18 =	sadd.s32 $0x600, s8;
	s20 =	simm.s32 $0x19280  }
0x1ca: {  	[hbm4b:s18+s5] =	stream.linear.scatter [tilespmem:s20], [sflag:$0x3], $0x80, $0x38;
	[tilespmem:$0x19E00] =	vst v63  }
0x1cb: {  	s0 =	sadd.s32 $0x680, s8;
	s15 =	simm.s32 $0x19380  }
0x1cc: {  	[hbm4b:s0+s5] =	stream.linear.scatter [tilespmem:s15], [sflag:$0x3], $0x80, $0x38;
	[tilespmem:$0x19E00] =	vst v63  }
0x1cd: {  	s18 =	sadd.s32 $0x700, s8;
	s20 =	simm.s32 $0x19480  }
0x1ce: {  	[hbm4b:s18+s5] =	stream.linear.scatter [tilespmem:s20], [sflag:$0x3], $0x80, $0x38;
	[tilespmem:$0x19E00] =	vst v63  }
0x1cf: {  	s8 =	sadd.s32 $0x780, s8;
	s15 =	simm.s32 $0x19580  }
0x1d0: {  	[hbm4b:s8+s5] =	stream.linear.scatter [tilespmem:s15], [sflag:$0x3], $0x80, $0x38;
	[tilespmem:$0x19E00] =	vst v63  }
0x1d1: {  	s18 =	simm.s32 $0x10E00  }
0x1d2: {  	[tilespmem:s18], [sflag:$0x2] =	stream.strided.gather [spmem:s29], $0x800, s22, s21, $0x38;
	[tilespmem:$0x19E00] =	vst v63  }
0x1d3: {  	_ =	swait.ge [sflag:s16], $0x800  }
0x1d4: {  	[sflag:s16] =	ssyncset.done $0x0  }
0x1d5: {  	s20 =	simm.s32 $0x11670;
	[sflag:s16] =	ssyncadd.s32 $0xFFFFF800  }
0x1d6: {  	v0 =	vld [tilespmem:s20+$0x0]  }
0x1d7: {  	v1 =	vld [tilespmem:s20+$0xFFFFFFA0]  }
0x1d8: {  	v2 =	vld [tilespmem:s20+$0xFFFFFFB0]  }
0x1d9: {  	v3 =	vld [tilespmem:s20+$0xFFFFFFC0]  }
0x1da: {  	v4 =	vld [tilespmem:s20+$0xFFFFFFD0]  }
0x1db: {  	v5 =	vld [tilespmem:s20+$0xFFFFFFE0];
	v0 =	vadd.s32 $0xFFFEFC00, v0  }
0x1dc: {  	v6 =	vld [tilespmem:s20+$0xFFFFFF90];
	v1 =	vadd.s32 $0xFFFEFC00, v1;
	vm3 =	vlt.u32 v0, $0x82A0  }
0x1dd: {  	v7 =	vld [tilespmem:s20+$0xFFFFFFF0];
	v2 =	vadd.s32 $0xFFFEFC00, v2;
	vm4 =	vlt.u32 v1, $0x82A0  }
0x1de: {  	v3 =	vadd.s32 $0xFFFEFC00, v3;
	vm5 =	vlt.u32 v2, $0x82A0  }
0x1df: {  	v4 =	vadd.s32 $0xFFFEFC00, v4;
	vm6 =	vlt.u32 v3, $0x82A0  }
0x1e0: {  	s18 =	simm.s32 $0x15670;
	v5 =	vadd.s32 $0xFFFEFC00, v5;
	vm7 =	vlt.u32 v4, $0x82A0  }
0x1e1: {  	v8 =	vld [tilespmem:s18+$0x0];
	v6 =	vadd.s32 $0xFFFEFC00, v6;
	vm0 =	vlt.u32 v5, $0x82A0  }
0x1e2: {  	v7 =	vadd.s32 $0xFFFEFC00, v7;
	vm2 =	vlt.u32 v6, $0x82A0;
	v0 =	vld.idx.msk [tilespmem:v0+s5+$0x0], vm3  }
0x1e3: {  	vm1 =	vlt.u32 v7, $0x82A0;
	v1 =	vld.idx.msk [tilespmem:v1+s5+$0x0], vm4  }
0x1e4: {  	v9 =	vld.idx.msk [tilespmem:v2+s5+$0x0], vm5  }
0x1e5: {  	v10 =	vld.idx.msk [tilespmem:v3+s5+$0x0], vm6  }
0x1e6: {  	v11 =	vld.idx.msk [tilespmem:v4+s5+$0x0], vm7  }
0x1e7: {  	v2 =	vld.idx.msk [tilespmem:v5+s5+$0x0], vm0  }
0x1e8: {  	v6 =	vld.idx.msk [tilespmem:v6+s5+$0x0], vm2  }
0x1e9: {  	v3 =	vld.idx.msk [tilespmem:v7+s5+$0x0], vm1;
	v0 =	vnsel vm3, $0x0, v0  }
0x1ea: {  	v7 =	vld [tilespmem:s18+$0xFFFFFF90];
	v0 =	vadd.f32 v0, v8  }
0x1eb: {  	s20 =	simm.s32 $0x18640;
	v4 =	vnsel vm4, $0x0, v1;
	v8 =	vld [tilespmem:s18+$0xFFFFFFA0]  }
0x1ec: {  	s10 =	simm.s32 $0x116F0;
	s8 =	simm.s32 $0x100;
	v5 =	vnsel vm5, $0x0, v9;
	v1 =	vnsel vm6, $0x0, v10;
	v9 =	vld [tilespmem:s18+$0xFFFFFFB0];
	[tilespmem:s20+$0x30] =	vst v0;
	v0 =	vnsel vm7, $0x0, v11  }
.LBB2_11:
0x1ed: {  	v10 =	vld [tilespmem:s10+$0x0];
	s8 =	sadd.s32 $0x8, s8;
	v2 =	vnsel vm0, $0x0, v2  }
0x1ee: {  	v6 =	vnsel vm2, $0x0, v6;
	v11 =	vld [tilespmem:s10+$0xFFFFFFA0];
	p2 =	slt.u32 s8, $0x178  }
0x1ef: {  	v3 =	vnsel vm1, $0x0, v3;
	v12 =	vld [tilespmem:s10+$0xFFFFFFB0];
	v6 =	vadd.f32 v6, v7  }
0x1f0: {  	v7 =	vld [tilespmem:s10+$0xFFFFFFC0];
	v4 =	vadd.f32 v4, v8  }
0x1f1: {  	v8 =	vld [tilespmem:s10+$0xFFFFFFD0];
	[tilespmem:s20+$0xFFFFFFC0] =	vst v6;
	v5 =	vadd.f32 v5, v9  }
0x1f2: {  	v6 =	vld [tilespmem:s10+$0xFFFFFFE0];
	v9 =	vadd.s32 $0xFFFEFC00, v10;
	[tilespmem:s20+$0xFFFFFFD0] =	vst v4  }
0x1f3: {  	v4 =	vadd.s32 $0xFFFEFC00, v11;
	v10 =	vld [tilespmem:s10+$0xFFFFFFF0];
	vm7 =	vlt.u32 v9, $0x82A0;
	[tilespmem:s20+$0xFFFFFFE0] =	vst v5  }
0x1f4: {  	v5 =	vld [tilespmem:s10+$0xFFFFFF90];
	vm6 =	vlt.u32 v4, $0x82A0;
	v11 =	vadd.s32 $0xFFFEFC00, v12  }
0x1f5: {  	vm3 =	vlt.u32 v11, $0x82A0;
	v7 =	vadd.s32 $0xFFFEFC00, v7;
	v12 =	vld [tilespmem:s18+$0xFFFFFFC0]  }
0x1f6: {  	vm4 =	vlt.u32 v7, $0x82A0;
	v8 =	vadd.s32 $0xFFFEFC00, v8;
	v13 =	vld [tilespmem:s18+$0xFFFFFFD0]  }
0x1f7: {  	vm5 =	vlt.u32 v8, $0x82A0;
	v6 =	vadd.s32 $0xFFFEFC00, v6;
	v14 =	vld [tilespmem:s18+$0xFFFFFFE0]  }
0x1f8: {  	vm0 =	vlt.u32 v6, $0x82A0;
	v10 =	vadd.s32 $0xFFFEFC00, v10;
	v15 =	vld [tilespmem:s18+$0xFFFFFFF0]  }
0x1f9: {  	v5 =	vadd.s32 $0xFFFEFC00, v5;
	vm1 =	vlt.u32 v10, $0x82A0;
	v9 =	vld.idx.msk [tilespmem:v9+s5+$0x0], vm7  }
0x1fa: {  	s18 =	sadd.s32 $0x80, s18;
	vm2 =	vlt.u32 v5, $0x82A0;
	v4 =	vld.idx.msk [tilespmem:v4+s5+$0x0], vm6;
	v1 =	vadd.f32 v1, v12  }
0x1fb: {  	v12 =	vld [tilespmem:s18+$0x0];
	v0 =	vadd.f32 v0, v13  }
0x1fc: {  	v11 =	vld.idx.msk [tilespmem:v11+s5+$0x0], vm3;
	[tilespmem:s20+$0xFFFFFFF0] =	vst v1;
	v1 =	vadd.f32 v2, v14  }
0x1fd: {  	v13 =	vld.idx.msk [tilespmem:v7+s5+$0x0], vm4;
	[tilespmem:s20+$0x0] =	vst v0;
	v0 =	vadd.f32 v3, v15  }
0x1fe: {  	v14 =	vld.idx.msk [tilespmem:v8+s5+$0x0], vm5;
	[tilespmem:s20+$0x10] =	vst v1  }
0x1ff: {  	v1 =	vnsel vm7, $0x0, v9;
	v2 =	vld.idx.msk [tilespmem:v6+s5+$0x0], vm0;
	[tilespmem:s20+$0x20] =	vst v0  }
.Ltmp6:
0x200: {  	v4 =	vnsel vm6, $0x0, v4;
	v6 =	vld.idx.msk [tilespmem:v5+s5+$0x0], vm2;
	v0 =	vadd.f32 v1, v12;
	(pc) =	sbr.rel @p2 .LBB2_11-.Ltmp6, $4  }
0x201: {  	s20 =	sadd.s32 $0x100, s20;
	v3 =	vld.idx.msk [tilespmem:v10+s5+$0x0], vm1  }
0x202: {  	v5 =	vnsel vm3, $0x0, v11;
	v7 =	vld [tilespmem:s18+$0xFFFFFF90];
	[tilespmem:s20+$0x30] =	vst v0  }
0x203: {  	v1 =	vnsel vm4, $0x0, v13;
	v8 =	vld [tilespmem:s18+$0xFFFFFFA0]  }
0x204: {  	s10 =	sadd.s32 $0x80, s10;
	v0 =	vnsel vm5, $0x0, v14;
	v9 =	vld [tilespmem:s18+$0xFFFFFFB0]  }
0x205: {  	v10 =	vld [tilespmem:s18+$0xFFFFFFC0]  }
0x206: {  	v6 =	vnsel vm2, $0x0, v6;
	v11 =	vld [tilespmem:s18+$0xFFFFFFD0]  }
0x207: {  	v6 =	vadd.f32 v6, v7;
	v7 =	vld [tilespmem:s18+$0xFFFFFFE0]  }
0x208: {  	v4 =	vadd.f32 v4, v8;
	v8 =	vld [tilespmem:s18+$0xFFFFFFF0]  }
0x209: {  	[tilespmem:s20+$0xFFFFFFC0] =	vst v6;
	v5 =	vadd.f32 v5, v9  }
0x20a: {  	[tilespmem:s20+$0xFFFFFFD0] =	vst v4;
	v1 =	vadd.f32 v1, v10  }
0x20b: {  	v2 =	vnsel vm0, $0x0, v2;
	v0 =	vadd.f32 v0, v11;
	[tilespmem:s20+$0xFFFFFFE0] =	vst v5  }
0x20c: {  	v3 =	vnsel vm1, $0x0, v3;
	[tilespmem:s20+$0xFFFFFFF0] =	vst v1;
	v1 =	vadd.f32 v2, v7  }
0x20d: {  	[tilespmem:s20+$0x0] =	vst v0;
	v0 =	vadd.f32 v3, v8  }
0x20e: {  	[tilespmem:s20+$0x10] =	vst v1  }
0x20f: {  	s8 =	sadd.s32 s7, s14;
	[tilespmem:s20+$0x20] =	vst v0  }
0x210: {  	[hbm4b:s8+s5] =	stream.linear.scatter [tilespmem:s11], [sflag:$0x3], $0x80, $0x38;
	[tilespmem:$0x19E00] =	vst v63  }
0x211: {  	s0 =	simm.s32 $0x18700;
	s10 =	sadd.s32 $0x80, s8  }
0x212: {  	[hbm4b:s10+s5] =	stream.linear.scatter [tilespmem:s0], [sflag:$0x3], $0x80, $0x38;
	[tilespmem:$0x19E00] =	vst v63  }
0x213: {  	s15 =	smov.u32 s14;
	s14 =	simm.s32 $0x18800;
	s0 =	sadd.s32 $0x100, s8  }
0x214: {  	[hbm4b:s0+s5] =	stream.linear.scatter [tilespmem:s14], [sflag:$0x3], $0x80, $0x38;
	[tilespmem:$0x19E00] =	vst v63  }
0x215: {  	s18 =	sadd.s32 $0x180, s8;
	s20 =	simm.s32 $0x18900  }
0x216: {  	[hbm4b:s18+s5] =	stream.linear.scatter [tilespmem:s20], [sflag:$0x3], $0x80, $0x38;
	[tilespmem:$0x19E00] =	vst v63  }
0x217: {  	s0 =	sadd.s32 $0x200, s8;
	s14 =	simm.s32 $0x18A00  }
0x218: {  	[hbm4b:s0+s5] =	stream.linear.scatter [tilespmem:s14], [sflag:$0x3], $0x80, $0x38;
	[tilespmem:$0x19E00] =	vst v63  }
0x219: {  	s18 =	sadd.s32 $0x280, s8;
	s20 =	simm.s32 $0x18B00  }
0x21a: {  	[hbm4b:s18+s5] =	stream.linear.scatter [tilespmem:s20], [sflag:$0x3], $0x80, $0x38;
	[tilespmem:$0x19E00] =	vst v63  }
0x21b: {  	s0 =	sadd.s32 $0x300, s8;
	s14 =	simm.s32 $0x18C00  }
0x21c: {  	[hbm4b:s0+s5] =	stream.linear.scatter [tilespmem:s14], [sflag:$0x3], $0x80, $0x38;
	[tilespmem:$0x19E00] =	vst v63  }
0x21d: {  	s18 =	sadd.s32 $0x380, s8;
	s20 =	simm.s32 $0x18D00  }
0x21e: {  	[hbm4b:s18+s5] =	stream.linear.scatter [tilespmem:s20], [sflag:$0x3], $0x80, $0x38;
	[tilespmem:$0x19E00] =	vst v63  }
0x21f: {  	s0 =	sadd.s32 $0x400, s8;
	s14 =	simm.s32 $0x18E00  }
0x220: {  	[hbm4b:s0+s5] =	stream.linear.scatter [tilespmem:s14], [sflag:$0x3], $0x80, $0x38;
	[tilespmem:$0x19E00] =	vst v63  }
0x221: {  	s18 =	sadd.s32 $0x480, s8;
	s20 =	simm.s32 $0x18F00  }
0x222: {  	[hbm4b:s18+s5] =	stream.linear.scatter [tilespmem:s20], [sflag:$0x3], $0x80, $0x38;
	[tilespmem:$0x19E00] =	vst v63  }
0x223: {  	s0 =	sadd.s32 $0x500, s8;
	s14 =	simm.s32 $0x19000  }
0x224: {  	[hbm4b:s0+s5] =	stream.linear.scatter [tilespmem:s14], [sflag:$0x3], $0x80, $0x38;
	[tilespmem:$0x19E00] =	vst v63  }
0x225: {  	s18 =	sadd.s32 $0x580, s8;
	s20 =	simm.s32 $0x19100  }
0x226: {  	[hbm4b:s18+s5] =	stream.linear.scatter [tilespmem:s20], [sflag:$0x3], $0x80, $0x38;
	[tilespmem:$0x19E00] =	vst v63  }
0x227: {  	s0 =	sadd.s32 $0x600, s8;
	s14 =	simm.s32 $0x19200  }
0x228: {  	[hbm4b:s0+s5] =	stream.linear.scatter [tilespmem:s14], [sflag:$0x3], $0x80, $0x38;
	[tilespmem:$0x19E00] =	vst v63  }
0x229: {  	s18 =	sadd.s32 $0x680, s8;
	s20 =	simm.s32 $0x19300  }
0x22a: {  	[hbm4b:s18+s5] =	stream.linear.scatter [tilespmem:s20], [sflag:$0x3], $0x80, $0x38;
	[tilespmem:$0x19E00] =	vst v63  }
0x22b: {  	s0 =	sadd.s32 $0x700, s8;
	s14 =	simm.s32 $0x19400  }
0x22c: {  	[hbm4b:s0+s5] =	stream.linear.scatter [tilespmem:s14], [sflag:$0x3], $0x80, $0x38;
	[tilespmem:$0x19E00] =	vst v63  }
0x22d: {  	s8 =	sadd.s32 $0x780, s8;
	s18 =	simm.s32 $0x19500  }
0x22e: {  	[hbm4b:s8+s5] =	stream.linear.scatter [tilespmem:s18], [sflag:$0x3], $0x80, $0x38;
	[tilespmem:$0x19E00] =	vst v63  }
0x22f: {  	s20 =	simm.s32 $0x11600  }
0x230: {  	[tilespmem:s20], [sflag:$0x2] =	stream.strided.gather [spmem:s30], $0x800, s22, s21, $0x38;
	[tilespmem:$0x19E00] =	vst v63  }
0x231: {  	_ =	swait.ge [sflag:s16], $0x800  }
0x232: {  	[sflag:s16] =	ssyncset.done $0x0  }
0x233: {  	s30 =	simm.s32 $0x11E70;
	[sflag:s16] =	ssyncadd.s32 $0xFFFFF800  }
0x234: {  	v0 =	vld [tilespmem:s30+$0x0]  }
0x235: {  	v1 =	vld [tilespmem:s30+$0xFFFFFFA0]  }
0x236: {  	v2 =	vld [tilespmem:s30+$0xFFFFFFB0]  }
0x237: {  	v3 =	vld [tilespmem:s30+$0xFFFFFFC0]  }
0x238: {  	v4 =	vld [tilespmem:s30+$0xFFFFFFD0]  }
0x239: {  	v5 =	vld [tilespmem:s30+$0xFFFFFFE0];
	v0 =	vadd.s32 $0xFFFEFC00, v0  }
0x23a: {  	v6 =	vld [tilespmem:s30+$0xFFFFFF90];
	v1 =	vadd.s32 $0xFFFEFC00, v1;
	vm3 =	vlt.u32 v0, $0x82A0  }
0x23b: {  	v7 =	vld [tilespmem:s30+$0xFFFFFFF0];
	v2 =	vadd.s32 $0xFFFEFC00, v2;
	vm4 =	vlt.u32 v1, $0x82A0  }
0x23c: {  	v3 =	vadd.s32 $0xFFFEFC00, v3;
	vm5 =	vlt.u32 v2, $0x82A0  }
0x23d: {  	v4 =	vadd.s32 $0xFFFEFC00, v4;
	vm6 =	vlt.u32 v3, $0x82A0  }
0x23e: {  	s18 =	simm.s32 $0x15E70;
	v5 =	vadd.s32 $0xFFFEFC00, v5;
	vm7 =	vlt.u32 v4, $0x82A0  }
0x23f: {  	v8 =	vld [tilespmem:s18+$0x0];
	v6 =	vadd.s32 $0xFFFEFC00, v6;
	vm0 =	vlt.u32 v5, $0x82A0  }
0x240: {  	v7 =	vadd.s32 $0xFFFEFC00, v7;
	vm2 =	vlt.u32 v6, $0x82A0;
	v0 =	vld.idx.msk [tilespmem:v0+s5+$0x0], vm3  }
0x241: {  	vm1 =	vlt.u32 v7, $0x82A0;
	v1 =	vld.idx.msk [tilespmem:v1+s5+$0x0], vm4  }
0x242: {  	v9 =	vld.idx.msk [tilespmem:v2+s5+$0x0], vm5  }
0x243: {  	v10 =	vld.idx.msk [tilespmem:v3+s5+$0x0], vm6  }
0x244: {  	v11 =	vld.idx.msk [tilespmem:v4+s5+$0x0], vm7  }
0x245: {  	v2 =	vld.idx.msk [tilespmem:v5+s5+$0x0], vm0  }
0x246: {  	v6 =	vld.idx.msk [tilespmem:v6+s5+$0x0], vm2  }
0x247: {  	v3 =	vld.idx.msk [tilespmem:v7+s5+$0x0], vm1;
	v0 =	vnsel vm3, $0x0, v0  }
0x248: {  	v7 =	vld [tilespmem:s18+$0xFFFFFF90];
	v0 =	vadd.f32 v0, v8  }
0x249: {  	s20 =	simm.s32 $0x186F0;
	v4 =	vnsel vm4, $0x0, v1;
	v8 =	vld [tilespmem:s18+$0xFFFFFFA0]  }
0x24a: {  	s10 =	simm.s32 $0x11EF0;
	s8 =	simm.s32 $0x180;
	v5 =	vnsel vm5, $0x0, v9;
	v1 =	vnsel vm6, $0x0, v10;
	v9 =	vld [tilespmem:s18+$0xFFFFFFB0];
	[tilespmem:s20+$0x0] =	vst v0;
	v0 =	vnsel vm7, $0x0, v11  }
.LBB2_13:
0x24b: {  	v10 =	vld [tilespmem:s10+$0x0];
	s8 =	sadd.s32 $0x8, s8;
	v2 =	vnsel vm0, $0x0, v2  }
0x24c: {  	v6 =	vnsel vm2, $0x0, v6;
	v11 =	vld [tilespmem:s10+$0xFFFFFFA0];
	p2 =	slt.u32 s8, $0x1F8  }
0x24d: {  	v3 =	vnsel vm1, $0x0, v3;
	v12 =	vld [tilespmem:s10+$0xFFFFFFB0];
	v6 =	vadd.f32 v6, v7  }
0x24e: {  	v7 =	vld [tilespmem:s10+$0xFFFFFFC0];
	v4 =	vadd.f32 v4, v8  }
0x24f: {  	v8 =	vld [tilespmem:s10+$0xFFFFFFD0];
	[tilespmem:s20+$0xFFFFFF90] =	vst v6;
	v5 =	vadd.f32 v5, v9  }
0x250: {  	v6 =	vld [tilespmem:s10+$0xFFFFFFE0];
	v9 =	vadd.s32 $0xFFFEFC00, v10;
	[tilespmem:s20+$0xFFFFFFA0] =	vst v4  }
0x251: {  	v4 =	vadd.s32 $0xFFFEFC00, v11;
	v10 =	vld [tilespmem:s10+$0xFFFFFFF0];
	vm7 =	vlt.u32 v9, $0x82A0;
	[tilespmem:s20+$0xFFFFFFB0] =	vst v5  }
0x252: {  	v5 =	vld [tilespmem:s10+$0xFFFFFF90];
	vm6 =	vlt.u32 v4, $0x82A0;
	v11 =	vadd.s32 $0xFFFEFC00, v12  }
0x253: {  	vm3 =	vlt.u32 v11, $0x82A0;
	v7 =	vadd.s32 $0xFFFEFC00, v7;
	v12 =	vld [tilespmem:s18+$0xFFFFFFC0]  }
0x254: {  	vm4 =	vlt.u32 v7, $0x82A0;
	v8 =	vadd.s32 $0xFFFEFC00, v8;
	v13 =	vld [tilespmem:s18+$0xFFFFFFD0]  }
0x255: {  	vm5 =	vlt.u32 v8, $0x82A0;
	v6 =	vadd.s32 $0xFFFEFC00, v6;
	v14 =	vld [tilespmem:s18+$0xFFFFFFE0]  }
0x256: {  	vm0 =	vlt.u32 v6, $0x82A0;
	v10 =	vadd.s32 $0xFFFEFC00, v10;
	v15 =	vld [tilespmem:s18+$0xFFFFFFF0]  }
0x257: {  	v5 =	vadd.s32 $0xFFFEFC00, v5;
	vm1 =	vlt.u32 v10, $0x82A0;
	v9 =	vld.idx.msk [tilespmem:v9+s5+$0x0], vm7  }
0x258: {  	s18 =	sadd.s32 $0x80, s18;
	vm2 =	vlt.u32 v5, $0x82A0;
	v4 =	vld.idx.msk [tilespmem:v4+s5+$0x0], vm6;
	v1 =	vadd.f32 v1, v12  }
0x259: {  	v12 =	vld [tilespmem:s18+$0x0];
	v0 =	vadd.f32 v0, v13  }
0x25a: {  	v11 =	vld.idx.msk [tilespmem:v11+s5+$0x0], vm3;
	[tilespmem:s20+$0xFFFFFFC0] =	vst v1;
	v1 =	vadd.f32 v2, v14  }
0x25b: {  	v13 =	vld.idx.msk [tilespmem:v7+s5+$0x0], vm4;
	[tilespmem:s20+$0xFFFFFFD0] =	vst v0;
	v0 =	vadd.f32 v3, v15  }
0x25c: {  	v14 =	vld.idx.msk [tilespmem:v8+s5+$0x0], vm5;
	[tilespmem:s20+$0xFFFFFFE0] =	vst v1  }
0x25d: {  	v1 =	vnsel vm7, $0x0, v9;
	v2 =	vld.idx.msk [tilespmem:v6+s5+$0x0], vm0;
	[tilespmem:s20+$0xFFFFFFF0] =	vst v0  }
.Ltmp7:
0x25e: {  	v4 =	vnsel vm6, $0x0, v4;
	v6 =	vld.idx.msk [tilespmem:v5+s5+$0x0], vm2;
	v0 =	vadd.f32 v1, v12;
	(pc) =	sbr.rel @p2 .LBB2_13-.Ltmp7, $4  }
0x25f: {  	s20 =	sadd.s32 $0x100, s20;
	v3 =	vld.idx.msk [tilespmem:v10+s5+$0x0], vm1  }
0x260: {  	v5 =	vnsel vm3, $0x0, v11;
	v7 =	vld [tilespmem:s18+$0xFFFFFF90];
	[tilespmem:s20+$0x0] =	vst v0  }
0x261: {  	v1 =	vnsel vm4, $0x0, v13;
	v8 =	vld [tilespmem:s18+$0xFFFFFFA0]  }
0x262: {  	s10 =	sadd.s32 $0x80, s10;
	v0 =	vnsel vm5, $0x0, v14;
	v9 =	vld [tilespmem:s18+$0xFFFFFFB0]  }
0x263: {  	v10 =	vld [tilespmem:s18+$0xFFFFFFC0]  }
0x264: {  	v6 =	vnsel vm2, $0x0, v6;
	v11 =	vld [tilespmem:s18+$0xFFFFFFD0]  }
0x265: {  	v6 =	vadd.f32 v6, v7;
	v7 =	vld [tilespmem:s18+$0xFFFFFFE0]  }
0x266: {  	v4 =	vadd.f32 v4, v8;
	v8 =	vld [tilespmem:s18+$0xFFFFFFF0]  }
0x267: {  	[tilespmem:s20+$0xFFFFFF90] =	vst v6;
	v5 =	vadd.f32 v5, v9  }
0x268: {  	[tilespmem:s20+$0xFFFFFFA0] =	vst v4;
	v1 =	vadd.f32 v1, v10  }
0x269: {  	v2 =	vnsel vm0, $0x0, v2;
	v0 =	vadd.f32 v0, v11;
	[tilespmem:s20+$0xFFFFFFB0] =	vst v5  }
0x26a: {  	v3 =	vnsel vm1, $0x0, v3;
	[tilespmem:s20+$0xFFFFFFC0] =	vst v1;
	v1 =	vadd.f32 v2, v7  }
0x26b: {  	[tilespmem:s20+$0xFFFFFFD0] =	vst v0;
	v0 =	vadd.f32 v3, v8  }
0x26c: {  	[tilespmem:s20+$0xFFFFFFE0] =	vst v1  }
0x26d: {  	[tilespmem:s20+$0xFFFFFFF0] =	vst v0  }
0x26e: {  	s0 =	rddreg [dreg:$0x18]  }
0x26f: {  	s20 =	simm.s32 $0x18680;
	s8 =	sadd.s32 s7, s0  }
0x270: {  	[hbm4b:s8+s5] =	stream.linear.scatter [tilespmem:s20], [sflag:$0x3], $0x80, $0x38;
	[tilespmem:$0x19E00] =	vst v63  }
0x271: {  	s30 =	smov.u32 s29;
	s29 =	simm.s32 $0x18780;
	s10 =	sadd.s32 $0x80, s8  }
0x272: {  	[hbm4b:s10+s5] =	stream.linear.scatter [tilespmem:s29], [sflag:$0x3], $0x80, $0x38;
	[tilespmem:$0x19E00] =	vst v63  }
0x273: {  	s14 =	smov.u32 s1;
	s18 =	simm.s32 $0x18880;
	s1 =	sadd.s32 $0x100, s8  }
0x274: {  	[hbm4b:s1+s5] =	stream.linear.scatter [tilespmem:s18], [sflag:$0x3], $0x80, $0x38;
	[tilespmem:$0x19E00] =	vst v63  }
0x275: {  	s20 =	sadd.s32 $0x180, s8;
	s29 =	simm.s32 $0x18980  }
0x276: {  	[hbm4b:s20+s5] =	stream.linear.scatter [tilespmem:s29], [sflag:$0x3], $0x80, $0x38;
	[tilespmem:$0x19E00] =	vst v63  }
0x277: {  	s1 =	sadd.s32 $0x200, s8;
	s18 =	simm.s32 $0x18A80  }
0x278: {  	[hbm4b:s1+s5] =	stream.linear.scatter [tilespmem:s18], [sflag:$0x3], $0x80, $0x38;
	[tilespmem:$0x19E00] =	vst v63  }
0x279: {  	s20 =	sadd.s32 $0x280, s8;
	s29 =	simm.s32 $0x18B80  }
0x27a: {  	[hbm4b:s20+s5] =	stream.linear.scatter [tilespmem:s29], [sflag:$0x3], $0x80, $0x38;
	[tilespmem:$0x19E00] =	vst v63  }
0x27b: {  	s1 =	sadd.s32 $0x300, s8;
	s18 =	simm.s32 $0x18C80  }
0x27c: {  	[hbm4b:s1+s5] =	stream.linear.scatter [tilespmem:s18], [sflag:$0x3], $0x80, $0x38;
	[tilespmem:$0x19E00] =	vst v63  }
0x27d: {  	s20 =	sadd.s32 $0x380, s8;
	s29 =	simm.s32 $0x18D80  }
0x27e: {  	[hbm4b:s20+s5] =	stream.linear.scatter [tilespmem:s29], [sflag:$0x3], $0x80, $0x38;
	[tilespmem:$0x19E00] =	vst v63  }
0x27f: {  	s1 =	sadd.s32 $0x400, s8;
	s18 =	simm.s32 $0x18E80  }
0x280: {  	[hbm4b:s1+s5] =	stream.linear.scatter [tilespmem:s18], [sflag:$0x3], $0x80, $0x38;
	[tilespmem:$0x19E00] =	vst v63  }
0x281: {  	s20 =	sadd.s32 $0x480, s8;
	s29 =	simm.s32 $0x18F80  }
0x282: {  	[hbm4b:s20+s5] =	stream.linear.scatter [tilespmem:s29], [sflag:$0x3], $0x80, $0x38;
	[tilespmem:$0x19E00] =	vst v63  }
0x283: {  	s1 =	sadd.s32 $0x500, s8;
	s18 =	simm.s32 $0x19080  }
0x284: {  	[hbm4b:s1+s5] =	stream.linear.scatter [tilespmem:s18], [sflag:$0x3], $0x80, $0x38;
	[tilespmem:$0x19E00] =	vst v63  }
0x285: {  	s20 =	sadd.s32 $0x580, s8;
	s29 =	simm.s32 $0x19180  }
0x286: {  	[hbm4b:s20+s5] =	stream.linear.scatter [tilespmem:s29], [sflag:$0x3], $0x80, $0x38;
	[tilespmem:$0x19E00] =	vst v63  }
0x287: {  	s1 =	sadd.s32 $0x600, s8;
	s18 =	simm.s32 $0x19280  }
0x288: {  	[hbm4b:s1+s5] =	stream.linear.scatter [tilespmem:s18], [sflag:$0x3], $0x80, $0x38;
	[tilespmem:$0x19E00] =	vst v63  }
0x289: {  	s20 =	sadd.s32 $0x680, s8;
	s29 =	simm.s32 $0x19380  }
0x28a: {  	[hbm4b:s20+s5] =	stream.linear.scatter [tilespmem:s29], [sflag:$0x3], $0x80, $0x38;
	[tilespmem:$0x19E00] =	vst v63  }
0x28b: {  	s0 =	sadd.s32 $0x700, s8;
	s1 =	simm.s32 $0x19480  }
0x28c: {  	[hbm4b:s0+s5] =	stream.linear.scatter [tilespmem:s1], [sflag:$0x3], $0x80, $0x38;
	[tilespmem:$0x19E00] =	vst v63  }
0x28d: {  	s8 =	sadd.s32 $0x780, s8;
	s18 =	simm.s32 $0x19580  }
0x28e: {  	[hbm4b:s8+s5] =	stream.linear.scatter [tilespmem:s18], [sflag:$0x3], $0x80, $0x38;
	[tilespmem:$0x19E00] =	vst v63  }
0x28f: {  	s20 =	simm.s32 $0x11E00  }
0x290: {  	[tilespmem:s20], [sflag:$0x2] =	stream.strided.gather [spmem:s9], $0x800, s22, s21, $0x38;
	[tilespmem:$0x19E00] =	vst v63  }
0x291: {  	_ =	swait.ge [sflag:s16], $0x800  }
0x292: {  	[sflag:s16] =	ssyncset.done $0x0  }
0x293: {  	s29 =	simm.s32 $0x12670;
	[sflag:s16] =	ssyncadd.s32 $0xFFFFF800  }
0x294: {  	v0 =	vld [tilespmem:s29+$0x0]  }
0x295: {  	v1 =	vld [tilespmem:s29+$0xFFFFFFA0]  }
0x296: {  	v2 =	vld [tilespmem:s29+$0xFFFFFFB0]  }
0x297: {  	v3 =	vld [tilespmem:s29+$0xFFFFFFC0]  }
0x298: {  	v4 =	vld [tilespmem:s29+$0xFFFFFFD0]  }
0x299: {  	v5 =	vld [tilespmem:s29+$0xFFFFFFE0];
	v0 =	vadd.s32 $0xFFFEFC00, v0  }
0x29a: {  	v6 =	vld [tilespmem:s29+$0xFFFFFF90];
	v1 =	vadd.s32 $0xFFFEFC00, v1;
	vm3 =	vlt.u32 v0, $0x82A0  }
0x29b: {  	v7 =	vld [tilespmem:s29+$0xFFFFFFF0];
	v2 =	vadd.s32 $0xFFFEFC00, v2;
	vm4 =	vlt.u32 v1, $0x82A0  }
0x29c: {  	v3 =	vadd.s32 $0xFFFEFC00, v3;
	vm5 =	vlt.u32 v2, $0x82A0  }
0x29d: {  	v4 =	vadd.s32 $0xFFFEFC00, v4;
	vm6 =	vlt.u32 v3, $0x82A0  }
0x29e: {  	s18 =	simm.s32 $0x16670;
	v5 =	vadd.s32 $0xFFFEFC00, v5;
	vm7 =	vlt.u32 v4, $0x82A0  }
0x29f: {  	v8 =	vld [tilespmem:s18+$0x0];
	v6 =	vadd.s32 $0xFFFEFC00, v6;
	vm0 =	vlt.u32 v5, $0x82A0  }
0x2a0: {  	v7 =	vadd.s32 $0xFFFEFC00, v7;
	vm2 =	vlt.u32 v6, $0x82A0;
	v0 =	vld.idx.msk [tilespmem:v0+s5+$0x0], vm3  }
0x2a1: {  	vm1 =	vlt.u32 v7, $0x82A0;
	v1 =	vld.idx.msk [tilespmem:v1+s5+$0x0], vm4  }
0x2a2: {  	v9 =	vld.idx.msk [tilespmem:v2+s5+$0x0], vm5  }
0x2a3: {  	v10 =	vld.idx.msk [tilespmem:v3+s5+$0x0], vm6  }
0x2a4: {  	v11 =	vld.idx.msk [tilespmem:v4+s5+$0x0], vm7  }
0x2a5: {  	v2 =	vld.idx.msk [tilespmem:v5+s5+$0x0], vm0  }
0x2a6: {  	v6 =	vld.idx.msk [tilespmem:v6+s5+$0x0], vm2  }
0x2a7: {  	v3 =	vld.idx.msk [tilespmem:v7+s5+$0x0], vm1;
	v0 =	vnsel vm3, $0x0, v0  }
0x2a8: {  	v7 =	vld [tilespmem:s18+$0xFFFFFF90];
	v0 =	vadd.f32 v0, v8  }
0x2a9: {  	s20 =	simm.s32 $0x18640;
	v4 =	vnsel vm4, $0x0, v1;
	v8 =	vld [tilespmem:s18+$0xFFFFFFA0]  }
0x2aa: {  	s10 =	simm.s32 $0x126F0;
	s8 =	simm.s32 $0x200;
	v5 =	vnsel vm5, $0x0, v9;
	v1 =	vnsel vm6, $0x0, v10;
	v9 =	vld [tilespmem:s18+$0xFFFFFFB0];
	[tilespmem:s20+$0x30] =	vst v0;
	v0 =	vnsel vm7, $0x0, v11  }
.LBB2_15:
0x2ab: {  	v10 =	vld [tilespmem:s10+$0x0];
	s8 =	sadd.s32 $0x8, s8;
	v2 =	vnsel vm0, $0x0, v2  }
0x2ac: {  	v6 =	vnsel vm2, $0x0, v6;
	v11 =	vld [tilespmem:s10+$0xFFFFFFA0];
	p2 =	slt.u32 s8, $0x278  }
0x2ad: {  	v3 =	vnsel vm1, $0x0, v3;
	v12 =	vld [tilespmem:s10+$0xFFFFFFB0];
	v6 =	vadd.f32 v6, v7  }
0x2ae: {  	v7 =	vld [tilespmem:s10+$0xFFFFFFC0];
	v4 =	vadd.f32 v4, v8  }
0x2af: {  	v8 =	vld [tilespmem:s10+$0xFFFFFFD0];
	[tilespmem:s20+$0xFFFFFFC0] =	vst v6;
	v5 =	vadd.f32 v5, v9  }
0x2b0: {  	v6 =	vld [tilespmem:s10+$0xFFFFFFE0];
	v9 =	vadd.s32 $0xFFFEFC00, v10;
	[tilespmem:s20+$0xFFFFFFD0] =	vst v4  }
0x2b1: {  	v4 =	vadd.s32 $0xFFFEFC00, v11;
	v10 =	vld [tilespmem:s10+$0xFFFFFFF0];
	vm7 =	vlt.u32 v9, $0x82A0;
	[tilespmem:s20+$0xFFFFFFE0] =	vst v5  }
0x2b2: {  	v5 =	vld [tilespmem:s10+$0xFFFFFF90];
	vm6 =	vlt.u32 v4, $0x82A0;
	v11 =	vadd.s32 $0xFFFEFC00, v12  }
0x2b3: {  	vm3 =	vlt.u32 v11, $0x82A0;
	v7 =	vadd.s32 $0xFFFEFC00, v7;
	v12 =	vld [tilespmem:s18+$0xFFFFFFC0]  }
0x2b4: {  	vm4 =	vlt.u32 v7, $0x82A0;
	v8 =	vadd.s32 $0xFFFEFC00, v8;
	v13 =	vld [tilespmem:s18+$0xFFFFFFD0]  }
0x2b5: {  	vm5 =	vlt.u32 v8, $0x82A0;
	v6 =	vadd.s32 $0xFFFEFC00, v6;
	v14 =	vld [tilespmem:s18+$0xFFFFFFE0]  }
0x2b6: {  	vm0 =	vlt.u32 v6, $0x82A0;
	v10 =	vadd.s32 $0xFFFEFC00, v10;
	v15 =	vld [tilespmem:s18+$0xFFFFFFF0]  }
0x2b7: {  	v5 =	vadd.s32 $0xFFFEFC00, v5;
	vm1 =	vlt.u32 v10, $0x82A0;
	v9 =	vld.idx.msk [tilespmem:v9+s5+$0x0], vm7  }
0x2b8: {  	s18 =	sadd.s32 $0x80, s18;
	vm2 =	vlt.u32 v5, $0x82A0;
	v4 =	vld.idx.msk [tilespmem:v4+s5+$0x0], vm6;
	v1 =	vadd.f32 v1, v12  }
0x2b9: {  	v12 =	vld [tilespmem:s18+$0x0];
	v0 =	vadd.f32 v0, v13  }
0x2ba: {  	v11 =	vld.idx.msk [tilespmem:v11+s5+$0x0], vm3;
	[tilespmem:s20+$0xFFFFFFF0] =	vst v1;
	v1 =	vadd.f32 v2, v14  }
0x2bb: {  	v13 =	vld.idx.msk [tilespmem:v7+s5+$0x0], vm4;
	[tilespmem:s20+$0x0] =	vst v0;
	v0 =	vadd.f32 v3, v15  }
0x2bc: {  	v14 =	vld.idx.msk [tilespmem:v8+s5+$0x0], vm5;
	[tilespmem:s20+$0x10] =	vst v1  }
0x2bd: {  	v1 =	vnsel vm7, $0x0, v9;
	v2 =	vld.idx.msk [tilespmem:v6+s5+$0x0], vm0;
	[tilespmem:s20+$0x20] =	vst v0  }
.Ltmp8:
0x2be: {  	v4 =	vnsel vm6, $0x0, v4;
	v6 =	vld.idx.msk [tilespmem:v5+s5+$0x0], vm2;
	v0 =	vadd.f32 v1, v12;
	(pc) =	sbr.rel @p2 .LBB2_15-.Ltmp8, $4  }
0x2bf: {  	s20 =	sadd.s32 $0x100, s20;
	v3 =	vld.idx.msk [tilespmem:v10+s5+$0x0], vm1  }
0x2c0: {  	v5 =	vnsel vm3, $0x0, v11;
	v7 =	vld [tilespmem:s18+$0xFFFFFF90];
	[tilespmem:s20+$0x30] =	vst v0  }
0x2c1: {  	v1 =	vnsel vm4, $0x0, v13;
	v8 =	vld [tilespmem:s18+$0xFFFFFFA0]  }
0x2c2: {  	s10 =	sadd.s32 $0x80, s10;
	v0 =	vnsel vm5, $0x0, v14;
	v9 =	vld [tilespmem:s18+$0xFFFFFFB0]  }
0x2c3: {  	v10 =	vld [tilespmem:s18+$0xFFFFFFC0]  }
0x2c4: {  	v6 =	vnsel vm2, $0x0, v6;
	v11 =	vld [tilespmem:s18+$0xFFFFFFD0]  }
0x2c5: {  	v6 =	vadd.f32 v6, v7;
	v7 =	vld [tilespmem:s18+$0xFFFFFFE0]  }
0x2c6: {  	v4 =	vadd.f32 v4, v8;
	v8 =	vld [tilespmem:s18+$0xFFFFFFF0]  }
0x2c7: {  	[tilespmem:s20+$0xFFFFFFC0] =	vst v6;
	v5 =	vadd.f32 v5, v9  }
0x2c8: {  	[tilespmem:s20+$0xFFFFFFD0] =	vst v4;
	v1 =	vadd.f32 v1, v10  }
0x2c9: {  	v2 =	vnsel vm0, $0x0, v2;
	v0 =	vadd.f32 v0, v11;
	[tilespmem:s20+$0xFFFFFFE0] =	vst v5  }
0x2ca: {  	v3 =	vnsel vm1, $0x0, v3;
	[tilespmem:s20+$0xFFFFFFF0] =	vst v1;
	v1 =	vadd.f32 v2, v7  }
0x2cb: {  	[tilespmem:s20+$0x0] =	vst v0;
	v0 =	vadd.f32 v3, v8  }
0x2cc: {  	[tilespmem:s20+$0x10] =	vst v1  }
0x2cd: {  	[tilespmem:s20+$0x20] =	vst v0  }
0x2ce: {  	s0 =	rddreg [dreg:$0x19]  }
0x2cf: {  	s8 =	sadd.s32 s7, s0  }
0x2d0: {  	[hbm4b:s8+s5] =	stream.linear.scatter [tilespmem:s11], [sflag:$0x3], $0x80, $0x38;
	[tilespmem:$0x19E00] =	vst v63  }
0x2d1: {  	s29 =	smov.u32 s28;
	s28 =	simm.s32 $0x18700;
	s10 =	sadd.s32 $0x80, s8  }
0x2d2: {  	[hbm4b:s10+s5] =	stream.linear.scatter [tilespmem:s28], [sflag:$0x3], $0x80, $0x38;
	[tilespmem:$0x19E00] =	vst v63  }
0x2d3: {  	s18 =	simm.s32 $0x18800;
	s1 =	sadd.s32 $0x100, s8  }
0x2d4: {  	[hbm4b:s1+s5] =	stream.linear.scatter [tilespmem:s18], [sflag:$0x3], $0x80, $0x38;
	[tilespmem:$0x19E00] =	vst v63  }
0x2d5: {  	s20 =	sadd.s32 $0x180, s8;
	s28 =	simm.s32 $0x18900  }
0x2d6: {  	[hbm4b:s20+s5] =	stream.linear.scatter [tilespmem:s28], [sflag:$0x3], $0x80, $0x38;
	[tilespmem:$0x19E00] =	vst v63  }
0x2d7: {  	s1 =	sadd.s32 $0x200, s8;
	s18 =	simm.s32 $0x18A00  }
0x2d8: {  	[hbm4b:s1+s5] =	stream.linear.scatter [tilespmem:s18], [sflag:$0x3], $0x80, $0x38;
	[tilespmem:$0x19E00] =	vst v63  }
0x2d9: {  	s20 =	sadd.s32 $0x280, s8;
	s28 =	simm.s32 $0x18B00  }
0x2da: {  	[hbm4b:s20+s5] =	stream.linear.scatter [tilespmem:s28], [sflag:$0x3], $0x80, $0x38;
	[tilespmem:$0x19E00] =	vst v63  }
0x2db: {  	s1 =	sadd.s32 $0x300, s8;
	s18 =	simm.s32 $0x18C00  }
0x2dc: {  	[hbm4b:s1+s5] =	stream.linear.scatter [tilespmem:s18], [sflag:$0x3], $0x80, $0x38;
	[tilespmem:$0x19E00] =	vst v63  }
0x2dd: {  	s20 =	sadd.s32 $0x380, s8;
	s28 =	simm.s32 $0x18D00  }
0x2de: {  	[hbm4b:s20+s5] =	stream.linear.scatter [tilespmem:s28], [sflag:$0x3], $0x80, $0x38;
	[tilespmem:$0x19E00] =	vst v63  }
0x2df: {  	s1 =	sadd.s32 $0x400, s8;
	s18 =	simm.s32 $0x18E00  }
0x2e0: {  	[hbm4b:s1+s5] =	stream.linear.scatter [tilespmem:s18], [sflag:$0x3], $0x80, $0x38;
	[tilespmem:$0x19E00] =	vst v63  }
0x2e1: {  	s20 =	sadd.s32 $0x480, s8;
	s28 =	simm.s32 $0x18F00  }
0x2e2: {  	[hbm4b:s20+s5] =	stream.linear.scatter [tilespmem:s28], [sflag:$0x3], $0x80, $0x38;
	[tilespmem:$0x19E00] =	vst v63  }
0x2e3: {  	s1 =	sadd.s32 $0x500, s8;
	s18 =	simm.s32 $0x19000  }
0x2e4: {  	[hbm4b:s1+s5] =	stream.linear.scatter [tilespmem:s18], [sflag:$0x3], $0x80, $0x38;
	[tilespmem:$0x19E00] =	vst v63  }
0x2e5: {  	s20 =	sadd.s32 $0x580, s8;
	s28 =	simm.s32 $0x19100  }
0x2e6: {  	[hbm4b:s20+s5] =	stream.linear.scatter [tilespmem:s28], [sflag:$0x3], $0x80, $0x38;
	[tilespmem:$0x19E00] =	vst v63  }
0x2e7: {  	s1 =	sadd.s32 $0x600, s8;
	s18 =	simm.s32 $0x19200  }
0x2e8: {  	[hbm4b:s1+s5] =	stream.linear.scatter [tilespmem:s18], [sflag:$0x3], $0x80, $0x38;
	[tilespmem:$0x19E00] =	vst v63  }
0x2e9: {  	s20 =	sadd.s32 $0x680, s8;
	s28 =	simm.s32 $0x19300  }
0x2ea: {  	[hbm4b:s20+s5] =	stream.linear.scatter [tilespmem:s28], [sflag:$0x3], $0x80, $0x38;
	[tilespmem:$0x19E00] =	vst v63  }
0x2eb: {  	s1 =	sadd.s32 $0x700, s8;
	s18 =	simm.s32 $0x19400  }
0x2ec: {  	[hbm4b:s1+s5] =	stream.linear.scatter [tilespmem:s18], [sflag:$0x3], $0x80, $0x38;
	[tilespmem:$0x19E00] =	vst v63  }
0x2ed: {  	s8 =	sadd.s32 $0x780, s8;
	s20 =	simm.s32 $0x19500  }
0x2ee: {  	[hbm4b:s8+s5] =	stream.linear.scatter [tilespmem:s20], [sflag:$0x3], $0x80, $0x38;
	[tilespmem:$0x19E00] =	vst v63  }
0x2ef: {  	s28 =	simm.s32 $0x12600  }
0x2f0: {  	[tilespmem:s28], [sflag:$0x2] =	stream.strided.gather [spmem:s31], $0x800, s22, s21, $0x38;
	[tilespmem:$0x19E00] =	vst v63  }
0x2f1: {  	_ =	swait.ge [sflag:s16], $0x800  }
0x2f2: {  	[sflag:s16] =	ssyncset.done $0x0  }
0x2f3: {  	s1 =	smov.u32 s31;
	s31 =	simm.s32 $0x12E70;
	[sflag:s16] =	ssyncadd.s32 $0xFFFFF800  }
0x2f4: {  	v0 =	vld [tilespmem:s31+$0x0]  }
0x2f5: {  	v1 =	vld [tilespmem:s31+$0xFFFFFFA0]  }
0x2f6: {  	v2 =	vld [tilespmem:s31+$0xFFFFFFB0]  }
0x2f7: {  	v3 =	vld [tilespmem:s31+$0xFFFFFFC0]  }
0x2f8: {  	v4 =	vld [tilespmem:s31+$0xFFFFFFD0]  }
0x2f9: {  	v5 =	vld [tilespmem:s31+$0xFFFFFFE0];
	v0 =	vadd.s32 $0xFFFEFC00, v0  }
0x2fa: {  	v6 =	vld [tilespmem:s31+$0xFFFFFF90];
	v1 =	vadd.s32 $0xFFFEFC00, v1;
	vm3 =	vlt.u32 v0, $0x82A0  }
0x2fb: {  	v7 =	vld [tilespmem:s31+$0xFFFFFFF0];
	v2 =	vadd.s32 $0xFFFEFC00, v2;
	vm4 =	vlt.u32 v1, $0x82A0  }
0x2fc: {  	v3 =	vadd.s32 $0xFFFEFC00, v3;
	vm5 =	vlt.u32 v2, $0x82A0  }
0x2fd: {  	v4 =	vadd.s32 $0xFFFEFC00, v4;
	vm6 =	vlt.u32 v3, $0x82A0  }
0x2fe: {  	s18 =	simm.s32 $0x16E70;
	v5 =	vadd.s32 $0xFFFEFC00, v5;
	vm7 =	vlt.u32 v4, $0x82A0  }
0x2ff: {  	v8 =	vld [tilespmem:s18+$0x0];
	v6 =	vadd.s32 $0xFFFEFC00, v6;
	vm0 =	vlt.u32 v5, $0x82A0  }
0x300: {  	v7 =	vadd.s32 $0xFFFEFC00, v7;
	vm2 =	vlt.u32 v6, $0x82A0;
	v0 =	vld.idx.msk [tilespmem:v0+s5+$0x0], vm3  }
0x301: {  	vm1 =	vlt.u32 v7, $0x82A0;
	v1 =	vld.idx.msk [tilespmem:v1+s5+$0x0], vm4  }
0x302: {  	v9 =	vld.idx.msk [tilespmem:v2+s5+$0x0], vm5  }
0x303: {  	v10 =	vld.idx.msk [tilespmem:v3+s5+$0x0], vm6  }
0x304: {  	v11 =	vld.idx.msk [tilespmem:v4+s5+$0x0], vm7  }
0x305: {  	v2 =	vld.idx.msk [tilespmem:v5+s5+$0x0], vm0  }
0x306: {  	v6 =	vld.idx.msk [tilespmem:v6+s5+$0x0], vm2  }
0x307: {  	v3 =	vld.idx.msk [tilespmem:v7+s5+$0x0], vm1;
	v0 =	vnsel vm3, $0x0, v0  }
0x308: {  	v7 =	vld [tilespmem:s18+$0xFFFFFF90];
	v0 =	vadd.f32 v0, v8  }
0x309: {  	s20 =	simm.s32 $0x186F0;
	v4 =	vnsel vm4, $0x0, v1;
	v8 =	vld [tilespmem:s18+$0xFFFFFFA0]  }
0x30a: {  	s10 =	simm.s32 $0x12EF0;
	s8 =	simm.s32 $0x280;
	v5 =	vnsel vm5, $0x0, v9;
	v1 =	vnsel vm6, $0x0, v10;
	v9 =	vld [tilespmem:s18+$0xFFFFFFB0];
	[tilespmem:s20+$0x0] =	vst v0;
	v0 =	vnsel vm7, $0x0, v11  }
.LBB2_17:
0x30b: {  	v10 =	vld [tilespmem:s10+$0x0];
	s8 =	sadd.s32 $0x8, s8;
	v2 =	vnsel vm0, $0x0, v2  }
0x30c: {  	v6 =	vnsel vm2, $0x0, v6;
	v11 =	vld [tilespmem:s10+$0xFFFFFFA0];
	p2 =	slt.u32 s8, $0x2F8  }
0x30d: {  	v3 =	vnsel vm1, $0x0, v3;
	v12 =	vld [tilespmem:s10+$0xFFFFFFB0];
	v6 =	vadd.f32 v6, v7  }
0x30e: {  	v7 =	vld [tilespmem:s10+$0xFFFFFFC0];
	v4 =	vadd.f32 v4, v8  }
0x30f: {  	v8 =	vld [tilespmem:s10+$0xFFFFFFD0];
	[tilespmem:s20+$0xFFFFFF90] =	vst v6;
	v5 =	vadd.f32 v5, v9  }
0x310: {  	v6 =	vld [tilespmem:s10+$0xFFFFFFE0];
	v9 =	vadd.s32 $0xFFFEFC00, v10;
	[tilespmem:s20+$0xFFFFFFA0] =	vst v4  }
0x311: {  	v4 =	vadd.s32 $0xFFFEFC00, v11;
	v10 =	vld [tilespmem:s10+$0xFFFFFFF0];
	vm7 =	vlt.u32 v9, $0x82A0;
	[tilespmem:s20+$0xFFFFFFB0] =	vst v5  }
0x312: {  	v5 =	vld [tilespmem:s10+$0xFFFFFF90];
	vm6 =	vlt.u32 v4, $0x82A0;
	v11 =	vadd.s32 $0xFFFEFC00, v12  }
0x313: {  	vm3 =	vlt.u32 v11, $0x82A0;
	v7 =	vadd.s32 $0xFFFEFC00, v7;
	v12 =	vld [tilespmem:s18+$0xFFFFFFC0]  }
0x314: {  	vm4 =	vlt.u32 v7, $0x82A0;
	v8 =	vadd.s32 $0xFFFEFC00, v8;
	v13 =	vld [tilespmem:s18+$0xFFFFFFD0]  }
0x315: {  	vm5 =	vlt.u32 v8, $0x82A0;
	v6 =	vadd.s32 $0xFFFEFC00, v6;
	v14 =	vld [tilespmem:s18+$0xFFFFFFE0]  }
0x316: {  	vm0 =	vlt.u32 v6, $0x82A0;
	v10 =	vadd.s32 $0xFFFEFC00, v10;
	v15 =	vld [tilespmem:s18+$0xFFFFFFF0]  }
0x317: {  	v5 =	vadd.s32 $0xFFFEFC00, v5;
	vm1 =	vlt.u32 v10, $0x82A0;
	v9 =	vld.idx.msk [tilespmem:v9+s5+$0x0], vm7  }
0x318: {  	s18 =	sadd.s32 $0x80, s18;
	vm2 =	vlt.u32 v5, $0x82A0;
	v4 =	vld.idx.msk [tilespmem:v4+s5+$0x0], vm6;
	v1 =	vadd.f32 v1, v12  }
0x319: {  	v12 =	vld [tilespmem:s18+$0x0];
	v0 =	vadd.f32 v0, v13  }
0x31a: {  	v11 =	vld.idx.msk [tilespmem:v11+s5+$0x0], vm3;
	[tilespmem:s20+$0xFFFFFFC0] =	vst v1;
	v1 =	vadd.f32 v2, v14  }
0x31b: {  	v13 =	vld.idx.msk [tilespmem:v7+s5+$0x0], vm4;
	[tilespmem:s20+$0xFFFFFFD0] =	vst v0;
	v0 =	vadd.f32 v3, v15  }
0x31c: {  	v14 =	vld.idx.msk [tilespmem:v8+s5+$0x0], vm5;
	[tilespmem:s20+$0xFFFFFFE0] =	vst v1  }
0x31d: {  	v1 =	vnsel vm7, $0x0, v9;
	v2 =	vld.idx.msk [tilespmem:v6+s5+$0x0], vm0;
	[tilespmem:s20+$0xFFFFFFF0] =	vst v0  }
.Ltmp9:
0x31e: {  	v4 =	vnsel vm6, $0x0, v4;
	v6 =	vld.idx.msk [tilespmem:v5+s5+$0x0], vm2;
	v0 =	vadd.f32 v1, v12;
	(pc) =	sbr.rel @p2 .LBB2_17-.Ltmp9, $4  }
0x31f: {  	s20 =	sadd.s32 $0x100, s20;
	v3 =	vld.idx.msk [tilespmem:v10+s5+$0x0], vm1  }
0x320: {  	v5 =	vnsel vm3, $0x0, v11;
	v7 =	vld [tilespmem:s18+$0xFFFFFF90];
	[tilespmem:s20+$0x0] =	vst v0  }
0x321: {  	v1 =	vnsel vm4, $0x0, v13;
	v8 =	vld [tilespmem:s18+$0xFFFFFFA0]  }
0x322: {  	s10 =	sadd.s32 $0x80, s10;
	v0 =	vnsel vm5, $0x0, v14;
	v9 =	vld [tilespmem:s18+$0xFFFFFFB0]  }
0x323: {  	v10 =	vld [tilespmem:s18+$0xFFFFFFC0]  }
0x324: {  	v6 =	vnsel vm2, $0x0, v6;
	v11 =	vld [tilespmem:s18+$0xFFFFFFD0]  }
0x325: {  	v6 =	vadd.f32 v6, v7;
	v7 =	vld [tilespmem:s18+$0xFFFFFFE0]  }
0x326: {  	v4 =	vadd.f32 v4, v8;
	v8 =	vld [tilespmem:s18+$0xFFFFFFF0]  }
0x327: {  	[tilespmem:s20+$0xFFFFFF90] =	vst v6;
	v5 =	vadd.f32 v5, v9  }
0x328: {  	[tilespmem:s20+$0xFFFFFFA0] =	vst v4;
	v1 =	vadd.f32 v1, v10  }
0x329: {  	v2 =	vnsel vm0, $0x0, v2;
	v0 =	vadd.f32 v0, v11;
	[tilespmem:s20+$0xFFFFFFB0] =	vst v5  }
0x32a: {  	v3 =	vnsel vm1, $0x0, v3;
	[tilespmem:s20+$0xFFFFFFC0] =	vst v1;
	v1 =	vadd.f32 v2, v7  }
0x32b: {  	[tilespmem:s20+$0xFFFFFFD0] =	vst v0;
	v0 =	vadd.f32 v3, v8  }
0x32c: {  	[tilespmem:s20+$0xFFFFFFE0] =	vst v1  }
0x32d: {  	[tilespmem:s20+$0xFFFFFFF0] =	vst v0  }
0x32e: {  	s0 =	rddreg [dreg:$0x1a]  }
0x32f: {  	s18 =	simm.s32 $0x18680;
	s8 =	sadd.s32 s7, s0  }
0x330: {  	[hbm4b:s8+s5] =	stream.linear.scatter [tilespmem:s18], [sflag:$0x3], $0x80, $0x38;
	[tilespmem:$0x19E00] =	vst v63  }
0x331: {  	s31 =	smov.u32 s9;
	s20 =	simm.s32 $0x18780;
	s10 =	sadd.s32 $0x80, s8  }
0x332: {  	[hbm4b:s10+s5] =	stream.linear.scatter [tilespmem:s20], [sflag:$0x3], $0x80, $0x38;
	[tilespmem:$0x19E00] =	vst v63  }
0x333: {  	s28 =	smov.u32 s6;
	s9 =	simm.s32 $0x18880;
	s6 =	sadd.s32 $0x100, s8  }
0x334: {  	[hbm4b:s6+s5] =	stream.linear.scatter [tilespmem:s9], [sflag:$0x3], $0x80, $0x38;
	[tilespmem:$0x19E00] =	vst v63  }
0x335: {  	s18 =	sadd.s32 $0x180, s8;
	s20 =	simm.s32 $0x18980  }
0x336: {  	[hbm4b:s18+s5] =	stream.linear.scatter [tilespmem:s20], [sflag:$0x3], $0x80, $0x38;
	[tilespmem:$0x19E00] =	vst v63  }
0x337: {  	s6 =	sadd.s32 $0x200, s8;
	s9 =	simm.s32 $0x18A80  }
0x338: {  	[hbm4b:s6+s5] =	stream.linear.scatter [tilespmem:s9], [sflag:$0x3], $0x80, $0x38;
	[tilespmem:$0x19E00] =	vst v63  }
0x339: {  	s18 =	sadd.s32 $0x280, s8;
	s20 =	simm.s32 $0x18B80  }
0x33a: {  	[hbm4b:s18+s5] =	stream.linear.scatter [tilespmem:s20], [sflag:$0x3], $0x80, $0x38;
	[tilespmem:$0x19E00] =	vst v63  }
0x33b: {  	s6 =	sadd.s32 $0x300, s8;
	s9 =	simm.s32 $0x18C80  }
0x33c: {  	[hbm4b:s6+s5] =	stream.linear.scatter [tilespmem:s9], [sflag:$0x3], $0x80, $0x38;
	[tilespmem:$0x19E00] =	vst v63  }
0x33d: {  	s18 =	sadd.s32 $0x380, s8;
	s20 =	simm.s32 $0x18D80  }
0x33e: {  	[hbm4b:s18+s5] =	stream.linear.scatter [tilespmem:s20], [sflag:$0x3], $0x80, $0x38;
	[tilespmem:$0x19E00] =	vst v63  }
0x33f: {  	s6 =	sadd.s32 $0x400, s8;
	s9 =	simm.s32 $0x18E80  }
0x340: {  	[hbm4b:s6+s5] =	stream.linear.scatter [tilespmem:s9], [sflag:$0x3], $0x80, $0x38;
	[tilespmem:$0x19E00] =	vst v63  }
0x341: {  	s18 =	sadd.s32 $0x480, s8;
	s20 =	simm.s32 $0x18F80  }
0x342: {  	[hbm4b:s18+s5] =	stream.linear.scatter [tilespmem:s20], [sflag:$0x3], $0x80, $0x38;
	[tilespmem:$0x19E00] =	vst v63  }
0x343: {  	s6 =	sadd.s32 $0x500, s8;
	s9 =	simm.s32 $0x19080  }
0x344: {  	[hbm4b:s6+s5] =	stream.linear.scatter [tilespmem:s9], [sflag:$0x3], $0x80, $0x38;
	[tilespmem:$0x19E00] =	vst v63  }
0x345: {  	s18 =	sadd.s32 $0x580, s8;
	s20 =	simm.s32 $0x19180  }
0x346: {  	[hbm4b:s18+s5] =	stream.linear.scatter [tilespmem:s20], [sflag:$0x3], $0x80, $0x38;
	[tilespmem:$0x19E00] =	vst v63  }
0x347: {  	s6 =	sadd.s32 $0x600, s8;
	s9 =	simm.s32 $0x19280  }
0x348: {  	[hbm4b:s6+s5] =	stream.linear.scatter [tilespmem:s9], [sflag:$0x3], $0x80, $0x38;
	[tilespmem:$0x19E00] =	vst v63  }
0x349: {  	s18 =	sadd.s32 $0x680, s8;
	s20 =	simm.s32 $0x19380  }
0x34a: {  	[hbm4b:s18+s5] =	stream.linear.scatter [tilespmem:s20], [sflag:$0x3], $0x80, $0x38;
	[tilespmem:$0x19E00] =	vst v63  }
0x34b: {  	s0 =	sadd.s32 $0x700, s8;
	s6 =	simm.s32 $0x19480  }
0x34c: {  	[hbm4b:s0+s5] =	stream.linear.scatter [tilespmem:s6], [sflag:$0x3], $0x80, $0x38;
	[tilespmem:$0x19E00] =	vst v63  }
0x34d: {  	s8 =	sadd.s32 $0x780, s8;
	s9 =	simm.s32 $0x19580  }
0x34e: {  	[hbm4b:s8+s5] =	stream.linear.scatter [tilespmem:s9], [sflag:$0x3], $0x80, $0x38;
	[tilespmem:$0x19E00] =	vst v63  }
0x34f: {  	s10 =	rddreg [dreg:$0x15];
	s18 =	simm.s32 $0x12E00  }
0x350: {  	[tilespmem:s18], [sflag:$0x2] =	stream.strided.gather [spmem:s10], $0x800, s22, s21, $0x38;
	[tilespmem:$0x19E00] =	vst v63  }
0x351: {  	_ =	swait.ge [sflag:s16], $0x800  }
0x352: {  	[sflag:s16] =	ssyncset.done $0x0  }
0x353: {  	s20 =	simm.s32 $0x13670;
	[sflag:s16] =	ssyncadd.s32 $0xFFFFF800  }
0x354: {  	v0 =	vld [tilespmem:s20+$0x0]  }
0x355: {  	v1 =	vld [tilespmem:s20+$0xFFFFFFA0]  }
0x356: {  	v2 =	vld [tilespmem:s20+$0xFFFFFFB0]  }
0x357: {  	v3 =	vld [tilespmem:s20+$0xFFFFFFC0]  }
0x358: {  	v4 =	vld [tilespmem:s20+$0xFFFFFFD0]  }
0x359: {  	v5 =	vld [tilespmem:s20+$0xFFFFFFE0];
	v0 =	vadd.s32 $0xFFFEFC00, v0  }
0x35a: {  	v6 =	vld [tilespmem:s20+$0xFFFFFF90];
	v1 =	vadd.s32 $0xFFFEFC00, v1;
	vm3 =	vlt.u32 v0, $0x82A0  }
0x35b: {  	v7 =	vld [tilespmem:s20+$0xFFFFFFF0];
	v2 =	vadd.s32 $0xFFFEFC00, v2;
	vm4 =	vlt.u32 v1, $0x82A0  }
0x35c: {  	v3 =	vadd.s32 $0xFFFEFC00, v3;
	vm5 =	vlt.u32 v2, $0x82A0  }
0x35d: {  	v4 =	vadd.s32 $0xFFFEFC00, v4;
	vm6 =	vlt.u32 v3, $0x82A0  }
0x35e: {  	s18 =	simm.s32 $0x17670;
	v5 =	vadd.s32 $0xFFFEFC00, v5;
	vm7 =	vlt.u32 v4, $0x82A0  }
0x35f: {  	v8 =	vld [tilespmem:s18+$0x0];
	v6 =	vadd.s32 $0xFFFEFC00, v6;
	vm0 =	vlt.u32 v5, $0x82A0  }
0x360: {  	v7 =	vadd.s32 $0xFFFEFC00, v7;
	vm2 =	vlt.u32 v6, $0x82A0;
	v0 =	vld.idx.msk [tilespmem:v0+s5+$0x0], vm3  }
0x361: {  	vm1 =	vlt.u32 v7, $0x82A0;
	v1 =	vld.idx.msk [tilespmem:v1+s5+$0x0], vm4  }
0x362: {  	v9 =	vld.idx.msk [tilespmem:v2+s5+$0x0], vm5  }
0x363: {  	v10 =	vld.idx.msk [tilespmem:v3+s5+$0x0], vm6  }
0x364: {  	v11 =	vld.idx.msk [tilespmem:v4+s5+$0x0], vm7  }
0x365: {  	v2 =	vld.idx.msk [tilespmem:v5+s5+$0x0], vm0  }
0x366: {  	v6 =	vld.idx.msk [tilespmem:v6+s5+$0x0], vm2  }
0x367: {  	v3 =	vld.idx.msk [tilespmem:v7+s5+$0x0], vm1;
	v0 =	vnsel vm3, $0x0, v0  }
0x368: {  	v7 =	vld [tilespmem:s18+$0xFFFFFF90];
	v0 =	vadd.f32 v0, v8  }
0x369: {  	s20 =	simm.s32 $0x18640;
	v4 =	vnsel vm4, $0x0, v1;
	v8 =	vld [tilespmem:s18+$0xFFFFFFA0]  }
0x36a: {  	s8 =	simm.s32 $0x300;
	s10 =	simm.s32 $0x136F0;
	v5 =	vnsel vm5, $0x0, v9;
	v1 =	vnsel vm6, $0x0, v10;
	v9 =	vld [tilespmem:s18+$0xFFFFFFB0];
	[tilespmem:s20+$0x30] =	vst v0;
	v0 =	vnsel vm7, $0x0, v11  }
.LBB2_19:
0x36b: {  	v10 =	vld [tilespmem:s10+$0x0];
	s8 =	sadd.s32 $0x8, s8;
	v2 =	vnsel vm0, $0x0, v2  }
0x36c: {  	v6 =	vnsel vm2, $0x0, v6;
	v11 =	vld [tilespmem:s10+$0xFFFFFFA0];
	p2 =	slt.u32 s8, $0x378  }
0x36d: {  	v3 =	vnsel vm1, $0x0, v3;
	v12 =	vld [tilespmem:s10+$0xFFFFFFB0];
	v6 =	vadd.f32 v6, v7  }
0x36e: {  	v7 =	vld [tilespmem:s10+$0xFFFFFFC0];
	v4 =	vadd.f32 v4, v8  }
0x36f: {  	v8 =	vld [tilespmem:s10+$0xFFFFFFD0];
	[tilespmem:s20+$0xFFFFFFC0] =	vst v6;
	v5 =	vadd.f32 v5, v9  }
0x370: {  	v6 =	vld [tilespmem:s10+$0xFFFFFFE0];
	v9 =	vadd.s32 $0xFFFEFC00, v10;
	[tilespmem:s20+$0xFFFFFFD0] =	vst v4  }
0x371: {  	v4 =	vadd.s32 $0xFFFEFC00, v11;
	v10 =	vld [tilespmem:s10+$0xFFFFFFF0];
	vm7 =	vlt.u32 v9, $0x82A0;
	[tilespmem:s20+$0xFFFFFFE0] =	vst v5  }
0x372: {  	v5 =	vld [tilespmem:s10+$0xFFFFFF90];
	vm6 =	vlt.u32 v4, $0x82A0;
	v11 =	vadd.s32 $0xFFFEFC00, v12  }
0x373: {  	vm3 =	vlt.u32 v11, $0x82A0;
	v7 =	vadd.s32 $0xFFFEFC00, v7;
	v12 =	vld [tilespmem:s18+$0xFFFFFFC0]  }
0x374: {  	vm4 =	vlt.u32 v7, $0x82A0;
	v8 =	vadd.s32 $0xFFFEFC00, v8;
	v13 =	vld [tilespmem:s18+$0xFFFFFFD0]  }
0x375: {  	vm5 =	vlt.u32 v8, $0x82A0;
	v6 =	vadd.s32 $0xFFFEFC00, v6;
	v14 =	vld [tilespmem:s18+$0xFFFFFFE0]  }
0x376: {  	vm0 =	vlt.u32 v6, $0x82A0;
	v10 =	vadd.s32 $0xFFFEFC00, v10;
	v15 =	vld [tilespmem:s18+$0xFFFFFFF0]  }
0x377: {  	v5 =	vadd.s32 $0xFFFEFC00, v5;
	vm1 =	vlt.u32 v10, $0x82A0;
	v9 =	vld.idx.msk [tilespmem:v9+s5+$0x0], vm7  }
0x378: {  	s18 =	sadd.s32 $0x80, s18;
	vm2 =	vlt.u32 v5, $0x82A0;
	v4 =	vld.idx.msk [tilespmem:v4+s5+$0x0], vm6;
	v1 =	vadd.f32 v1, v12  }
0x379: {  	v12 =	vld [tilespmem:s18+$0x0];
	v0 =	vadd.f32 v0, v13  }
0x37a: {  	v11 =	vld.idx.msk [tilespmem:v11+s5+$0x0], vm3;
	[tilespmem:s20+$0xFFFFFFF0] =	vst v1;
	v1 =	vadd.f32 v2, v14  }
0x37b: {  	v13 =	vld.idx.msk [tilespmem:v7+s5+$0x0], vm4;
	[tilespmem:s20+$0x0] =	vst v0;
	v0 =	vadd.f32 v3, v15  }
0x37c: {  	v14 =	vld.idx.msk [tilespmem:v8+s5+$0x0], vm5;
	[tilespmem:s20+$0x10] =	vst v1  }
0x37d: {  	v1 =	vnsel vm7, $0x0, v9;
	v2 =	vld.idx.msk [tilespmem:v6+s5+$0x0], vm0;
	[tilespmem:s20+$0x20] =	vst v0  }
.Ltmp10:
0x37e: {  	v4 =	vnsel vm6, $0x0, v4;
	v6 =	vld.idx.msk [tilespmem:v5+s5+$0x0], vm2;
	v0 =	vadd.f32 v1, v12;
	(pc) =	sbr.rel @p2 .LBB2_19-.Ltmp10, $4  }
0x37f: {  	s20 =	sadd.s32 $0x100, s20;
	v3 =	vld.idx.msk [tilespmem:v10+s5+$0x0], vm1  }
0x380: {  	v5 =	vnsel vm3, $0x0, v11;
	v7 =	vld [tilespmem:s18+$0xFFFFFF90];
	[tilespmem:s20+$0x30] =	vst v0  }
0x381: {  	v1 =	vnsel vm4, $0x0, v13;
	v8 =	vld [tilespmem:s18+$0xFFFFFFA0]  }
0x382: {  	s10 =	sadd.s32 $0x80, s10;
	v0 =	vnsel vm5, $0x0, v14;
	v9 =	vld [tilespmem:s18+$0xFFFFFFB0]  }
0x383: {  	v10 =	vld [tilespmem:s18+$0xFFFFFFC0]  }
0x384: {  	v6 =	vnsel vm2, $0x0, v6;
	v11 =	vld [tilespmem:s18+$0xFFFFFFD0]  }
0x385: {  	v6 =	vadd.f32 v6, v7;
	v7 =	vld [tilespmem:s18+$0xFFFFFFE0]  }
0x386: {  	v4 =	vadd.f32 v4, v8;
	v8 =	vld [tilespmem:s18+$0xFFFFFFF0]  }
0x387: {  	[tilespmem:s20+$0xFFFFFFC0] =	vst v6;
	v5 =	vadd.f32 v5, v9  }
0x388: {  	[tilespmem:s20+$0xFFFFFFD0] =	vst v4;
	v1 =	vadd.f32 v1, v10  }
0x389: {  	v2 =	vnsel vm0, $0x0, v2;
	v0 =	vadd.f32 v0, v11;
	[tilespmem:s20+$0xFFFFFFE0] =	vst v5  }
0x38a: {  	v3 =	vnsel vm1, $0x0, v3;
	[tilespmem:s20+$0xFFFFFFF0] =	vst v1;
	v1 =	vadd.f32 v2, v7  }
0x38b: {  	[tilespmem:s20+$0x0] =	vst v0;
	v0 =	vadd.f32 v3, v8  }
0x38c: {  	[tilespmem:s20+$0x10] =	vst v1  }
0x38d: {  	[tilespmem:s20+$0x20] =	vst v0  }
0x38e: {  	s0 =	rddreg [dreg:$0x1b]  }
0x38f: {  	s8 =	sadd.s32 s7, s0  }
0x390: {  	[hbm4b:s8+s5] =	stream.linear.scatter [tilespmem:s11], [sflag:$0x3], $0x80, $0x38;
	[tilespmem:$0x19E00] =	vst v63  }
0x391: {  	s20 =	simm.s32 $0x18700;
	s10 =	sadd.s32 $0x80, s8  }
0x392: {  	[hbm4b:s10+s5] =	stream.linear.scatter [tilespmem:s20], [sflag:$0x3], $0x80, $0x38;
	[tilespmem:$0x19E00] =	vst v63  }
0x393: {  	s9 =	smov.u32 s2;
	s2 =	simm.s32 $0x18800;
	s0 =	sadd.s32 $0x100, s8  }
0x394: {  	[hbm4b:s0+s5] =	stream.linear.scatter [tilespmem:s2], [sflag:$0x3], $0x80, $0x38;
	[tilespmem:$0x19E00] =	vst v63  }
0x395: {  	s6 =	smov.u32 s13;
	s13 =	simm.s32 $0x18900;
	s11 =	sadd.s32 $0x180, s8  }
0x396: {  	[hbm4b:s11+s5] =	stream.linear.scatter [tilespmem:s13], [sflag:$0x3], $0x80, $0x38;
	[tilespmem:$0x19E00] =	vst v63  }
0x397: {  	s18 =	sadd.s32 $0x200, s8;
	s20 =	simm.s32 $0x18A00  }
0x398: {  	[hbm4b:s18+s5] =	stream.linear.scatter [tilespmem:s20], [sflag:$0x3], $0x80, $0x38;
	[tilespmem:$0x19E00] =	vst v63  }
0x399: {  	s0 =	sadd.s32 $0x280, s8;
	s2 =	simm.s32 $0x18B00  }
0x39a: {  	[hbm4b:s0+s5] =	stream.linear.scatter [tilespmem:s2], [sflag:$0x3], $0x80, $0x38;
	[tilespmem:$0x19E00] =	vst v63  }
0x39b: {  	s11 =	sadd.s32 $0x300, s8;
	s13 =	simm.s32 $0x18C00  }
0x39c: {  	[hbm4b:s11+s5] =	stream.linear.scatter [tilespmem:s13], [sflag:$0x3], $0x80, $0x38;
	[tilespmem:$0x19E00] =	vst v63  }
0x39d: {  	s18 =	sadd.s32 $0x380, s8;
	s20 =	simm.s32 $0x18D00  }
0x39e: {  	[hbm4b:s18+s5] =	stream.linear.scatter [tilespmem:s20], [sflag:$0x3], $0x80, $0x38;
	[tilespmem:$0x19E00] =	vst v63  }
0x39f: {  	s0 =	sadd.s32 $0x400, s8;
	s2 =	simm.s32 $0x18E00  }
0x3a0: {  	[hbm4b:s0+s5] =	stream.linear.scatter [tilespmem:s2], [sflag:$0x3], $0x80, $0x38;
	[tilespmem:$0x19E00] =	vst v63  }
0x3a1: {  	s11 =	sadd.s32 $0x480, s8;
	s13 =	simm.s32 $0x18F00  }
0x3a2: {  	[hbm4b:s11+s5] =	stream.linear.scatter [tilespmem:s13], [sflag:$0x3], $0x80, $0x38;
	[tilespmem:$0x19E00] =	vst v63  }
0x3a3: {  	s18 =	sadd.s32 $0x500, s8;
	s20 =	simm.s32 $0x19000  }
0x3a4: {  	[hbm4b:s18+s5] =	stream.linear.scatter [tilespmem:s20], [sflag:$0x3], $0x80, $0x38;
	[tilespmem:$0x19E00] =	vst v63  }
0x3a5: {  	s0 =	sadd.s32 $0x580, s8;
	s2 =	simm.s32 $0x19100  }
0x3a6: {  	[hbm4b:s0+s5] =	stream.linear.scatter [tilespmem:s2], [sflag:$0x3], $0x80, $0x38;
	[tilespmem:$0x19E00] =	vst v63  }
0x3a7: {  	s11 =	sadd.s32 $0x600, s8;
	s13 =	simm.s32 $0x19200  }
0x3a8: {  	[hbm4b:s11+s5] =	stream.linear.scatter [tilespmem:s13], [sflag:$0x3], $0x80, $0x38;
	[tilespmem:$0x19E00] =	vst v63  }
0x3a9: {  	s18 =	sadd.s32 $0x680, s8;
	s20 =	simm.s32 $0x19300  }
0x3aa: {  	[hbm4b:s18+s5] =	stream.linear.scatter [tilespmem:s20], [sflag:$0x3], $0x80, $0x38;
	[tilespmem:$0x19E00] =	vst v63  }
0x3ab: {  	s0 =	sadd.s32 $0x700, s8;
	s2 =	simm.s32 $0x19400  }
0x3ac: {  	[hbm4b:s0+s5] =	stream.linear.scatter [tilespmem:s2], [sflag:$0x3], $0x80, $0x38;
	[tilespmem:$0x19E00] =	vst v63  }
0x3ad: {  	s8 =	sadd.s32 $0x780, s8;
	s11 =	simm.s32 $0x19500  }
0x3ae: {  	[hbm4b:s8+s5] =	stream.linear.scatter [tilespmem:s11], [sflag:$0x3], $0x80, $0x38;
	[tilespmem:$0x19E00] =	vst v63  }
0x3af: {  	s13 =	rddreg [dreg:$0x16];
	s18 =	simm.s32 $0x13600  }
0x3b0: {  	[tilespmem:s18], [sflag:$0x2] =	stream.strided.gather [spmem:s13], $0x800, s22, s21, $0x38;
	[tilespmem:$0x19E00] =	vst v63  }
0x3b1: {  	_ =	swait.ge [sflag:s16], $0x800  }
0x3b2: {  	[sflag:s16] =	ssyncset.done $0x0  }
0x3b3: {  	s20 =	simm.s32 $0x13E70;
	[sflag:s16] =	ssyncadd.s32 $0xFFFFF800  }
0x3b4: {  	v0 =	vld [tilespmem:s20+$0x0]  }
0x3b5: {  	v1 =	vld [tilespmem:s20+$0xFFFFFFA0]  }
0x3b6: {  	v2 =	vld [tilespmem:s20+$0xFFFFFFB0]  }
0x3b7: {  	v3 =	vld [tilespmem:s20+$0xFFFFFFC0]  }
0x3b8: {  	v4 =	vld [tilespmem:s20+$0xFFFFFFD0]  }
0x3b9: {  	v5 =	vld [tilespmem:s20+$0xFFFFFFE0];
	v0 =	vadd.s32 $0xFFFEFC00, v0  }
0x3ba: {  	v6 =	vld [tilespmem:s20+$0xFFFFFF90];
	v1 =	vadd.s32 $0xFFFEFC00, v1;
	vm3 =	vlt.u32 v0, $0x82A0  }
0x3bb: {  	v7 =	vld [tilespmem:s20+$0xFFFFFFF0];
	v2 =	vadd.s32 $0xFFFEFC00, v2;
	vm4 =	vlt.u32 v1, $0x82A0  }
0x3bc: {  	v3 =	vadd.s32 $0xFFFEFC00, v3;
	vm5 =	vlt.u32 v2, $0x82A0  }
0x3bd: {  	v4 =	vadd.s32 $0xFFFEFC00, v4;
	vm6 =	vlt.u32 v3, $0x82A0  }
0x3be: {  	s18 =	simm.s32 $0x17E70;
	v5 =	vadd.s32 $0xFFFEFC00, v5;
	vm7 =	vlt.u32 v4, $0x82A0  }
0x3bf: {  	v8 =	vld [tilespmem:s18+$0x0];
	v6 =	vadd.s32 $0xFFFEFC00, v6;
	vm0 =	vlt.u32 v5, $0x82A0  }
0x3c0: {  	v7 =	vadd.s32 $0xFFFEFC00, v7;
	vm2 =	vlt.u32 v6, $0x82A0;
	v0 =	vld.idx.msk [tilespmem:v0+s5+$0x0], vm3  }
0x3c1: {  	vm1 =	vlt.u32 v7, $0x82A0;
	v1 =	vld.idx.msk [tilespmem:v1+s5+$0x0], vm4  }
0x3c2: {  	v9 =	vld.idx.msk [tilespmem:v2+s5+$0x0], vm5  }
0x3c3: {  	v10 =	vld.idx.msk [tilespmem:v3+s5+$0x0], vm6  }
0x3c4: {  	v11 =	vld.idx.msk [tilespmem:v4+s5+$0x0], vm7  }
0x3c5: {  	v2 =	vld.idx.msk [tilespmem:v5+s5+$0x0], vm0  }
0x3c6: {  	v6 =	vld.idx.msk [tilespmem:v6+s5+$0x0], vm2  }
0x3c7: {  	v3 =	vld.idx.msk [tilespmem:v7+s5+$0x0], vm1;
	v0 =	vnsel vm3, $0x0, v0  }
0x3c8: {  	v7 =	vld [tilespmem:s18+$0xFFFFFF90];
	v0 =	vadd.f32 v0, v8  }
0x3c9: {  	s20 =	simm.s32 $0x186F0;
	v4 =	vnsel vm4, $0x0, v1;
	v8 =	vld [tilespmem:s18+$0xFFFFFFA0]  }
0x3ca: {  	s10 =	simm.s32 $0x13EF0;
	s8 =	simm.s32 $0x380;
	v5 =	vnsel vm5, $0x0, v9;
	v1 =	vnsel vm6, $0x0, v10;
	v9 =	vld [tilespmem:s18+$0xFFFFFFB0];
	[tilespmem:s20+$0x0] =	vst v0;
	v0 =	vnsel vm7, $0x0, v11  }
.LBB2_21:
0x3cb: {  	v10 =	vld [tilespmem:s10+$0x0];
	s8 =	sadd.s32 $0x8, s8;
	v2 =	vnsel vm0, $0x0, v2  }
0x3cc: {  	v6 =	vnsel vm2, $0x0, v6;
	v11 =	vld [tilespmem:s10+$0xFFFFFFA0];
	p2 =	slt.u32 s8, $0x3F8  }
0x3cd: {  	v3 =	vnsel vm1, $0x0, v3;
	v12 =	vld [tilespmem:s10+$0xFFFFFFB0];
	v6 =	vadd.f32 v6, v7  }
0x3ce: {  	v7 =	vld [tilespmem:s10+$0xFFFFFFC0];
	v4 =	vadd.f32 v4, v8  }
0x3cf: {  	v8 =	vld [tilespmem:s10+$0xFFFFFFD0];
	[tilespmem:s20+$0xFFFFFF90] =	vst v6;
	v5 =	vadd.f32 v5, v9  }
0x3d0: {  	v6 =	vld [tilespmem:s10+$0xFFFFFFE0];
	v9 =	vadd.s32 $0xFFFEFC00, v10;
	[tilespmem:s20+$0xFFFFFFA0] =	vst v4  }
0x3d1: {  	v4 =	vadd.s32 $0xFFFEFC00, v11;
	v10 =	vld [tilespmem:s10+$0xFFFFFFF0];
	vm7 =	vlt.u32 v9, $0x82A0;
	[tilespmem:s20+$0xFFFFFFB0] =	vst v5  }
0x3d2: {  	v5 =	vld [tilespmem:s10+$0xFFFFFF90];
	vm6 =	vlt.u32 v4, $0x82A0;
	v11 =	vadd.s32 $0xFFFEFC00, v12  }
0x3d3: {  	vm3 =	vlt.u32 v11, $0x82A0;
	v7 =	vadd.s32 $0xFFFEFC00, v7;
	v12 =	vld [tilespmem:s18+$0xFFFFFFC0]  }
0x3d4: {  	vm4 =	vlt.u32 v7, $0x82A0;
	v8 =	vadd.s32 $0xFFFEFC00, v8;
	v13 =	vld [tilespmem:s18+$0xFFFFFFD0]  }
0x3d5: {  	vm5 =	vlt.u32 v8, $0x82A0;
	v6 =	vadd.s32 $0xFFFEFC00, v6;
	v14 =	vld [tilespmem:s18+$0xFFFFFFE0]  }
0x3d6: {  	vm0 =	vlt.u32 v6, $0x82A0;
	v10 =	vadd.s32 $0xFFFEFC00, v10;
	v15 =	vld [tilespmem:s18+$0xFFFFFFF0]  }
0x3d7: {  	v5 =	vadd.s32 $0xFFFEFC00, v5;
	vm1 =	vlt.u32 v10, $0x82A0;
	v9 =	vld.idx.msk [tilespmem:v9+s5+$0x0], vm7  }
0x3d8: {  	s18 =	sadd.s32 $0x80, s18;
	vm2 =	vlt.u32 v5, $0x82A0;
	v4 =	vld.idx.msk [tilespmem:v4+s5+$0x0], vm6;
	v1 =	vadd.f32 v1, v12  }
0x3d9: {  	v12 =	vld [tilespmem:s18+$0x0];
	v0 =	vadd.f32 v0, v13  }
0x3da: {  	v11 =	vld.idx.msk [tilespmem:v11+s5+$0x0], vm3;
	[tilespmem:s20+$0xFFFFFFC0] =	vst v1;
	v1 =	vadd.f32 v2, v14  }
0x3db: {  	v13 =	vld.idx.msk [tilespmem:v7+s5+$0x0], vm4;
	[tilespmem:s20+$0xFFFFFFD0] =	vst v0;
	v0 =	vadd.f32 v3, v15  }
0x3dc: {  	v14 =	vld.idx.msk [tilespmem:v8+s5+$0x0], vm5;
	[tilespmem:s20+$0xFFFFFFE0] =	vst v1  }
0x3dd: {  	v1 =	vnsel vm7, $0x0, v9;
	v2 =	vld.idx.msk [tilespmem:v6+s5+$0x0], vm0;
	[tilespmem:s20+$0xFFFFFFF0] =	vst v0  }
.Ltmp11:
0x3de: {  	v4 =	vnsel vm6, $0x0, v4;
	v6 =	vld.idx.msk [tilespmem:v5+s5+$0x0], vm2;
	v0 =	vadd.f32 v1, v12;
	(pc) =	sbr.rel @p2 .LBB2_21-.Ltmp11, $4  }
0x3df: {  	s20 =	sadd.s32 $0x100, s20;
	v3 =	vld.idx.msk [tilespmem:v10+s5+$0x0], vm1  }
0x3e0: {  	v5 =	vnsel vm3, $0x0, v11;
	v7 =	vld [tilespmem:s18+$0xFFFFFF90];
	[tilespmem:s20+$0x0] =	vst v0  }
0x3e1: {  	v1 =	vnsel vm4, $0x0, v13;
	v8 =	vld [tilespmem:s18+$0xFFFFFFA0]  }
0x3e2: {  	s10 =	sadd.s32 $0x80, s10;
	v0 =	vnsel vm5, $0x0, v14;
	v9 =	vld [tilespmem:s18+$0xFFFFFFB0]  }
0x3e3: {  	v10 =	vld [tilespmem:s18+$0xFFFFFFC0]  }
0x3e4: {  	v6 =	vnsel vm2, $0x0, v6;
	v11 =	vld [tilespmem:s18+$0xFFFFFFD0]  }
0x3e5: {  	v6 =	vadd.f32 v6, v7;
	v7 =	vld [tilespmem:s18+$0xFFFFFFE0]  }
0x3e6: {  	v4 =	vadd.f32 v4, v8;
	v8 =	vld [tilespmem:s18+$0xFFFFFFF0]  }
0x3e7: {  	[tilespmem:s20+$0xFFFFFF90] =	vst v6;
	v5 =	vadd.f32 v5, v9  }
0x3e8: {  	[tilespmem:s20+$0xFFFFFFA0] =	vst v4;
	v1 =	vadd.f32 v1, v10  }
0x3e9: {  	v2 =	vnsel vm0, $0x0, v2;
	v0 =	vadd.f32 v0, v11;
	[tilespmem:s20+$0xFFFFFFB0] =	vst v5  }
0x3ea: {  	v3 =	vnsel vm1, $0x0, v3;
	[tilespmem:s20+$0xFFFFFFC0] =	vst v1;
	v1 =	vadd.f32 v2, v7  }
0x3eb: {  	[tilespmem:s20+$0xFFFFFFD0] =	vst v0;
	v0 =	vadd.f32 v3, v8  }
0x3ec: {  	[tilespmem:s20+$0xFFFFFFE0] =	vst v1  }
0x3ed: {  	[tilespmem:s20+$0xFFFFFFF0] =	vst v0  }
0x3ee: {  	s0 =	rddreg [dreg:$0x1c]  }
0x3ef: {  	s11 =	simm.s32 $0x18680;
	s7 =	sadd.s32 s7, s0  }
0x3f0: {  	[hbm4b:s7+s5] =	stream.linear.scatter [tilespmem:s11], [sflag:$0x3], $0x80, $0x38;
	[tilespmem:$0x19E00] =	vst v63  }
0x3f1: {  	s13 =	simm.s32 $0x18780;
	s8 =	sadd.s32 $0x80, s7  }
0x3f2: {  	[hbm4b:s8+s5] =	stream.linear.scatter [tilespmem:s13], [sflag:$0x3], $0x80, $0x38;
	[tilespmem:$0x19E00] =	vst v63  }
0x3f3: {  	s20 =	simm.s32 $0x18880;
	s18 =	sadd.s32 $0x100, s7  }
0x3f4: {  	[hbm4b:s18+s5] =	stream.linear.scatter [tilespmem:s20], [sflag:$0x3], $0x80, $0x38;
	[tilespmem:$0x19E00] =	vst v63  }
0x3f5: {  	s10 =	simm.s32 $0x18980;
	s2 =	sadd.s32 $0x180, s7  }
0x3f6: {  	[hbm4b:s2+s5] =	stream.linear.scatter [tilespmem:s10], [sflag:$0x3], $0x80, $0x38;
	[tilespmem:$0x19E00] =	vst v63  }
0x3f7: {  	s11 =	sadd.s32 $0x200, s7;
	s13 =	simm.s32 $0x18A80  }
0x3f8: {  	[hbm4b:s11+s5] =	stream.linear.scatter [tilespmem:s13], [sflag:$0x3], $0x80, $0x38;
	[tilespmem:$0x19E00] =	vst v63  }
0x3f9: {  	s18 =	sadd.s32 $0x280, s7;
	s20 =	simm.s32 $0x18B80  }
0x3fa: {  	[hbm4b:s18+s5] =	stream.linear.scatter [tilespmem:s20], [sflag:$0x3], $0x80, $0x38;
	[tilespmem:$0x19E00] =	vst v63  }
0x3fb: {  	s2 =	sadd.s32 $0x300, s7;
	s10 =	simm.s32 $0x18C80  }
0x3fc: {  	[hbm4b:s2+s5] =	stream.linear.scatter [tilespmem:s10], [sflag:$0x3], $0x80, $0x38;
	[tilespmem:$0x19E00] =	vst v63  }
0x3fd: {  	s11 =	sadd.s32 $0x380, s7;
	s13 =	simm.s32 $0x18D80  }
0x3fe: {  	[hbm4b:s11+s5] =	stream.linear.scatter [tilespmem:s13], [sflag:$0x3], $0x80, $0x38;
	[tilespmem:$0x19E00] =	vst v63  }
0x3ff: {  	s18 =	sadd.s32 $0x400, s7;
	s20 =	simm.s32 $0x18E80  }
0x400: {  	[hbm4b:s18+s5] =	stream.linear.scatter [tilespmem:s20], [sflag:$0x3], $0x80, $0x38;
	[tilespmem:$0x19E00] =	vst v63  }
0x401: {  	s2 =	sadd.s32 $0x480, s7;
	s10 =	simm.s32 $0x18F80  }
0x402: {  	[hbm4b:s2+s5] =	stream.linear.scatter [tilespmem:s10], [sflag:$0x3], $0x80, $0x38;
	[tilespmem:$0x19E00] =	vst v63  }
0x403: {  	s11 =	sadd.s32 $0x500, s7;
	s13 =	simm.s32 $0x19080  }
0x404: {  	[hbm4b:s11+s5] =	stream.linear.scatter [tilespmem:s13], [sflag:$0x3], $0x80, $0x38;
	[tilespmem:$0x19E00] =	vst v63  }
0x405: {  	s18 =	sadd.s32 $0x580, s7;
	s20 =	simm.s32 $0x19180  }
0x406: {  	[hbm4b:s18+s5] =	stream.linear.scatter [tilespmem:s20], [sflag:$0x3], $0x80, $0x38;
	[tilespmem:$0x19E00] =	vst v63  }
0x407: {  	p2 =	sne.s32 s17, $0xC;
	s2 =	sadd.s32 $0x600, s7;
	s10 =	simm.s32 $0x19280  }
0x408: {  	[hbm4b:s2+s5] =	stream.linear.scatter [tilespmem:s10], [sflag:$0x3], $0x80, $0x38;
	[tilespmem:$0x19E00] =	vst v63  }
0x409: {  	p2 =	por !p1, !p2;
	s11 =	sadd.s32 $0x680, s7;
	s13 =	simm.s32 $0x19380  }
0x40a: {  	[hbm4b:s11+s5] =	stream.linear.scatter [tilespmem:s13], [sflag:$0x3], $0x80, $0x38;
	[tilespmem:$0x19E00] =	vst v63  }
0x40b: {  	s18 =	sadd.s32 $0x700, s7;
	s20 =	simm.s32 $0x19480;
	s10 =	rddreg [dreg:$0x11]  }
0x40c: {  	[hbm4b:s18+s5] =	stream.linear.scatter [tilespmem:s20], [sflag:$0x3], $0x80, $0x38;
	[tilespmem:$0x19E00] =	vst v63  }
0x40d: {  	s7 =	sadd.s32 $0x780, s7;
	s2 =	simm.s32 $0x19580;
	s11 =	sadd.s32 s10, s19  }
0x40e: {  	[hbm4b:s7+s5] =	stream.linear.scatter [tilespmem:s2], [sflag:$0x3], $0x80, $0x38;
	[tilespmem:$0x19E00] =	vst v63  }
0x40f: {  	s8 =	rddreg [dreg:$0x17];
	s2 =	simm.s32 $0x13E00;
	s7 =	sshrl.u32 s11, $0x3  }
0x410: {  	[tilespmem:s2], [sflag:$0x2] =	stream.strided.gather [spmem:s8], $0x800, s22, s21, $0x38;
	[tilespmem:$0x19E00] =	vst v63  }
0x411: {  	s4 =	sadd.s32 $0x2, s4;
	p3 =	por !p2, !p2;
	s7 =	sadd.s32 s12, s7  }
0x412: {  	[tilespmem:s5], [sflag:$0x1] =	stream.strided.gather [hbm4b:s7+s21], $0x8200, s22, s21, $0x38;
	[tilespmem:$0x19E00] =	vst v63  }
0x413: {  	s8 =	sshll.u32 @p3 s4, $0x7;
	s7 =	sshll.u32 @p3 s4, $0xE  }
0x414: {  	s0 =	smov.u32 s12;
	s8 =	sand.u32 @p3 $0x300, s8;
	s10 =	sand.u32 @p3 $0xE0000, s7  }
0x415: {  	s13 =	simm.s32 @p3 $0x1C04;
	s11 =	rddreg [dreg:$0x4];
	s10 =	sor.u32 @p3 s8, s10  }
0x416: {  	s20 =	sshrl.u32 @p3 s11, $0x3;
	s2 =	rddreg [dreg:$0x0];
	s10 =	sshrl.u32 @p3 s10, $0x3  }
0x417: {  	s11 =	simm.s32 @p3 $0x1;
	s12 =	simm.s32 @p3 $0x80;
	s18 =	sadd.s32 @p3 s2, s10  }
0x418: {  	[spmem:s20@s12], [sflag:s13] =	dma.strided @p3 [hbm:s18@s12], $0x100, s11, $0x10   }
0x419: {  	s18 =	rddreg [dreg:$0x7]  }
0x41a: {  	s20 =	rddreg [dreg:$0x1d]  }
0x41b: {  	s18 =	sadd.s32 @p3 s10, s18;
	s20 =	sshrl.u32 @p3 s20, $0x3  }
0x41c: {  	[spmem:s20@s12], [sflag:s13] =	dma.strided @p3 [hbm:s18@s12], $0x100, s11, $0x10   }
0x41d: {  	s18 =	rddreg [dreg:$0x8]  }
0x41e: {  	s20 =	rddreg [dreg:$0x1e]  }
0x41f: {  	s18 =	sadd.s32 @p3 s10, s18;
	s20 =	sshrl.u32 @p3 s20, $0x3  }
0x420: {  	[spmem:s20@s12], [sflag:s13] =	dma.strided @p3 [hbm:s18@s12], $0x100, s11, $0x10   }
0x421: {  	s18 =	rddreg [dreg:$0x9]  }
0x422: {  	s20 =	rddreg [dreg:$0x1f]  }
0x423: {  	s18 =	sadd.s32 @p3 s10, s18;
	s20 =	sshrl.u32 @p3 s20, $0x3  }
0x424: {  	[spmem:s20@s12], [sflag:s13] =	dma.strided @p3 [hbm:s18@s12], $0x100, s11, $0x10   }
0x425: {  	s20 =	sld [smem:$0x7FA];
	_ =	sdelay $0x1  }
0x426: {  	s18 =	rddreg [dreg:$0xa]  }
0x427: {  	s18 =	sadd.s32 @p3 s10, s18;
	s20 =	sshrl.u32 @p3 s20, $0x3  }
0x428: {  	[spmem:s20@s12], [sflag:s13] =	dma.strided @p3 [hbm:s18@s12], $0x100, s11, $0x10   }
0x429: {  	s20 =	sld [smem:$0x7FD];
	_ =	sdelay $0x1  }
0x42a: {  	s18 =	rddreg [dreg:$0xb]  }
0x42b: {  	s10 =	sadd.s32 @p3 s10, s18;
	s18 =	sshrl.u32 @p3 s20, $0x3  }
0x42c: {  	[spmem:s18@s12], [sflag:s13] =	dma.strided @p3 [hbm:s10@s12], $0x100, s11, $0x10   }
0x42d: {  	s7 =	sor.u32 @p3 s7, s8;
	s10 =	sld [smem:$0x7FB]  }
0x42e: {  	s7 =	sshrl.u32 @p3 s7, $0x3  }
0x42f: {  	s8 =	sor.u32 @p3 $0x3000, s7  }
0x430: {  	s7 =	sor.u32 @p3 $0x3800, s7;
	s8 =	sadd.s32 @p3 s2, s8;
	s10 =	sshrl.u32 @p3 s10, $0x3  }
0x431: {  	[spmem:s10@s12], [sflag:s13] =	dma.strided @p3 [hbm:s8@s12], $0x100, s11, $0x10   }
0x432: {  	s7 =	sadd.s32 @p3 s2, s7;
	s2 =	sld [smem:$0x7FC];
	_ =	sdelay $0x2  }
0x433: {  	s8 =	sshrl.u32 @p3 s2, $0x3  }
0x434: {  	[spmem:s8@s12], [sflag:s13] =	dma.strided @p3 [hbm:s7@s12], $0x100, s11, $0x10   }
0x435: {  	_ =	swait.ge [sflag:s25], $0x800  }
0x436: {  	[sflag:s25] =	ssyncset.done $0x0  }
0x437: {  	[sflag:s25] =	ssyncadd.s32 $0xFFFFF800  }
0x438: {  	_ =	swait.ge [sflag:s25], $0x800  }
0x439: {  	[sflag:s25] =	ssyncset.done $0x0  }
0x43a: {  	[sflag:s25] =	ssyncadd.s32 $0xFFFFF800  }
0x43b: {  	_ =	swait.ge [sflag:s25], $0x800  }
0x43c: {  	[sflag:s25] =	ssyncset.done $0x0  }
0x43d: {  	[sflag:s25] =	ssyncadd.s32 $0xFFFFF800  }
0x43e: {  	_ =	swait.ge [sflag:s25], $0x800  }
0x43f: {  	[sflag:s25] =	ssyncset.done $0x0  }
0x440: {  	[sflag:s25] =	ssyncadd.s32 $0xFFFFF800  }
0x441: {  	_ =	swait.ge [sflag:s25], $0x800  }
0x442: {  	[sflag:s25] =	ssyncset.done $0x0  }
0x443: {  	[sflag:s25] =	ssyncadd.s32 $0xFFFFF800  }
0x444: {  	_ =	swait.ge [sflag:s25], $0x800  }
0x445: {  	[sflag:s25] =	ssyncset.done $0x0  }
0x446: {  	[sflag:s25] =	ssyncadd.s32 $0xFFFFF800  }
0x447: {  	_ =	swait.ge [sflag:s25], $0x800  }
0x448: {  	[sflag:s25] =	ssyncset.done $0x0  }
0x449: {  	[sflag:s25] =	ssyncadd.s32 $0xFFFFF800  }
0x44a: {  	_ =	swait.ge [sflag:s25], $0x800  }
0x44b: {  	[sflag:s25] =	ssyncset.done $0x0  }
0x44c: {  	[sflag:s25] =	ssyncadd.s32 $0xFFFFF800  }
0x44d: {  	_ =	swait.ge [sflag:s26], $0x8200  }
0x44e: {  	[sflag:s26] =	ssyncset.done $0x0  }
0x44f: {  	s13 =	simm.s32 $0x10640;
	[sflag:s26] =	ssyncadd.s32 $0xFFFF7E00  }
0x450: {  	v0 =	vld [tilespmem:s13+$0x30]  }
0x451: {  	v1 =	vld [tilespmem:s13+$0xFFFFFFD0]  }
0x452: {  	v2 =	vld [tilespmem:s13+$0xFFFFFFE0]  }
0x453: {  	v3 =	vld [tilespmem:s13+$0xFFFFFFF0]  }
0x454: {  	v4 =	vld [tilespmem:s13+$0x0]  }
0x455: {  	v5 =	vld [tilespmem:s13+$0x10]  }
0x456: {  	v6 =	vld [tilespmem:s13+$0x20]  }
0x457: {  	s18 =	simm.s32 $0x106C0;
	v7 =	vld [tilespmem:s13+$0xFFFFFFC0];
	vm2 =	vlt.u32 v0, $0x8200  }
0x458: {  	v11 =	vld [tilespmem:s18+$0x30];
	vm10 =	vlt.u32 v1, $0x8200  }
0x459: {  	v12 =	vld [tilespmem:s18+$0xFFFFFFD0];
	vm8 =	vlt.u32 v2, $0x8200  }
0x45a: {  	v13 =	vld [tilespmem:s18+$0xFFFFFFE0];
	vm7 =	vlt.u32 v3, $0x8200  }
0x45b: {  	v14 =	vld [tilespmem:s18+$0xFFFFFFF0];
	vm5 =	vlt.u32 v4, $0x8200  }
0x45c: {  	v15 =	vld [tilespmem:s18+$0x0]  }
0x45d: {  	v8 =	vld.idx.msk [tilespmem:v0+s23+$0x0], vm2  }
0x45e: {  	vm0 =	vlt.u32 v7, $0x8200;
	v9 =	vld.idx.msk [tilespmem:v1+s23+$0x0], vm10  }
0x45f: {  	vm1 =	vlt.u32 v5, $0x8200;
	vm11 =	vmmov vm0;
	v10 =	vld.idx.msk [tilespmem:v2+s23+$0x0], vm8  }
0x460: {  	vm9 =	vmmov vm1;
	v3 =	vld.idx.msk [tilespmem:v3+s23+$0x0], vm7  }
0x461: {  	vm6 =	vlt.u32 v11, $0x8200;
	vm0 =	vlt.u32 v6, $0x8200;
	v4 =	vld.idx.msk [tilespmem:v4+s23+$0x0], vm5  }
0x462: {  	vm0 =	vmmov vm0;
	v0 =	vld [tilespmem:s18+$0x10]  }
0x463: {  	vm4 =	vlt.u32 v12, $0x8200;
	v1 =	vld [tilespmem:s18+$0x20]  }
0x464: {  	vm3 =	vlt.u32 v13, $0x8200;
	v2 =	vld [tilespmem:s18+$0xFFFFFFC0]  }
0x465: {  	vm1 =	vlt.u32 v14, $0x8200;
	v16 =	vld.idx.msk [tilespmem:v7+s23+$0x0], vm11  }
0x466: {  	s7 =	simm.s32 $0x14640;
	v17 =	vld.idx.msk [tilespmem:v5+s23+$0x0], vm9;
	v7 =	vnsel vm2, $0x0, v8;
	vm2 =	vlt.u32 v15, $0x8200  }
0x467: {  	v5 =	vnsel vm10, $0x0, v9;
	v8 =	vld.idx.msk [tilespmem:v11+s23+$0x0], vm6;
	[tilespmem:s7+$0x30] =	vst v7  }
0x468: {  	v3 =	vnsel vm7, $0x0, v3;
	v7 =	vld.idx.msk [tilespmem:v6+s23+$0x0], vm0;
	[tilespmem:s7+$0xFFFFFFD0] =	vst v5  }
0x469: {  	v5 =	vnsel vm8, $0x0, v10;
	v6 =	vld.idx.msk [tilespmem:v12+s23+$0x0], vm4;
	[tilespmem:s7+$0xFFFFFFF0] =	vst v3  }
0x46a: {  	vm7 =	vlt.u32 v0, $0x8200;
	v3 =	vnsel vm5, $0x0, v4;
	v4 =	vld.idx.msk [tilespmem:v13+s23+$0x0], vm3;
	[tilespmem:s7+$0xFFFFFFE0] =	vst v5  }
0x46b: {  	vm8 =	vlt.u32 v1, $0x8200;
	vm5 =	vlt.u32 v2, $0x8200;
	v9 =	vnsel vm11, $0x0, v16;
	[tilespmem:s7+$0x0] =	vst v3;
	v3 =	vld.idx.msk [tilespmem:v14+s23+$0x0], vm1  }
0x46c: {  	s10 =	simm.s32 $0x10740;
	s8 =	simm.s32 $0x8;
	vm7 =	vmmov vm7;
	vm5 =	vmmov vm5;
	[tilespmem:s7+$0xFFFFFFC0] =	vst v9;
	v9 =	vnsel vm9, $0x0, v17;
	v5 =	vld.idx.msk [tilespmem:v15+s23+$0x0], vm2  }
.LBB2_23:
0x46d: {  	v10 =	vld [tilespmem:s10+$0x30];
	s8 =	sadd.s32 $0x8, s8;
	[tilespmem:s7+$0x10] =	vst v9;
	v7 =	vnsel vm0, $0x0, v7;
	vm0 =	vmmov vm8  }
0x46e: {  	v8 =	vnsel vm6, $0x0, v8;
	v9 =	vld [tilespmem:s10+$0xFFFFFFD0];
	p2 =	slt.u32 s8, $0x3F8;
	[tilespmem:s7+$0x20] =	vst v7;
	s7 =	sadd.s32 $0x80, s7  }
0x46f: {  	v6 =	vnsel vm4, $0x0, v6;
	v11 =	vld [tilespmem:s10+$0xFFFFFFE0];
	[tilespmem:s7+$0x30] =	vst v8  }
0x470: {  	v4 =	vnsel vm3, $0x0, v4;
	v12 =	vld [tilespmem:s10+$0xFFFFFFF0];
	[tilespmem:s7+$0xFFFFFFD0] =	vst v6  }
0x471: {  	v3 =	vnsel vm1, $0x0, v3;
	v13 =	vld [tilespmem:s10+$0x0];
	[tilespmem:s7+$0xFFFFFFE0] =	vst v4  }
0x472: {  	v4 =	vld [tilespmem:s10+$0x10];
	vm6 =	vlt.u32 v10, $0x8200;
	[tilespmem:s7+$0xFFFFFFF0] =	vst v3;
	v3 =	vnsel vm2, $0x0, v5  }
0x473: {  	vm4 =	vlt.u32 v9, $0x8200;
	v5 =	vld [tilespmem:s10+$0x20];
	[tilespmem:s7+$0x0] =	vst v3  }
0x474: {  	v3 =	vld [tilespmem:s10+$0xFFFFFFC0];
	vm3 =	vlt.u32 v11, $0x8200  }
0x475: {  	vm1 =	vlt.u32 v12, $0x8200;
	v14 =	vld.idx.msk [tilespmem:v2+s23+$0x0], vm5  }
0x476: {  	vm2 =	vlt.u32 v13, $0x8200;
	v15 =	vld.idx.msk [tilespmem:v0+s23+$0x0], vm7  }
0x477: {  	vm9 =	vlt.u32 v4, $0x8200;
	v7 =	vld.idx.msk [tilespmem:v1+s23+$0x0], vm8;
	v0 =	vmov v4  }
.Ltmp12:
0x478: {  	vm8 =	vlt.u32 v5, $0x8200;
	v8 =	vld.idx.msk [tilespmem:v10+s23+$0x0], vm6;
	v1 =	vmov v5;
	(pc) =	sbr.rel @p2 .LBB2_23-.Ltmp12, $4  }
0x479: {  	vm10 =	vlt.u32 v3, $0x8200;
	v6 =	vld.idx.msk [tilespmem:v9+s23+$0x0], vm4;
	v2 =	vmov v3  }
0x47a: {  	v4 =	vld.idx.msk [tilespmem:v11+s23+$0x0], vm3  }
0x47b: {  	v9 =	vnsel vm5, $0x0, v14;
	vm5 =	vmmov vm10;
	v3 =	vld.idx.msk [tilespmem:v12+s23+$0x0], vm1  }
0x47c: {  	s10 =	sadd.s32 $0x80, s10;
	v5 =	vld.idx.msk [tilespmem:v13+s23+$0x0], vm2;
	[tilespmem:s7+$0xFFFFFFC0] =	vst v9;
	v9 =	vnsel vm7, $0x0, v15;
	vm7 =	vmmov vm9  }
0x47d: {  	_ =	sdelay $0x2  }
0x47e: {  	vm8 =	vmmov vm8  }
0x47f: {  	[tilespmem:s7+$0x10] =	vst v9;
	v7 =	vnsel vm0, $0x0, v7  }
0x480: {  	v8 =	vnsel vm6, $0x0, v8;
	s18 =	sadd.s32 $0x80, s7;
	v2 =	vld.idx.msk [tilespmem:v2+s23+$0x0], vm5;
	[tilespmem:s7+$0x20] =	vst v7  }
0x481: {  	v6 =	vnsel vm4, $0x0, v6;
	[tilespmem:s18+$0x30] =	vst v8  }
0x482: {  	[tilespmem:s18+$0xFFFFFFD0] =	vst v6;
	v4 =	vnsel vm3, $0x0, v4  }
0x483: {  	v0 =	vld.idx.msk [tilespmem:v0+s23+$0x0], vm7;
	[tilespmem:s18+$0xFFFFFFE0] =	vst v4;
	v3 =	vnsel vm1, $0x0, v3  }
0x484: {  	[tilespmem:s18+$0xFFFFFFF0] =	vst v3;
	v3 =	vnsel vm2, $0x0, v5;
	v1 =	vld.idx.msk [tilespmem:v1+s23+$0x0], vm8  }
0x485: {  	[tilespmem:s18+$0x0] =	vst v3;
	v2 =	vnsel vm5, $0x0, v2  }
0x486: {  	[tilespmem:s18+$0xFFFFFFC0] =	vst v2  }
0x487: {  	s2 =	rddreg [dreg:$0x10]  }
0x488: {  	v0 =	vnsel vm7, $0x0, v0;
	s8 =	sadd.s32 s2, s19  }
0x489: {  	[tilespmem:s18+$0x10] =	vst v0;
	s8 =	sshrl.u32 s8, $0x3;
	v0 =	vnsel vm8, $0x0, v1  }
0x48a: {  	s10 =	sadd.s32 s0, s8;
	[tilespmem:s18+$0x20] =	vst v0  }
0x48b: {  	[tilespmem:s23], [sflag:$0x1] =	stream.strided.gather [hbm4b:s10+s21], $0x8280, s22, s21, $0x38;
	[tilespmem:$0x19E00] =	vst v63  }
0x48c: {  	s11 =	sshll.u32 s24, $0xC;
	s13 =	rddreg [dreg:$0x14]  }
0x48d: {  	s7 =	sor.u32 s13, s11  }
0x48e: {  	s18 =	rddreg [dreg:$0x6];
	s7 =	sshrl.u32 s7, $0x3  }
0x48f: {  	s24 =	simm.s32 $0x10580;
	s19 =	simm.s32 $0x0;
	s7 =	sadd.s32 s18, s7  }
0x490: {  	[tilespmem:s24], [sflag:$0x1] =	stream.linear.gather [hbm4b:s7+s19], $0x80, $0x38;
	[tilespmem:$0x19E00] =	vst v63  }
0x491: {  	_ =	swait.ge [sflag:s26], $0x8200  }
0x492: {  	[sflag:s26] =	ssyncset.done $0x0  }
0x493: {  	s7 =	simm.s32 $0x0;
	[sflag:s26] =	ssyncadd.s32 $0xFFFF7E00  }
0x494: {  	v0 =	vld [tilespmem:s7+$0x10670]  }
0x495: {  	v1 =	vld [tilespmem:s7+$0x10600]  }
0x496: {  	v2 =	vld [tilespmem:s7+$0x10610]  }
0x497: {  	v3 =	vld [tilespmem:s7+$0x10620]  }
0x498: {  	v4 =	vld [tilespmem:s7+$0x10630]  }
0x499: {  	v5 =	vld [tilespmem:s7+$0x10640];
	v0 =	vadd.s32 $0xFFFF7E00, v0  }
0x49a: {  	v6 =	vld [tilespmem:s7+$0x10650];
	v1 =	vadd.s32 $0xFFFF7E00, v1;
	vm3 =	vlt.u32 v0, $0x8200  }
0x49b: {  	v2 =	vadd.s32 $0xFFFF7E00, v2;
	vm12 =	vlt.u32 v1, $0x8200  }
0x49c: {  	v7 =	vld [tilespmem:s7+$0x10660];
	v3 =	vadd.s32 $0xFFFF7E00, v3;
	vm13 =	vlt.u32 v2, $0x8200  }
0x49d: {  	v4 =	vadd.s32 $0xFFFF7E00, v4;
	vm14 =	vlt.u32 v3, $0x8200  }
0x49e: {  	v5 =	vadd.s32 $0xFFFF7E00, v5;
	vm15 =	vlt.u32 v4, $0x8200  }
0x49f: {  	v6 =	vadd.s32 $0xFFFF7E00, v6;
	vm0 =	vlt.u32 v5, $0x8200  }
0x4a0: {  	vm1 =	vlt.u32 v6, $0x8200;
	v62 =	vld.idx.msk [tilespmem:v0+s5+$0x0], vm3  }
0x4a1: {  	v7 =	vadd.s32 $0xFFFF7E00, v7;
	v1 =	vld.idx.msk [tilespmem:v1+s5+$0x0], vm12  }
0x4a2: {  	vm2 =	vlt.u32 v7, $0x8200;
	v63 =	vld.idx.msk [tilespmem:v2+s5+$0x0], vm13  }
0x4a3: {  	v10 =	vld.idx.msk [tilespmem:v3+s5+$0x0], vm14  }
0x4a4: {  	v11 =	vld.idx.msk [tilespmem:v4+s5+$0x0], vm15  }
0x4a5: {  	v3 =	vld.idx.msk [tilespmem:v5+s5+$0x0], vm0  }
0x4a6: {  	v0 =	vld.idx.msk [tilespmem:v6+s5+$0x0], vm1;
	v2 =	vnsel vm3, $0x0, v62  }
0x4a7: {  	[tilespmem:s7+$0x14670] =	vst.add.f32.msk $0xffff, v2  }
0x4a8: {  	v1 =	vnsel vm12, $0x0, v1;
	v2 =	vld.idx.msk [tilespmem:v7+s5+$0x0], vm2  }
0x4a9: {  	s12 =	smov.u32 s0;
	s2 =	smov.u32 s9;
	v5 =	vnsel vm13, $0x0, v63;
	[tilespmem:s7+$0x14600] =	vst.add.f32.msk $0xffff, v1  }
0x4aa: {  	s8 =	simm.s32 $0x0;
	s10 =	simm.s32 $0x200;
	s13 =	smov.u32 s6;
	v4 =	vnsel vm14, $0x0, v10;
	[tilespmem:s7+$0x14610] =	vst.add.f32.msk $0xffff, v5;
	v1 =	vnsel vm15, $0x0, v11  }
.LBB2_25:
0x4ab: {  	s11 =	sshra.s32 s10, $0x2;
	s8 =	sadd.s32 $0x8, s8;
	[tilespmem:s7+$0x14620] =	vst.add.f32.msk $0xffff, v4;
	v3 =	vnsel vm0, $0x0, v3  }
0x4ac: {  	v0 =	vnsel vm1, $0x0, v0;
	v4 =	vld [tilespmem:s11+$0x10670];
	p2 =	slt.u32 s8, $0x3F8  }
0x4ad: {  	v5 =	vld [tilespmem:s11+$0x10600]  }
0x4ae: {  	v2 =	vnsel vm2, $0x0, v2;
	v6 =	vld [tilespmem:s11+$0x10610]  }
0x4af: {  	v7 =	vld [tilespmem:s11+$0x10620]  }
0x4b0: {  	v8 =	vld [tilespmem:s11+$0x10630]  }
0x4b1: {  	v9 =	vld [tilespmem:s11+$0x10640];
	v4 =	vadd.s32 $0xFFFF7E00, v4  }
0x4b2: {  	v5 =	vadd.s32 $0xFFFF7E00, v5;
	v10 =	vld [tilespmem:s11+$0x10650];
	vm4 =	vlt.u32 v4, $0x8200  }
0x4b3: {  	vm3 =	vlt.u32 v5, $0x8200;
	v6 =	vadd.s32 $0xFFFF7E00, v6;
	v11 =	vld [tilespmem:s11+$0x10660]  }
0x4b4: {  	vm5 =	vlt.u32 v6, $0x8200;
	v7 =	vadd.s32 $0xFFFF7E00, v7;
	[tilespmem:s7+$0x14630] =	vst.add.f32.msk $0xffff, v1  }
0x4b5: {  	vm6 =	vlt.u32 v7, $0x8200;
	v1 =	vadd.s32 $0xFFFF7E00, v8;
	[tilespmem:s7+$0x14640] =	vst.add.f32.msk $0xffff, v3  }
0x4b6: {  	vm7 =	vlt.u32 v1, $0x8200;
	v3 =	vadd.s32 $0xFFFF7E00, v9;
	[tilespmem:s7+$0x14650] =	vst.add.f32.msk $0xffff, v0  }
0x4b7: {  	vm0 =	vlt.u32 v3, $0x8200;
	v0 =	vadd.s32 $0xFFFF7E00, v10;
	[tilespmem:s7+$0x14660] =	vst.add.f32.msk $0xffff, v2;
	s7 =	smov.u32 s11  }
0x4b8: {  	vm1 =	vlt.u32 v0, $0x8200;
	v2 =	vadd.s32 $0xFFFF7E00, v11;
	v4 =	vld.idx.msk [tilespmem:v4+s5+$0x0], vm4  }
0x4b9: {  	v5 =	vld.idx.msk [tilespmem:v5+s5+$0x0], vm3;
	vm2 =	vlt.u32 v2, $0x8200  }
0x4ba: {  	v6 =	vld.idx.msk [tilespmem:v6+s5+$0x0], vm5  }
0x4bb: {  	v7 =	vld.idx.msk [tilespmem:v7+s5+$0x0], vm6  }
0x4bc: {  	v1 =	vld.idx.msk [tilespmem:v1+s5+$0x0], vm7  }
0x4bd: {  	v3 =	vld.idx.msk [tilespmem:v3+s5+$0x0], vm0  }
.Ltmp13:
0x4be: {  	v4 =	vnsel vm4, $0x0, v4;
	v0 =	vld.idx.msk [tilespmem:v0+s5+$0x0], vm1;
	(pc) =	sbr.rel @p2 .LBB2_25-.Ltmp13, $4  }
0x4bf: {  	v5 =	vnsel vm3, $0x0, v5;
	[tilespmem:s7+$0x14670] =	vst.add.f32.msk $0xffff, v4  }
0x4c0: {  	v6 =	vnsel vm5, $0x0, v6;
	v2 =	vld.idx.msk [tilespmem:v2+s5+$0x0], vm2  }
0x4c1: {  	v4 =	vnsel vm6, $0x0, v7;
	[tilespmem:s7+$0x14600] =	vst.add.f32.msk $0xffff, v5  }
0x4c2: {  	s10 =	sadd.s32 $0x200, s10;
	v1 =	vnsel vm7, $0x0, v1;
	[tilespmem:s7+$0x14610] =	vst.add.f32.msk $0xffff, v6  }
0x4c3: {  	p2 =	seq.s32 s17, $0xC  }
0x4c4: {  	s8 =	sshll.u32 @!p2 s4, $0x5  }
0x4c5: {  	s8 =	sor.u32 @!p2 s2, s8  }
0x4c6: {  	s8 =	sshrl.u32 @!p2 s8, $0x3  }
0x4c7: {  	[tilespmem:s7+$0x14620] =	vst.add.f32.msk $0xffff, v4;
	s8 =	smul.u32 @!p2 $0xC3800, s8  }
0x4c8: {  	v3 =	vnsel vm0, $0x0, v3;
	[tilespmem:s7+$0x14630] =	vst.add.f32.msk $0xffff, v1  }
0x4c9: {  	v0 =	vnsel vm1, $0x0, v0;
	[tilespmem:s7+$0x14640] =	vst.add.f32.msk $0xffff, v3;
	s8 =	sor.u32 @!p2 s28, s8  }
0x4ca: {  	[tilespmem:s7+$0x14650] =	vst.add.f32.msk $0xffff, v0;
	s10 =	simm.s32 @!p2 $0x400;
	v1 =	vnsel vm2, $0x0, v2;
	s8 =	sshrl.u32 @!p2 s8, $0x3  }
0x4cb: {  	s11 =	simm.s32 @!p2 $0x0;
	[tilespmem:s7+$0x14660] =	vst.add.f32.msk $0xffff, v1;
	s7 =	simm.s32 @!p2 $0x80;
	s8 =	sadd.s32 @!p2 s12, s8  }
0x4cc: {  	[tilespmem:s11], [sflag:$0x1] =	stream.strided.gather @!p2 [hbm4b:s8+s7], $0x8200, s10, s7, $0x38;
	[tilespmem:$0x19E00] =	vst v63  }
0x4cd: {  	_ =	swait.ge [sflag:s26], $0x8280  }
0x4ce: {  	[sflag:s26] =	ssyncset.done $0x0  }
0x4cf: {  	[sflag:s26] =	ssyncadd.s32 $0xFFFF7D80  }
0x4d0: {  	_ =	swait.ge [sflag:s26], $0x80  }
0x4d1: {  	[sflag:s26] =	ssyncset.done $0x0  }
0x4d2: {  	s7 =	simm.s32 @p3 $0x4;
	[sflag:s26] =	ssyncadd.s32 $0xFFFFFF80  }
0x4d3: {  	_ =	swait.ge @p3 [sflag:s7], $0x100  }
0x4d4: {  	[sflag:s7] =	ssyncset.done @p3 $0x0  }
0x4d5: {  	[sflag:s7] =	ssyncadd.s32 @p3 $0xFFFFFF00  }
0x4d6: {  	_ =	swait.ge @p3 [sflag:s7], $0x100  }
0x4d7: {  	[sflag:s7] =	ssyncset.done @p3 $0x0  }
0x4d8: {  	[sflag:s7] =	ssyncadd.s32 @p3 $0xFFFFFF00  }
0x4d9: {  	_ =	swait.ge @p3 [sflag:s7], $0x100  }
0x4da: {  	[sflag:s7] =	ssyncset.done @p3 $0x0  }
0x4db: {  	[sflag:s7] =	ssyncadd.s32 @p3 $0xFFFFFF00  }
0x4dc: {  	_ =	swait.ge @p3 [sflag:s7], $0x100  }
0x4dd: {  	[sflag:s7] =	ssyncset.done @p3 $0x0  }
0x4de: {  	[sflag:s7] =	ssyncadd.s32 @p3 $0xFFFFFF00  }
0x4df: {  	_ =	swait.ge @p3 [sflag:s7], $0x100  }
0x4e0: {  	[sflag:s7] =	ssyncset.done @p3 $0x0  }
0x4e1: {  	[sflag:s7] =	ssyncadd.s32 @p3 $0xFFFFFF00  }
0x4e2: {  	_ =	swait.ge @p3 [sflag:s7], $0x100  }
0x4e3: {  	[sflag:s7] =	ssyncset.done @p3 $0x0  }
0x4e4: {  	[sflag:s7] =	ssyncadd.s32 @p3 $0xFFFFFF00  }
0x4e5: {  	_ =	swait.ge @p3 [sflag:s7], $0x100  }
0x4e6: {  	[sflag:s7] =	ssyncset.done @p3 $0x0  }
0x4e7: {  	[sflag:s7] =	ssyncadd.s32 @p3 $0xFFFFFF00  }
0x4e8: {  	_ =	swait.ge @p3 [sflag:s7], $0x100  }
0x4e9: {  	[sflag:s7] =	ssyncset.done @p3 $0x0  }
0x4ea: {  	[sflag:s7] =	ssyncadd.s32 @p3 $0xFFFFFF00  }
0x4eb: {  	[bflag:$0x0] =	sbarrier.arrive $0xFFFF  }
0x4ec: {  	_ =	swait.ge [sflag:s16], $0x800  }
0x4ed: {  	[sflag:s16] =	ssyncset.done $0x0  }
0x4ee: {  	s6 =	smov.u32 s28;
	s28 =	simm.s32 $0x10640;
	[sflag:s16] =	ssyncadd.s32 $0xFFFFF800  }
0x4ef: {  	v0 =	vld [tilespmem:s28+$0x30]  }
0x4f0: {  	v1 =	vld [tilespmem:s28+$0xFFFFFFD0]  }
0x4f1: {  	v2 =	vld [tilespmem:s28+$0xFFFFFFE0]  }
0x4f2: {  	v3 =	vld [tilespmem:s28+$0xFFFFFFF0]  }
0x4f3: {  	v4 =	vld [tilespmem:s28+$0x0]  }
0x4f4: {  	v5 =	vld [tilespmem:s28+$0x10];
	v0 =	vadd.s32 $0xFFFEFC00, v0  }
0x4f5: {  	v6 =	vld [tilespmem:s28+$0xFFFFFFC0];
	v1 =	vadd.s32 $0xFFFEFC00, v1;
	vm3 =	vlt.u32 v0, $0x82A0  }
0x4f6: {  	v7 =	vld [tilespmem:s28+$0x20];
	v2 =	vadd.s32 $0xFFFEFC00, v2;
	vm4 =	vlt.u32 v1, $0x82A0  }
0x4f7: {  	v3 =	vadd.s32 $0xFFFEFC00, v3;
	vm5 =	vlt.u32 v2, $0x82A0  }
0x4f8: {  	v4 =	vadd.s32 $0xFFFEFC00, v4;
	vm6 =	vlt.u32 v3, $0x82A0  }
0x4f9: {  	s18 =	simm.s32 $0x14640;
	v5 =	vadd.s32 $0xFFFEFC00, v5;
	vm7 =	vlt.u32 v4, $0x82A0  }
0x4fa: {  	v8 =	vld [tilespmem:s18+$0x30];
	v6 =	vadd.s32 $0xFFFEFC00, v6;
	vm0 =	vlt.u32 v5, $0x82A0  }
0x4fb: {  	v7 =	vadd.s32 $0xFFFEFC00, v7;
	vm2 =	vlt.u32 v6, $0x82A0;
	v0 =	vld.idx.msk [tilespmem:v0+s23+$0x0], vm3  }
0x4fc: {  	vm1 =	vlt.u32 v7, $0x82A0;
	v1 =	vld.idx.msk [tilespmem:v1+s23+$0x0], vm4  }
0x4fd: {  	v9 =	vld.idx.msk [tilespmem:v2+s23+$0x0], vm5  }
0x4fe: {  	v10 =	vld.idx.msk [tilespmem:v3+s23+$0x0], vm6  }
0x4ff: {  	v11 =	vld.idx.msk [tilespmem:v4+s23+$0x0], vm7  }
0x500: {  	v2 =	vld.idx.msk [tilespmem:v5+s23+$0x0], vm0  }
0x501: {  	v6 =	vld.idx.msk [tilespmem:v6+s23+$0x0], vm2  }
0x502: {  	v3 =	vld.idx.msk [tilespmem:v7+s23+$0x0], vm1;
	v0 =	vnsel vm3, $0x0, v0  }
0x503: {  	v7 =	vld [tilespmem:s18+$0xFFFFFFC0];
	v0 =	vadd.f32 v0, v8  }
0x504: {  	s7 =	simm.s32 $0x18640;
	v4 =	vnsel vm4, $0x0, v1;
	v8 =	vld [tilespmem:s18+$0xFFFFFFD0]  }
0x505: {  	s9 =	smov.u32 s31;
	s8 =	simm.s32 $0x0;
	s10 =	simm.s32 $0x106C0;
	v5 =	vnsel vm5, $0x0, v9;
	v1 =	vnsel vm6, $0x0, v10;
	v9 =	vld [tilespmem:s18+$0xFFFFFFE0];
	[tilespmem:s7+$0x30] =	vst v0;
	v0 =	vnsel vm7, $0x0, v11  }
.LBB2_27:
0x506: {  	v10 =	vld [tilespmem:s10+$0x30];
	s8 =	sadd.s32 $0x8, s8;
	v2 =	vnsel vm0, $0x0, v2  }
0x507: {  	v6 =	vnsel vm2, $0x0, v6;
	v11 =	vld [tilespmem:s10+$0xFFFFFFD0];
	p3 =	slt.u32 s8, $0x78  }
0x508: {  	v3 =	vnsel vm1, $0x0, v3;
	v12 =	vld [tilespmem:s10+$0xFFFFFFE0];
	v6 =	vadd.f32 v6, v7  }
0x509: {  	v7 =	vld [tilespmem:s10+$0xFFFFFFF0];
	v4 =	vadd.f32 v4, v8  }
0x50a: {  	v8 =	vld [tilespmem:s10+$0x0];
	[tilespmem:s7+$0xFFFFFFC0] =	vst v6;
	v5 =	vadd.f32 v5, v9  }
0x50b: {  	v6 =	vld [tilespmem:s10+$0x10];
	v9 =	vadd.s32 $0xFFFEFC00, v10;
	[tilespmem:s7+$0xFFFFFFD0] =	vst v4  }
0x50c: {  	v4 =	vadd.s32 $0xFFFEFC00, v11;
	v10 =	vld [tilespmem:s10+$0x20];
	vm7 =	vlt.u32 v9, $0x82A0;
	[tilespmem:s7+$0xFFFFFFE0] =	vst v5  }
0x50d: {  	v5 =	vld [tilespmem:s10+$0xFFFFFFC0];
	vm6 =	vlt.u32 v4, $0x82A0;
	v11 =	vadd.s32 $0xFFFEFC00, v12  }
0x50e: {  	vm3 =	vlt.u32 v11, $0x82A0;
	v7 =	vadd.s32 $0xFFFEFC00, v7;
	v12 =	vld [tilespmem:s18+$0xFFFFFFF0]  }
0x50f: {  	vm4 =	vlt.u32 v7, $0x82A0;
	v8 =	vadd.s32 $0xFFFEFC00, v8;
	v13 =	vld [tilespmem:s18+$0x0]  }
0x510: {  	vm5 =	vlt.u32 v8, $0x82A0;
	v6 =	vadd.s32 $0xFFFEFC00, v6;
	v14 =	vld [tilespmem:s18+$0x10]  }
0x511: {  	vm0 =	vlt.u32 v6, $0x82A0;
	v10 =	vadd.s32 $0xFFFEFC00, v10;
	v15 =	vld [tilespmem:s18+$0x20]  }
0x512: {  	v5 =	vadd.s32 $0xFFFEFC00, v5;
	vm1 =	vlt.u32 v10, $0x82A0;
	v9 =	vld.idx.msk [tilespmem:v9+s23+$0x0], vm7  }
0x513: {  	s18 =	sadd.s32 $0x80, s18;
	vm2 =	vlt.u32 v5, $0x82A0;
	v4 =	vld.idx.msk [tilespmem:v4+s23+$0x0], vm6;
	v1 =	vadd.f32 v1, v12  }
0x514: {  	v12 =	vld [tilespmem:s18+$0x30];
	v0 =	vadd.f32 v0, v13  }
0x515: {  	v11 =	vld.idx.msk [tilespmem:v11+s23+$0x0], vm3;
	[tilespmem:s7+$0xFFFFFFF0] =	vst v1;
	v1 =	vadd.f32 v2, v14  }
0x516: {  	v13 =	vld.idx.msk [tilespmem:v7+s23+$0x0], vm4;
	[tilespmem:s7+$0x0] =	vst v0;
	v0 =	vadd.f32 v3, v15  }
0x517: {  	v14 =	vld.idx.msk [tilespmem:v8+s23+$0x0], vm5;
	[tilespmem:s7+$0x10] =	vst v1  }
0x518: {  	v1 =	vnsel vm7, $0x0, v9;
	v2 =	vld.idx.msk [tilespmem:v6+s23+$0x0], vm0;
	[tilespmem:s7+$0x20] =	vst v0  }
.Ltmp14:
0x519: {  	v4 =	vnsel vm6, $0x0, v4;
	v6 =	vld.idx.msk [tilespmem:v5+s23+$0x0], vm2;
	v0 =	vadd.f32 v1, v12;
	(pc) =	sbr.rel @p3 .LBB2_27-.Ltmp14, $4  }
0x51a: {  	s7 =	sadd.s32 $0x100, s7;
	v3 =	vld.idx.msk [tilespmem:v10+s23+$0x0], vm1  }
0x51b: {  	v5 =	vnsel vm3, $0x0, v11;
	v7 =	vld [tilespmem:s18+$0xFFFFFFC0];
	[tilespmem:s7+$0x30] =	vst v0  }
0x51c: {  	v1 =	vnsel vm4, $0x0, v13;
	v8 =	vld [tilespmem:s18+$0xFFFFFFD0]  }
0x51d: {  	s10 =	sadd.s32 $0x80, s10;
	v0 =	vnsel vm5, $0x0, v14;
	v9 =	vld [tilespmem:s18+$0xFFFFFFE0]  }
0x51e: {  	v10 =	vld [tilespmem:s18+$0xFFFFFFF0]  }
0x51f: {  	v6 =	vnsel vm2, $0x0, v6;
	v11 =	vld [tilespmem:s18+$0x0]  }
0x520: {  	v6 =	vadd.f32 v6, v7;
	v7 =	vld [tilespmem:s18+$0x10]  }
0x521: {  	v4 =	vadd.f32 v4, v8;
	v8 =	vld [tilespmem:s18+$0x20]  }
0x522: {  	[tilespmem:s7+$0xFFFFFFC0] =	vst v6;
	v5 =	vadd.f32 v5, v9  }
0x523: {  	[tilespmem:s7+$0xFFFFFFD0] =	vst v4;
	v1 =	vadd.f32 v1, v10  }
0x524: {  	v2 =	vnsel vm0, $0x0, v2;
	v0 =	vadd.f32 v0, v11;
	[tilespmem:s7+$0xFFFFFFE0] =	vst v5  }
0x525: {  	s3 =	sshll.u32 s3, $0x11;
	v3 =	vnsel vm1, $0x0, v3;
	[tilespmem:s7+$0xFFFFFFF0] =	vst v1;
	v1 =	vadd.f32 v2, v7  }
0x526: {  	s3 =	sor.u32 s6, s3;
	[tilespmem:s7+$0x0] =	vst v0;
	v0 =	vadd.f32 v3, v8  }
0x527: {  	s3 =	sshrl.u32 s3, $0x3;
	[tilespmem:s7+$0x10] =	vst v1  }
0x528: {  	s11 =	simm.s32 $0x18600;
	[tilespmem:s7+$0x20] =	vst v0;
	s7 =	sadd.s32 s13, s3  }
0x529: {  	[hbm4b:s7+s5] =	stream.linear.scatter [tilespmem:s11], [sflag:$0x3], $0x80, $0x38;
	[tilespmem:$0x19E00] =	vst v63  }
0x52a: {  	s0 =	simm.s32 $0x18700;
	s8 =	sadd.s32 $0x80, s7  }
0x52b: {  	[hbm4b:s8+s5] =	stream.linear.scatter [tilespmem:s0], [sflag:$0x3], $0x80, $0x38;
	[tilespmem:$0x19E00] =	vst v63  }
0x52c: {  	s18 =	simm.s32 $0x18800;
	s10 =	sadd.s32 $0x100, s7  }
0x52d: {  	[hbm4b:s10+s5] =	stream.linear.scatter [tilespmem:s18], [sflag:$0x3], $0x80, $0x38;
	[tilespmem:$0x19E00] =	vst v63  }
0x52e: {  	s24 =	simm.s32 $0x18900;
	s19 =	sadd.s32 $0x180, s7  }
0x52f: {  	[hbm4b:s19+s5] =	stream.linear.scatter [tilespmem:s24], [sflag:$0x3], $0x80, $0x38;
	[tilespmem:$0x19E00] =	vst v63  }
0x530: {  	s10 =	sadd.s32 $0x200, s7;
	s18 =	simm.s32 $0x18A00  }
0x531: {  	[hbm4b:s10+s5] =	stream.linear.scatter [tilespmem:s18], [sflag:$0x3], $0x80, $0x38;
	[tilespmem:$0x19E00] =	vst v63  }
0x532: {  	s19 =	sadd.s32 $0x280, s7;
	s24 =	simm.s32 $0x18B00  }
0x533: {  	[hbm4b:s19+s5] =	stream.linear.scatter [tilespmem:s24], [sflag:$0x3], $0x80, $0x38;
	[tilespmem:$0x19E00] =	vst v63  }
0x534: {  	s10 =	sadd.s32 $0x300, s7;
	s18 =	simm.s32 $0x18C00  }
0x535: {  	[hbm4b:s10+s5] =	stream.linear.scatter [tilespmem:s18], [sflag:$0x3], $0x80, $0x38;
	[tilespmem:$0x19E00] =	vst v63  }
0x536: {  	s19 =	sadd.s32 $0x380, s7;
	s24 =	simm.s32 $0x18D00  }
0x537: {  	[hbm4b:s19+s5] =	stream.linear.scatter [tilespmem:s24], [sflag:$0x3], $0x80, $0x38;
	[tilespmem:$0x19E00] =	vst v63  }
0x538: {  	s10 =	sadd.s32 $0x400, s7;
	s18 =	simm.s32 $0x18E00  }
0x539: {  	[hbm4b:s10+s5] =	stream.linear.scatter [tilespmem:s18], [sflag:$0x3], $0x80, $0x38;
	[tilespmem:$0x19E00] =	vst v63  }
0x53a: {  	s19 =	sadd.s32 $0x480, s7;
	s24 =	simm.s32 $0x18F00  }
0x53b: {  	[hbm4b:s19+s5] =	stream.linear.scatter [tilespmem:s24], [sflag:$0x3], $0x80, $0x38;
	[tilespmem:$0x19E00] =	vst v63  }
0x53c: {  	s10 =	sadd.s32 $0x500, s7;
	s18 =	simm.s32 $0x19000  }
0x53d: {  	[hbm4b:s10+s5] =	stream.linear.scatter [tilespmem:s18], [sflag:$0x3], $0x80, $0x38;
	[tilespmem:$0x19E00] =	vst v63  }
0x53e: {  	s19 =	sadd.s32 $0x580, s7;
	s24 =	simm.s32 $0x19100  }
0x53f: {  	[hbm4b:s19+s5] =	stream.linear.scatter [tilespmem:s24], [sflag:$0x3], $0x80, $0x38;
	[tilespmem:$0x19E00] =	vst v63  }
0x540: {  	s10 =	sadd.s32 $0x600, s7;
	s18 =	simm.s32 $0x19200  }
0x541: {  	[hbm4b:s10+s5] =	stream.linear.scatter [tilespmem:s18], [sflag:$0x3], $0x80, $0x38;
	[tilespmem:$0x19E00] =	vst v63  }
0x542: {  	s19 =	sadd.s32 $0x680, s7;
	s24 =	simm.s32 $0x19300  }
0x543: {  	[hbm4b:s19+s5] =	stream.linear.scatter [tilespmem:s24], [sflag:$0x3], $0x80, $0x38;
	[tilespmem:$0x19E00] =	vst v63  }
0x544: {  	s10 =	sadd.s32 $0x700, s7;
	s18 =	simm.s32 $0x19400  }
0x545: {  	[hbm4b:s10+s5] =	stream.linear.scatter [tilespmem:s18], [sflag:$0x3], $0x80, $0x38;
	[tilespmem:$0x19E00] =	vst v63  }
0x546: {  	s8 =	simm.s32 @!p2 $0x400;
	s7 =	sadd.s32 $0x780, s7;
	s19 =	simm.s32 $0x19500  }
0x547: {  	[hbm4b:s7+s5] =	stream.linear.scatter [tilespmem:s19], [sflag:$0x3], $0x80, $0x38;
	[tilespmem:$0x19E00] =	vst v63  }
0x548: {  	s0 =	rddreg [dreg:$0x4];
	s10 =	simm.s32 @!p2 $0x10600;
	s7 =	simm.s32 @!p2 $0x80  }
0x549: {  	[tilespmem:s10], [sflag:$0x2] =	stream.strided.gather @!p2 [spmem:s0], $0x800, s8, s7, $0x38;
	[tilespmem:$0x19E00] =	vst v63  }
0x54a: {  	_ =	swait.ge [sflag:s16], $0x800  }
0x54b: {  	[sflag:s16] =	ssyncset.done $0x0  }
0x54c: {  	s24 =	simm.s32 $0x10E70;
	[sflag:s16] =	ssyncadd.s32 $0xFFFFF800  }
0x54d: {  	v0 =	vld [tilespmem:s24+$0x0]  }
0x54e: {  	v1 =	vld [tilespmem:s24+$0xFFFFFFA0]  }
0x54f: {  	v2 =	vld [tilespmem:s24+$0xFFFFFFB0]  }
0x550: {  	v3 =	vld [tilespmem:s24+$0xFFFFFFC0]  }
0x551: {  	v4 =	vld [tilespmem:s24+$0xFFFFFFD0]  }
0x552: {  	v5 =	vld [tilespmem:s24+$0xFFFFFFE0];
	v0 =	vadd.s32 $0xFFFEFC00, v0  }
0x553: {  	v6 =	vld [tilespmem:s24+$0xFFFFFF90];
	v1 =	vadd.s32 $0xFFFEFC00, v1;
	vm3 =	vlt.u32 v0, $0x82A0  }
0x554: {  	v7 =	vld [tilespmem:s24+$0xFFFFFFF0];
	v2 =	vadd.s32 $0xFFFEFC00, v2;
	vm4 =	vlt.u32 v1, $0x82A0  }
0x555: {  	v3 =	vadd.s32 $0xFFFEFC00, v3;
	vm5 =	vlt.u32 v2, $0x82A0  }
0x556: {  	v4 =	vadd.s32 $0xFFFEFC00, v4;
	vm6 =	vlt.u32 v3, $0x82A0  }
0x557: {  	s7 =	simm.s32 $0x14E70;
	v5 =	vadd.s32 $0xFFFEFC00, v5;
	vm7 =	vlt.u32 v4, $0x82A0  }
0x558: {  	v8 =	vld [tilespmem:s7+$0x0];
	v6 =	vadd.s32 $0xFFFEFC00, v6;
	vm0 =	vlt.u32 v5, $0x82A0  }
0x559: {  	v7 =	vadd.s32 $0xFFFEFC00, v7;
	vm2 =	vlt.u32 v6, $0x82A0;
	v0 =	vld.idx.msk [tilespmem:v0+s23+$0x0], vm3  }
0x55a: {  	vm1 =	vlt.u32 v7, $0x82A0;
	v1 =	vld.idx.msk [tilespmem:v1+s23+$0x0], vm4  }
0x55b: {  	v9 =	vld.idx.msk [tilespmem:v2+s23+$0x0], vm5  }
0x55c: {  	v10 =	vld.idx.msk [tilespmem:v3+s23+$0x0], vm6  }
0x55d: {  	v11 =	vld.idx.msk [tilespmem:v4+s23+$0x0], vm7  }
0x55e: {  	v2 =	vld.idx.msk [tilespmem:v5+s23+$0x0], vm0  }
0x55f: {  	v6 =	vld.idx.msk [tilespmem:v6+s23+$0x0], vm2  }
0x560: {  	v3 =	vld.idx.msk [tilespmem:v7+s23+$0x0], vm1;
	v0 =	vnsel vm3, $0x0, v0  }
0x561: {  	v7 =	vld [tilespmem:s7+$0xFFFFFF90];
	v0 =	vadd.f32 v0, v8  }
0x562: {  	s28 =	smov.u32 s29;
	s18 =	simm.s32 $0x186F0;
	v4 =	vnsel vm4, $0x0, v1;
	v8 =	vld [tilespmem:s7+$0xFFFFFFA0]  }
0x563: {  	s31 =	smov.u32 s1;
	s8 =	simm.s32 $0x80;
	s10 =	simm.s32 $0x10EF0;
	v5 =	vnsel vm5, $0x0, v9;
	v1 =	vnsel vm6, $0x0, v10;
	v9 =	vld [tilespmem:s7+$0xFFFFFFB0];
	[tilespmem:s18+$0x0] =	vst v0;
	v0 =	vnsel vm7, $0x0, v11  }
.LBB2_29:
0x564: {  	v10 =	vld [tilespmem:s10+$0x0];
	s8 =	sadd.s32 $0x8, s8;
	v2 =	vnsel vm0, $0x0, v2  }
0x565: {  	v6 =	vnsel vm2, $0x0, v6;
	v11 =	vld [tilespmem:s10+$0xFFFFFFA0];
	p3 =	slt.u32 s8, $0xF8  }
0x566: {  	v3 =	vnsel vm1, $0x0, v3;
	v12 =	vld [tilespmem:s10+$0xFFFFFFB0];
	v6 =	vadd.f32 v6, v7  }
0x567: {  	v7 =	vld [tilespmem:s10+$0xFFFFFFC0];
	v4 =	vadd.f32 v4, v8  }
0x568: {  	v8 =	vld [tilespmem:s10+$0xFFFFFFD0];
	[tilespmem:s18+$0xFFFFFF90] =	vst v6;
	v5 =	vadd.f32 v5, v9  }
0x569: {  	v6 =	vld [tilespmem:s10+$0xFFFFFFE0];
	v9 =	vadd.s32 $0xFFFEFC00, v10;
	[tilespmem:s18+$0xFFFFFFA0] =	vst v4  }
0x56a: {  	v4 =	vadd.s32 $0xFFFEFC00, v11;
	v10 =	vld [tilespmem:s10+$0xFFFFFFF0];
	vm7 =	vlt.u32 v9, $0x82A0;
	[tilespmem:s18+$0xFFFFFFB0] =	vst v5  }
0x56b: {  	v5 =	vld [tilespmem:s10+$0xFFFFFF90];
	vm6 =	vlt.u32 v4, $0x82A0;
	v11 =	vadd.s32 $0xFFFEFC00, v12  }
0x56c: {  	vm3 =	vlt.u32 v11, $0x82A0;
	v7 =	vadd.s32 $0xFFFEFC00, v7;
	v12 =	vld [tilespmem:s7+$0xFFFFFFC0]  }
0x56d: {  	vm4 =	vlt.u32 v7, $0x82A0;
	v8 =	vadd.s32 $0xFFFEFC00, v8;
	v13 =	vld [tilespmem:s7+$0xFFFFFFD0]  }
0x56e: {  	vm5 =	vlt.u32 v8, $0x82A0;
	v6 =	vadd.s32 $0xFFFEFC00, v6;
	v14 =	vld [tilespmem:s7+$0xFFFFFFE0]  }
0x56f: {  	vm0 =	vlt.u32 v6, $0x82A0;
	v10 =	vadd.s32 $0xFFFEFC00, v10;
	v15 =	vld [tilespmem:s7+$0xFFFFFFF0]  }
0x570: {  	v5 =	vadd.s32 $0xFFFEFC00, v5;
	vm1 =	vlt.u32 v10, $0x82A0;
	v9 =	vld.idx.msk [tilespmem:v9+s23+$0x0], vm7  }
0x571: {  	s7 =	sadd.s32 $0x80, s7;
	vm2 =	vlt.u32 v5, $0x82A0;
	v4 =	vld.idx.msk [tilespmem:v4+s23+$0x0], vm6;
	v1 =	vadd.f32 v1, v12  }
0x572: {  	v12 =	vld [tilespmem:s7+$0x0];
	v0 =	vadd.f32 v0, v13  }
0x573: {  	v11 =	vld.idx.msk [tilespmem:v11+s23+$0x0], vm3;
	[tilespmem:s18+$0xFFFFFFC0] =	vst v1;
	v1 =	vadd.f32 v2, v14  }
0x574: {  	v13 =	vld.idx.msk [tilespmem:v7+s23+$0x0], vm4;
	[tilespmem:s18+$0xFFFFFFD0] =	vst v0;
	v0 =	vadd.f32 v3, v15  }
0x575: {  	v14 =	vld.idx.msk [tilespmem:v8+s23+$0x0], vm5;
	[tilespmem:s18+$0xFFFFFFE0] =	vst v1  }
0x576: {  	v1 =	vnsel vm7, $0x0, v9;
	v2 =	vld.idx.msk [tilespmem:v6+s23+$0x0], vm0;
	[tilespmem:s18+$0xFFFFFFF0] =	vst v0  }
.Ltmp15:
0x577: {  	v4 =	vnsel vm6, $0x0, v4;
	v6 =	vld.idx.msk [tilespmem:v5+s23+$0x0], vm2;
	v0 =	vadd.f32 v1, v12;
	(pc) =	sbr.rel @p3 .LBB2_29-.Ltmp15, $4  }
0x578: {  	s18 =	sadd.s32 $0x100, s18;
	v3 =	vld.idx.msk [tilespmem:v10+s23+$0x0], vm1  }
0x579: {  	v5 =	vnsel vm3, $0x0, v11;
	v7 =	vld [tilespmem:s7+$0xFFFFFF90];
	[tilespmem:s18+$0x0] =	vst v0  }
0x57a: {  	v1 =	vnsel vm4, $0x0, v13;
	v8 =	vld [tilespmem:s7+$0xFFFFFFA0]  }
0x57b: {  	s10 =	sadd.s32 $0x80, s10;
	v0 =	vnsel vm5, $0x0, v14;
	v9 =	vld [tilespmem:s7+$0xFFFFFFB0]  }
0x57c: {  	v10 =	vld [tilespmem:s7+$0xFFFFFFC0]  }
0x57d: {  	v6 =	vnsel vm2, $0x0, v6;
	v11 =	vld [tilespmem:s7+$0xFFFFFFD0]  }
0x57e: {  	v6 =	vadd.f32 v6, v7;
	v7 =	vld [tilespmem:s7+$0xFFFFFFE0]  }
0x57f: {  	v4 =	vadd.f32 v4, v8;
	v8 =	vld [tilespmem:s7+$0xFFFFFFF0]  }
0x580: {  	[tilespmem:s18+$0xFFFFFF90] =	vst v6;
	v5 =	vadd.f32 v5, v9  }
0x581: {  	[tilespmem:s18+$0xFFFFFFA0] =	vst v4;
	v1 =	vadd.f32 v1, v10  }
0x582: {  	v2 =	vnsel vm0, $0x0, v2;
	v0 =	vadd.f32 v0, v11;
	[tilespmem:s18+$0xFFFFFFB0] =	vst v5  }
0x583: {  	v3 =	vnsel vm1, $0x0, v3;
	[tilespmem:s18+$0xFFFFFFC0] =	vst v1;
	v1 =	vadd.f32 v2, v7  }
0x584: {  	[tilespmem:s18+$0xFFFFFFD0] =	vst v0;
	v0 =	vadd.f32 v3, v8  }
0x585: {  	[tilespmem:s18+$0xFFFFFFE0] =	vst v1  }
0x586: {  	s0 =	simm.s32 $0x18680;
	s7 =	sadd.s32 s3, s14;
	[tilespmem:s18+$0xFFFFFFF0] =	vst v0  }
0x587: {  	[hbm4b:s7+s5] =	stream.linear.scatter [tilespmem:s0], [sflag:$0x3], $0x80, $0x38;
	[tilespmem:$0x19E00] =	vst v63  }
0x588: {  	s10 =	simm.s32 $0x18780;
	s8 =	sadd.s32 $0x80, s7  }
0x589: {  	[hbm4b:s8+s5] =	stream.linear.scatter [tilespmem:s10], [sflag:$0x3], $0x80, $0x38;
	[tilespmem:$0x19E00] =	vst v63  }
0x58a: {  	s1 =	smov.u32 s14;
	s14 =	sadd.s32 $0x100, s7;
	s18 =	simm.s32 $0x18880  }
0x58b: {  	[hbm4b:s14+s5] =	stream.linear.scatter [tilespmem:s18], [sflag:$0x3], $0x80, $0x38;
	[tilespmem:$0x19E00] =	vst v63  }
0x58c: {  	s24 =	simm.s32 $0x18980;
	s19 =	sadd.s32 $0x180, s7  }
0x58d: {  	[hbm4b:s19+s5] =	stream.linear.scatter [tilespmem:s24], [sflag:$0x3], $0x80, $0x38;
	[tilespmem:$0x19E00] =	vst v63  }
0x58e: {  	s0 =	sadd.s32 $0x200, s7;
	s10 =	simm.s32 $0x18A80  }
0x58f: {  	[hbm4b:s0+s5] =	stream.linear.scatter [tilespmem:s10], [sflag:$0x3], $0x80, $0x38;
	[tilespmem:$0x19E00] =	vst v63  }
0x590: {  	s14 =	sadd.s32 $0x280, s7;
	s18 =	simm.s32 $0x18B80  }
0x591: {  	[hbm4b:s14+s5] =	stream.linear.scatter [tilespmem:s18], [sflag:$0x3], $0x80, $0x38;
	[tilespmem:$0x19E00] =	vst v63  }
0x592: {  	s19 =	sadd.s32 $0x300, s7;
	s24 =	simm.s32 $0x18C80  }
0x593: {  	[hbm4b:s19+s5] =	stream.linear.scatter [tilespmem:s24], [sflag:$0x3], $0x80, $0x38;
	[tilespmem:$0x19E00] =	vst v63  }
0x594: {  	s0 =	sadd.s32 $0x380, s7;
	s10 =	simm.s32 $0x18D80  }
0x595: {  	[hbm4b:s0+s5] =	stream.linear.scatter [tilespmem:s10], [sflag:$0x3], $0x80, $0x38;
	[tilespmem:$0x19E00] =	vst v63  }
0x596: {  	s14 =	sadd.s32 $0x400, s7;
	s18 =	simm.s32 $0x18E80  }
0x597: {  	[hbm4b:s14+s5] =	stream.linear.scatter [tilespmem:s18], [sflag:$0x3], $0x80, $0x38;
	[tilespmem:$0x19E00] =	vst v63  }
0x598: {  	s19 =	sadd.s32 $0x480, s7;
	s24 =	simm.s32 $0x18F80  }
0x599: {  	[hbm4b:s19+s5] =	stream.linear.scatter [tilespmem:s24], [sflag:$0x3], $0x80, $0x38;
	[tilespmem:$0x19E00] =	vst v63  }
0x59a: {  	s0 =	sadd.s32 $0x500, s7;
	s10 =	simm.s32 $0x19080  }
0x59b: {  	[hbm4b:s0+s5] =	stream.linear.scatter [tilespmem:s10], [sflag:$0x3], $0x80, $0x38;
	[tilespmem:$0x19E00] =	vst v63  }
0x59c: {  	s14 =	sadd.s32 $0x580, s7;
	s18 =	simm.s32 $0x19180  }
0x59d: {  	[hbm4b:s14+s5] =	stream.linear.scatter [tilespmem:s18], [sflag:$0x3], $0x80, $0x38;
	[tilespmem:$0x19E00] =	vst v63  }
0x59e: {  	s19 =	sadd.s32 $0x600, s7;
	s24 =	simm.s32 $0x19280  }
0x59f: {  	[hbm4b:s19+s5] =	stream.linear.scatter [tilespmem:s24], [sflag:$0x3], $0x80, $0x38;
	[tilespmem:$0x19E00] =	vst v63  }
0x5a0: {  	s0 =	sadd.s32 $0x680, s7;
	s10 =	simm.s32 $0x19380  }
0x5a1: {  	[hbm4b:s0+s5] =	stream.linear.scatter [tilespmem:s10], [sflag:$0x3], $0x80, $0x38;
	[tilespmem:$0x19E00] =	vst v63  }
0x5a2: {  	s14 =	sadd.s32 $0x700, s7;
	s18 =	simm.s32 $0x19480  }
0x5a3: {  	[hbm4b:s14+s5] =	stream.linear.scatter [tilespmem:s18], [sflag:$0x3], $0x80, $0x38;
	[tilespmem:$0x19E00] =	vst v63  }
0x5a4: {  	s8 =	simm.s32 @!p2 $0x400;
	s7 =	sadd.s32 $0x780, s7;
	s19 =	simm.s32 $0x19580  }
0x5a5: {  	[hbm4b:s7+s5] =	stream.linear.scatter [tilespmem:s19], [sflag:$0x3], $0x80, $0x38;
	[tilespmem:$0x19E00] =	vst v63  }
0x5a6: {  	s10 =	simm.s32 @!p2 $0x10E00;
	s0 =	rddreg [dreg:$0x1d];
	s7 =	simm.s32 @!p2 $0x80  }
0x5a7: {  	[tilespmem:s10], [sflag:$0x2] =	stream.strided.gather @!p2 [spmem:s0], $0x800, s8, s7, $0x38;
	[tilespmem:$0x19E00] =	vst v63  }
0x5a8: {  	_ =	swait.ge [sflag:s16], $0x800  }
0x5a9: {  	[sflag:s16] =	ssyncset.done $0x0  }
0x5aa: {  	s24 =	simm.s32 $0x11670;
	[sflag:s16] =	ssyncadd.s32 $0xFFFFF800  }
0x5ab: {  	v0 =	vld [tilespmem:s24+$0x0]  }
0x5ac: {  	v1 =	vld [tilespmem:s24+$0xFFFFFFA0]  }
0x5ad: {  	v2 =	vld [tilespmem:s24+$0xFFFFFFB0]  }
0x5ae: {  	v3 =	vld [tilespmem:s24+$0xFFFFFFC0]  }
0x5af: {  	v4 =	vld [tilespmem:s24+$0xFFFFFFD0]  }
0x5b0: {  	v5 =	vld [tilespmem:s24+$0xFFFFFFE0];
	v0 =	vadd.s32 $0xFFFEFC00, v0  }
0x5b1: {  	v6 =	vld [tilespmem:s24+$0xFFFFFF90];
	v1 =	vadd.s32 $0xFFFEFC00, v1;
	vm3 =	vlt.u32 v0, $0x82A0  }
0x5b2: {  	v7 =	vld [tilespmem:s24+$0xFFFFFFF0];
	v2 =	vadd.s32 $0xFFFEFC00, v2;
	vm4 =	vlt.u32 v1, $0x82A0  }
0x5b3: {  	v3 =	vadd.s32 $0xFFFEFC00, v3;
	vm5 =	vlt.u32 v2, $0x82A0  }
0x5b4: {  	v4 =	vadd.s32 $0xFFFEFC00, v4;
	vm6 =	vlt.u32 v3, $0x82A0  }
0x5b5: {  	s7 =	simm.s32 $0x15670;
	v5 =	vadd.s32 $0xFFFEFC00, v5;
	vm7 =	vlt.u32 v4, $0x82A0  }
0x5b6: {  	v8 =	vld [tilespmem:s7+$0x0];
	v6 =	vadd.s32 $0xFFFEFC00, v6;
	vm0 =	vlt.u32 v5, $0x82A0  }
0x5b7: {  	v7 =	vadd.s32 $0xFFFEFC00, v7;
	vm2 =	vlt.u32 v6, $0x82A0;
	v0 =	vld.idx.msk [tilespmem:v0+s23+$0x0], vm3  }
0x5b8: {  	vm1 =	vlt.u32 v7, $0x82A0;
	v1 =	vld.idx.msk [tilespmem:v1+s23+$0x0], vm4  }
0x5b9: {  	v9 =	vld.idx.msk [tilespmem:v2+s23+$0x0], vm5  }
0x5ba: {  	v10 =	vld.idx.msk [tilespmem:v3+s23+$0x0], vm6  }
0x5bb: {  	v11 =	vld.idx.msk [tilespmem:v4+s23+$0x0], vm7  }
0x5bc: {  	v2 =	vld.idx.msk [tilespmem:v5+s23+$0x0], vm0  }
0x5bd: {  	v6 =	vld.idx.msk [tilespmem:v6+s23+$0x0], vm2  }
0x5be: {  	v3 =	vld.idx.msk [tilespmem:v7+s23+$0x0], vm1;
	v0 =	vnsel vm3, $0x0, v0  }
0x5bf: {  	v7 =	vld [tilespmem:s7+$0xFFFFFF90];
	v0 =	vadd.f32 v0, v8  }
0x5c0: {  	s18 =	simm.s32 $0x18640;
	v4 =	vnsel vm4, $0x0, v1;
	v8 =	vld [tilespmem:s7+$0xFFFFFFA0]  }
0x5c1: {  	s29 =	smov.u32 s30;
	s8 =	simm.s32 $0x100;
	s10 =	simm.s32 $0x116F0;
	v5 =	vnsel vm5, $0x0, v9;
	v1 =	vnsel vm6, $0x0, v10;
	v9 =	vld [tilespmem:s7+$0xFFFFFFB0];
	[tilespmem:s18+$0x30] =	vst v0;
	v0 =	vnsel vm7, $0x0, v11  }
.LBB2_31:
0x5c2: {  	v10 =	vld [tilespmem:s10+$0x0];
	s8 =	sadd.s32 $0x8, s8;
	v2 =	vnsel vm0, $0x0, v2  }
0x5c3: {  	v6 =	vnsel vm2, $0x0, v6;
	v11 =	vld [tilespmem:s10+$0xFFFFFFA0];
	p3 =	slt.u32 s8, $0x178  }
0x5c4: {  	v3 =	vnsel vm1, $0x0, v3;
	v12 =	vld [tilespmem:s10+$0xFFFFFFB0];
	v6 =	vadd.f32 v6, v7  }
0x5c5: {  	v7 =	vld [tilespmem:s10+$0xFFFFFFC0];
	v4 =	vadd.f32 v4, v8  }
0x5c6: {  	v8 =	vld [tilespmem:s10+$0xFFFFFFD0];
	[tilespmem:s18+$0xFFFFFFC0] =	vst v6;
	v5 =	vadd.f32 v5, v9  }
0x5c7: {  	v6 =	vld [tilespmem:s10+$0xFFFFFFE0];
	v9 =	vadd.s32 $0xFFFEFC00, v10;
	[tilespmem:s18+$0xFFFFFFD0] =	vst v4  }
0x5c8: {  	v4 =	vadd.s32 $0xFFFEFC00, v11;
	v10 =	vld [tilespmem:s10+$0xFFFFFFF0];
	vm7 =	vlt.u32 v9, $0x82A0;
	[tilespmem:s18+$0xFFFFFFE0] =	vst v5  }
0x5c9: {  	v5 =	vld [tilespmem:s10+$0xFFFFFF90];
	vm6 =	vlt.u32 v4, $0x82A0;
	v11 =	vadd.s32 $0xFFFEFC00, v12  }
0x5ca: {  	vm3 =	vlt.u32 v11, $0x82A0;
	v7 =	vadd.s32 $0xFFFEFC00, v7;
	v12 =	vld [tilespmem:s7+$0xFFFFFFC0]  }
0x5cb: {  	vm4 =	vlt.u32 v7, $0x82A0;
	v8 =	vadd.s32 $0xFFFEFC00, v8;
	v13 =	vld [tilespmem:s7+$0xFFFFFFD0]  }
0x5cc: {  	vm5 =	vlt.u32 v8, $0x82A0;
	v6 =	vadd.s32 $0xFFFEFC00, v6;
	v14 =	vld [tilespmem:s7+$0xFFFFFFE0]  }
0x5cd: {  	vm0 =	vlt.u32 v6, $0x82A0;
	v10 =	vadd.s32 $0xFFFEFC00, v10;
	v15 =	vld [tilespmem:s7+$0xFFFFFFF0]  }
0x5ce: {  	v5 =	vadd.s32 $0xFFFEFC00, v5;
	vm1 =	vlt.u32 v10, $0x82A0;
	v9 =	vld.idx.msk [tilespmem:v9+s23+$0x0], vm7  }
0x5cf: {  	s7 =	sadd.s32 $0x80, s7;
	vm2 =	vlt.u32 v5, $0x82A0;
	v4 =	vld.idx.msk [tilespmem:v4+s23+$0x0], vm6;
	v1 =	vadd.f32 v1, v12  }
0x5d0: {  	v12 =	vld [tilespmem:s7+$0x0];
	v0 =	vadd.f32 v0, v13  }
0x5d1: {  	v11 =	vld.idx.msk [tilespmem:v11+s23+$0x0], vm3;
	[tilespmem:s18+$0xFFFFFFF0] =	vst v1;
	v1 =	vadd.f32 v2, v14  }
0x5d2: {  	v13 =	vld.idx.msk [tilespmem:v7+s23+$0x0], vm4;
	[tilespmem:s18+$0x0] =	vst v0;
	v0 =	vadd.f32 v3, v15  }
0x5d3: {  	v14 =	vld.idx.msk [tilespmem:v8+s23+$0x0], vm5;
	[tilespmem:s18+$0x10] =	vst v1  }
0x5d4: {  	v1 =	vnsel vm7, $0x0, v9;
	v2 =	vld.idx.msk [tilespmem:v6+s23+$0x0], vm0;
	[tilespmem:s18+$0x20] =	vst v0  }
.Ltmp16:
0x5d5: {  	v4 =	vnsel vm6, $0x0, v4;
	v6 =	vld.idx.msk [tilespmem:v5+s23+$0x0], vm2;
	v0 =	vadd.f32 v1, v12;
	(pc) =	sbr.rel @p3 .LBB2_31-.Ltmp16, $4  }
0x5d6: {  	s18 =	sadd.s32 $0x100, s18;
	v3 =	vld.idx.msk [tilespmem:v10+s23+$0x0], vm1  }
0x5d7: {  	v5 =	vnsel vm3, $0x0, v11;
	v7 =	vld [tilespmem:s7+$0xFFFFFF90];
	[tilespmem:s18+$0x30] =	vst v0  }
0x5d8: {  	v1 =	vnsel vm4, $0x0, v13;
	v8 =	vld [tilespmem:s7+$0xFFFFFFA0]  }
0x5d9: {  	s10 =	sadd.s32 $0x80, s10;
	v0 =	vnsel vm5, $0x0, v14;
	v9 =	vld [tilespmem:s7+$0xFFFFFFB0]  }
0x5da: {  	v10 =	vld [tilespmem:s7+$0xFFFFFFC0]  }
0x5db: {  	v6 =	vnsel vm2, $0x0, v6;
	v11 =	vld [tilespmem:s7+$0xFFFFFFD0]  }
0x5dc: {  	v6 =	vadd.f32 v6, v7;
	v7 =	vld [tilespmem:s7+$0xFFFFFFE0]  }
0x5dd: {  	v4 =	vadd.f32 v4, v8;
	v8 =	vld [tilespmem:s7+$0xFFFFFFF0]  }
0x5de: {  	[tilespmem:s18+$0xFFFFFFC0] =	vst v6;
	v5 =	vadd.f32 v5, v9  }
0x5df: {  	[tilespmem:s18+$0xFFFFFFD0] =	vst v4;
	v1 =	vadd.f32 v1, v10  }
0x5e0: {  	v2 =	vnsel vm0, $0x0, v2;
	v0 =	vadd.f32 v0, v11;
	[tilespmem:s18+$0xFFFFFFE0] =	vst v5  }
0x5e1: {  	v3 =	vnsel vm1, $0x0, v3;
	[tilespmem:s18+$0xFFFFFFF0] =	vst v1;
	v1 =	vadd.f32 v2, v7  }
0x5e2: {  	[tilespmem:s18+$0x0] =	vst v0;
	v0 =	vadd.f32 v3, v8  }
0x5e3: {  	[tilespmem:s18+$0x10] =	vst v1  }
0x5e4: {  	s7 =	sadd.s32 s3, s15;
	[tilespmem:s18+$0x20] =	vst v0  }
0x5e5: {  	[hbm4b:s7+s5] =	stream.linear.scatter [tilespmem:s11], [sflag:$0x3], $0x80, $0x38;
	[tilespmem:$0x19E00] =	vst v63  }
0x5e6: {  	s0 =	simm.s32 $0x18700;
	s8 =	sadd.s32 $0x80, s7  }
0x5e7: {  	[hbm4b:s8+s5] =	stream.linear.scatter [tilespmem:s0], [sflag:$0x3], $0x80, $0x38;
	[tilespmem:$0x19E00] =	vst v63  }
0x5e8: {  	s14 =	smov.u32 s15;
	s15 =	sadd.s32 $0x100, s7;
	s18 =	simm.s32 $0x18800  }
0x5e9: {  	[hbm4b:s15+s5] =	stream.linear.scatter [tilespmem:s18], [sflag:$0x3], $0x80, $0x38;
	[tilespmem:$0x19E00] =	vst v63  }
0x5ea: {  	s24 =	simm.s32 $0x18900;
	s19 =	sadd.s32 $0x180, s7  }
0x5eb: {  	[hbm4b:s19+s5] =	stream.linear.scatter [tilespmem:s24], [sflag:$0x3], $0x80, $0x38;
	[tilespmem:$0x19E00] =	vst v63  }
0x5ec: {  	s10 =	simm.s32 $0x18A00;
	s0 =	sadd.s32 $0x200, s7  }
0x5ed: {  	[hbm4b:s0+s5] =	stream.linear.scatter [tilespmem:s10], [sflag:$0x3], $0x80, $0x38;
	[tilespmem:$0x19E00] =	vst v63  }
0x5ee: {  	s15 =	sadd.s32 $0x280, s7;
	s18 =	simm.s32 $0x18B00  }
0x5ef: {  	[hbm4b:s15+s5] =	stream.linear.scatter [tilespmem:s18], [sflag:$0x3], $0x80, $0x38;
	[tilespmem:$0x19E00] =	vst v63  }
0x5f0: {  	s19 =	sadd.s32 $0x300, s7;
	s24 =	simm.s32 $0x18C00  }
0x5f1: {  	[hbm4b:s19+s5] =	stream.linear.scatter [tilespmem:s24], [sflag:$0x3], $0x80, $0x38;
	[tilespmem:$0x19E00] =	vst v63  }
0x5f2: {  	s0 =	sadd.s32 $0x380, s7;
	s10 =	simm.s32 $0x18D00  }
0x5f3: {  	[hbm4b:s0+s5] =	stream.linear.scatter [tilespmem:s10], [sflag:$0x3], $0x80, $0x38;
	[tilespmem:$0x19E00] =	vst v63  }
0x5f4: {  	s15 =	sadd.s32 $0x400, s7;
	s18 =	simm.s32 $0x18E00  }
0x5f5: {  	[hbm4b:s15+s5] =	stream.linear.scatter [tilespmem:s18], [sflag:$0x3], $0x80, $0x38;
	[tilespmem:$0x19E00] =	vst v63  }
0x5f6: {  	s19 =	sadd.s32 $0x480, s7;
	s24 =	simm.s32 $0x18F00  }
0x5f7: {  	[hbm4b:s19+s5] =	stream.linear.scatter [tilespmem:s24], [sflag:$0x3], $0x80, $0x38;
	[tilespmem:$0x19E00] =	vst v63  }
0x5f8: {  	s0 =	sadd.s32 $0x500, s7;
	s10 =	simm.s32 $0x19000  }
0x5f9: {  	[hbm4b:s0+s5] =	stream.linear.scatter [tilespmem:s10], [sflag:$0x3], $0x80, $0x38;
	[tilespmem:$0x19E00] =	vst v63  }
0x5fa: {  	s15 =	sadd.s32 $0x580, s7;
	s18 =	simm.s32 $0x19100  }
0x5fb: {  	[hbm4b:s15+s5] =	stream.linear.scatter [tilespmem:s18], [sflag:$0x3], $0x80, $0x38;
	[tilespmem:$0x19E00] =	vst v63  }
0x5fc: {  	s19 =	sadd.s32 $0x600, s7;
	s24 =	simm.s32 $0x19200  }
0x5fd: {  	[hbm4b:s19+s5] =	stream.linear.scatter [tilespmem:s24], [sflag:$0x3], $0x80, $0x38;
	[tilespmem:$0x19E00] =	vst v63  }
0x5fe: {  	s0 =	sadd.s32 $0x680, s7;
	s10 =	simm.s32 $0x19300  }
0x5ff: {  	[hbm4b:s0+s5] =	stream.linear.scatter [tilespmem:s10], [sflag:$0x3], $0x80, $0x38;
	[tilespmem:$0x19E00] =	vst v63  }
0x600: {  	s15 =	sadd.s32 $0x700, s7;
	s18 =	simm.s32 $0x19400  }
0x601: {  	[hbm4b:s15+s5] =	stream.linear.scatter [tilespmem:s18], [sflag:$0x3], $0x80, $0x38;
	[tilespmem:$0x19E00] =	vst v63  }
0x602: {  	s8 =	simm.s32 @!p2 $0x400;
	s7 =	sadd.s32 $0x780, s7;
	s19 =	simm.s32 $0x19500  }
0x603: {  	[hbm4b:s7+s5] =	stream.linear.scatter [tilespmem:s19], [sflag:$0x3], $0x80, $0x38;
	[tilespmem:$0x19E00] =	vst v63  }
0x604: {  	s10 =	simm.s32 @!p2 $0x11600;
	s0 =	rddreg [dreg:$0x1e];
	s7 =	simm.s32 @!p2 $0x80  }
0x605: {  	[tilespmem:s10], [sflag:$0x2] =	stream.strided.gather @!p2 [spmem:s0], $0x800, s8, s7, $0x38;
	[tilespmem:$0x19E00] =	vst v63  }
0x606: {  	_ =	swait.ge [sflag:s16], $0x800  }
0x607: {  	[sflag:s16] =	ssyncset.done $0x0  }
0x608: {  	s24 =	simm.s32 $0x11E70;
	[sflag:s16] =	ssyncadd.s32 $0xFFFFF800  }
0x609: {  	v0 =	vld [tilespmem:s24+$0x0]  }
0x60a: {  	v1 =	vld [tilespmem:s24+$0xFFFFFFA0]  }
0x60b: {  	v2 =	vld [tilespmem:s24+$0xFFFFFFB0]  }
0x60c: {  	v3 =	vld [tilespmem:s24+$0xFFFFFFC0]  }
0x60d: {  	v4 =	vld [tilespmem:s24+$0xFFFFFFD0]  }
0x60e: {  	v5 =	vld [tilespmem:s24+$0xFFFFFFE0];
	v0 =	vadd.s32 $0xFFFEFC00, v0  }
0x60f: {  	v6 =	vld [tilespmem:s24+$0xFFFFFF90];
	v1 =	vadd.s32 $0xFFFEFC00, v1;
	vm3 =	vlt.u32 v0, $0x82A0  }
0x610: {  	v7 =	vld [tilespmem:s24+$0xFFFFFFF0];
	v2 =	vadd.s32 $0xFFFEFC00, v2;
	vm4 =	vlt.u32 v1, $0x82A0  }
0x611: {  	v3 =	vadd.s32 $0xFFFEFC00, v3;
	vm5 =	vlt.u32 v2, $0x82A0  }
0x612: {  	v4 =	vadd.s32 $0xFFFEFC00, v4;
	vm6 =	vlt.u32 v3, $0x82A0  }
0x613: {  	s7 =	simm.s32 $0x15E70;
	v5 =	vadd.s32 $0xFFFEFC00, v5;
	vm7 =	vlt.u32 v4, $0x82A0  }
0x614: {  	v8 =	vld [tilespmem:s7+$0x0];
	v6 =	vadd.s32 $0xFFFEFC00, v6;
	vm0 =	vlt.u32 v5, $0x82A0  }
0x615: {  	v7 =	vadd.s32 $0xFFFEFC00, v7;
	vm2 =	vlt.u32 v6, $0x82A0;
	v0 =	vld.idx.msk [tilespmem:v0+s23+$0x0], vm3  }
0x616: {  	vm1 =	vlt.u32 v7, $0x82A0;
	v1 =	vld.idx.msk [tilespmem:v1+s23+$0x0], vm4  }
0x617: {  	v9 =	vld.idx.msk [tilespmem:v2+s23+$0x0], vm5  }
0x618: {  	v10 =	vld.idx.msk [tilespmem:v3+s23+$0x0], vm6  }
0x619: {  	v11 =	vld.idx.msk [tilespmem:v4+s23+$0x0], vm7  }
0x61a: {  	v2 =	vld.idx.msk [tilespmem:v5+s23+$0x0], vm0  }
0x61b: {  	v6 =	vld.idx.msk [tilespmem:v6+s23+$0x0], vm2;
	v0 =	vnsel vm3, $0x0, v0  }
0x61c: {  	v3 =	vld.idx.msk [tilespmem:v7+s23+$0x0], vm1;
	v0 =	vadd.f32 v0, v8  }
0x61d: {  	s18 =	simm.s32 $0x186F0;
	v7 =	vld [tilespmem:s7+$0xFFFFFF90]  }
0x61e: {  	v4 =	vnsel vm4, $0x0, v1;
	v8 =	vld [tilespmem:s7+$0xFFFFFFA0];
	[tilespmem:s18+$0x0] =	vst v0  }
0x61f: {  	s8 =	simm.s32 $0x180;
	s10 =	simm.s32 $0x11EF0;
	v5 =	vnsel vm5, $0x0, v9;
	v1 =	vnsel vm6, $0x0, v10;
	v9 =	vld [tilespmem:s7+$0xFFFFFFB0];
	v0 =	vnsel vm7, $0x0, v11;
	s30 =	rddreg [dreg:$0x12]  }
.LBB2_33:
0x620: {  	v10 =	vld [tilespmem:s10+$0x0];
	s8 =	sadd.s32 $0x8, s8;
	v2 =	vnsel vm0, $0x0, v2  }
0x621: {  	v6 =	vnsel vm2, $0x0, v6;
	v11 =	vld [tilespmem:s10+$0xFFFFFFA0];
	p3 =	slt.u32 s8, $0x1F8  }
0x622: {  	v3 =	vnsel vm1, $0x0, v3;
	v12 =	vld [tilespmem:s10+$0xFFFFFFB0];
	v6 =	vadd.f32 v6, v7  }
0x623: {  	v7 =	vld [tilespmem:s10+$0xFFFFFFC0];
	v4 =	vadd.f32 v4, v8  }
0x624: {  	v8 =	vld [tilespmem:s10+$0xFFFFFFD0];
	[tilespmem:s18+$0xFFFFFF90] =	vst v6;
	v5 =	vadd.f32 v5, v9  }
0x625: {  	v6 =	vld [tilespmem:s10+$0xFFFFFFE0];
	v9 =	vadd.s32 $0xFFFEFC00, v10;
	[tilespmem:s18+$0xFFFFFFA0] =	vst v4  }
0x626: {  	v4 =	vadd.s32 $0xFFFEFC00, v11;
	v10 =	vld [tilespmem:s10+$0xFFFFFFF0];
	vm7 =	vlt.u32 v9, $0x82A0;
	[tilespmem:s18+$0xFFFFFFB0] =	vst v5  }
0x627: {  	v5 =	vld [tilespmem:s10+$0xFFFFFF90];
	vm6 =	vlt.u32 v4, $0x82A0;
	v11 =	vadd.s32 $0xFFFEFC00, v12  }
0x628: {  	vm3 =	vlt.u32 v11, $0x82A0;
	v7 =	vadd.s32 $0xFFFEFC00, v7;
	v12 =	vld [tilespmem:s7+$0xFFFFFFC0]  }
0x629: {  	vm4 =	vlt.u32 v7, $0x82A0;
	v8 =	vadd.s32 $0xFFFEFC00, v8;
	v13 =	vld [tilespmem:s7+$0xFFFFFFD0]  }
0x62a: {  	vm5 =	vlt.u32 v8, $0x82A0;
	v6 =	vadd.s32 $0xFFFEFC00, v6;
	v14 =	vld [tilespmem:s7+$0xFFFFFFE0]  }
0x62b: {  	vm0 =	vlt.u32 v6, $0x82A0;
	v10 =	vadd.s32 $0xFFFEFC00, v10;
	v15 =	vld [tilespmem:s7+$0xFFFFFFF0]  }
0x62c: {  	v5 =	vadd.s32 $0xFFFEFC00, v5;
	vm1 =	vlt.u32 v10, $0x82A0;
	v9 =	vld.idx.msk [tilespmem:v9+s23+$0x0], vm7  }
0x62d: {  	s7 =	sadd.s32 $0x80, s7;
	vm2 =	vlt.u32 v5, $0x82A0;
	v4 =	vld.idx.msk [tilespmem:v4+s23+$0x0], vm6;
	v1 =	vadd.f32 v1, v12  }
0x62e: {  	v12 =	vld [tilespmem:s7+$0x0];
	v0 =	vadd.f32 v0, v13  }
0x62f: {  	v11 =	vld.idx.msk [tilespmem:v11+s23+$0x0], vm3;
	[tilespmem:s18+$0xFFFFFFC0] =	vst v1;
	v1 =	vadd.f32 v2, v14  }
0x630: {  	v13 =	vld.idx.msk [tilespmem:v7+s23+$0x0], vm4;
	[tilespmem:s18+$0xFFFFFFD0] =	vst v0;
	v0 =	vadd.f32 v3, v15  }
0x631: {  	v14 =	vld.idx.msk [tilespmem:v8+s23+$0x0], vm5;
	[tilespmem:s18+$0xFFFFFFE0] =	vst v1  }
0x632: {  	v1 =	vnsel vm7, $0x0, v9;
	v2 =	vld.idx.msk [tilespmem:v6+s23+$0x0], vm0;
	[tilespmem:s18+$0xFFFFFFF0] =	vst v0  }
.Ltmp17:
0x633: {  	v4 =	vnsel vm6, $0x0, v4;
	v6 =	vld.idx.msk [tilespmem:v5+s23+$0x0], vm2;
	v0 =	vadd.f32 v1, v12;
	(pc) =	sbr.rel @p3 .LBB2_33-.Ltmp17, $4  }
0x634: {  	s18 =	sadd.s32 $0x100, s18;
	v3 =	vld.idx.msk [tilespmem:v10+s23+$0x0], vm1  }
0x635: {  	v5 =	vnsel vm3, $0x0, v11;
	v7 =	vld [tilespmem:s7+$0xFFFFFF90];
	[tilespmem:s18+$0x0] =	vst v0  }
0x636: {  	v1 =	vnsel vm4, $0x0, v13;
	v8 =	vld [tilespmem:s7+$0xFFFFFFA0]  }
0x637: {  	s10 =	sadd.s32 $0x80, s10;
	v0 =	vnsel vm5, $0x0, v14;
	v9 =	vld [tilespmem:s7+$0xFFFFFFB0]  }
0x638: {  	v10 =	vld [tilespmem:s7+$0xFFFFFFC0]  }
0x639: {  	v6 =	vnsel vm2, $0x0, v6;
	v11 =	vld [tilespmem:s7+$0xFFFFFFD0]  }
0x63a: {  	v6 =	vadd.f32 v6, v7;
	v7 =	vld [tilespmem:s7+$0xFFFFFFE0]  }
0x63b: {  	v4 =	vadd.f32 v4, v8;
	v8 =	vld [tilespmem:s7+$0xFFFFFFF0]  }
0x63c: {  	[tilespmem:s18+$0xFFFFFF90] =	vst v6;
	v5 =	vadd.f32 v5, v9  }
0x63d: {  	[tilespmem:s18+$0xFFFFFFA0] =	vst v4;
	v1 =	vadd.f32 v1, v10  }
0x63e: {  	v2 =	vnsel vm0, $0x0, v2;
	v0 =	vadd.f32 v0, v11;
	[tilespmem:s18+$0xFFFFFFB0] =	vst v5  }
0x63f: {  	v3 =	vnsel vm1, $0x0, v3;
	[tilespmem:s18+$0xFFFFFFC0] =	vst v1;
	v1 =	vadd.f32 v2, v7  }
0x640: {  	[tilespmem:s18+$0xFFFFFFD0] =	vst v0;
	v0 =	vadd.f32 v3, v8  }
0x641: {  	[tilespmem:s18+$0xFFFFFFE0] =	vst v1  }
0x642: {  	[tilespmem:s18+$0xFFFFFFF0] =	vst v0  }
0x643: {  	s0 =	rddreg [dreg:$0x18]  }
0x644: {  	s8 =	simm.s32 $0x18680;
	s7 =	sadd.s32 s3, s0  }
0x645: {  	[hbm4b:s7+s5] =	stream.linear.scatter [tilespmem:s8], [sflag:$0x3], $0x80, $0x38;
	[tilespmem:$0x19E00] =	vst v63  }
0x646: {  	s10 =	simm.s32 $0x18780;
	s8 =	sadd.s32 $0x80, s7  }
0x647: {  	[hbm4b:s8+s5] =	stream.linear.scatter [tilespmem:s10], [sflag:$0x3], $0x80, $0x38;
	[tilespmem:$0x19E00] =	vst v63  }
0x648: {  	s18 =	simm.s32 $0x18880;
	s15 =	sadd.s32 $0x100, s7  }
0x649: {  	[hbm4b:s15+s5] =	stream.linear.scatter [tilespmem:s18], [sflag:$0x3], $0x80, $0x38;
	[tilespmem:$0x19E00] =	vst v63  }
0x64a: {  	s24 =	simm.s32 $0x18980;
	s19 =	sadd.s32 $0x180, s7  }
0x64b: {  	[hbm4b:s19+s5] =	stream.linear.scatter [tilespmem:s24], [sflag:$0x3], $0x80, $0x38;
	[tilespmem:$0x19E00] =	vst v63  }
0x64c: {  	s0 =	sadd.s32 $0x200, s7;
	s10 =	simm.s32 $0x18A80  }
0x64d: {  	[hbm4b:s0+s5] =	stream.linear.scatter [tilespmem:s10], [sflag:$0x3], $0x80, $0x38;
	[tilespmem:$0x19E00] =	vst v63  }
0x64e: {  	s15 =	sadd.s32 $0x280, s7;
	s18 =	simm.s32 $0x18B80  }
0x64f: {  	[hbm4b:s15+s5] =	stream.linear.scatter [tilespmem:s18], [sflag:$0x3], $0x80, $0x38;
	[tilespmem:$0x19E00] =	vst v63  }
0x650: {  	s19 =	sadd.s32 $0x300, s7;
	s24 =	simm.s32 $0x18C80  }
0x651: {  	[hbm4b:s19+s5] =	stream.linear.scatter [tilespmem:s24], [sflag:$0x3], $0x80, $0x38;
	[tilespmem:$0x19E00] =	vst v63  }
0x652: {  	s0 =	sadd.s32 $0x380, s7;
	s10 =	simm.s32 $0x18D80  }
0x653: {  	[hbm4b:s0+s5] =	stream.linear.scatter [tilespmem:s10], [sflag:$0x3], $0x80, $0x38;
	[tilespmem:$0x19E00] =	vst v63  }
0x654: {  	s15 =	sadd.s32 $0x400, s7;
	s18 =	simm.s32 $0x18E80  }
0x655: {  	[hbm4b:s15+s5] =	stream.linear.scatter [tilespmem:s18], [sflag:$0x3], $0x80, $0x38;
	[tilespmem:$0x19E00] =	vst v63  }
0x656: {  	s19 =	sadd.s32 $0x480, s7;
	s24 =	simm.s32 $0x18F80  }
0x657: {  	[hbm4b:s19+s5] =	stream.linear.scatter [tilespmem:s24], [sflag:$0x3], $0x80, $0x38;
	[tilespmem:$0x19E00] =	vst v63  }
0x658: {  	s0 =	sadd.s32 $0x500, s7;
	s10 =	simm.s32 $0x19080  }
0x659: {  	[hbm4b:s0+s5] =	stream.linear.scatter [tilespmem:s10], [sflag:$0x3], $0x80, $0x38;
	[tilespmem:$0x19E00] =	vst v63  }
0x65a: {  	s15 =	sadd.s32 $0x580, s7;
	s18 =	simm.s32 $0x19180  }
0x65b: {  	[hbm4b:s15+s5] =	stream.linear.scatter [tilespmem:s18], [sflag:$0x3], $0x80, $0x38;
	[tilespmem:$0x19E00] =	vst v63  }
0x65c: {  	s19 =	sadd.s32 $0x600, s7;
	s24 =	simm.s32 $0x19280  }
0x65d: {  	[hbm4b:s19+s5] =	stream.linear.scatter [tilespmem:s24], [sflag:$0x3], $0x80, $0x38;
	[tilespmem:$0x19E00] =	vst v63  }
0x65e: {  	s0 =	sadd.s32 $0x680, s7;
	s10 =	simm.s32 $0x19380  }
0x65f: {  	[hbm4b:s0+s5] =	stream.linear.scatter [tilespmem:s10], [sflag:$0x3], $0x80, $0x38;
	[tilespmem:$0x19E00] =	vst v63  }
0x660: {  	s15 =	sadd.s32 $0x700, s7;
	s18 =	simm.s32 $0x19480  }
0x661: {  	[hbm4b:s15+s5] =	stream.linear.scatter [tilespmem:s18], [sflag:$0x3], $0x80, $0x38;
	[tilespmem:$0x19E00] =	vst v63  }
0x662: {  	s8 =	simm.s32 @!p2 $0x400;
	s7 =	sadd.s32 $0x780, s7;
	s19 =	simm.s32 $0x19580  }
0x663: {  	[hbm4b:s7+s5] =	stream.linear.scatter [tilespmem:s19], [sflag:$0x3], $0x80, $0x38;
	[tilespmem:$0x19E00] =	vst v63  }
0x664: {  	s10 =	simm.s32 @!p2 $0x11E00;
	s0 =	rddreg [dreg:$0x1f];
	s7 =	simm.s32 @!p2 $0x80  }
0x665: {  	[tilespmem:s10], [sflag:$0x2] =	stream.strided.gather @!p2 [spmem:s0], $0x800, s8, s7, $0x38;
	[tilespmem:$0x19E00] =	vst v63  }
0x666: {  	_ =	swait.ge [sflag:s16], $0x800  }
0x667: {  	[sflag:s16] =	ssyncset.done $0x0  }
0x668: {  	s24 =	simm.s32 $0x12670;
	[sflag:s16] =	ssyncadd.s32 $0xFFFFF800  }
0x669: {  	v0 =	vld [tilespmem:s24+$0x0]  }
0x66a: {  	v1 =	vld [tilespmem:s24+$0xFFFFFFA0]  }
0x66b: {  	v2 =	vld [tilespmem:s24+$0xFFFFFFB0]  }
0x66c: {  	v3 =	vld [tilespmem:s24+$0xFFFFFFC0]  }
0x66d: {  	v4 =	vld [tilespmem:s24+$0xFFFFFFD0]  }
0x66e: {  	v5 =	vld [tilespmem:s24+$0xFFFFFFE0];
	v0 =	vadd.s32 $0xFFFEFC00, v0  }
0x66f: {  	v6 =	vld [tilespmem:s24+$0xFFFFFF90];
	v1 =	vadd.s32 $0xFFFEFC00, v1;
	vm3 =	vlt.u32 v0, $0x82A0  }
0x670: {  	v7 =	vld [tilespmem:s24+$0xFFFFFFF0];
	v2 =	vadd.s32 $0xFFFEFC00, v2;
	vm4 =	vlt.u32 v1, $0x82A0  }
0x671: {  	v3 =	vadd.s32 $0xFFFEFC00, v3;
	vm5 =	vlt.u32 v2, $0x82A0  }
0x672: {  	v4 =	vadd.s32 $0xFFFEFC00, v4;
	vm6 =	vlt.u32 v3, $0x82A0  }
0x673: {  	s7 =	simm.s32 $0x16670;
	v5 =	vadd.s32 $0xFFFEFC00, v5;
	vm7 =	vlt.u32 v4, $0x82A0  }
0x674: {  	v8 =	vld [tilespmem:s7+$0x0];
	v6 =	vadd.s32 $0xFFFEFC00, v6;
	vm0 =	vlt.u32 v5, $0x82A0  }
0x675: {  	v7 =	vadd.s32 $0xFFFEFC00, v7;
	vm2 =	vlt.u32 v6, $0x82A0;
	v0 =	vld.idx.msk [tilespmem:v0+s23+$0x0], vm3  }
0x676: {  	vm1 =	vlt.u32 v7, $0x82A0;
	v1 =	vld.idx.msk [tilespmem:v1+s23+$0x0], vm4  }
0x677: {  	v9 =	vld.idx.msk [tilespmem:v2+s23+$0x0], vm5  }
0x678: {  	v10 =	vld.idx.msk [tilespmem:v3+s23+$0x0], vm6  }
0x679: {  	v11 =	vld.idx.msk [tilespmem:v4+s23+$0x0], vm7  }
0x67a: {  	v2 =	vld.idx.msk [tilespmem:v5+s23+$0x0], vm0  }
0x67b: {  	v6 =	vld.idx.msk [tilespmem:v6+s23+$0x0], vm2  }
0x67c: {  	v3 =	vld.idx.msk [tilespmem:v7+s23+$0x0], vm1;
	v0 =	vnsel vm3, $0x0, v0  }
0x67d: {  	v7 =	vld [tilespmem:s7+$0xFFFFFF90];
	v0 =	vadd.f32 v0, v8  }
0x67e: {  	s18 =	simm.s32 $0x18640;
	v4 =	vnsel vm4, $0x0, v1;
	v8 =	vld [tilespmem:s7+$0xFFFFFFA0]  }
0x67f: {  	s8 =	simm.s32 $0x200;
	s10 =	simm.s32 $0x126F0;
	v5 =	vnsel vm5, $0x0, v9;
	v1 =	vnsel vm6, $0x0, v10;
	v9 =	vld [tilespmem:s7+$0xFFFFFFB0];
	[tilespmem:s18+$0x30] =	vst v0;
	v0 =	vnsel vm7, $0x0, v11  }
.LBB2_35:
0x680: {  	v10 =	vld [tilespmem:s10+$0x0];
	s8 =	sadd.s32 $0x8, s8;
	v2 =	vnsel vm0, $0x0, v2  }
0x681: {  	v6 =	vnsel vm2, $0x0, v6;
	v11 =	vld [tilespmem:s10+$0xFFFFFFA0];
	p3 =	slt.u32 s8, $0x278  }
0x682: {  	v3 =	vnsel vm1, $0x0, v3;
	v12 =	vld [tilespmem:s10+$0xFFFFFFB0];
	v6 =	vadd.f32 v6, v7  }
0x683: {  	v7 =	vld [tilespmem:s10+$0xFFFFFFC0];
	v4 =	vadd.f32 v4, v8  }
0x684: {  	v8 =	vld [tilespmem:s10+$0xFFFFFFD0];
	[tilespmem:s18+$0xFFFFFFC0] =	vst v6;
	v5 =	vadd.f32 v5, v9  }
0x685: {  	v6 =	vld [tilespmem:s10+$0xFFFFFFE0];
	v9 =	vadd.s32 $0xFFFEFC00, v10;
	[tilespmem:s18+$0xFFFFFFD0] =	vst v4  }
0x686: {  	v4 =	vadd.s32 $0xFFFEFC00, v11;
	v10 =	vld [tilespmem:s10+$0xFFFFFFF0];
	vm7 =	vlt.u32 v9, $0x82A0;
	[tilespmem:s18+$0xFFFFFFE0] =	vst v5  }
0x687: {  	v5 =	vld [tilespmem:s10+$0xFFFFFF90];
	vm6 =	vlt.u32 v4, $0x82A0;
	v11 =	vadd.s32 $0xFFFEFC00, v12  }
0x688: {  	vm3 =	vlt.u32 v11, $0x82A0;
	v7 =	vadd.s32 $0xFFFEFC00, v7;
	v12 =	vld [tilespmem:s7+$0xFFFFFFC0]  }
0x689: {  	vm4 =	vlt.u32 v7, $0x82A0;
	v8 =	vadd.s32 $0xFFFEFC00, v8;
	v13 =	vld [tilespmem:s7+$0xFFFFFFD0]  }
0x68a: {  	vm5 =	vlt.u32 v8, $0x82A0;
	v6 =	vadd.s32 $0xFFFEFC00, v6;
	v14 =	vld [tilespmem:s7+$0xFFFFFFE0]  }
0x68b: {  	vm0 =	vlt.u32 v6, $0x82A0;
	v10 =	vadd.s32 $0xFFFEFC00, v10;
	v15 =	vld [tilespmem:s7+$0xFFFFFFF0]  }
0x68c: {  	v5 =	vadd.s32 $0xFFFEFC00, v5;
	vm1 =	vlt.u32 v10, $0x82A0;
	v9 =	vld.idx.msk [tilespmem:v9+s23+$0x0], vm7  }
0x68d: {  	s7 =	sadd.s32 $0x80, s7;
	vm2 =	vlt.u32 v5, $0x82A0;
	v4 =	vld.idx.msk [tilespmem:v4+s23+$0x0], vm6;
	v1 =	vadd.f32 v1, v12  }
0x68e: {  	v12 =	vld [tilespmem:s7+$0x0];
	v0 =	vadd.f32 v0, v13  }
0x68f: {  	v11 =	vld.idx.msk [tilespmem:v11+s23+$0x0], vm3;
	[tilespmem:s18+$0xFFFFFFF0] =	vst v1;
	v1 =	vadd.f32 v2, v14  }
0x690: {  	v13 =	vld.idx.msk [tilespmem:v7+s23+$0x0], vm4;
	[tilespmem:s18+$0x0] =	vst v0;
	v0 =	vadd.f32 v3, v15  }
0x691: {  	v14 =	vld.idx.msk [tilespmem:v8+s23+$0x0], vm5;
	[tilespmem:s18+$0x10] =	vst v1  }
0x692: {  	v1 =	vnsel vm7, $0x0, v9;
	v2 =	vld.idx.msk [tilespmem:v6+s23+$0x0], vm0;
	[tilespmem:s18+$0x20] =	vst v0  }
.Ltmp18:
0x693: {  	v4 =	vnsel vm6, $0x0, v4;
	v6 =	vld.idx.msk [tilespmem:v5+s23+$0x0], vm2;
	v0 =	vadd.f32 v1, v12;
	(pc) =	sbr.rel @p3 .LBB2_35-.Ltmp18, $4  }
0x694: {  	s18 =	sadd.s32 $0x100, s18;
	v3 =	vld.idx.msk [tilespmem:v10+s23+$0x0], vm1  }
0x695: {  	v5 =	vnsel vm3, $0x0, v11;
	v7 =	vld [tilespmem:s7+$0xFFFFFF90];
	[tilespmem:s18+$0x30] =	vst v0  }
0x696: {  	v1 =	vnsel vm4, $0x0, v13;
	v8 =	vld [tilespmem:s7+$0xFFFFFFA0]  }
0x697: {  	s10 =	sadd.s32 $0x80, s10;
	v0 =	vnsel vm5, $0x0, v14;
	v9 =	vld [tilespmem:s7+$0xFFFFFFB0]  }
0x698: {  	v10 =	vld [tilespmem:s7+$0xFFFFFFC0]  }
0x699: {  	v6 =	vnsel vm2, $0x0, v6;
	v11 =	vld [tilespmem:s7+$0xFFFFFFD0]  }
0x69a: {  	v6 =	vadd.f32 v6, v7;
	v7 =	vld [tilespmem:s7+$0xFFFFFFE0]  }
0x69b: {  	v4 =	vadd.f32 v4, v8;
	v8 =	vld [tilespmem:s7+$0xFFFFFFF0]  }
0x69c: {  	[tilespmem:s18+$0xFFFFFFC0] =	vst v6;
	v5 =	vadd.f32 v5, v9  }
0x69d: {  	[tilespmem:s18+$0xFFFFFFD0] =	vst v4;
	v1 =	vadd.f32 v1, v10  }
0x69e: {  	v2 =	vnsel vm0, $0x0, v2;
	v0 =	vadd.f32 v0, v11;
	[tilespmem:s18+$0xFFFFFFE0] =	vst v5  }
0x69f: {  	v3 =	vnsel vm1, $0x0, v3;
	[tilespmem:s18+$0xFFFFFFF0] =	vst v1;
	v1 =	vadd.f32 v2, v7  }
0x6a0: {  	[tilespmem:s18+$0x0] =	vst v0;
	v0 =	vadd.f32 v3, v8  }
0x6a1: {  	[tilespmem:s18+$0x10] =	vst v1  }
0x6a2: {  	[tilespmem:s18+$0x20] =	vst v0  }
0x6a3: {  	s0 =	rddreg [dreg:$0x19]  }
0x6a4: {  	s7 =	sadd.s32 s3, s0  }
0x6a5: {  	[hbm4b:s7+s5] =	stream.linear.scatter [tilespmem:s11], [sflag:$0x3], $0x80, $0x38;
	[tilespmem:$0x19E00] =	vst v63  }
0x6a6: {  	s10 =	simm.s32 $0x18700;
	s8 =	sadd.s32 $0x80, s7  }
0x6a7: {  	[hbm4b:s8+s5] =	stream.linear.scatter [tilespmem:s10], [sflag:$0x3], $0x80, $0x38;
	[tilespmem:$0x19E00] =	vst v63  }
0x6a8: {  	s18 =	simm.s32 $0x18800;
	s15 =	sadd.s32 $0x100, s7  }
0x6a9: {  	[hbm4b:s15+s5] =	stream.linear.scatter [tilespmem:s18], [sflag:$0x3], $0x80, $0x38;
	[tilespmem:$0x19E00] =	vst v63  }
0x6aa: {  	s24 =	simm.s32 $0x18900;
	s19 =	sadd.s32 $0x180, s7  }
0x6ab: {  	[hbm4b:s19+s5] =	stream.linear.scatter [tilespmem:s24], [sflag:$0x3], $0x80, $0x38;
	[tilespmem:$0x19E00] =	vst v63  }
0x6ac: {  	s0 =	sadd.s32 $0x200, s7;
	s10 =	simm.s32 $0x18A00  }
0x6ad: {  	[hbm4b:s0+s5] =	stream.linear.scatter [tilespmem:s10], [sflag:$0x3], $0x80, $0x38;
	[tilespmem:$0x19E00] =	vst v63  }
0x6ae: {  	s15 =	sadd.s32 $0x280, s7;
	s18 =	simm.s32 $0x18B00  }
0x6af: {  	[hbm4b:s15+s5] =	stream.linear.scatter [tilespmem:s18], [sflag:$0x3], $0x80, $0x38;
	[tilespmem:$0x19E00] =	vst v63  }
0x6b0: {  	s19 =	sadd.s32 $0x300, s7;
	s24 =	simm.s32 $0x18C00  }
0x6b1: {  	[hbm4b:s19+s5] =	stream.linear.scatter [tilespmem:s24], [sflag:$0x3], $0x80, $0x38;
	[tilespmem:$0x19E00] =	vst v63  }
0x6b2: {  	s0 =	sadd.s32 $0x380, s7;
	s10 =	simm.s32 $0x18D00  }
0x6b3: {  	[hbm4b:s0+s5] =	stream.linear.scatter [tilespmem:s10], [sflag:$0x3], $0x80, $0x38;
	[tilespmem:$0x19E00] =	vst v63  }
0x6b4: {  	s15 =	sadd.s32 $0x400, s7;
	s18 =	simm.s32 $0x18E00  }
0x6b5: {  	[hbm4b:s15+s5] =	stream.linear.scatter [tilespmem:s18], [sflag:$0x3], $0x80, $0x38;
	[tilespmem:$0x19E00] =	vst v63  }
0x6b6: {  	s19 =	sadd.s32 $0x480, s7;
	s24 =	simm.s32 $0x18F00  }
0x6b7: {  	[hbm4b:s19+s5] =	stream.linear.scatter [tilespmem:s24], [sflag:$0x3], $0x80, $0x38;
	[tilespmem:$0x19E00] =	vst v63  }
0x6b8: {  	s0 =	sadd.s32 $0x500, s7;
	s10 =	simm.s32 $0x19000  }
0x6b9: {  	[hbm4b:s0+s5] =	stream.linear.scatter [tilespmem:s10], [sflag:$0x3], $0x80, $0x38;
	[tilespmem:$0x19E00] =	vst v63  }
0x6ba: {  	s15 =	sadd.s32 $0x580, s7;
	s18 =	simm.s32 $0x19100  }
0x6bb: {  	[hbm4b:s15+s5] =	stream.linear.scatter [tilespmem:s18], [sflag:$0x3], $0x80, $0x38;
	[tilespmem:$0x19E00] =	vst v63  }
0x6bc: {  	s19 =	sadd.s32 $0x600, s7;
	s24 =	simm.s32 $0x19200  }
0x6bd: {  	[hbm4b:s19+s5] =	stream.linear.scatter [tilespmem:s24], [sflag:$0x3], $0x80, $0x38;
	[tilespmem:$0x19E00] =	vst v63  }
0x6be: {  	s0 =	sadd.s32 $0x680, s7;
	s10 =	simm.s32 $0x19300  }
0x6bf: {  	[hbm4b:s0+s5] =	stream.linear.scatter [tilespmem:s10], [sflag:$0x3], $0x80, $0x38;
	[tilespmem:$0x19E00] =	vst v63  }
0x6c0: {  	s15 =	sadd.s32 $0x700, s7;
	s18 =	simm.s32 $0x19400  }
0x6c1: {  	[hbm4b:s15+s5] =	stream.linear.scatter [tilespmem:s18], [sflag:$0x3], $0x80, $0x38;
	[tilespmem:$0x19E00] =	vst v63  }
0x6c2: {  	s7 =	sadd.s32 $0x780, s7;
	s19 =	simm.s32 $0x19500;
	s0 =	sld [smem:$0x7FA]  }
0x6c3: {  	[hbm4b:s7+s5] =	stream.linear.scatter [tilespmem:s19], [sflag:$0x3], $0x80, $0x38;
	[tilespmem:$0x19E00] =	vst v63  }
0x6c4: {  	s8 =	simm.s32 @!p2 $0x400;
	s10 =	simm.s32 @!p2 $0x12600;
	s7 =	simm.s32 @!p2 $0x80  }
0x6c5: {  	[tilespmem:s10], [sflag:$0x2] =	stream.strided.gather @!p2 [spmem:s0], $0x800, s8, s7, $0x38;
	[tilespmem:$0x19E00] =	vst v63  }
0x6c6: {  	_ =	swait.ge [sflag:s16], $0x800  }
0x6c7: {  	[sflag:s16] =	ssyncset.done $0x0  }
0x6c8: {  	s24 =	simm.s32 $0x12E70;
	[sflag:s16] =	ssyncadd.s32 $0xFFFFF800  }
0x6c9: {  	v0 =	vld [tilespmem:s24+$0x0]  }
0x6ca: {  	v1 =	vld [tilespmem:s24+$0xFFFFFFA0]  }
0x6cb: {  	v2 =	vld [tilespmem:s24+$0xFFFFFFB0]  }
0x6cc: {  	v3 =	vld [tilespmem:s24+$0xFFFFFFC0]  }
0x6cd: {  	v4 =	vld [tilespmem:s24+$0xFFFFFFD0]  }
0x6ce: {  	v5 =	vld [tilespmem:s24+$0xFFFFFFE0];
	v0 =	vadd.s32 $0xFFFEFC00, v0  }
0x6cf: {  	v6 =	vld [tilespmem:s24+$0xFFFFFF90];
	v1 =	vadd.s32 $0xFFFEFC00, v1;
	vm3 =	vlt.u32 v0, $0x82A0  }
0x6d0: {  	v7 =	vld [tilespmem:s24+$0xFFFFFFF0];
	v2 =	vadd.s32 $0xFFFEFC00, v2;
	vm4 =	vlt.u32 v1, $0x82A0  }
0x6d1: {  	v3 =	vadd.s32 $0xFFFEFC00, v3;
	vm5 =	vlt.u32 v2, $0x82A0  }
0x6d2: {  	v4 =	vadd.s32 $0xFFFEFC00, v4;
	vm6 =	vlt.u32 v3, $0x82A0  }
0x6d3: {  	s7 =	simm.s32 $0x16E70;
	v5 =	vadd.s32 $0xFFFEFC00, v5;
	vm7 =	vlt.u32 v4, $0x82A0  }
0x6d4: {  	v8 =	vld [tilespmem:s7+$0x0];
	v6 =	vadd.s32 $0xFFFEFC00, v6;
	vm0 =	vlt.u32 v5, $0x82A0  }
0x6d5: {  	v7 =	vadd.s32 $0xFFFEFC00, v7;
	vm2 =	vlt.u32 v6, $0x82A0;
	v0 =	vld.idx.msk [tilespmem:v0+s23+$0x0], vm3  }
0x6d6: {  	vm1 =	vlt.u32 v7, $0x82A0;
	v1 =	vld.idx.msk [tilespmem:v1+s23+$0x0], vm4  }
0x6d7: {  	v9 =	vld.idx.msk [tilespmem:v2+s23+$0x0], vm5  }
0x6d8: {  	v10 =	vld.idx.msk [tilespmem:v3+s23+$0x0], vm6  }
0x6d9: {  	v11 =	vld.idx.msk [tilespmem:v4+s23+$0x0], vm7  }
0x6da: {  	v2 =	vld.idx.msk [tilespmem:v5+s23+$0x0], vm0  }
0x6db: {  	v6 =	vld.idx.msk [tilespmem:v6+s23+$0x0], vm2  }
0x6dc: {  	v3 =	vld.idx.msk [tilespmem:v7+s23+$0x0], vm1;
	v0 =	vnsel vm3, $0x0, v0  }
0x6dd: {  	v7 =	vld [tilespmem:s7+$0xFFFFFF90];
	v0 =	vadd.f32 v0, v8  }
0x6de: {  	s18 =	simm.s32 $0x186F0;
	v4 =	vnsel vm4, $0x0, v1;
	v8 =	vld [tilespmem:s7+$0xFFFFFFA0]  }
0x6df: {  	s8 =	simm.s32 $0x280;
	s10 =	simm.s32 $0x12EF0;
	v5 =	vnsel vm5, $0x0, v9;
	v1 =	vnsel vm6, $0x0, v10;
	v9 =	vld [tilespmem:s7+$0xFFFFFFB0];
	[tilespmem:s18+$0x0] =	vst v0;
	v0 =	vnsel vm7, $0x0, v11  }
.LBB2_37:
0x6e0: {  	v10 =	vld [tilespmem:s10+$0x0];
	s8 =	sadd.s32 $0x8, s8;
	v2 =	vnsel vm0, $0x0, v2  }
0x6e1: {  	v6 =	vnsel vm2, $0x0, v6;
	v11 =	vld [tilespmem:s10+$0xFFFFFFA0];
	p3 =	slt.u32 s8, $0x2F8  }
0x6e2: {  	v3 =	vnsel vm1, $0x0, v3;
	v12 =	vld [tilespmem:s10+$0xFFFFFFB0];
	v6 =	vadd.f32 v6, v7  }
0x6e3: {  	v7 =	vld [tilespmem:s10+$0xFFFFFFC0];
	v4 =	vadd.f32 v4, v8  }
0x6e4: {  	v8 =	vld [tilespmem:s10+$0xFFFFFFD0];
	[tilespmem:s18+$0xFFFFFF90] =	vst v6;
	v5 =	vadd.f32 v5, v9  }
0x6e5: {  	v6 =	vld [tilespmem:s10+$0xFFFFFFE0];
	v9 =	vadd.s32 $0xFFFEFC00, v10;
	[tilespmem:s18+$0xFFFFFFA0] =	vst v4  }
0x6e6: {  	v4 =	vadd.s32 $0xFFFEFC00, v11;
	v10 =	vld [tilespmem:s10+$0xFFFFFFF0];
	vm7 =	vlt.u32 v9, $0x82A0;
	[tilespmem:s18+$0xFFFFFFB0] =	vst v5  }
0x6e7: {  	v5 =	vld [tilespmem:s10+$0xFFFFFF90];
	vm6 =	vlt.u32 v4, $0x82A0;
	v11 =	vadd.s32 $0xFFFEFC00, v12  }
0x6e8: {  	vm3 =	vlt.u32 v11, $0x82A0;
	v7 =	vadd.s32 $0xFFFEFC00, v7;
	v12 =	vld [tilespmem:s7+$0xFFFFFFC0]  }
0x6e9: {  	vm4 =	vlt.u32 v7, $0x82A0;
	v8 =	vadd.s32 $0xFFFEFC00, v8;
	v13 =	vld [tilespmem:s7+$0xFFFFFFD0]  }
0x6ea: {  	vm5 =	vlt.u32 v8, $0x82A0;
	v6 =	vadd.s32 $0xFFFEFC00, v6;
	v14 =	vld [tilespmem:s7+$0xFFFFFFE0]  }
0x6eb: {  	vm0 =	vlt.u32 v6, $0x82A0;
	v10 =	vadd.s32 $0xFFFEFC00, v10;
	v15 =	vld [tilespmem:s7+$0xFFFFFFF0]  }
0x6ec: {  	v5 =	vadd.s32 $0xFFFEFC00, v5;
	vm1 =	vlt.u32 v10, $0x82A0;
	v9 =	vld.idx.msk [tilespmem:v9+s23+$0x0], vm7  }
0x6ed: {  	s7 =	sadd.s32 $0x80, s7;
	vm2 =	vlt.u32 v5, $0x82A0;
	v4 =	vld.idx.msk [tilespmem:v4+s23+$0x0], vm6;
	v1 =	vadd.f32 v1, v12  }
0x6ee: {  	v12 =	vld [tilespmem:s7+$0x0];
	v0 =	vadd.f32 v0, v13  }
0x6ef: {  	v11 =	vld.idx.msk [tilespmem:v11+s23+$0x0], vm3;
	[tilespmem:s18+$0xFFFFFFC0] =	vst v1;
	v1 =	vadd.f32 v2, v14  }
0x6f0: {  	v13 =	vld.idx.msk [tilespmem:v7+s23+$0x0], vm4;
	[tilespmem:s18+$0xFFFFFFD0] =	vst v0;
	v0 =	vadd.f32 v3, v15  }
0x6f1: {  	v14 =	vld.idx.msk [tilespmem:v8+s23+$0x0], vm5;
	[tilespmem:s18+$0xFFFFFFE0] =	vst v1  }
0x6f2: {  	v1 =	vnsel vm7, $0x0, v9;
	v2 =	vld.idx.msk [tilespmem:v6+s23+$0x0], vm0;
	[tilespmem:s18+$0xFFFFFFF0] =	vst v0  }
.Ltmp19:
0x6f3: {  	v4 =	vnsel vm6, $0x0, v4;
	v6 =	vld.idx.msk [tilespmem:v5+s23+$0x0], vm2;
	v0 =	vadd.f32 v1, v12;
	(pc) =	sbr.rel @p3 .LBB2_37-.Ltmp19, $4  }
0x6f4: {  	s18 =	sadd.s32 $0x100, s18;
	v3 =	vld.idx.msk [tilespmem:v10+s23+$0x0], vm1  }
0x6f5: {  	v5 =	vnsel vm3, $0x0, v11;
	v7 =	vld [tilespmem:s7+$0xFFFFFF90];
	[tilespmem:s18+$0x0] =	vst v0  }
0x6f6: {  	v1 =	vnsel vm4, $0x0, v13;
	v8 =	vld [tilespmem:s7+$0xFFFFFFA0]  }
0x6f7: {  	s10 =	sadd.s32 $0x80, s10;
	v0 =	vnsel vm5, $0x0, v14;
	v9 =	vld [tilespmem:s7+$0xFFFFFFB0]  }
0x6f8: {  	v10 =	vld [tilespmem:s7+$0xFFFFFFC0]  }
0x6f9: {  	v6 =	vnsel vm2, $0x0, v6;
	v11 =	vld [tilespmem:s7+$0xFFFFFFD0]  }
0x6fa: {  	v6 =	vadd.f32 v6, v7;
	v7 =	vld [tilespmem:s7+$0xFFFFFFE0]  }
0x6fb: {  	v4 =	vadd.f32 v4, v8;
	v8 =	vld [tilespmem:s7+$0xFFFFFFF0]  }
0x6fc: {  	[tilespmem:s18+$0xFFFFFF90] =	vst v6;
	v5 =	vadd.f32 v5, v9  }
0x6fd: {  	[tilespmem:s18+$0xFFFFFFA0] =	vst v4;
	v1 =	vadd.f32 v1, v10  }
0x6fe: {  	v2 =	vnsel vm0, $0x0, v2;
	v0 =	vadd.f32 v0, v11;
	[tilespmem:s18+$0xFFFFFFB0] =	vst v5  }
0x6ff: {  	v3 =	vnsel vm1, $0x0, v3;
	[tilespmem:s18+$0xFFFFFFC0] =	vst v1;
	v1 =	vadd.f32 v2, v7  }
0x700: {  	[tilespmem:s18+$0xFFFFFFD0] =	vst v0;
	v0 =	vadd.f32 v3, v8  }
0x701: {  	[tilespmem:s18+$0xFFFFFFE0] =	vst v1  }
0x702: {  	[tilespmem:s18+$0xFFFFFFF0] =	vst v0  }
0x703: {  	s0 =	rddreg [dreg:$0x1a]  }
0x704: {  	s8 =	simm.s32 $0x18680;
	s7 =	sadd.s32 s3, s0  }
0x705: {  	[hbm4b:s7+s5] =	stream.linear.scatter [tilespmem:s8], [sflag:$0x3], $0x80, $0x38;
	[tilespmem:$0x19E00] =	vst v63  }
0x706: {  	s10 =	simm.s32 $0x18780;
	s8 =	sadd.s32 $0x80, s7  }
0x707: {  	[hbm4b:s8+s5] =	stream.linear.scatter [tilespmem:s10], [sflag:$0x3], $0x80, $0x38;
	[tilespmem:$0x19E00] =	vst v63  }
0x708: {  	s18 =	simm.s32 $0x18880;
	s15 =	sadd.s32 $0x100, s7  }
0x709: {  	[hbm4b:s15+s5] =	stream.linear.scatter [tilespmem:s18], [sflag:$0x3], $0x80, $0x38;
	[tilespmem:$0x19E00] =	vst v63  }
0x70a: {  	s24 =	simm.s32 $0x18980;
	s19 =	sadd.s32 $0x180, s7  }
0x70b: {  	[hbm4b:s19+s5] =	stream.linear.scatter [tilespmem:s24], [sflag:$0x3], $0x80, $0x38;
	[tilespmem:$0x19E00] =	vst v63  }
0x70c: {  	s0 =	sadd.s32 $0x200, s7;
	s10 =	simm.s32 $0x18A80  }
0x70d: {  	[hbm4b:s0+s5] =	stream.linear.scatter [tilespmem:s10], [sflag:$0x3], $0x80, $0x38;
	[tilespmem:$0x19E00] =	vst v63  }
0x70e: {  	s15 =	sadd.s32 $0x280, s7;
	s18 =	simm.s32 $0x18B80  }
0x70f: {  	[hbm4b:s15+s5] =	stream.linear.scatter [tilespmem:s18], [sflag:$0x3], $0x80, $0x38;
	[tilespmem:$0x19E00] =	vst v63  }
0x710: {  	s19 =	sadd.s32 $0x300, s7;
	s24 =	simm.s32 $0x18C80  }
0x711: {  	[hbm4b:s19+s5] =	stream.linear.scatter [tilespmem:s24], [sflag:$0x3], $0x80, $0x38;
	[tilespmem:$0x19E00] =	vst v63  }
0x712: {  	s0 =	sadd.s32 $0x380, s7;
	s10 =	simm.s32 $0x18D80  }
0x713: {  	[hbm4b:s0+s5] =	stream.linear.scatter [tilespmem:s10], [sflag:$0x3], $0x80, $0x38;
	[tilespmem:$0x19E00] =	vst v63  }
0x714: {  	s15 =	sadd.s32 $0x400, s7;
	s18 =	simm.s32 $0x18E80  }
0x715: {  	[hbm4b:s15+s5] =	stream.linear.scatter [tilespmem:s18], [sflag:$0x3], $0x80, $0x38;
	[tilespmem:$0x19E00] =	vst v63  }
0x716: {  	s19 =	sadd.s32 $0x480, s7;
	s24 =	simm.s32 $0x18F80  }
0x717: {  	[hbm4b:s19+s5] =	stream.linear.scatter [tilespmem:s24], [sflag:$0x3], $0x80, $0x38;
	[tilespmem:$0x19E00] =	vst v63  }
0x718: {  	s0 =	sadd.s32 $0x500, s7;
	s10 =	simm.s32 $0x19080  }
0x719: {  	[hbm4b:s0+s5] =	stream.linear.scatter [tilespmem:s10], [sflag:$0x3], $0x80, $0x38;
	[tilespmem:$0x19E00] =	vst v63  }
0x71a: {  	s15 =	sadd.s32 $0x580, s7;
	s18 =	simm.s32 $0x19180  }
0x71b: {  	[hbm4b:s15+s5] =	stream.linear.scatter [tilespmem:s18], [sflag:$0x3], $0x80, $0x38;
	[tilespmem:$0x19E00] =	vst v63  }
0x71c: {  	s19 =	sadd.s32 $0x600, s7;
	s24 =	simm.s32 $0x19280  }
0x71d: {  	[hbm4b:s19+s5] =	stream.linear.scatter [tilespmem:s24], [sflag:$0x3], $0x80, $0x38;
	[tilespmem:$0x19E00] =	vst v63  }
0x71e: {  	s0 =	sadd.s32 $0x680, s7;
	s10 =	simm.s32 $0x19380  }
0x71f: {  	[hbm4b:s0+s5] =	stream.linear.scatter [tilespmem:s10], [sflag:$0x3], $0x80, $0x38;
	[tilespmem:$0x19E00] =	vst v63  }
0x720: {  	s15 =	sadd.s32 $0x700, s7;
	s18 =	simm.s32 $0x19480  }
0x721: {  	[hbm4b:s15+s5] =	stream.linear.scatter [tilespmem:s18], [sflag:$0x3], $0x80, $0x38;
	[tilespmem:$0x19E00] =	vst v63  }
0x722: {  	s7 =	sadd.s32 $0x780, s7;
	s19 =	simm.s32 $0x19580  }
0x723: {  	[hbm4b:s7+s5] =	stream.linear.scatter [tilespmem:s19], [sflag:$0x3], $0x80, $0x38;
	[tilespmem:$0x19E00] =	vst v63  }
0x724: {  	s8 =	simm.s32 @!p2 $0x400;
	s10 =	simm.s32 @!p2 $0x12E00;
	s7 =	simm.s32 @!p2 $0x80  }
0x725: {  	[tilespmem:s10], [sflag:$0x2] =	stream.strided.gather @!p2 [spmem:s20], $0x800, s8, s7, $0x38;
	[tilespmem:$0x19E00] =	vst v63  }
0x726: {  	_ =	swait.ge [sflag:s16], $0x800  }
0x727: {  	[sflag:s16] =	ssyncset.done $0x0  }
0x728: {  	s24 =	simm.s32 $0x13670;
	[sflag:s16] =	ssyncadd.s32 $0xFFFFF800  }
0x729: {  	v0 =	vld [tilespmem:s24+$0x0]  }
0x72a: {  	v1 =	vld [tilespmem:s24+$0xFFFFFFA0]  }
0x72b: {  	v2 =	vld [tilespmem:s24+$0xFFFFFFB0]  }
0x72c: {  	v3 =	vld [tilespmem:s24+$0xFFFFFFC0]  }
0x72d: {  	v4 =	vld [tilespmem:s24+$0xFFFFFFD0]  }
0x72e: {  	v5 =	vld [tilespmem:s24+$0xFFFFFFE0];
	v0 =	vadd.s32 $0xFFFEFC00, v0  }
0x72f: {  	v6 =	vld [tilespmem:s24+$0xFFFFFF90];
	v1 =	vadd.s32 $0xFFFEFC00, v1;
	vm3 =	vlt.u32 v0, $0x82A0  }
0x730: {  	v7 =	vld [tilespmem:s24+$0xFFFFFFF0];
	v2 =	vadd.s32 $0xFFFEFC00, v2;
	vm4 =	vlt.u32 v1, $0x82A0  }
0x731: {  	v3 =	vadd.s32 $0xFFFEFC00, v3;
	vm5 =	vlt.u32 v2, $0x82A0  }
0x732: {  	v4 =	vadd.s32 $0xFFFEFC00, v4;
	vm6 =	vlt.u32 v3, $0x82A0  }
0x733: {  	s7 =	simm.s32 $0x17670;
	v5 =	vadd.s32 $0xFFFEFC00, v5;
	vm7 =	vlt.u32 v4, $0x82A0  }
0x734: {  	v8 =	vld [tilespmem:s7+$0x0];
	v6 =	vadd.s32 $0xFFFEFC00, v6;
	vm0 =	vlt.u32 v5, $0x82A0  }
0x735: {  	v7 =	vadd.s32 $0xFFFEFC00, v7;
	vm2 =	vlt.u32 v6, $0x82A0;
	v0 =	vld.idx.msk [tilespmem:v0+s23+$0x0], vm3  }
0x736: {  	vm1 =	vlt.u32 v7, $0x82A0;
	v1 =	vld.idx.msk [tilespmem:v1+s23+$0x0], vm4  }
0x737: {  	v9 =	vld.idx.msk [tilespmem:v2+s23+$0x0], vm5  }
0x738: {  	v10 =	vld.idx.msk [tilespmem:v3+s23+$0x0], vm6  }
0x739: {  	v11 =	vld.idx.msk [tilespmem:v4+s23+$0x0], vm7  }
0x73a: {  	v2 =	vld.idx.msk [tilespmem:v5+s23+$0x0], vm0  }
0x73b: {  	v6 =	vld.idx.msk [tilespmem:v6+s23+$0x0], vm2  }
0x73c: {  	v3 =	vld.idx.msk [tilespmem:v7+s23+$0x0], vm1;
	v0 =	vnsel vm3, $0x0, v0  }
0x73d: {  	v7 =	vld [tilespmem:s7+$0xFFFFFF90];
	v0 =	vadd.f32 v0, v8  }
0x73e: {  	s18 =	simm.s32 $0x18640;
	v4 =	vnsel vm4, $0x0, v1;
	v8 =	vld [tilespmem:s7+$0xFFFFFFA0]  }
0x73f: {  	s8 =	simm.s32 $0x300;
	s10 =	simm.s32 $0x136F0;
	v5 =	vnsel vm5, $0x0, v9;
	v1 =	vnsel vm6, $0x0, v10;
	v9 =	vld [tilespmem:s7+$0xFFFFFFB0];
	[tilespmem:s18+$0x30] =	vst v0;
	v0 =	vnsel vm7, $0x0, v11  }
.LBB2_39:
0x740: {  	v10 =	vld [tilespmem:s10+$0x0];
	s8 =	sadd.s32 $0x8, s8;
	v2 =	vnsel vm0, $0x0, v2  }
0x741: {  	v6 =	vnsel vm2, $0x0, v6;
	v11 =	vld [tilespmem:s10+$0xFFFFFFA0];
	p3 =	slt.u32 s8, $0x378  }
0x742: {  	v3 =	vnsel vm1, $0x0, v3;
	v12 =	vld [tilespmem:s10+$0xFFFFFFB0];
	v6 =	vadd.f32 v6, v7  }
0x743: {  	v7 =	vld [tilespmem:s10+$0xFFFFFFC0];
	v4 =	vadd.f32 v4, v8  }
0x744: {  	v8 =	vld [tilespmem:s10+$0xFFFFFFD0];
	[tilespmem:s18+$0xFFFFFFC0] =	vst v6;
	v5 =	vadd.f32 v5, v9  }
0x745: {  	v6 =	vld [tilespmem:s10+$0xFFFFFFE0];
	v9 =	vadd.s32 $0xFFFEFC00, v10;
	[tilespmem:s18+$0xFFFFFFD0] =	vst v4  }
0x746: {  	v4 =	vadd.s32 $0xFFFEFC00, v11;
	v10 =	vld [tilespmem:s10+$0xFFFFFFF0];
	vm7 =	vlt.u32 v9, $0x82A0;
	[tilespmem:s18+$0xFFFFFFE0] =	vst v5  }
0x747: {  	v5 =	vld [tilespmem:s10+$0xFFFFFF90];
	vm6 =	vlt.u32 v4, $0x82A0;
	v11 =	vadd.s32 $0xFFFEFC00, v12  }
0x748: {  	vm3 =	vlt.u32 v11, $0x82A0;
	v7 =	vadd.s32 $0xFFFEFC00, v7;
	v12 =	vld [tilespmem:s7+$0xFFFFFFC0]  }
0x749: {  	vm4 =	vlt.u32 v7, $0x82A0;
	v8 =	vadd.s32 $0xFFFEFC00, v8;
	v13 =	vld [tilespmem:s7+$0xFFFFFFD0]  }
0x74a: {  	vm5 =	vlt.u32 v8, $0x82A0;
	v6 =	vadd.s32 $0xFFFEFC00, v6;
	v14 =	vld [tilespmem:s7+$0xFFFFFFE0]  }
0x74b: {  	vm0 =	vlt.u32 v6, $0x82A0;
	v10 =	vadd.s32 $0xFFFEFC00, v10;
	v15 =	vld [tilespmem:s7+$0xFFFFFFF0]  }
0x74c: {  	v5 =	vadd.s32 $0xFFFEFC00, v5;
	vm1 =	vlt.u32 v10, $0x82A0;
	v9 =	vld.idx.msk [tilespmem:v9+s23+$0x0], vm7  }
0x74d: {  	s7 =	sadd.s32 $0x80, s7;
	vm2 =	vlt.u32 v5, $0x82A0;
	v4 =	vld.idx.msk [tilespmem:v4+s23+$0x0], vm6;
	v1 =	vadd.f32 v1, v12  }
0x74e: {  	v12 =	vld [tilespmem:s7+$0x0];
	v0 =	vadd.f32 v0, v13  }
0x74f: {  	v11 =	vld.idx.msk [tilespmem:v11+s23+$0x0], vm3;
	[tilespmem:s18+$0xFFFFFFF0] =	vst v1;
	v1 =	vadd.f32 v2, v14  }
0x750: {  	v13 =	vld.idx.msk [tilespmem:v7+s23+$0x0], vm4;
	[tilespmem:s18+$0x0] =	vst v0;
	v0 =	vadd.f32 v3, v15  }
0x751: {  	v14 =	vld.idx.msk [tilespmem:v8+s23+$0x0], vm5;
	[tilespmem:s18+$0x10] =	vst v1  }
0x752: {  	v1 =	vnsel vm7, $0x0, v9;
	v2 =	vld.idx.msk [tilespmem:v6+s23+$0x0], vm0;
	[tilespmem:s18+$0x20] =	vst v0  }
.Ltmp20:
0x753: {  	v4 =	vnsel vm6, $0x0, v4;
	v6 =	vld.idx.msk [tilespmem:v5+s23+$0x0], vm2;
	v0 =	vadd.f32 v1, v12;
	(pc) =	sbr.rel @p3 .LBB2_39-.Ltmp20, $4  }
0x754: {  	s18 =	sadd.s32 $0x100, s18;
	v3 =	vld.idx.msk [tilespmem:v10+s23+$0x0], vm1  }
0x755: {  	v5 =	vnsel vm3, $0x0, v11;
	v7 =	vld [tilespmem:s7+$0xFFFFFF90];
	[tilespmem:s18+$0x30] =	vst v0  }
0x756: {  	v1 =	vnsel vm4, $0x0, v13;
	v8 =	vld [tilespmem:s7+$0xFFFFFFA0]  }
0x757: {  	s10 =	sadd.s32 $0x80, s10;
	v0 =	vnsel vm5, $0x0, v14;
	v9 =	vld [tilespmem:s7+$0xFFFFFFB0]  }
0x758: {  	v10 =	vld [tilespmem:s7+$0xFFFFFFC0]  }
0x759: {  	v6 =	vnsel vm2, $0x0, v6;
	v11 =	vld [tilespmem:s7+$0xFFFFFFD0]  }
0x75a: {  	v6 =	vadd.f32 v6, v7;
	v7 =	vld [tilespmem:s7+$0xFFFFFFE0]  }
0x75b: {  	v4 =	vadd.f32 v4, v8;
	v8 =	vld [tilespmem:s7+$0xFFFFFFF0]  }
0x75c: {  	[tilespmem:s18+$0xFFFFFFC0] =	vst v6;
	v5 =	vadd.f32 v5, v9  }
0x75d: {  	[tilespmem:s18+$0xFFFFFFD0] =	vst v4;
	v1 =	vadd.f32 v1, v10  }
0x75e: {  	v2 =	vnsel vm0, $0x0, v2;
	v0 =	vadd.f32 v0, v11;
	[tilespmem:s18+$0xFFFFFFE0] =	vst v5  }
0x75f: {  	v3 =	vnsel vm1, $0x0, v3;
	[tilespmem:s18+$0xFFFFFFF0] =	vst v1;
	v1 =	vadd.f32 v2, v7  }
0x760: {  	[tilespmem:s18+$0x0] =	vst v0;
	v0 =	vadd.f32 v3, v8  }
0x761: {  	[tilespmem:s18+$0x10] =	vst v1  }
0x762: {  	[tilespmem:s18+$0x20] =	vst v0  }
0x763: {  	s0 =	rddreg [dreg:$0x1b]  }
0x764: {  	s7 =	sadd.s32 s3, s0  }
0x765: {  	[hbm4b:s7+s5] =	stream.linear.scatter [tilespmem:s11], [sflag:$0x3], $0x80, $0x38;
	[tilespmem:$0x19E00] =	vst v63  }
0x766: {  	s15 =	simm.s32 $0x18700;
	s8 =	sadd.s32 $0x80, s7  }
0x767: {  	[hbm4b:s8+s5] =	stream.linear.scatter [tilespmem:s15], [sflag:$0x3], $0x80, $0x38;
	[tilespmem:$0x19E00] =	vst v63  }
0x768: {  	s19 =	simm.s32 $0x18800;
	s18 =	sadd.s32 $0x100, s7  }
0x769: {  	[hbm4b:s18+s5] =	stream.linear.scatter [tilespmem:s19], [sflag:$0x3], $0x80, $0x38;
	[tilespmem:$0x19E00] =	vst v63  }
0x76a: {  	s24 =	simm.s32 $0x18900;
	s20 =	sadd.s32 $0x180, s7  }
0x76b: {  	[hbm4b:s20+s5] =	stream.linear.scatter [tilespmem:s24], [sflag:$0x3], $0x80, $0x38;
	[tilespmem:$0x19E00] =	vst v63  }
0x76c: {  	s10 =	simm.s32 $0x18A00;
	s0 =	sadd.s32 $0x200, s7  }
0x76d: {  	[hbm4b:s0+s5] =	stream.linear.scatter [tilespmem:s10], [sflag:$0x3], $0x80, $0x38;
	[tilespmem:$0x19E00] =	vst v63  }
0x76e: {  	s11 =	sadd.s32 $0x280, s7;
	s15 =	simm.s32 $0x18B00  }
0x76f: {  	[hbm4b:s11+s5] =	stream.linear.scatter [tilespmem:s15], [sflag:$0x3], $0x80, $0x38;
	[tilespmem:$0x19E00] =	vst v63  }
0x770: {  	s18 =	sadd.s32 $0x300, s7;
	s19 =	simm.s32 $0x18C00  }
0x771: {  	[hbm4b:s18+s5] =	stream.linear.scatter [tilespmem:s19], [sflag:$0x3], $0x80, $0x38;
	[tilespmem:$0x19E00] =	vst v63  }
0x772: {  	s20 =	sadd.s32 $0x380, s7;
	s24 =	simm.s32 $0x18D00  }
0x773: {  	[hbm4b:s20+s5] =	stream.linear.scatter [tilespmem:s24], [sflag:$0x3], $0x80, $0x38;
	[tilespmem:$0x19E00] =	vst v63  }
0x774: {  	s0 =	sadd.s32 $0x400, s7;
	s10 =	simm.s32 $0x18E00  }
0x775: {  	[hbm4b:s0+s5] =	stream.linear.scatter [tilespmem:s10], [sflag:$0x3], $0x80, $0x38;
	[tilespmem:$0x19E00] =	vst v63  }
0x776: {  	s11 =	sadd.s32 $0x480, s7;
	s15 =	simm.s32 $0x18F00  }
0x777: {  	[hbm4b:s11+s5] =	stream.linear.scatter [tilespmem:s15], [sflag:$0x3], $0x80, $0x38;
	[tilespmem:$0x19E00] =	vst v63  }
0x778: {  	s18 =	sadd.s32 $0x500, s7;
	s19 =	simm.s32 $0x19000  }
0x779: {  	[hbm4b:s18+s5] =	stream.linear.scatter [tilespmem:s19], [sflag:$0x3], $0x80, $0x38;
	[tilespmem:$0x19E00] =	vst v63  }
0x77a: {  	s20 =	sadd.s32 $0x580, s7;
	s24 =	simm.s32 $0x19100  }
0x77b: {  	[hbm4b:s20+s5] =	stream.linear.scatter [tilespmem:s24], [sflag:$0x3], $0x80, $0x38;
	[tilespmem:$0x19E00] =	vst v63  }
0x77c: {  	s0 =	sadd.s32 $0x600, s7;
	s10 =	simm.s32 $0x19200  }
0x77d: {  	[hbm4b:s0+s5] =	stream.linear.scatter [tilespmem:s10], [sflag:$0x3], $0x80, $0x38;
	[tilespmem:$0x19E00] =	vst v63  }
0x77e: {  	s11 =	sadd.s32 $0x680, s7;
	s15 =	simm.s32 $0x19300  }
0x77f: {  	[hbm4b:s11+s5] =	stream.linear.scatter [tilespmem:s15], [sflag:$0x3], $0x80, $0x38;
	[tilespmem:$0x19E00] =	vst v63  }
0x780: {  	s18 =	sadd.s32 $0x700, s7;
	s19 =	simm.s32 $0x19400  }
0x781: {  	[hbm4b:s18+s5] =	stream.linear.scatter [tilespmem:s19], [sflag:$0x3], $0x80, $0x38;
	[tilespmem:$0x19E00] =	vst v63  }
0x782: {  	s7 =	sadd.s32 $0x780, s7;
	s20 =	simm.s32 $0x19500;
	s0 =	sld [smem:$0x7FB]  }
0x783: {  	[hbm4b:s7+s5] =	stream.linear.scatter [tilespmem:s20], [sflag:$0x3], $0x80, $0x38;
	[tilespmem:$0x19E00] =	vst v63  }
0x784: {  	s8 =	simm.s32 @!p2 $0x400;
	s10 =	simm.s32 @!p2 $0x13600;
	s7 =	simm.s32 @!p2 $0x80  }
0x785: {  	[tilespmem:s10], [sflag:$0x2] =	stream.strided.gather @!p2 [spmem:s0], $0x800, s8, s7, $0x38;
	[tilespmem:$0x19E00] =	vst v63  }
0x786: {  	_ =	swait.ge [sflag:s16], $0x800  }
0x787: {  	[sflag:s16] =	ssyncset.done $0x0  }
0x788: {  	s24 =	simm.s32 $0x13E70;
	[sflag:s16] =	ssyncadd.s32 $0xFFFFF800  }
0x789: {  	v0 =	vld [tilespmem:s24+$0x0]  }
0x78a: {  	v1 =	vld [tilespmem:s24+$0xFFFFFFA0]  }
0x78b: {  	v2 =	vld [tilespmem:s24+$0xFFFFFFB0]  }
0x78c: {  	v3 =	vld [tilespmem:s24+$0xFFFFFFC0]  }
0x78d: {  	v4 =	vld [tilespmem:s24+$0xFFFFFFD0]  }
0x78e: {  	v5 =	vld [tilespmem:s24+$0xFFFFFFE0];
	v0 =	vadd.s32 $0xFFFEFC00, v0  }
0x78f: {  	v6 =	vld [tilespmem:s24+$0xFFFFFF90];
	v1 =	vadd.s32 $0xFFFEFC00, v1;
	vm3 =	vlt.u32 v0, $0x82A0  }
0x790: {  	v7 =	vld [tilespmem:s24+$0xFFFFFFF0];
	v2 =	vadd.s32 $0xFFFEFC00, v2;
	vm4 =	vlt.u32 v1, $0x82A0  }
0x791: {  	v3 =	vadd.s32 $0xFFFEFC00, v3;
	vm5 =	vlt.u32 v2, $0x82A0  }
0x792: {  	v4 =	vadd.s32 $0xFFFEFC00, v4;
	vm6 =	vlt.u32 v3, $0x82A0  }
0x793: {  	s7 =	simm.s32 $0x17E70;
	v5 =	vadd.s32 $0xFFFEFC00, v5;
	vm7 =	vlt.u32 v4, $0x82A0  }
0x794: {  	v8 =	vld [tilespmem:s7+$0x0];
	v6 =	vadd.s32 $0xFFFEFC00, v6;
	vm0 =	vlt.u32 v5, $0x82A0  }
0x795: {  	v7 =	vadd.s32 $0xFFFEFC00, v7;
	vm2 =	vlt.u32 v6, $0x82A0;
	v0 =	vld.idx.msk [tilespmem:v0+s23+$0x0], vm3  }
0x796: {  	vm1 =	vlt.u32 v7, $0x82A0;
	v1 =	vld.idx.msk [tilespmem:v1+s23+$0x0], vm4  }
0x797: {  	v9 =	vld.idx.msk [tilespmem:v2+s23+$0x0], vm5  }
0x798: {  	v10 =	vld.idx.msk [tilespmem:v3+s23+$0x0], vm6  }
0x799: {  	v11 =	vld.idx.msk [tilespmem:v4+s23+$0x0], vm7  }
0x79a: {  	v2 =	vld.idx.msk [tilespmem:v5+s23+$0x0], vm0  }
0x79b: {  	v6 =	vld.idx.msk [tilespmem:v6+s23+$0x0], vm2  }
0x79c: {  	v3 =	vld.idx.msk [tilespmem:v7+s23+$0x0], vm1;
	v0 =	vnsel vm3, $0x0, v0  }
0x79d: {  	v7 =	vld [tilespmem:s7+$0xFFFFFF90];
	v0 =	vadd.f32 v0, v8  }
0x79e: {  	s18 =	simm.s32 $0x186F0;
	v4 =	vnsel vm4, $0x0, v1;
	v8 =	vld [tilespmem:s7+$0xFFFFFFA0]  }
0x79f: {  	s8 =	simm.s32 $0x380;
	s10 =	simm.s32 $0x13EF0;
	v5 =	vnsel vm5, $0x0, v9;
	v1 =	vnsel vm6, $0x0, v10;
	v9 =	vld [tilespmem:s7+$0xFFFFFFB0];
	[tilespmem:s18+$0x0] =	vst v0;
	v0 =	vnsel vm7, $0x0, v11  }
.LBB2_41:
0x7a0: {  	v10 =	vld [tilespmem:s10+$0x0];
	s8 =	sadd.s32 $0x8, s8;
	v2 =	vnsel vm0, $0x0, v2  }
0x7a1: {  	v6 =	vnsel vm2, $0x0, v6;
	v11 =	vld [tilespmem:s10+$0xFFFFFFA0];
	p3 =	slt.u32 s8, $0x3F8  }
0x7a2: {  	v3 =	vnsel vm1, $0x0, v3;
	v12 =	vld [tilespmem:s10+$0xFFFFFFB0];
	v6 =	vadd.f32 v6, v7  }
0x7a3: {  	v7 =	vld [tilespmem:s10+$0xFFFFFFC0];
	v4 =	vadd.f32 v4, v8  }
0x7a4: {  	v8 =	vld [tilespmem:s10+$0xFFFFFFD0];
	[tilespmem:s18+$0xFFFFFF90] =	vst v6;
	v5 =	vadd.f32 v5, v9  }
0x7a5: {  	v6 =	vld [tilespmem:s10+$0xFFFFFFE0];
	v9 =	vadd.s32 $0xFFFEFC00, v10;
	[tilespmem:s18+$0xFFFFFFA0] =	vst v4  }
0x7a6: {  	v4 =	vadd.s32 $0xFFFEFC00, v11;
	v10 =	vld [tilespmem:s10+$0xFFFFFFF0];
	vm7 =	vlt.u32 v9, $0x82A0;
	[tilespmem:s18+$0xFFFFFFB0] =	vst v5  }
0x7a7: {  	v5 =	vld [tilespmem:s10+$0xFFFFFF90];
	vm6 =	vlt.u32 v4, $0x82A0;
	v11 =	vadd.s32 $0xFFFEFC00, v12  }
0x7a8: {  	vm3 =	vlt.u32 v11, $0x82A0;
	v7 =	vadd.s32 $0xFFFEFC00, v7;
	v12 =	vld [tilespmem:s7+$0xFFFFFFC0]  }
0x7a9: {  	vm4 =	vlt.u32 v7, $0x82A0;
	v8 =	vadd.s32 $0xFFFEFC00, v8;
	v13 =	vld [tilespmem:s7+$0xFFFFFFD0]  }
0x7aa: {  	vm5 =	vlt.u32 v8, $0x82A0;
	v6 =	vadd.s32 $0xFFFEFC00, v6;
	v14 =	vld [tilespmem:s7+$0xFFFFFFE0]  }
0x7ab: {  	vm0 =	vlt.u32 v6, $0x82A0;
	v10 =	vadd.s32 $0xFFFEFC00, v10;
	v15 =	vld [tilespmem:s7+$0xFFFFFFF0]  }
0x7ac: {  	v5 =	vadd.s32 $0xFFFEFC00, v5;
	vm1 =	vlt.u32 v10, $0x82A0;
	v9 =	vld.idx.msk [tilespmem:v9+s23+$0x0], vm7  }
0x7ad: {  	s7 =	sadd.s32 $0x80, s7;
	vm2 =	vlt.u32 v5, $0x82A0;
	v4 =	vld.idx.msk [tilespmem:v4+s23+$0x0], vm6;
	v1 =	vadd.f32 v1, v12  }
0x7ae: {  	v12 =	vld [tilespmem:s7+$0x0];
	v0 =	vadd.f32 v0, v13  }
0x7af: {  	v11 =	vld.idx.msk [tilespmem:v11+s23+$0x0], vm3;
	[tilespmem:s18+$0xFFFFFFC0] =	vst v1;
	v1 =	vadd.f32 v2, v14  }
0x7b0: {  	v13 =	vld.idx.msk [tilespmem:v7+s23+$0x0], vm4;
	[tilespmem:s18+$0xFFFFFFD0] =	vst v0;
	v0 =	vadd.f32 v3, v15  }
0x7b1: {  	v14 =	vld.idx.msk [tilespmem:v8+s23+$0x0], vm5;
	[tilespmem:s18+$0xFFFFFFE0] =	vst v1  }
0x7b2: {  	v1 =	vnsel vm7, $0x0, v9;
	v2 =	vld.idx.msk [tilespmem:v6+s23+$0x0], vm0;
	[tilespmem:s18+$0xFFFFFFF0] =	vst v0  }
.Ltmp21:
0x7b3: {  	v4 =	vnsel vm6, $0x0, v4;
	v6 =	vld.idx.msk [tilespmem:v5+s23+$0x0], vm2;
	v0 =	vadd.f32 v1, v12;
	(pc) =	sbr.rel @p3 .LBB2_41-.Ltmp21, $4  }
0x7b4: {  	s18 =	sadd.s32 $0x100, s18;
	v3 =	vld.idx.msk [tilespmem:v10+s23+$0x0], vm1  }
0x7b5: {  	v5 =	vnsel vm3, $0x0, v11;
	v7 =	vld [tilespmem:s7+$0xFFFFFF90];
	[tilespmem:s18+$0x0] =	vst v0  }
0x7b6: {  	v1 =	vnsel vm4, $0x0, v13;
	v8 =	vld [tilespmem:s7+$0xFFFFFFA0]  }
0x7b7: {  	s10 =	sadd.s32 $0x80, s10;
	v0 =	vnsel vm5, $0x0, v14;
	v9 =	vld [tilespmem:s7+$0xFFFFFFB0]  }
0x7b8: {  	v10 =	vld [tilespmem:s7+$0xFFFFFFC0]  }
0x7b9: {  	v6 =	vnsel vm2, $0x0, v6;
	v11 =	vld [tilespmem:s7+$0xFFFFFFD0]  }
0x7ba: {  	v60 =	vld [tilespmem:s7+$0xFFFFFFE0];
	v6 =	vadd.f32 v6, v7  }
0x7bb: {  	v61 =	vld [tilespmem:s7+$0xFFFFFFF0];
	v4 =	vadd.f32 v4, v8  }
0x7bc: {  	[tilespmem:s18+$0xFFFFFF90] =	vst v6;
	v5 =	vadd.f32 v5, v9  }
0x7bd: {  	[tilespmem:s18+$0xFFFFFFA0] =	vst v4;
	v1 =	vadd.f32 v1, v10  }
0x7be: {  	v2 =	vnsel vm0, $0x0, v2;
	v0 =	vadd.f32 v0, v11;
	[tilespmem:s18+$0xFFFFFFB0] =	vst v5  }
0x7bf: {  	v3 =	vnsel vm1, $0x0, v3;
	v62 =	vadd.f32 v2, v60;
	[tilespmem:s18+$0xFFFFFFC0] =	vst v1  }
0x7c0: {  	v63 =	vadd.f32 v3, v61;
	[tilespmem:s18+$0xFFFFFFD0] =	vst v0  }
0x7c1: {  	[tilespmem:s18+$0xFFFFFFE0] =	vst v62  }
0x7c2: {  	[tilespmem:s18+$0xFFFFFFF0] =	vst v63  }
0x7c3: {  	s0 =	rddreg [dreg:$0x1c]  }
0x7c4: {  	s15 =	simm.s32 $0x18680;
	s3 =	sadd.s32 s3, s0  }
0x7c5: {  	[hbm4b:s3+s5] =	stream.linear.scatter [tilespmem:s15], [sflag:$0x3], $0x80, $0x38;
	[tilespmem:$0x19E00] =	vst v63  }
0x7c6: {  	s19 =	simm.s32 $0x18780;
	s18 =	sadd.s32 $0x80, s3  }
0x7c7: {  	[hbm4b:s18+s5] =	stream.linear.scatter [tilespmem:s19], [sflag:$0x3], $0x80, $0x38;
	[tilespmem:$0x19E00] =	vst v63  }
0x7c8: {  	s24 =	simm.s32 $0x18880;
	s20 =	sadd.s32 $0x100, s3  }
0x7c9: {  	[hbm4b:s20+s5] =	stream.linear.scatter [tilespmem:s24], [sflag:$0x3], $0x80, $0x38;
	[tilespmem:$0x19E00] =	vst v63  }
0x7ca: {  	s10 =	simm.s32 $0x18980;
	s8 =	sadd.s32 $0x180, s3  }
0x7cb: {  	[hbm4b:s8+s5] =	stream.linear.scatter [tilespmem:s10], [sflag:$0x3], $0x80, $0x38;
	[tilespmem:$0x19E00] =	vst v63  }
0x7cc: {  	s11 =	sadd.s32 $0x200, s3;
	s15 =	simm.s32 $0x18A80  }
0x7cd: {  	[hbm4b:s11+s5] =	stream.linear.scatter [tilespmem:s15], [sflag:$0x3], $0x80, $0x38;
	[tilespmem:$0x19E00] =	vst v63  }
0x7ce: {  	s18 =	sadd.s32 $0x280, s3;
	s19 =	simm.s32 $0x18B80  }
0x7cf: {  	[hbm4b:s18+s5] =	stream.linear.scatter [tilespmem:s19], [sflag:$0x3], $0x80, $0x38;
	[tilespmem:$0x19E00] =	vst v63  }
0x7d0: {  	s20 =	sadd.s32 $0x300, s3;
	s24 =	simm.s32 $0x18C80  }
0x7d1: {  	[hbm4b:s20+s5] =	stream.linear.scatter [tilespmem:s24], [sflag:$0x3], $0x80, $0x38;
	[tilespmem:$0x19E00] =	vst v63  }
0x7d2: {  	s8 =	sadd.s32 $0x380, s3;
	s10 =	simm.s32 $0x18D80  }
0x7d3: {  	[hbm4b:s8+s5] =	stream.linear.scatter [tilespmem:s10], [sflag:$0x3], $0x80, $0x38;
	[tilespmem:$0x19E00] =	vst v63  }
0x7d4: {  	s11 =	sadd.s32 $0x400, s3;
	s15 =	simm.s32 $0x18E80  }
0x7d5: {  	[hbm4b:s11+s5] =	stream.linear.scatter [tilespmem:s15], [sflag:$0x3], $0x80, $0x38;
	[tilespmem:$0x19E00] =	vst v63  }
0x7d6: {  	s18 =	sadd.s32 $0x480, s3;
	s19 =	simm.s32 $0x18F80  }
0x7d7: {  	[hbm4b:s18+s5] =	stream.linear.scatter [tilespmem:s19], [sflag:$0x3], $0x80, $0x38;
	[tilespmem:$0x19E00] =	vst v63  }
0x7d8: {  	s20 =	sadd.s32 $0x500, s3;
	s24 =	simm.s32 $0x19080  }
0x7d9: {  	[hbm4b:s20+s5] =	stream.linear.scatter [tilespmem:s24], [sflag:$0x3], $0x80, $0x38;
	[tilespmem:$0x19E00] =	vst v63  }
0x7da: {  	s0 =	sadd.s32 $0x580, s3;
	s8 =	simm.s32 $0x19180  }
0x7db: {  	[hbm4b:s0+s5] =	stream.linear.scatter [tilespmem:s8], [sflag:$0x3], $0x80, $0x38;
	[tilespmem:$0x19E00] =	vst v63  }
0x7dc: {  	s10 =	sadd.s32 $0x600, s3;
	s11 =	simm.s32 $0x19280  }
0x7dd: {  	[hbm4b:s10+s5] =	stream.linear.scatter [tilespmem:s11], [sflag:$0x3], $0x80, $0x38;
	[tilespmem:$0x19E00] =	vst v63  }
0x7de: {  	s15 =	sadd.s32 $0x680, s3;
	s18 =	simm.s32 $0x19380  }
0x7df: {  	[hbm4b:s15+s5] =	stream.linear.scatter [tilespmem:s18], [sflag:$0x3], $0x80, $0x38;
	[tilespmem:$0x19E00] =	vst v63  }
.Ltmp22:
0x7e0: {  	_ = 	snop;
	(pc) =	sbr.rel @p2 .LBB2_44-.Ltmp22, $4  }
0x7e1: {  	s19 =	sadd.s32 $0x700, s3;
	s20 =	simm.s32 $0x19480  }
0x7e2: {  	[hbm4b:s19+s5] =	stream.linear.scatter [tilespmem:s20], [sflag:$0x3], $0x80, $0x38;
	[tilespmem:$0x19E00] =	vst v63  }
0x7e3: {  	s3 =	sadd.s32 $0x780, s3;
	s24 =	simm.s32 $0x19580  }
0x7e4: {  	[hbm4b:s3+s5] =	stream.linear.scatter [tilespmem:s24], [sflag:$0x3], $0x80, $0x38;
	[tilespmem:$0x19E00] =	vst v63  }
0x7e5: {  	s3 =	sshll.u32 s4, $0x5  }
0x7e6: {  	s0 =	sld [smem:$0x7FC];
	s3 =	sor.u32 s2, s3  }
0x7e7: {  	s3 =	sshrl.u32 s3, $0x3  }
0x7e8: {  	s20 =	simm.s32 $0x13E00;
	s3 =	smul.u32 $0xC3800, s3  }
0x7e9: {  	[tilespmem:s20], [sflag:$0x2] =	stream.strided.gather [spmem:s0], $0x800, s22, s21, $0x38;
	[tilespmem:$0x19E00] =	vst v63  }
.Ltmp23:
0x7ea: {  	s24 =	rddreg [dreg:$0x11];
	(pc) =	sbr.rel .LBB2_2-.Ltmp23, $4  }
0x7eb: {  	s3 =	sadd.s32 s24, s3  }
0x7ec: {  	s3 =	sshrl.u32 s3, $0x3  }
0x7ed: {  	s17 =	sadd.s32 $0x1, s17;
	s3 =	sadd.s32 s12, s3  }
0x7ee: {  	[tilespmem:s23], [sflag:$0x1] =	stream.strided.gather [hbm4b:s3+s21], $0x8200, s22, s21, $0x38;
	[tilespmem:$0x19E00] =	vst v63  }
.LBB2_45:
0x7ef: {  	_ =	sfence.sel $0x180000  }
0x7f0: {  	[bflag:$0x0] =	sbarrier.arrive $0xFFFF  }
0x7f1: {  	_ =	strace $0x90000047  }
0x7f2: {  	[bflag:$0x2] =	sbarrier.arrive $0xFFFF  }
0x7f3: {  	s0 =	rddreg [dreg:$0x5]  }
0x7f4: {  	s0 =	sadd.s32 @!p0 $0x100000, s0  }
0x7f5: {  	[sflag:s0] =	ssyncadd.tile.s32 @!p0 $0x1;
	_ =	shalt  }
.Lfunc_end2:
_tile_overlayer_lowered:
.L_overlay_start_2:
0x7f6: {  	(tag) =	ssettag $0x2  }
0x7f7: {  	s0 =	rddreg [dreg:$0x0];
	s2 =	stileid.u32  }
0x7f8: {  	s1 =	rddreg [dreg:$0x1];
	p0 =	sne.s32 s2, $0x0  }
0x7f9: {  	s3 =	rddreg [dreg:$0x2];
	[bflag:$0x3] =	sbarrier.arrive $0xFFFF;
	s2 =	simm.s32 @!p0 $0x1C05  }
0x7fa: {  	[timem:s3], [sflag:s2] =	dma.local @!p0 [hbm:s0], s1  }
0x7fb: {  	s0 =	simm.s32 @!p0 $0x5  }
0x7fc: {  	_ =	swait.ge @!p0 [sflag:s0], s1  }
0x7fd: {  	s1 =	ssub.s32 @!p0 $0x0, s1;
	[sflag:s0] =	ssyncset.done @!p0 $0x0  }
0x7fe: {  	[sflag:s0] =	ssyncadd.s32 @!p0 s1  }
0x7ff: {  	[bflag:$0x3] =	sbarrier.arrive $0xFFFF  }
0x800: {  	_ =	shalt  }

</sc_bundles>
